<compile_context>
chip_gen: v7x
topology: tpu7x:2x2x1
jax: 0.10.2.dev20260603
libtpu: 0.0.44.dev20260713+nightly
codegen_flags: <defaults>
</compile_context>

<pallas_src>
import functools

import jax
import jax.numpy as jnp
from jax import lax
from jax.experimental import pallas as pl
from jax.experimental.pallas import tpu as pltpu
from jax.experimental.pallas import tpu_sc as plsc

B = 128
V = 100000
NW = 32
ROWS_PER_W = B // NW
LCH = 20000
NCH = 10000
NLC = V // LCH
NNC = V // NCH
L = 16


def _sampler_body(logits_hbm, temps_hbm, noise_hbm, out_hbm,
                  lv, nb0, nb1, tv, ov,
                  sl0, sl1, sl2, sl3, sl4, sn0, sn1):
    wid = lax.axis_index("c") * 16 + lax.axis_index("s")
    nbufs = (nb0, nb1)
    nsems = (sn0, sn1)
    lsems = (sl0, sl1, sl2, sl3, sl4)
    iota = lax.broadcasted_iota(jnp.int32, (L,), 0)

    def lane_take(v, idx):
        dnums = lax.GatherDimensionNumbers(
            offset_dims=(), collapsed_slice_dims=(0,), start_index_map=(0,))
        return lax.gather(
            v, idx[:, None], dnums, (1,),
            mode=lax.GatherScatterMode.PROMISE_IN_BOUNDS)

    def bcast_max(v):
        for sh in (8, 4, 2, 1):
            v = jnp.maximum(v, lane_take(v, (iota + sh) & (L - 1)))
        return v

    res = jnp.zeros((L,), jnp.int32)
    for r in range(ROWS_PER_W):
        row = wid * ROWS_PER_W + r
        lh = [
            pltpu.async_copy(
                logits_hbm.at[pl.ds(row * V + c * LCH, LCH)],
                lv.at[pl.ds(c * LCH, LCH)],
                lsems[c],
            )
            for c in range(NLC)
        ]
        nh = [
            pltpu.async_copy(
                noise_hbm.at[pl.ds(row * V + c * NCH, NCH)],
                nbufs[c], nsems[c])
            for c in range(2)
        ]
        pltpu.sync_copy(temps_hbm.at[pl.ds(row * L, L)], tv)

        mx = jnp.full((L,), -jnp.inf, jnp.float32)
        for c in range(NLC):
            lh[c].wait()

            def amax_body(j, m, base=c * LCH):
                return jnp.maximum(m, lv[pl.ds(base + j * L, L)])

            mx = lax.fori_loop(0, LCH // L, amax_body, mx)
        maxl = bcast_max(mx)

        t_raw = tv[...]
        gmask = t_raw == 0.0
        t_eff = jnp.where(gmask, jnp.ones((L,), jnp.float32), t_raw)
        m_splat = maxl / t_eff

        best_s = jnp.full((L,), -1.0, jnp.float32)
        best_i = jnp.zeros((L,), jnp.int32)
        for c in range(NNC):
            bi = c % 2
            nh[bi].wait()
            base = c * NCH
            nbuf = nbufs[bi]

            def score_body(j, carry, base=base, nbuf=nbuf,
                           t_eff=t_eff, m_splat=m_splat, gmask=gmask):
                bs, bix = carry
                off = base + j * L
                l = lv[pl.ds(off, L)]
                n = nbuf[pl.ds(j * L, L)]
                d = l / t_eff
                e = jnp.exp(d - m_splat)
                s = e / jnp.maximum(n, 1e-10)
                s = jnp.where(gmask, e, s)
                idxv = iota + jnp.full((L,), off, jnp.int32)
                gt = s > bs
                return jnp.where(gt, s, bs), jnp.where(gt, idxv, bix)

            best_s, best_i = lax.fori_loop(
                0, NCH // L, score_body, (best_s, best_i))
            nxt = c + 2
            if nxt < NNC:
                nh[bi] = pltpu.async_copy(
                    noise_hbm.at[pl.ds(row * V + nxt * NCH, NCH)],
                    nbufs[bi], nsems[bi])

        gmax = bcast_max(best_s)
        eq = best_s == gmax
        cand = jnp.where(eq, best_i, jnp.full((L,), 0x7FFFFFFF, jnp.int32))
        gidx = -bcast_max(-cand)
        res = jnp.where(iota == r, gidx, res)

    ov[...] = res
    pltpu.sync_copy(ov, out_hbm.at[pl.ds(wid * L, L)])


_sampler = functools.partial(
    pl.kernel,
    mesh=plsc.VectorSubcoreMesh(core_axis_name="c", subcore_axis_name="s"),
    out_type=jax.ShapeDtypeStruct((NW * L,), jnp.int32),
    scratch_types=[
        pltpu.VMEM((V,), jnp.float32),
        pltpu.VMEM((NCH,), jnp.float32),
        pltpu.VMEM((NCH,), jnp.float32),
        pltpu.VMEM((L,), jnp.float32),
        pltpu.VMEM((L,), jnp.int32),
    ] + [pltpu.SemaphoreType.DMA] * 7,
)(_sampler_body)


def kernel(logits, temperatures, exp_noise):
    temps_b = jnp.broadcast_to(
        temperatures.astype(jnp.float32)[:, None], (B, L)).reshape(B * L)
    out = _sampler(logits.astype(jnp.float32).reshape(B * V),
                   temps_b, exp_noise.reshape(B * V))
    return out.reshape(NW, L)[:, :ROWS_PER_W].reshape(B)

# --- scband reference (transcript-rebuilt; emitter-appended) ---
"""Pipeline reference for scband-sampler-88871463289455 (READ-ONLY COPY).

The authoritative reference and input builder live on the scoring server;
editing this copy changes nothing except your own understanding.
"""

import jax, jax.numpy as jnp
import numpy as np

B = 128
V = 100000

def setup_inputs(seed: int = 0) -> dict:
    key = jax.random.key(seed)
    k1, k2, k3 = jax.random.split(key, 3)
    logits = jax.random.normal(k1, (B, V), dtype=jnp.float32) * 4.0
    temperatures = jax.random.uniform(k2, (B,), dtype=jnp.float32, minval=0.05, maxval=1.5)
    # Gumbel-style exponential noise: the torch module draws this inside forward via
    # torch.empty_like(probs).exponential_(1); we materialize it here so the
    # reference is deterministic.
    exp_noise = jax.random.exponential(k3, (B, V), dtype=jnp.float32)
    return {"logits": logits, "temperatures": temperatures, "exp_noise": exp_noise}

def reference(logits, temperatures, exp_noise):
    greedy_mask = temperatures == 0
    logits = logits.astype(jnp.float32)
    # temperatures[greedy_mask] = 1.0 equivalent (avoids div-by-zero)
    safe_temps = jnp.where(greedy_mask, jnp.ones_like(temperatures), temperatures)
    scaled = logits / safe_temps[:, None]
    probs = jax.nn.softmax(scaled, axis=-1)
    # exponential-race (Gumbel-max equivalent) sampling: argmax(probs / Exp(1))
    scores = probs / jnp.clip(exp_noise, 1e-10, None)
    sample_tokens = jnp.argmax(scores, axis=-1)
    greedy_tokens = jnp.argmax(logits, axis=-1)
    return jnp.where(greedy_mask, greedy_tokens, sample_tokens)

if __name__ == "__main__":
    import jax
    _d = setup_inputs()
    print(jax.jit(kernel)(*tuple(_d.values())))

</pallas_src>

<mosaic_0001>
#map = affine_map<(d0, d1) -> (0)>
module attributes {stable_mosaic.version = 14 : i64} {
  func.func @_sampler_body(%arg0: i32, %arg1: i32, %arg2: memref<12800000xf32, #tpu.memory_space<hbm>>, %arg3: memref<2048xf32, #tpu.memory_space<hbm>>, %arg4: memref<12800000xf32, #tpu.memory_space<hbm>>, %arg5: memref<512xi32, #tpu.memory_space<hbm>>, %arg6: memref<100000xf32, #tpu.memory_space<vmem>>, %arg7: memref<10000xf32, #tpu.memory_space<vmem>>, %arg8: memref<10000xf32, #tpu.memory_space<vmem>>, %arg9: memref<16xf32, #tpu.memory_space<vmem>>, %arg10: memref<16xi32, #tpu.memory_space<vmem>>, %arg11: memref<!tpu.dma_semaphore, #tpu.memory_space<semaphore_mem>>, %arg12: memref<!tpu.dma_semaphore, #tpu.memory_space<semaphore_mem>>, %arg13: memref<!tpu.dma_semaphore, #tpu.memory_space<semaphore_mem>>, %arg14: memref<!tpu.dma_semaphore, #tpu.memory_space<semaphore_mem>>, %arg15: memref<!tpu.dma_semaphore, #tpu.memory_space<semaphore_mem>>, %arg16: memref<!tpu.dma_semaphore, #tpu.memory_space<semaphore_mem>>, %arg17: memref<!tpu.dma_semaphore, #tpu.memory_space<semaphore_mem>>) attributes {dimension_semantics = [#tpu.dimension_semantics<core_parallel>, #tpu.dimension_semantics<subcore_parallel>], iteration_bounds = array<i64: 2, 16>, scalar_prefetch = 0 : i64, scratch_operands = 12 : i64, tpu.core_type = #tpu.core_type<sc_vector_subcore>, window_params = [{transform_indices = #map}, {transform_indices = #map}, {transform_indices = #map}, {transform_indices = #map}]} {
    %mul3A = arith.constant 16 : i32
    %mul3A_0 = arith.muli %arg0, %mul3A : i32
    %add3A = arith.addi %mul3A_0, %arg1 : i32
    %iota3A = tpu.iota {dimensions = array<i32: 0>} : vector<16xi32>
    %broadcast_in_dim3A = arith.constant 0 : i32
    %broadcast_in_dim3A_1 = vector.broadcast %broadcast_in_dim3A : i32 to vector<16xi32>
    %mul3A_2 = arith.constant 4 : i32
    %mul3A_3 = arith.muli %add3A, %mul3A_2 : i32
    %add3A_4 = arith.constant 0 : i32
    %add3A_5 = arith.addi %mul3A_3, %add3A_4 : i32
    %mul3A_6 = arith.constant 100000 : i32
    %mul3A_7 = arith.muli %add3A_5, %mul3A_6 : i32
    %add3A_8 = arith.constant 0 : i32
    %add3A_9 = arith.addi %mul3A_7, %add3A_8 : i32
    %dma_start3A = arith.constant 0 : i32
    %dma_start3A_10 = tpu.memref_slice %arg6[%dma_start3A] : memref<100000xf32, #tpu.memory_space<vmem>> -> memref<20000xf32, #tpu.memory_space<vmem>>
    %dma_start3A_11 = tpu.memref_slice %arg2[%add3A_9] : memref<12800000xf32, #tpu.memory_space<hbm>> -> memref<20000xf32, #tpu.memory_space<hbm>>
    %dma_start3A_12 = arith.constant 0 : i32
    %dma_start3A_13 = tpu.memref_slice %arg6[%dma_start3A_12] : memref<100000xf32, #tpu.memory_space<vmem>> -> memref<20000xf32, #tpu.memory_space<vmem>>
    %dma_start3A_14 = tpu.memref_slice %arg2[%add3A_9] : memref<12800000xf32, #tpu.memory_space<hbm>> -> memref<20000xf32, #tpu.memory_space<hbm>>
    tpu.enqueue_dma source(%dma_start3A_14 : memref<20000xf32, #tpu.memory_space<hbm>>) target(%dma_start3A_13 : memref<20000xf32, #tpu.memory_space<vmem>>) target_semaphore(%arg11 : memref<!tpu.dma_semaphore, #tpu.memory_space<semaphore_mem>>)
    %mul3A_15 = arith.constant 100000 : i32
    %mul3A_16 = arith.muli %add3A_5, %mul3A_15 : i32
    %add3A_17 = arith.constant 20000 : i32
    %add3A_18 = arith.addi %mul3A_16, %add3A_17 : i32
    %dma_start3A_19 = arith.constant 20000 : i32
    %dma_start3A_20 = tpu.memref_slice %arg6[%dma_start3A_19] : memref<100000xf32, #tpu.memory_space<vmem>> -> memref<20000xf32, #tpu.memory_space<vmem>>
    %dma_start3A_21 = tpu.memref_slice %arg2[%add3A_18] : memref<12800000xf32, #tpu.memory_space<hbm>> -> memref<20000xf32, #tpu.memory_space<hbm>>
    %dma_start3A_22 = arith.constant 20000 : i32
    %dma_start3A_23 = tpu.memref_slice %arg6[%dma_start3A_22] : memref<100000xf32, #tpu.memory_space<vmem>> -> memref<20000xf32, #tpu.memory_space<vmem>>
    %dma_start3A_24 = tpu.memref_slice %arg2[%add3A_18] : memref<12800000xf32, #tpu.memory_space<hbm>> -> memref<20000xf32, #tpu.memory_space<hbm>>
    tpu.enqueue_dma source(%dma_start3A_24 : memref<20000xf32, #tpu.memory_space<hbm>>) target(%dma_start3A_23 : memref<20000xf32, #tpu.memory_space<vmem>>) target_semaphore(%arg12 : memref<!tpu.dma_semaphore, #tpu.memory_space<semaphore_mem>>)
    %mul3A_25 = arith.constant 100000 : i32
    %mul3A_26 = arith.muli %add3A_5, %mul3A_25 : i32
    %add3A_27 = arith.constant 40000 : i32
    %add3A_28 = arith.addi %mul3A_26, %add3A_27 : i32
    %dma_start3A_29 = arith.constant 40000 : i32
    %dma_start3A_30 = tpu.memref_slice %arg6[%dma_start3A_29] : memref<100000xf32, #tpu.memory_space<vmem>> -> memref<20000xf32, #tpu.memory_space<vmem>>
    %dma_start3A_31 = tpu.memref_slice %arg2[%add3A_28] : memref<12800000xf32, #tpu.memory_space<hbm>> -> memref<20000xf32, #tpu.memory_space<hbm>>
    %dma_start3A_32 = arith.constant 40000 : i32
    %dma_start3A_33 = tpu.memref_slice %arg6[%dma_start3A_32] : memref<100000xf32, #tpu.memory_space<vmem>> -> memref<20000xf32, #tpu.memory_space<vmem>>
    %dma_start3A_34 = tpu.memref_slice %arg2[%add3A_28] : memref<12800000xf32, #tpu.memory_space<hbm>> -> memref<20000xf32, #tpu.memory_space<hbm>>
    tpu.enqueue_dma source(%dma_start3A_34 : memref<20000xf32, #tpu.memory_space<hbm>>) target(%dma_start3A_33 : memref<20000xf32, #tpu.memory_space<vmem>>) target_semaphore(%arg13 : memref<!tpu.dma_semaphore, #tpu.memory_space<semaphore_mem>>)
    %mul3A_35 = arith.constant 100000 : i32
    %mul3A_36 = arith.muli %add3A_5, %mul3A_35 : i32
    %add3A_37 = arith.constant 60000 : i32
    %add3A_38 = arith.addi %mul3A_36, %add3A_37 : i32
    %dma_start3A_39 = arith.constant 60000 : i32
    %dma_start3A_40 = tpu.memref_slice %arg6[%dma_start3A_39] : memref<100000xf32, #tpu.memory_space<vmem>> -> memref<20000xf32, #tpu.memory_space<vmem>>
    %dma_start3A_41 = tpu.memref_slice %arg2[%add3A_38] : memref<12800000xf32, #tpu.memory_space<hbm>> -> memref<20000xf32, #tpu.memory_space<hbm>>
    %dma_start3A_42 = arith.constant 60000 : i32
    %dma_start3A_43 = tpu.memref_slice %arg6[%dma_start3A_42] : memref<100000xf32, #tpu.memory_space<vmem>> -> memref<20000xf32, #tpu.memory_space<vmem>>
    %dma_start3A_44 = tpu.memref_slice %arg2[%add3A_38] : memref<12800000xf32, #tpu.memory_space<hbm>> -> memref<20000xf32, #tpu.memory_space<hbm>>
    tpu.enqueue_dma source(%dma_start3A_44 : memref<20000xf32, #tpu.memory_space<hbm>>) target(%dma_start3A_43 : memref<20000xf32, #tpu.memory_space<vmem>>) target_semaphore(%arg14 : memref<!tpu.dma_semaphore, #tpu.memory_space<semaphore_mem>>)
    %mul3A_45 = arith.constant 100000 : i32
    %mul3A_46 = arith.muli %add3A_5, %mul3A_45 : i32
    %add3A_47 = arith.constant 80000 : i32
    %add3A_48 = arith.addi %mul3A_46, %add3A_47 : i32
    %dma_start3A_49 = arith.constant 80000 : i32
    %dma_start3A_50 = tpu.memref_slice %arg6[%dma_start3A_49] : memref<100000xf32, #tpu.memory_space<vmem>> -> memref<20000xf32, #tpu.memory_space<vmem>>
    %dma_start3A_51 = tpu.memref_slice %arg2[%add3A_48] : memref<12800000xf32, #tpu.memory_space<hbm>> -> memref<20000xf32, #tpu.memory_space<hbm>>
    %dma_start3A_52 = arith.constant 80000 : i32
    %dma_start3A_53 = tpu.memref_slice %arg6[%dma_start3A_52] : memref<100000xf32, #tpu.memory_space<vmem>> -> memref<20000xf32, #tpu.memory_space<vmem>>
    %dma_start3A_54 = tpu.memref_slice %arg2[%add3A_48] : memref<12800000xf32, #tpu.memory_space<hbm>> -> memref<20000xf32, #tpu.memory_space<hbm>>
    tpu.enqueue_dma source(%dma_start3A_54 : memref<20000xf32, #tpu.memory_space<hbm>>) target(%dma_start3A_53 : memref<20000xf32, #tpu.memory_space<vmem>>) target_semaphore(%arg15 : memref<!tpu.dma_semaphore, #tpu.memory_space<semaphore_mem>>)
    %mul3A_55 = arith.constant 100000 : i32
    %mul3A_56 = arith.muli %add3A_5, %mul3A_55 : i32
    %add3A_57 = arith.constant 0 : i32
    %add3A_58 = arith.addi %mul3A_56, %add3A_57 : i32
    %dma_start3A_59 = tpu.memref_slice %arg4[%add3A_58] : memref<12800000xf32, #tpu.memory_space<hbm>> -> memref<10000xf32, #tpu.memory_space<hbm>>
    %dma_start3A_60 = tpu.memref_slice %arg4[%add3A_58] : memref<12800000xf32, #tpu.memory_space<hbm>> -> memref<10000xf32, #tpu.memory_space<hbm>>
    tpu.enqueue_dma source(%dma_start3A_60 : memref<10000xf32, #tpu.memory_space<hbm>>) target(%arg7 : memref<10000xf32, #tpu.memory_space<vmem>>) target_semaphore(%arg16 : memref<!tpu.dma_semaphore, #tpu.memory_space<semaphore_mem>>)
    %mul3A_61 = arith.constant 100000 : i32
    %mul3A_62 = arith.muli %add3A_5, %mul3A_61 : i32
    %add3A_63 = arith.constant 10000 : i32
    %add3A_64 = arith.addi %mul3A_62, %add3A_63 : i32
    %dma_start3A_65 = tpu.memref_slice %arg4[%add3A_64] : memref<12800000xf32, #tpu.memory_space<hbm>> -> memref<10000xf32, #tpu.memory_space<hbm>>
    %dma_start3A_66 = tpu.memref_slice %arg4[%add3A_64] : memref<12800000xf32, #tpu.memory_space<hbm>> -> memref<10000xf32, #tpu.memory_space<hbm>>
    tpu.enqueue_dma source(%dma_start3A_66 : memref<10000xf32, #tpu.memory_space<hbm>>) target(%arg8 : memref<10000xf32, #tpu.memory_space<vmem>>) target_semaphore(%arg17 : memref<!tpu.dma_semaphore, #tpu.memory_space<semaphore_mem>>)
    %mul3A_67 = arith.constant 16 : i32
    %mul3A_68 = arith.muli %add3A_5, %mul3A_67 : i32
    "tpu.region"() ({
      %run_scoped3A = tpu.sem_alloc : memref<!tpu.dma_semaphore, #tpu.memory_space<semaphore_mem>>
      %dma_start3A_1620 = tpu.memref_slice %arg3[%mul3A_68] : memref<2048xf32, #tpu.memory_space<hbm>> -> memref<16xf32, #tpu.memory_space<hbm>>
      %dma_start3A_1621 = tpu.memref_slice %arg3[%mul3A_68] : memref<2048xf32, #tpu.memory_space<hbm>> -> memref<16xf32, #tpu.memory_space<hbm>>
      tpu.enqueue_dma source(%dma_start3A_1621 : memref<16xf32, #tpu.memory_space<hbm>>) target(%arg9 : memref<16xf32, #tpu.memory_space<vmem>>) target_semaphore(%run_scoped3A : memref<!tpu.dma_semaphore, #tpu.memory_space<semaphore_mem>>)
      %dma_wait3A_1622 = tpu.memref_slice %arg3[%mul3A_68] : memref<2048xf32, #tpu.memory_space<hbm>> -> memref<16xf32, #tpu.memory_space<hbm>>
      %dma_wait3A_1623 = tpu.memref_slice %arg3[%mul3A_68] : memref<2048xf32, #tpu.memory_space<hbm>> -> memref<16xf32, #tpu.memory_space<hbm>>
      tpu.wait_dma2 semaphore(%run_scoped3A : memref<!tpu.dma_semaphore, #tpu.memory_space<semaphore_mem>>) src(%dma_wait3A_1623 : memref<16xf32, #tpu.memory_space<hbm>>) dst(%arg9 : memref<16xf32, #tpu.memory_space<vmem>>)
      tpu.yield
    }) : () -> ()
    %broadcast_in_dim3A_69 = arith.constant 0xFF800000 : f32
    %broadcast_in_dim3A_70 = vector.broadcast %broadcast_in_dim3A_69 : f32 to vector<16xf32>
    %dma_wait3A = arith.constant 0 : i32
    %dma_wait3A_71 = tpu.memref_slice %arg6[%dma_wait3A] : memref<100000xf32, #tpu.memory_space<vmem>> -> memref<20000xf32, #tpu.memory_space<vmem>>
    %dma_wait3A_72 = tpu.memref_slice %arg2[%add3A_9] : memref<12800000xf32, #tpu.memory_space<hbm>> -> memref<20000xf32, #tpu.memory_space<hbm>>
    %dma_wait3A_73 = arith.constant 0 : i32
    %dma_wait3A_74 = tpu.memref_slice %arg6[%dma_wait3A_73] : memref<100000xf32, #tpu.memory_space<vmem>> -> memref<20000xf32, #tpu.memory_space<vmem>>
    %dma_wait3A_75 = tpu.memref_slice %arg2[%add3A_9] : memref<12800000xf32, #tpu.memory_space<hbm>> -> memref<20000xf32, #tpu.memory_space<hbm>>
    tpu.wait_dma2 semaphore(%arg11 : memref<!tpu.dma_semaphore, #tpu.memory_space<semaphore_mem>>) src(%dma_wait3A_75 : memref<20000xf32, #tpu.memory_space<hbm>>) dst(%dma_wait3A_74 : memref<20000xf32, #tpu.memory_space<vmem>>)
    %scan3A = arith.constant 0 : i32
    %scan3A_76 = arith.constant 1250 : i32
    %scan3A_77 = arith.addi %scan3A, %scan3A_76 : i32
    %scan3A_78 = arith.constant 1 : i32
    %scan3A_79 = scf.for %scan3A_1620 = %scan3A to %scan3A_77 step %scan3A_78 iter_args(%scan3A_1621 = %broadcast_in_dim3A_70) -> (vector<16xf32>)  : i32 {
      %mul3A_1622 = arith.constant 16 : i32
      %mul3A_1623 = arith.muli %scan3A_1620, %mul3A_1622 : i32
      %add3A_1624 = arith.constant 0 : i32
      %add3A_1625 = arith.addi %add3A_1624, %mul3A_1623 : i32
      %get3A_1626 = arith.index_cast %add3A_1625 : i32 to index
      %get3A_1627 = tpu.vector_load %arg6[%get3A_1626] {strides = array<i32>} : memref<100000xf32, #tpu.memory_space<vmem>>, vector<16xf32>,
      %get3A_1628 = vector.shape_cast %get3A_1627 : vector<16xf32> to vector<16xf32>
      %max3A_1629 = arith.maximumf %scan3A_1621, %get3A_1628 : vector<16xf32>
      scf.yield %max3A_1629 : vector<16xf32>
    }
    %scan3A_80 = arith.constant 1250 : i32
    %dma_wait3A_81 = arith.constant 20000 : i32
    %dma_wait3A_82 = tpu.memref_slice %arg6[%dma_wait3A_81] : memref<100000xf32, #tpu.memory_space<vmem>> -> memref<20000xf32, #tpu.memory_space<vmem>>
    %dma_wait3A_83 = tpu.memref_slice %arg2[%add3A_18] : memref<12800000xf32, #tpu.memory_space<hbm>> -> memref<20000xf32, #tpu.memory_space<hbm>>
    %dma_wait3A_84 = arith.constant 20000 : i32
    %dma_wait3A_85 = tpu.memref_slice %arg6[%dma_wait3A_84] : memref<100000xf32, #tpu.memory_space<vmem>> -> memref<20000xf32, #tpu.memory_space<vmem>>
    %dma_wait3A_86 = tpu.memref_slice %arg2[%add3A_18] : memref<12800000xf32, #tpu.memory_space<hbm>> -> memref<20000xf32, #tpu.memory_space<hbm>>
    tpu.wait_dma2 semaphore(%arg12 : memref<!tpu.dma_semaphore, #tpu.memory_space<semaphore_mem>>) src(%dma_wait3A_86 : memref<20000xf32, #tpu.memory_space<hbm>>) dst(%dma_wait3A_85 : memref<20000xf32, #tpu.memory_space<vmem>>)
    %scan3A_87 = arith.constant 0 : i32
    %scan3A_88 = arith.constant 1250 : i32
    %scan3A_89 = arith.addi %scan3A_87, %scan3A_88 : i32
    %scan3A_90 = arith.constant 1 : i32
    %scan3A_91 = scf.for %scan3A_1620 = %scan3A_87 to %scan3A_89 step %scan3A_90 iter_args(%scan3A_1621 = %scan3A_79) -> (vector<16xf32>)  : i32 {
      %mul3A_1622 = arith.constant 16 : i32
      %mul3A_1623 = arith.muli %scan3A_1620, %mul3A_1622 : i32
      %add3A_1624 = arith.constant 20000 : i32
      %add3A_1625 = arith.addi %add3A_1624, %mul3A_1623 : i32
      %get3A_1626 = arith.index_cast %add3A_1625 : i32 to index
      %get3A_1627 = tpu.vector_load %arg6[%get3A_1626] {strides = array<i32>} : memref<100000xf32, #tpu.memory_space<vmem>>, vector<16xf32>,
      %get3A_1628 = vector.shape_cast %get3A_1627 : vector<16xf32> to vector<16xf32>
      %max3A_1629 = arith.maximumf %scan3A_1621, %get3A_1628 : vector<16xf32>
      scf.yield %max3A_1629 : vector<16xf32>
    }
    %scan3A_92 = arith.constant 1250 : i32
    %dma_wait3A_93 = arith.constant 40000 : i32
    %dma_wait3A_94 = tpu.memref_slice %arg6[%dma_wait3A_93] : memref<100000xf32, #tpu.memory_space<vmem>> -> memref<20000xf32, #tpu.memory_space<vmem>>
    %dma_wait3A_95 = tpu.memref_slice %arg2[%add3A_28] : memref<12800000xf32, #tpu.memory_space<hbm>> -> memref<20000xf32, #tpu.memory_space<hbm>>
    %dma_wait3A_96 = arith.constant 40000 : i32
    %dma_wait3A_97 = tpu.memref_slice %arg6[%dma_wait3A_96] : memref<100000xf32, #tpu.memory_space<vmem>> -> memref<20000xf32, #tpu.memory_space<vmem>>
    %dma_wait3A_98 = tpu.memref_slice %arg2[%add3A_28] : memref<12800000xf32, #tpu.memory_space<hbm>> -> memref<20000xf32, #tpu.memory_space<hbm>>
    tpu.wait_dma2 semaphore(%arg13 : memref<!tpu.dma_semaphore, #tpu.memory_space<semaphore_mem>>) src(%dma_wait3A_98 : memref<20000xf32, #tpu.memory_space<hbm>>) dst(%dma_wait3A_97 : memref<20000xf32, #tpu.memory_space<vmem>>)
    %scan3A_99 = arith.constant 0 : i32
    %scan3A_100 = arith.constant 1250 : i32
    %scan3A_101 = arith.addi %scan3A_99, %scan3A_100 : i32
    %scan3A_102 = arith.constant 1 : i32
    %scan3A_103 = scf.for %scan3A_1620 = %scan3A_99 to %scan3A_101 step %scan3A_102 iter_args(%scan3A_1621 = %scan3A_91) -> (vector<16xf32>)  : i32 {
      %mul3A_1622 = arith.constant 16 : i32
      %mul3A_1623 = arith.muli %scan3A_1620, %mul3A_1622 : i32
      %add3A_1624 = arith.constant 40000 : i32
      %add3A_1625 = arith.addi %add3A_1624, %mul3A_1623 : i32
      %get3A_1626 = arith.index_cast %add3A_1625 : i32 to index
      %get3A_1627 = tpu.vector_load %arg6[%get3A_1626] {strides = array<i32>} : memref<100000xf32, #tpu.memory_space<vmem>>, vector<16xf32>,
      %get3A_1628 = vector.shape_cast %get3A_1627 : vector<16xf32> to vector<16xf32>
      %max3A_1629 = arith.maximumf %scan3A_1621, %get3A_1628 : vector<16xf32>
      scf.yield %max3A_1629 : vector<16xf32>
    }
    %scan3A_104 = arith.constant 1250 : i32
    %dma_wait3A_105 = arith.constant 60000 : i32
    %dma_wait3A_106 = tpu.memref_slice %arg6[%dma_wait3A_105] : memref<100000xf32, #tpu.memory_space<vmem>> -> memref<20000xf32, #tpu.memory_space<vmem>>
    %dma_wait3A_107 = tpu.memref_slice %arg2[%add3A_38] : memref<12800000xf32, #tpu.memory_space<hbm>> -> memref<20000xf32, #tpu.memory_space<hbm>>
    %dma_wait3A_108 = arith.constant 60000 : i32
    %dma_wait3A_109 = tpu.memref_slice %arg6[%dma_wait3A_108] : memref<100000xf32, #tpu.memory_space<vmem>> -> memref<20000xf32, #tpu.memory_space<vmem>>
    %dma_wait3A_110 = tpu.memref_slice %arg2[%add3A_38] : memref<12800000xf32, #tpu.memory_space<hbm>> -> memref<20000xf32, #tpu.memory_space<hbm>>
    tpu.wait_dma2 semaphore(%arg14 : memref<!tpu.dma_semaphore, #tpu.memory_space<semaphore_mem>>) src(%dma_wait3A_110 : memref<20000xf32, #tpu.memory_space<hbm>>) dst(%dma_wait3A_109 : memref<20000xf32, #tpu.memory_space<vmem>>)
    %scan3A_111 = arith.constant 0 : i32
    %scan3A_112 = arith.constant 1250 : i32
    %scan3A_113 = arith.addi %scan3A_111, %scan3A_112 : i32
    %scan3A_114 = arith.constant 1 : i32
    %scan3A_115 = scf.for %scan3A_1620 = %scan3A_111 to %scan3A_113 step %scan3A_114 iter_args(%scan3A_1621 = %scan3A_103) -> (vector<16xf32>)  : i32 {
      %mul3A_1622 = arith.constant 16 : i32
      %mul3A_1623 = arith.muli %scan3A_1620, %mul3A_1622 : i32
      %add3A_1624 = arith.constant 60000 : i32
      %add3A_1625 = arith.addi %add3A_1624, %mul3A_1623 : i32
      %get3A_1626 = arith.index_cast %add3A_1625 : i32 to index
      %get3A_1627 = tpu.vector_load %arg6[%get3A_1626] {strides = array<i32>} : memref<100000xf32, #tpu.memory_space<vmem>>, vector<16xf32>,
      %get3A_1628 = vector.shape_cast %get3A_1627 : vector<16xf32> to vector<16xf32>
      %max3A_1629 = arith.maximumf %scan3A_1621, %get3A_1628 : vector<16xf32>
      scf.yield %max3A_1629 : vector<16xf32>
    }
    %scan3A_116 = arith.constant 1250 : i32
    %dma_wait3A_117 = arith.constant 80000 : i32
    %dma_wait3A_118 = tpu.memref_slice %arg6[%dma_wait3A_117] : memref<100000xf32, #tpu.memory_space<vmem>> -> memref<20000xf32, #tpu.memory_space<vmem>>
    %dma_wait3A_119 = tpu.memref_slice %arg2[%add3A_48] : memref<12800000xf32, #tpu.memory_space<hbm>> -> memref<20000xf32, #tpu.memory_space<hbm>>
    %dma_wait3A_120 = arith.constant 80000 : i32
    %dma_wait3A_121 = tpu.memref_slice %arg6[%dma_wait3A_120] : memref<100000xf32, #tpu.memory_space<vmem>> -> memref<20000xf32, #tpu.memory_space<vmem>>
    %dma_wait3A_122 = tpu.memref_slice %arg2[%add3A_48] : memref<12800000xf32, #tpu.memory_space<hbm>> -> memref<20000xf32, #tpu.memory_space<hbm>>
    tpu.wait_dma2 semaphore(%arg15 : memref<!tpu.dma_semaphore, #tpu.memory_space<semaphore_mem>>) src(%dma_wait3A_122 : memref<20000xf32, #tpu.memory_space<hbm>>) dst(%dma_wait3A_121 : memref<20000xf32, #tpu.memory_space<vmem>>)
    %scan3A_123 = arith.constant 0 : i32
    %scan3A_124 = arith.constant 1250 : i32
    %scan3A_125 = arith.addi %scan3A_123, %scan3A_124 : i32
    %scan3A_126 = arith.constant 1 : i32
    %scan3A_127 = scf.for %scan3A_1620 = %scan3A_123 to %scan3A_125 step %scan3A_126 iter_args(%scan3A_1621 = %scan3A_115) -> (vector<16xf32>)  : i32 {
      %mul3A_1622 = arith.constant 16 : i32
      %mul3A_1623 = arith.muli %scan3A_1620, %mul3A_1622 : i32
      %add3A_1624 = arith.constant 80000 : i32
      %add3A_1625 = arith.addi %add3A_1624, %mul3A_1623 : i32
      %get3A_1626 = arith.index_cast %add3A_1625 : i32 to index
      %get3A_1627 = tpu.vector_load %arg6[%get3A_1626] {strides = array<i32>} : memref<100000xf32, #tpu.memory_space<vmem>>, vector<16xf32>,
      %get3A_1628 = vector.shape_cast %get3A_1627 : vector<16xf32> to vector<16xf32>
      %max3A_1629 = arith.maximumf %scan3A_1621, %get3A_1628 : vector<16xf32>
      scf.yield %max3A_1629 : vector<16xf32>
    }
    %scan3A_128 = arith.constant 1250 : i32
    %add3A_129 = arith.constant 8 : i32
    %add3A_130 = vector.broadcast %add3A_129 : i32 to vector<16xi32>
    %add3A_131 = arith.addi %iota3A, %add3A_130 : vector<16xi32>
    %and3A = arith.constant 15 : i32
    %and3A_132 = vector.broadcast %and3A : i32 to vector<16xi32>
    %and3A_133 = arith.andi %add3A_131, %and3A_132 : vector<16xi32>
    %broadcast_in_dim3A_134 = vector.shape_cast %and3A_133 : vector<16xi32> to vector<16x1xi32>
    %gather3A = vector.shape_cast %broadcast_in_dim3A_134 : vector<16x1xi32> to vector<16xi32>
    %gather3A_135 = tpu.dynamic_gather %scan3A_127[%gather3A] in [0] : vector<16xf32>, vector<16xi32> -> vector<16xf32>
    %max3A = arith.maximumf %scan3A_127, %gather3A_135 : vector<16xf32>
    %add3A_136 = arith.constant 4 : i32
    %add3A_137 = vector.broadcast %add3A_136 : i32 to vector<16xi32>
    %add3A_138 = arith.addi %iota3A, %add3A_137 : vector<16xi32>
    %and3A_139 = arith.constant 15 : i32
    %and3A_140 = vector.broadcast %and3A_139 : i32 to vector<16xi32>
    %and3A_141 = arith.andi %add3A_138, %and3A_140 : vector<16xi32>
    %broadcast_in_dim3A_142 = vector.shape_cast %and3A_141 : vector<16xi32> to vector<16x1xi32>
    %gather3A_143 = vector.shape_cast %broadcast_in_dim3A_142 : vector<16x1xi32> to vector<16xi32>
    %gather3A_144 = tpu.dynamic_gather %max3A[%gather3A_143] in [0] : vector<16xf32>, vector<16xi32> -> vector<16xf32>
    %max3A_145 = arith.maximumf %max3A, %gather3A_144 : vector<16xf32>
    %add3A_146 = arith.constant 2 : i32
    %add3A_147 = vector.broadcast %add3A_146 : i32 to vector<16xi32>
    %add3A_148 = arith.addi %iota3A, %add3A_147 : vector<16xi32>
    %and3A_149 = arith.constant 15 : i32
    %and3A_150 = vector.broadcast %and3A_149 : i32 to vector<16xi32>
    %and3A_151 = arith.andi %add3A_148, %and3A_150 : vector<16xi32>
    %broadcast_in_dim3A_152 = vector.shape_cast %and3A_151 : vector<16xi32> to vector<16x1xi32>
    %gather3A_153 = vector.shape_cast %broadcast_in_dim3A_152 : vector<16x1xi32> to vector<16xi32>
    %gather3A_154 = tpu.dynamic_gather %max3A_145[%gather3A_153] in [0] : vector<16xf32>, vector<16xi32> -> vector<16xf32>
    %max3A_155 = arith.maximumf %max3A_145, %gather3A_154 : vector<16xf32>
    %add3A_156 = arith.constant 1 : i32
    %add3A_157 = vector.broadcast %add3A_156 : i32 to vector<16xi32>
    %add3A_158 = arith.addi %iota3A, %add3A_157 : vector<16xi32>
    %and3A_159 = arith.constant 15 : i32
    %and3A_160 = vector.broadcast %and3A_159 : i32 to vector<16xi32>
    %and3A_161 = arith.andi %add3A_158, %and3A_160 : vector<16xi32>
    %broadcast_in_dim3A_162 = vector.shape_cast %and3A_161 : vector<16xi32> to vector<16x1xi32>
    %gather3A_163 = vector.shape_cast %broadcast_in_dim3A_162 : vector<16x1xi32> to vector<16xi32>
    %gather3A_164 = tpu.dynamic_gather %max3A_155[%gather3A_163] in [0] : vector<16xf32>, vector<16xi32> -> vector<16xf32>
    %max3A_165 = arith.maximumf %max3A_155, %gather3A_164 : vector<16xf32>
    %get3A = arith.constant 0 : index
    %get3A_166 = tpu.vector_load %arg9[%get3A] {strides = array<i32>} : memref<16xf32, #tpu.memory_space<vmem>>, vector<16xf32>,
    %get3A_167 = vector.shape_cast %get3A_166 : vector<16xf32> to vector<16xf32>
    %eq3A = arith.constant 0.000000e+00 : f32
    %eq3A_168 = vector.broadcast %eq3A : f32 to vector<16xf32>
    %eq3A_169 = arith.cmpf oeq, %get3A_167, %eq3A_168 : vector<16xf32>
    %broadcast_in_dim3A_170 = arith.constant 1.000000e+00 : f32
    %broadcast_in_dim3A_171 = vector.broadcast %broadcast_in_dim3A_170 : f32 to vector<16xf32>
    %select_n3A = arith.select %eq3A_169, %broadcast_in_dim3A_171, %get3A_167 : vector<16xi1>, vector<16xf32>
    %div3A = arith.divf %max3A_165, %select_n3A : vector<16xf32>
    %broadcast_in_dim3A_172 = arith.constant -1.000000e+00 : f32
    %broadcast_in_dim3A_173 = vector.broadcast %broadcast_in_dim3A_172 : f32 to vector<16xf32>
    %broadcast_in_dim3A_174 = arith.constant 0 : i32
    %broadcast_in_dim3A_175 = vector.broadcast %broadcast_in_dim3A_174 : i32 to vector<16xi32>
    %dma_wait3A_176 = tpu.memref_slice %arg4[%add3A_58] : memref<12800000xf32, #tpu.memory_space<hbm>> -> memref<10000xf32, #tpu.memory_space<hbm>>
    %dma_wait3A_177 = tpu.memref_slice %arg4[%add3A_58] : memref<12800000xf32, #tpu.memory_space<hbm>> -> memref<10000xf32, #tpu.memory_space<hbm>>
    tpu.wait_dma2 semaphore(%arg16 : memref<!tpu.dma_semaphore, #tpu.memory_space<semaphore_mem>>) src(%dma_wait3A_177 : memref<10000xf32, #tpu.memory_space<hbm>>) dst(%arg7 : memref<10000xf32, #tpu.memory_space<vmem>>)
    %scan3A_178 = arith.constant 0 : i32
    %scan3A_179 = arith.constant 625 : i32
    %scan3A_180 = arith.addi %scan3A_178, %scan3A_179 : i32
    %scan3A_181 = arith.constant 1 : i32
    %scan3A_182:2 = scf.for %scan3A_1620 = %scan3A_178 to %scan3A_180 step %scan3A_181 iter_args(%scan3A_1621 = %broadcast_in_dim3A_173, %scan3A_1622 = %broadcast_in_dim3A_175) -> (vector<16xf32>, vector<16xi32>)  : i32 {
      %mul3A_1623 = arith.constant 16 : i32
      %mul3A_1624 = arith.muli %scan3A_1620, %mul3A_1623 : i32
      %add3A_1625 = arith.constant 0 : i32
      %add3A_1626 = arith.addi %add3A_1625, %mul3A_1624 : i32
      %get3A_1627 = arith.index_cast %add3A_1626 : i32 to index
      %get3A_1628 = tpu.vector_load %arg6[%get3A_1627] {strides = array<i32>} : memref<100000xf32, #tpu.memory_space<vmem>>, vector<16xf32>,
      %get3A_1629 = vector.shape_cast %get3A_1628 : vector<16xf32> to vector<16xf32>
      %mul3A_1630 = arith.constant 16 : i32
      %mul3A_1631 = arith.muli %scan3A_1620, %mul3A_1630 : i32
      %get3A_1632 = arith.index_cast %mul3A_1631 : i32 to index
      %get3A_1633 = tpu.vector_load %arg7[%get3A_1632] {strides = array<i32>} : memref<10000xf32, #tpu.memory_space<vmem>>, vector<16xf32>,
      %get3A_1634 = vector.shape_cast %get3A_1633 : vector<16xf32> to vector<16xf32>
      %div3A_1635 = arith.divf %get3A_1629, %select_n3A : vector<16xf32>
      %sub3A = arith.subf %div3A_1635, %div3A : vector<16xf32>
      %exp3A = math.exp %sub3A : vector<16xf32>
      %max3A_1636 = arith.constant 1.000000e-10 : f32
      %max3A_1637 = vector.broadcast %max3A_1636 : f32 to vector<16xf32>
      %max3A_1638 = arith.maximumf %get3A_1634, %max3A_1637 : vector<16xf32>
      %div3A_1639 = arith.divf %exp3A, %max3A_1638 : vector<16xf32>
      %select_n3A_1640 = arith.select %eq3A_169, %exp3A, %div3A_1639 : vector<16xi1>, vector<16xf32>
      %broadcast_in_dim3A_1641 = vector.broadcast %add3A_1626 : i32 to vector<16xi32>
      %add3A_1642 = arith.addi %iota3A, %broadcast_in_dim3A_1641 : vector<16xi32>
      %gt3A = arith.cmpf ogt, %select_n3A_1640, %scan3A_1621 : vector<16xf32>
      %select_n3A_1643 = arith.select %gt3A, %select_n3A_1640, %scan3A_1621 : vector<16xi1>, vector<16xf32>
      %select_n3A_1644 = arith.select %gt3A, %add3A_1642, %scan3A_1622 : vector<16xi1>, vector<16xi32>
      scf.yield %select_n3A_1643, %select_n3A_1644 : vector<16xf32>, vector<16xi32>
    }
    %scan3A_183 = arith.constant 625 : i32
    %mul3A_184 = arith.constant 100000 : i32
    %mul3A_185 = arith.muli %add3A_5, %mul3A_184 : i32
    %add3A_186 = arith.constant 20000 : i32
    %add3A_187 = arith.addi %mul3A_185, %add3A_186 : i32
    %dma_start3A_188 = tpu.memref_slice %arg4[%add3A_187] : memref<12800000xf32, #tpu.memory_space<hbm>> -> memref<10000xf32, #tpu.memory_space<hbm>>
    %dma_start3A_189 = tpu.memref_slice %arg4[%add3A_187] : memref<12800000xf32, #tpu.memory_space<hbm>> -> memref<10000xf32, #tpu.memory_space<hbm>>
    tpu.enqueue_dma source(%dma_start3A_189 : memref<10000xf32, #tpu.memory_space<hbm>>) target(%arg7 : memref<10000xf32, #tpu.memory_space<vmem>>) target_semaphore(%arg16 : memref<!tpu.dma_semaphore, #tpu.memory_space<semaphore_mem>>)
    %dma_wait3A_190 = tpu.memref_slice %arg4[%add3A_64] : memref<12800000xf32, #tpu.memory_space<hbm>> -> memref<10000xf32, #tpu.memory_space<hbm>>
    %dma_wait3A_191 = tpu.memref_slice %arg4[%add3A_64] : memref<12800000xf32, #tpu.memory_space<hbm>> -> memref<10000xf32, #tpu.memory_space<hbm>>
    tpu.wait_dma2 semaphore(%arg17 : memref<!tpu.dma_semaphore, #tpu.memory_space<semaphore_mem>>) src(%dma_wait3A_191 : memref<10000xf32, #tpu.memory_space<hbm>>) dst(%arg8 : memref<10000xf32, #tpu.memory_space<vmem>>)
    %scan3A_192 = arith.constant 0 : i32
    %scan3A_193 = arith.constant 625 : i32
    %scan3A_194 = arith.addi %scan3A_192, %scan3A_193 : i32
    %scan3A_195 = arith.constant 1 : i32
    %scan3A_196:2 = scf.for %scan3A_1620 = %scan3A_192 to %scan3A_194 step %scan3A_195 iter_args(%scan3A_1621 = %scan3A_182#0, %scan3A_1622 = %scan3A_182#1) -> (vector<16xf32>, vector<16xi32>)  : i32 {
      %mul3A_1623 = arith.constant 16 : i32
      %mul3A_1624 = arith.muli %scan3A_1620, %mul3A_1623 : i32
      %add3A_1625 = arith.constant 10000 : i32
      %add3A_1626 = arith.addi %add3A_1625, %mul3A_1624 : i32
      %get3A_1627 = arith.index_cast %add3A_1626 : i32 to index
      %get3A_1628 = tpu.vector_load %arg6[%get3A_1627] {strides = array<i32>} : memref<100000xf32, #tpu.memory_space<vmem>>, vector<16xf32>,
      %get3A_1629 = vector.shape_cast %get3A_1628 : vector<16xf32> to vector<16xf32>
      %mul3A_1630 = arith.constant 16 : i32
      %mul3A_1631 = arith.muli %scan3A_1620, %mul3A_1630 : i32
      %get3A_1632 = arith.index_cast %mul3A_1631 : i32 to index
      %get3A_1633 = tpu.vector_load %arg8[%get3A_1632] {strides = array<i32>} : memref<10000xf32, #tpu.memory_space<vmem>>, vector<16xf32>,
      %get3A_1634 = vector.shape_cast %get3A_1633 : vector<16xf32> to vector<16xf32>
      %div3A_1635 = arith.divf %get3A_1629, %select_n3A : vector<16xf32>
      %sub3A = arith.subf %div3A_1635, %div3A : vector<16xf32>
      %exp3A = math.exp %sub3A : vector<16xf32>
      %max3A_1636 = arith.constant 1.000000e-10 : f32
      %max3A_1637 = vector.broadcast %max3A_1636 : f32 to vector<16xf32>
      %max3A_1638 = arith.maximumf %get3A_1634, %max3A_1637 : vector<16xf32>
      %div3A_1639 = arith.divf %exp3A, %max3A_1638 : vector<16xf32>
      %select_n3A_1640 = arith.select %eq3A_169, %exp3A, %div3A_1639 : vector<16xi1>, vector<16xf32>
      %broadcast_in_dim3A_1641 = vector.broadcast %add3A_1626 : i32 to vector<16xi32>
      %add3A_1642 = arith.addi %iota3A, %broadcast_in_dim3A_1641 : vector<16xi32>
      %gt3A = arith.cmpf ogt, %select_n3A_1640, %scan3A_1621 : vector<16xf32>
      %select_n3A_1643 = arith.select %gt3A, %select_n3A_1640, %scan3A_1621 : vector<16xi1>, vector<16xf32>
      %select_n3A_1644 = arith.select %gt3A, %add3A_1642, %scan3A_1622 : vector<16xi1>, vector<16xi32>
      scf.yield %select_n3A_1643, %select_n3A_1644 : vector<16xf32>, vector<16xi32>
    }
    %scan3A_197 = arith.constant 625 : i32
    %mul3A_198 = arith.constant 100000 : i32
    %mul3A_199 = arith.muli %add3A_5, %mul3A_198 : i32
    %add3A_200 = arith.constant 30000 : i32
    %add3A_201 = arith.addi %mul3A_199, %add3A_200 : i32
    %dma_start3A_202 = tpu.memref_slice %arg4[%add3A_201] : memref<12800000xf32, #tpu.memory_space<hbm>> -> memref<10000xf32, #tpu.memory_space<hbm>>
    %dma_start3A_203 = tpu.memref_slice %arg4[%add3A_201] : memref<12800000xf32, #tpu.memory_space<hbm>> -> memref<10000xf32, #tpu.memory_space<hbm>>
    tpu.enqueue_dma source(%dma_start3A_203 : memref<10000xf32, #tpu.memory_space<hbm>>) target(%arg8 : memref<10000xf32, #tpu.memory_space<vmem>>) target_semaphore(%arg17 : memref<!tpu.dma_semaphore, #tpu.memory_space<semaphore_mem>>)
    %dma_wait3A_204 = tpu.memref_slice %arg4[%add3A_187] : memref<12800000xf32, #tpu.memory_space<hbm>> -> memref<10000xf32, #tpu.memory_space<hbm>>
    %dma_wait3A_205 = tpu.memref_slice %arg4[%add3A_187] : memref<12800000xf32, #tpu.memory_space<hbm>> -> memref<10000xf32, #tpu.memory_space<hbm>>
    tpu.wait_dma2 semaphore(%arg16 : memref<!tpu.dma_semaphore, #tpu.memory_space<semaphore_mem>>) src(%dma_wait3A_205 : memref<10000xf32, #tpu.memory_space<hbm>>) dst(%arg7 : memref<10000xf32, #tpu.memory_space<vmem>>)
    %scan3A_206 = arith.constant 0 : i32
    %scan3A_207 = arith.constant 625 : i32
    %scan3A_208 = arith.addi %scan3A_206, %scan3A_207 : i32
    %scan3A_209 = arith.constant 1 : i32
    %scan3A_210:2 = scf.for %scan3A_1620 = %scan3A_206 to %scan3A_208 step %scan3A_209 iter_args(%scan3A_1621 = %scan3A_196#0, %scan3A_1622 = %scan3A_196#1) -> (vector<16xf32>, vector<16xi32>)  : i32 {
      %mul3A_1623 = arith.constant 16 : i32
      %mul3A_1624 = arith.muli %scan3A_1620, %mul3A_1623 : i32
      %add3A_1625 = arith.constant 20000 : i32
      %add3A_1626 = arith.addi %add3A_1625, %mul3A_1624 : i32
      %get3A_1627 = arith.index_cast %add3A_1626 : i32 to index
      %get3A_1628 = tpu.vector_load %arg6[%get3A_1627] {strides = array<i32>} : memref<100000xf32, #tpu.memory_space<vmem>>, vector<16xf32>,
      %get3A_1629 = vector.shape_cast %get3A_1628 : vector<16xf32> to vector<16xf32>
      %mul3A_1630 = arith.constant 16 : i32
      %mul3A_1631 = arith.muli %scan3A_1620, %mul3A_1630 : i32
      %get3A_1632 = arith.index_cast %mul3A_1631 : i32 to index
      %get3A_1633 = tpu.vector_load %arg7[%get3A_1632] {strides = array<i32>} : memref<10000xf32, #tpu.memory_space<vmem>>, vector<16xf32>,
      %get3A_1634 = vector.shape_cast %get3A_1633 : vector<16xf32> to vector<16xf32>
      %div3A_1635 = arith.divf %get3A_1629, %select_n3A : vector<16xf32>
      %sub3A = arith.subf %div3A_1635, %div3A : vector<16xf32>
      %exp3A = math.exp %sub3A : vector<16xf32>
      %max3A_1636 = arith.constant 1.000000e-10 : f32
      %max3A_1637 = vector.broadcast %max3A_1636 : f32 to vector<16xf32>
      %max3A_1638 = arith.maximumf %get3A_1634, %max3A_1637 : vector<16xf32>
      %div3A_1639 = arith.divf %exp3A, %max3A_1638 : vector<16xf32>
      %select_n3A_1640 = arith.select %eq3A_169, %exp3A, %div3A_1639 : vector<16xi1>, vector<16xf32>
      %broadcast_in_dim3A_1641 = vector.broadcast %add3A_1626 : i32 to vector<16xi32>
      %add3A_1642 = arith.addi %iota3A, %broadcast_in_dim3A_1641 : vector<16xi32>
      %gt3A = arith.cmpf ogt, %select_n3A_1640, %scan3A_1621 : vector<16xf32>
      %select_n3A_1643 = arith.select %gt3A, %select_n3A_1640, %scan3A_1621 : vector<16xi1>, vector<16xf32>
      %select_n3A_1644 = arith.select %gt3A, %add3A_1642, %scan3A_1622 : vector<16xi1>, vector<16xi32>
      scf.yield %select_n3A_1643, %select_n3A_1644 : vector<16xf32>, vector<16xi32>
    }
    %scan3A_211 = arith.constant 625 : i32
    %mul3A_212 = arith.constant 100000 : i32
    %mul3A_213 = arith.muli %add3A_5, %mul3A_212 : i32
    %add3A_214 = arith.constant 40000 : i32
    %add3A_215 = arith.addi %mul3A_213, %add3A_214 : i32
    %dma_start3A_216 = tpu.memref_slice %arg4[%add3A_215] : memref<12800000xf32, #tpu.memory_space<hbm>> -> memref<10000xf32, #tpu.memory_space<hbm>>
    %dma_start3A_217 = tpu.memref_slice %arg4[%add3A_215] : memref<12800000xf32, #tpu.memory_space<hbm>> -> memref<10000xf32, #tpu.memory_space<hbm>>
    tpu.enqueue_dma source(%dma_start3A_217 : memref<10000xf32, #tpu.memory_space<hbm>>) target(%arg7 : memref<10000xf32, #tpu.memory_space<vmem>>) target_semaphore(%arg16 : memref<!tpu.dma_semaphore, #tpu.memory_space<semaphore_mem>>)
    %dma_wait3A_218 = tpu.memref_slice %arg4[%add3A_201] : memref<12800000xf32, #tpu.memory_space<hbm>> -> memref<10000xf32, #tpu.memory_space<hbm>>
    %dma_wait3A_219 = tpu.memref_slice %arg4[%add3A_201] : memref<12800000xf32, #tpu.memory_space<hbm>> -> memref<10000xf32, #tpu.memory_space<hbm>>
    tpu.wait_dma2 semaphore(%arg17 : memref<!tpu.dma_semaphore, #tpu.memory_space<semaphore_mem>>) src(%dma_wait3A_219 : memref<10000xf32, #tpu.memory_space<hbm>>) dst(%arg8 : memref<10000xf32, #tpu.memory_space<vmem>>)
    %scan3A_220 = arith.constant 0 : i32
    %scan3A_221 = arith.constant 625 : i32
    %scan3A_222 = arith.addi %scan3A_220, %scan3A_221 : i32
    %scan3A_223 = arith.constant 1 : i32
    %scan3A_224:2 = scf.for %scan3A_1620 = %scan3A_220 to %scan3A_222 step %scan3A_223 iter_args(%scan3A_1621 = %scan3A_210#0, %scan3A_1622 = %scan3A_210#1) -> (vector<16xf32>, vector<16xi32>)  : i32 {
      %mul3A_1623 = arith.constant 16 : i32
      %mul3A_1624 = arith.muli %scan3A_1620, %mul3A_1623 : i32
      %add3A_1625 = arith.constant 30000 : i32
      %add3A_1626 = arith.addi %add3A_1625, %mul3A_1624 : i32
      %get3A_1627 = arith.index_cast %add3A_1626 : i32 to index
      %get3A_1628 = tpu.vector_load %arg6[%get3A_1627] {strides = array<i32>} : memref<100000xf32, #tpu.memory_space<vmem>>, vector<16xf32>,
      %get3A_1629 = vector.shape_cast %get3A_1628 : vector<16xf32> to vector<16xf32>
      %mul3A_1630 = arith.constant 16 : i32
      %mul3A_1631 = arith.muli %scan3A_1620, %mul3A_1630 : i32
      %get3A_1632 = arith.index_cast %mul3A_1631 : i32 to index
      %get3A_1633 = tpu.vector_load %arg8[%get3A_1632] {strides = array<i32>} : memref<10000xf32, #tpu.memory_space<vmem>>, vector<16xf32>,
      %get3A_1634 = vector.shape_cast %get3A_1633 : vector<16xf32> to vector<16xf32>
      %div3A_1635 = arith.divf %get3A_1629, %select_n3A : vector<16xf32>
      %sub3A = arith.subf %div3A_1635, %div3A : vector<16xf32>
      %exp3A = math.exp %sub3A : vector<16xf32>
      %max3A_1636 = arith.constant 1.000000e-10 : f32
      %max3A_1637 = vector.broadcast %max3A_1636 : f32 to vector<16xf32>
      %max3A_1638 = arith.maximumf %get3A_1634, %max3A_1637 : vector<16xf32>
      %div3A_1639 = arith.divf %exp3A, %max3A_1638 : vector<16xf32>
      %select_n3A_1640 = arith.select %eq3A_169, %exp3A, %div3A_1639 : vector<16xi1>, vector<16xf32>
      %broadcast_in_dim3A_1641 = vector.broadcast %add3A_1626 : i32 to vector<16xi32>
      %add3A_1642 = arith.addi %iota3A, %broadcast_in_dim3A_1641 : vector<16xi32>
      %gt3A = arith.cmpf ogt, %select_n3A_1640, %scan3A_1621 : vector<16xf32>
      %select_n3A_1643 = arith.select %gt3A, %select_n3A_1640, %scan3A_1621 : vector<16xi1>, vector<16xf32>
      %select_n3A_1644 = arith.select %gt3A, %add3A_1642, %scan3A_1622 : vector<16xi1>, vector<16xi32>
      scf.yield %select_n3A_1643, %select_n3A_1644 : vector<16xf32>, vector<16xi32>
    }
    %scan3A_225 = arith.constant 625 : i32
    %mul3A_226 = arith.constant 100000 : i32
    %mul3A_227 = arith.muli %add3A_5, %mul3A_226 : i32
    %add3A_228 = arith.constant 50000 : i32
    %add3A_229 = arith.addi %mul3A_227, %add3A_228 : i32
    %dma_start3A_230 = tpu.memref_slice %arg4[%add3A_229] : memref<12800000xf32, #tpu.memory_space<hbm>> -> memref<10000xf32, #tpu.memory_space<hbm>>
    %dma_start3A_231 = tpu.memref_slice %arg4[%add3A_229] : memref<12800000xf32, #tpu.memory_space<hbm>> -> memref<10000xf32, #tpu.memory_space<hbm>>
    tpu.enqueue_dma source(%dma_start3A_231 : memref<10000xf32, #tpu.memory_space<hbm>>) target(%arg8 : memref<10000xf32, #tpu.memory_space<vmem>>) target_semaphore(%arg17 : memref<!tpu.dma_semaphore, #tpu.memory_space<semaphore_mem>>)
    %dma_wait3A_232 = tpu.memref_slice %arg4[%add3A_215] : memref<12800000xf32, #tpu.memory_space<hbm>> -> memref<10000xf32, #tpu.memory_space<hbm>>
    %dma_wait3A_233 = tpu.memref_slice %arg4[%add3A_215] : memref<12800000xf32, #tpu.memory_space<hbm>> -> memref<10000xf32, #tpu.memory_space<hbm>>
    tpu.wait_dma2 semaphore(%arg16 : memref<!tpu.dma_semaphore, #tpu.memory_space<semaphore_mem>>) src(%dma_wait3A_233 : memref<10000xf32, #tpu.memory_space<hbm>>) dst(%arg7 : memref<10000xf32, #tpu.memory_space<vmem>>)
    %scan3A_234 = arith.constant 0 : i32
    %scan3A_235 = arith.constant 625 : i32
    %scan3A_236 = arith.addi %scan3A_234, %scan3A_235 : i32
    %scan3A_237 = arith.constant 1 : i32
    %scan3A_238:2 = scf.for %scan3A_1620 = %scan3A_234 to %scan3A_236 step %scan3A_237 iter_args(%scan3A_1621 = %scan3A_224#0, %scan3A_1622 = %scan3A_224#1) -> (vector<16xf32>, vector<16xi32>)  : i32 {
      %mul3A_1623 = arith.constant 16 : i32
      %mul3A_1624 = arith.muli %scan3A_1620, %mul3A_1623 : i32
      %add3A_1625 = arith.constant 40000 : i32
      %add3A_1626 = arith.addi %add3A_1625, %mul3A_1624 : i32
      %get3A_1627 = arith.index_cast %add3A_1626 : i32 to index
      %get3A_1628 = tpu.vector_load %arg6[%get3A_1627] {strides = array<i32>} : memref<100000xf32, #tpu.memory_space<vmem>>, vector<16xf32>,
      %get3A_1629 = vector.shape_cast %get3A_1628 : vector<16xf32> to vector<16xf32>
      %mul3A_1630 = arith.constant 16 : i32
      %mul3A_1631 = arith.muli %scan3A_1620, %mul3A_1630 : i32
      %get3A_1632 = arith.index_cast %mul3A_1631 : i32 to index
      %get3A_1633 = tpu.vector_load %arg7[%get3A_1632] {strides = array<i32>} : memref<10000xf32, #tpu.memory_space<vmem>>, vector<16xf32>,
      %get3A_1634 = vector.shape_cast %get3A_1633 : vector<16xf32> to vector<16xf32>
      %div3A_1635 = arith.divf %get3A_1629, %select_n3A : vector<16xf32>
      %sub3A = arith.subf %div3A_1635, %div3A : vector<16xf32>
      %exp3A = math.exp %sub3A : vector<16xf32>
      %max3A_1636 = arith.constant 1.000000e-10 : f32
      %max3A_1637 = vector.broadcast %max3A_1636 : f32 to vector<16xf32>
      %max3A_1638 = arith.maximumf %get3A_1634, %max3A_1637 : vector<16xf32>
      %div3A_1639 = arith.divf %exp3A, %max3A_1638 : vector<16xf32>
      %select_n3A_1640 = arith.select %eq3A_169, %exp3A, %div3A_1639 : vector<16xi1>, vector<16xf32>
      %broadcast_in_dim3A_1641 = vector.broadcast %add3A_1626 : i32 to vector<16xi32>
      %add3A_1642 = arith.addi %iota3A, %broadcast_in_dim3A_1641 : vector<16xi32>
      %gt3A = arith.cmpf ogt, %select_n3A_1640, %scan3A_1621 : vector<16xf32>
      %select_n3A_1643 = arith.select %gt3A, %select_n3A_1640, %scan3A_1621 : vector<16xi1>, vector<16xf32>
      %select_n3A_1644 = arith.select %gt3A, %add3A_1642, %scan3A_1622 : vector<16xi1>, vector<16xi32>
      scf.yield %select_n3A_1643, %select_n3A_1644 : vector<16xf32>, vector<16xi32>
    }
    %scan3A_239 = arith.constant 625 : i32
    %mul3A_240 = arith.constant 100000 : i32
    %mul3A_241 = arith.muli %add3A_5, %mul3A_240 : i32
    %add3A_242 = arith.constant 60000 : i32
    %add3A_243 = arith.addi %mul3A_241, %add3A_242 : i32
    %dma_start3A_244 = tpu.memref_slice %arg4[%add3A_243] : memref<12800000xf32, #tpu.memory_space<hbm>> -> memref<10000xf32, #tpu.memory_space<hbm>>
    %dma_start3A_245 = tpu.memref_slice %arg4[%add3A_243] : memref<12800000xf32, #tpu.memory_space<hbm>> -> memref<10000xf32, #tpu.memory_space<hbm>>
    tpu.enqueue_dma source(%dma_start3A_245 : memref<10000xf32, #tpu.memory_space<hbm>>) target(%arg7 : memref<10000xf32, #tpu.memory_space<vmem>>) target_semaphore(%arg16 : memref<!tpu.dma_semaphore, #tpu.memory_space<semaphore_mem>>)
    %dma_wait3A_246 = tpu.memref_slice %arg4[%add3A_229] : memref<12800000xf32, #tpu.memory_space<hbm>> -> memref<10000xf32, #tpu.memory_space<hbm>>
    %dma_wait3A_247 = tpu.memref_slice %arg4[%add3A_229] : memref<12800000xf32, #tpu.memory_space<hbm>> -> memref<10000xf32, #tpu.memory_space<hbm>>
    tpu.wait_dma2 semaphore(%arg17 : memref<!tpu.dma_semaphore, #tpu.memory_space<semaphore_mem>>) src(%dma_wait3A_247 : memref<10000xf32, #tpu.memory_space<hbm>>) dst(%arg8 : memref<10000xf32, #tpu.memory_space<vmem>>)
    %scan3A_248 = arith.constant 0 : i32
    %scan3A_249 = arith.constant 625 : i32
    %scan3A_250 = arith.addi %scan3A_248, %scan3A_249 : i32
    %scan3A_251 = arith.constant 1 : i32
    %scan3A_252:2 = scf.for %scan3A_1620 = %scan3A_248 to %scan3A_250 step %scan3A_251 iter_args(%scan3A_1621 = %scan3A_238#0, %scan3A_1622 = %scan3A_238#1) -> (vector<16xf32>, vector<16xi32>)  : i32 {
      %mul3A_1623 = arith.constant 16 : i32
      %mul3A_1624 = arith.muli %scan3A_1620, %mul3A_1623 : i32
      %add3A_1625 = arith.constant 50000 : i32
      %add3A_1626 = arith.addi %add3A_1625, %mul3A_1624 : i32
      %get3A_1627 = arith.index_cast %add3A_1626 : i32 to index
      %get3A_1628 = tpu.vector_load %arg6[%get3A_1627] {strides = array<i32>} : memref<100000xf32, #tpu.memory_space<vmem>>, vector<16xf32>,
      %get3A_1629 = vector.shape_cast %get3A_1628 : vector<16xf32> to vector<16xf32>
      %mul3A_1630 = arith.constant 16 : i32
      %mul3A_1631 = arith.muli %scan3A_1620, %mul3A_1630 : i32
      %get3A_1632 = arith.index_cast %mul3A_1631 : i32 to index
      %get3A_1633 = tpu.vector_load %arg8[%get3A_1632] {strides = array<i32>} : memref<10000xf32, #tpu.memory_space<vmem>>, vector<16xf32>,
      %get3A_1634 = vector.shape_cast %get3A_1633 : vector<16xf32> to vector<16xf32>
      %div3A_1635 = arith.divf %get3A_1629, %select_n3A : vector<16xf32>
      %sub3A = arith.subf %div3A_1635, %div3A : vector<16xf32>
      %exp3A = math.exp %sub3A : vector<16xf32>
      %max3A_1636 = arith.constant 1.000000e-10 : f32
      %max3A_1637 = vector.broadcast %max3A_1636 : f32 to vector<16xf32>
      %max3A_1638 = arith.maximumf %get3A_1634, %max3A_1637 : vector<16xf32>
      %div3A_1639 = arith.divf %exp3A, %max3A_1638 : vector<16xf32>
      %select_n3A_1640 = arith.select %eq3A_169, %exp3A, %div3A_1639 : vector<16xi1>, vector<16xf32>
      %broadcast_in_dim3A_1641 = vector.broadcast %add3A_1626 : i32 to vector<16xi32>
      %add3A_1642 = arith.addi %iota3A, %broadcast_in_dim3A_1641 : vector<16xi32>
      %gt3A = arith.cmpf ogt, %select_n3A_1640, %scan3A_1621 : vector<16xf32>
      %select_n3A_1643 = arith.select %gt3A, %select_n3A_1640, %scan3A_1621 : vector<16xi1>, vector<16xf32>
      %select_n3A_1644 = arith.select %gt3A, %add3A_1642, %scan3A_1622 : vector<16xi1>, vector<16xi32>
      scf.yield %select_n3A_1643, %select_n3A_1644 : vector<16xf32>, vector<16xi32>
    }
    %scan3A_253 = arith.constant 625 : i32
    %mul3A_254 = arith.constant 100000 : i32
    %mul3A_255 = arith.muli %add3A_5, %mul3A_254 : i32
    %add3A_256 = arith.constant 70000 : i32
    %add3A_257 = arith.addi %mul3A_255, %add3A_256 : i32
    %dma_start3A_258 = tpu.memref_slice %arg4[%add3A_257] : memref<12800000xf32, #tpu.memory_space<hbm>> -> memref<10000xf32, #tpu.memory_space<hbm>>
    %dma_start3A_259 = tpu.memref_slice %arg4[%add3A_257] : memref<12800000xf32, #tpu.memory_space<hbm>> -> memref<10000xf32, #tpu.memory_space<hbm>>
    tpu.enqueue_dma source(%dma_start3A_259 : memref<10000xf32, #tpu.memory_space<hbm>>) target(%arg8 : memref<10000xf32, #tpu.memory_space<vmem>>) target_semaphore(%arg17 : memref<!tpu.dma_semaphore, #tpu.memory_space<semaphore_mem>>)
    %dma_wait3A_260 = tpu.memref_slice %arg4[%add3A_243] : memref<12800000xf32, #tpu.memory_space<hbm>> -> memref<10000xf32, #tpu.memory_space<hbm>>
    %dma_wait3A_261 = tpu.memref_slice %arg4[%add3A_243] : memref<12800000xf32, #tpu.memory_space<hbm>> -> memref<10000xf32, #tpu.memory_space<hbm>>
    tpu.wait_dma2 semaphore(%arg16 : memref<!tpu.dma_semaphore, #tpu.memory_space<semaphore_mem>>) src(%dma_wait3A_261 : memref<10000xf32, #tpu.memory_space<hbm>>) dst(%arg7 : memref<10000xf32, #tpu.memory_space<vmem>>)
    %scan3A_262 = arith.constant 0 : i32
    %scan3A_263 = arith.constant 625 : i32
    %scan3A_264 = arith.addi %scan3A_262, %scan3A_263 : i32
    %scan3A_265 = arith.constant 1 : i32
    %scan3A_266:2 = scf.for %scan3A_1620 = %scan3A_262 to %scan3A_264 step %scan3A_265 iter_args(%scan3A_1621 = %scan3A_252#0, %scan3A_1622 = %scan3A_252#1) -> (vector<16xf32>, vector<16xi32>)  : i32 {
      %mul3A_1623 = arith.constant 16 : i32
      %mul3A_1624 = arith.muli %scan3A_1620, %mul3A_1623 : i32
      %add3A_1625 = arith.constant 60000 : i32
      %add3A_1626 = arith.addi %add3A_1625, %mul3A_1624 : i32
      %get3A_1627 = arith.index_cast %add3A_1626 : i32 to index
      %get3A_1628 = tpu.vector_load %arg6[%get3A_1627] {strides = array<i32>} : memref<100000xf32, #tpu.memory_space<vmem>>, vector<16xf32>,
      %get3A_1629 = vector.shape_cast %get3A_1628 : vector<16xf32> to vector<16xf32>
      %mul3A_1630 = arith.constant 16 : i32
      %mul3A_1631 = arith.muli %scan3A_1620, %mul3A_1630 : i32
      %get3A_1632 = arith.index_cast %mul3A_1631 : i32 to index
      %get3A_1633 = tpu.vector_load %arg7[%get3A_1632] {strides = array<i32>} : memref<10000xf32, #tpu.memory_space<vmem>>, vector<16xf32>,
      %get3A_1634 = vector.shape_cast %get3A_1633 : vector<16xf32> to vector<16xf32>
      %div3A_1635 = arith.divf %get3A_1629, %select_n3A : vector<16xf32>
      %sub3A = arith.subf %div3A_1635, %div3A : vector<16xf32>
      %exp3A = math.exp %sub3A : vector<16xf32>
      %max3A_1636 = arith.constant 1.000000e-10 : f32
      %max3A_1637 = vector.broadcast %max3A_1636 : f32 to vector<16xf32>
      %max3A_1638 = arith.maximumf %get3A_1634, %max3A_1637 : vector<16xf32>
      %div3A_1639 = arith.divf %exp3A, %max3A_1638 : vector<16xf32>
      %select_n3A_1640 = arith.select %eq3A_169, %exp3A, %div3A_1639 : vector<16xi1>, vector<16xf32>
      %broadcast_in_dim3A_1641 = vector.broadcast %add3A_1626 : i32 to vector<16xi32>
      %add3A_1642 = arith.addi %iota3A, %broadcast_in_dim3A_1641 : vector<16xi32>
      %gt3A = arith.cmpf ogt, %select_n3A_1640, %scan3A_1621 : vector<16xf32>
      %select_n3A_1643 = arith.select %gt3A, %select_n3A_1640, %scan3A_1621 : vector<16xi1>, vector<16xf32>
      %select_n3A_1644 = arith.select %gt3A, %add3A_1642, %scan3A_1622 : vector<16xi1>, vector<16xi32>
      scf.yield %select_n3A_1643, %select_n3A_1644 : vector<16xf32>, vector<16xi32>
    }
    %scan3A_267 = arith.constant 625 : i32
    %mul3A_268 = arith.constant 100000 : i32
    %mul3A_269 = arith.muli %add3A_5, %mul3A_268 : i32
    %add3A_270 = arith.constant 80000 : i32
    %add3A_271 = arith.addi %mul3A_269, %add3A_270 : i32
    %dma_start3A_272 = tpu.memref_slice %arg4[%add3A_271] : memref<12800000xf32, #tpu.memory_space<hbm>> -> memref<10000xf32, #tpu.memory_space<hbm>>
    %dma_start3A_273 = tpu.memref_slice %arg4[%add3A_271] : memref<12800000xf32, #tpu.memory_space<hbm>> -> memref<10000xf32, #tpu.memory_space<hbm>>
    tpu.enqueue_dma source(%dma_start3A_273 : memref<10000xf32, #tpu.memory_space<hbm>>) target(%arg7 : memref<10000xf32, #tpu.memory_space<vmem>>) target_semaphore(%arg16 : memref<!tpu.dma_semaphore, #tpu.memory_space<semaphore_mem>>)
    %dma_wait3A_274 = tpu.memref_slice %arg4[%add3A_257] : memref<12800000xf32, #tpu.memory_space<hbm>> -> memref<10000xf32, #tpu.memory_space<hbm>>
    %dma_wait3A_275 = tpu.memref_slice %arg4[%add3A_257] : memref<12800000xf32, #tpu.memory_space<hbm>> -> memref<10000xf32, #tpu.memory_space<hbm>>
    tpu.wait_dma2 semaphore(%arg17 : memref<!tpu.dma_semaphore, #tpu.memory_space<semaphore_mem>>) src(%dma_wait3A_275 : memref<10000xf32, #tpu.memory_space<hbm>>) dst(%arg8 : memref<10000xf32, #tpu.memory_space<vmem>>)
    %scan3A_276 = arith.constant 0 : i32
    %scan3A_277 = arith.constant 625 : i32
    %scan3A_278 = arith.addi %scan3A_276, %scan3A_277 : i32
    %scan3A_279 = arith.constant 1 : i32
    %scan3A_280:2 = scf.for %scan3A_1620 = %scan3A_276 to %scan3A_278 step %scan3A_279 iter_args(%scan3A_1621 = %scan3A_266#0, %scan3A_1622 = %scan3A_266#1) -> (vector<16xf32>, vector<16xi32>)  : i32 {
      %mul3A_1623 = arith.constant 16 : i32
      %mul3A_1624 = arith.muli %scan3A_1620, %mul3A_1623 : i32
      %add3A_1625 = arith.constant 70000 : i32
      %add3A_1626 = arith.addi %add3A_1625, %mul3A_1624 : i32
      %get3A_1627 = arith.index_cast %add3A_1626 : i32 to index
      %get3A_1628 = tpu.vector_load %arg6[%get3A_1627] {strides = array<i32>} : memref<100000xf32, #tpu.memory_space<vmem>>, vector<16xf32>,
      %get3A_1629 = vector.shape_cast %get3A_1628 : vector<16xf32> to vector<16xf32>
      %mul3A_1630 = arith.constant 16 : i32
      %mul3A_1631 = arith.muli %scan3A_1620, %mul3A_1630 : i32
      %get3A_1632 = arith.index_cast %mul3A_1631 : i32 to index
      %get3A_1633 = tpu.vector_load %arg8[%get3A_1632] {strides = array<i32>} : memref<10000xf32, #tpu.memory_space<vmem>>, vector<16xf32>,
      %get3A_1634 = vector.shape_cast %get3A_1633 : vector<16xf32> to vector<16xf32>
      %div3A_1635 = arith.divf %get3A_1629, %select_n3A : vector<16xf32>
      %sub3A = arith.subf %div3A_1635, %div3A : vector<16xf32>
      %exp3A = math.exp %sub3A : vector<16xf32>
      %max3A_1636 = arith.constant 1.000000e-10 : f32
      %max3A_1637 = vector.broadcast %max3A_1636 : f32 to vector<16xf32>
      %max3A_1638 = arith.maximumf %get3A_1634, %max3A_1637 : vector<16xf32>
      %div3A_1639 = arith.divf %exp3A, %max3A_1638 : vector<16xf32>
      %select_n3A_1640 = arith.select %eq3A_169, %exp3A, %div3A_1639 : vector<16xi1>, vector<16xf32>
      %broadcast_in_dim3A_1641 = vector.broadcast %add3A_1626 : i32 to vector<16xi32>
      %add3A_1642 = arith.addi %iota3A, %broadcast_in_dim3A_1641 : vector<16xi32>
      %gt3A = arith.cmpf ogt, %select_n3A_1640, %scan3A_1621 : vector<16xf32>
      %select_n3A_1643 = arith.select %gt3A, %select_n3A_1640, %scan3A_1621 : vector<16xi1>, vector<16xf32>
      %select_n3A_1644 = arith.select %gt3A, %add3A_1642, %scan3A_1622 : vector<16xi1>, vector<16xi32>
      scf.yield %select_n3A_1643, %select_n3A_1644 : vector<16xf32>, vector<16xi32>
    }
    %scan3A_281 = arith.constant 625 : i32
    %mul3A_282 = arith.constant 100000 : i32
    %mul3A_283 = arith.muli %add3A_5, %mul3A_282 : i32
    %add3A_284 = arith.constant 90000 : i32
    %add3A_285 = arith.addi %mul3A_283, %add3A_284 : i32
    %dma_start3A_286 = tpu.memref_slice %arg4[%add3A_285] : memref<12800000xf32, #tpu.memory_space<hbm>> -> memref<10000xf32, #tpu.memory_space<hbm>>
    %dma_start3A_287 = tpu.memref_slice %arg4[%add3A_285] : memref<12800000xf32, #tpu.memory_space<hbm>> -> memref<10000xf32, #tpu.memory_space<hbm>>
    tpu.enqueue_dma source(%dma_start3A_287 : memref<10000xf32, #tpu.memory_space<hbm>>) target(%arg8 : memref<10000xf32, #tpu.memory_space<vmem>>) target_semaphore(%arg17 : memref<!tpu.dma_semaphore, #tpu.memory_space<semaphore_mem>>)
    %dma_wait3A_288 = tpu.memref_slice %arg4[%add3A_271] : memref<12800000xf32, #tpu.memory_space<hbm>> -> memref<10000xf32, #tpu.memory_space<hbm>>
    %dma_wait3A_289 = tpu.memref_slice %arg4[%add3A_271] : memref<12800000xf32, #tpu.memory_space<hbm>> -> memref<10000xf32, #tpu.memory_space<hbm>>
    tpu.wait_dma2 semaphore(%arg16 : memref<!tpu.dma_semaphore, #tpu.memory_space<semaphore_mem>>) src(%dma_wait3A_289 : memref<10000xf32, #tpu.memory_space<hbm>>) dst(%arg7 : memref<10000xf32, #tpu.memory_space<vmem>>)
    %scan3A_290 = arith.constant 0 : i32
    %scan3A_291 = arith.constant 625 : i32
    %scan3A_292 = arith.addi %scan3A_290, %scan3A_291 : i32
    %scan3A_293 = arith.constant 1 : i32
    %scan3A_294:2 = scf.for %scan3A_1620 = %scan3A_290 to %scan3A_292 step %scan3A_293 iter_args(%scan3A_1621 = %scan3A_280#0, %scan3A_1622 = %scan3A_280#1) -> (vector<16xf32>, vector<16xi32>)  : i32 {
      %mul3A_1623 = arith.constant 16 : i32
      %mul3A_1624 = arith.muli %scan3A_1620, %mul3A_1623 : i32
      %add3A_1625 = arith.constant 80000 : i32
      %add3A_1626 = arith.addi %add3A_1625, %mul3A_1624 : i32
      %get3A_1627 = arith.index_cast %add3A_1626 : i32 to index
      %get3A_1628 = tpu.vector_load %arg6[%get3A_1627] {strides = array<i32>} : memref<100000xf32, #tpu.memory_space<vmem>>, vector<16xf32>,
      %get3A_1629 = vector.shape_cast %get3A_1628 : vector<16xf32> to vector<16xf32>
      %mul3A_1630 = arith.constant 16 : i32
      %mul3A_1631 = arith.muli %scan3A_1620, %mul3A_1630 : i32
      %get3A_1632 = arith.index_cast %mul3A_1631 : i32 to index
      %get3A_1633 = tpu.vector_load %arg7[%get3A_1632] {strides = array<i32>} : memref<10000xf32, #tpu.memory_space<vmem>>, vector<16xf32>,
      %get3A_1634 = vector.shape_cast %get3A_1633 : vector<16xf32> to vector<16xf32>
      %div3A_1635 = arith.divf %get3A_1629, %select_n3A : vector<16xf32>
      %sub3A = arith.subf %div3A_1635, %div3A : vector<16xf32>
      %exp3A = math.exp %sub3A : vector<16xf32>
      %max3A_1636 = arith.constant 1.000000e-10 : f32
      %max3A_1637 = vector.broadcast %max3A_1636 : f32 to vector<16xf32>
      %max3A_1638 = arith.maximumf %get3A_1634, %max3A_1637 : vector<16xf32>
      %div3A_1639 = arith.divf %exp3A, %max3A_1638 : vector<16xf32>
      %select_n3A_1640 = arith.select %eq3A_169, %exp3A, %div3A_1639 : vector<16xi1>, vector<16xf32>
      %broadcast_in_dim3A_1641 = vector.broadcast %add3A_1626 : i32 to vector<16xi32>
      %add3A_1642 = arith.addi %iota3A, %broadcast_in_dim3A_1641 : vector<16xi32>
      %gt3A = arith.cmpf ogt, %select_n3A_1640, %scan3A_1621 : vector<16xf32>
      %select_n3A_1643 = arith.select %gt3A, %select_n3A_1640, %scan3A_1621 : vector<16xi1>, vector<16xf32>
      %select_n3A_1644 = arith.select %gt3A, %add3A_1642, %scan3A_1622 : vector<16xi1>, vector<16xi32>
      scf.yield %select_n3A_1643, %select_n3A_1644 : vector<16xf32>, vector<16xi32>
    }
    %scan3A_295 = arith.constant 625 : i32
    %dma_wait3A_296 = tpu.memref_slice %arg4[%add3A_285] : memref<12800000xf32, #tpu.memory_space<hbm>> -> memref<10000xf32, #tpu.memory_space<hbm>>
    %dma_wait3A_297 = tpu.memref_slice %arg4[%add3A_285] : memref<12800000xf32, #tpu.memory_space<hbm>> -> memref<10000xf32, #tpu.memory_space<hbm>>
    tpu.wait_dma2 semaphore(%arg17 : memref<!tpu.dma_semaphore, #tpu.memory_space<semaphore_mem>>) src(%dma_wait3A_297 : memref<10000xf32, #tpu.memory_space<hbm>>) dst(%arg8 : memref<10000xf32, #tpu.memory_space<vmem>>)
    %scan3A_298 = arith.constant 0 : i32
    %scan3A_299 = arith.constant 625 : i32
    %scan3A_300 = arith.addi %scan3A_298, %scan3A_299 : i32
    %scan3A_301 = arith.constant 1 : i32
    %scan3A_302:2 = scf.for %scan3A_1620 = %scan3A_298 to %scan3A_300 step %scan3A_301 iter_args(%scan3A_1621 = %scan3A_294#0, %scan3A_1622 = %scan3A_294#1) -> (vector<16xf32>, vector<16xi32>)  : i32 {
      %mul3A_1623 = arith.constant 16 : i32
      %mul3A_1624 = arith.muli %scan3A_1620, %mul3A_1623 : i32
      %add3A_1625 = arith.constant 90000 : i32
      %add3A_1626 = arith.addi %add3A_1625, %mul3A_1624 : i32
      %get3A_1627 = arith.index_cast %add3A_1626 : i32 to index
      %get3A_1628 = tpu.vector_load %arg6[%get3A_1627] {strides = array<i32>} : memref<100000xf32, #tpu.memory_space<vmem>>, vector<16xf32>,
      %get3A_1629 = vector.shape_cast %get3A_1628 : vector<16xf32> to vector<16xf32>
      %mul3A_1630 = arith.constant 16 : i32
      %mul3A_1631 = arith.muli %scan3A_1620, %mul3A_1630 : i32
      %get3A_1632 = arith.index_cast %mul3A_1631 : i32 to index
      %get3A_1633 = tpu.vector_load %arg8[%get3A_1632] {strides = array<i32>} : memref<10000xf32, #tpu.memory_space<vmem>>, vector<16xf32>,
      %get3A_1634 = vector.shape_cast %get3A_1633 : vector<16xf32> to vector<16xf32>
      %div3A_1635 = arith.divf %get3A_1629, %select_n3A : vector<16xf32>
      %sub3A = arith.subf %div3A_1635, %div3A : vector<16xf32>
      %exp3A = math.exp %sub3A : vector<16xf32>
      %max3A_1636 = arith.constant 1.000000e-10 : f32
      %max3A_1637 = vector.broadcast %max3A_1636 : f32 to vector<16xf32>
      %max3A_1638 = arith.maximumf %get3A_1634, %max3A_1637 : vector<16xf32>
      %div3A_1639 = arith.divf %exp3A, %max3A_1638 : vector<16xf32>
      %select_n3A_1640 = arith.select %eq3A_169, %exp3A, %div3A_1639 : vector<16xi1>, vector<16xf32>
      %broadcast_in_dim3A_1641 = vector.broadcast %add3A_1626 : i32 to vector<16xi32>
      %add3A_1642 = arith.addi %iota3A, %broadcast_in_dim3A_1641 : vector<16xi32>
      %gt3A = arith.cmpf ogt, %select_n3A_1640, %scan3A_1621 : vector<16xf32>
      %select_n3A_1643 = arith.select %gt3A, %select_n3A_1640, %scan3A_1621 : vector<16xi1>, vector<16xf32>
      %select_n3A_1644 = arith.select %gt3A, %add3A_1642, %scan3A_1622 : vector<16xi1>, vector<16xi32>
      scf.yield %select_n3A_1643, %select_n3A_1644 : vector<16xf32>, vector<16xi32>
    }
    %scan3A_303 = arith.constant 625 : i32
    %add3A_304 = arith.constant 8 : i32
    %add3A_305 = vector.broadcast %add3A_304 : i32 to vector<16xi32>
    %add3A_306 = arith.addi %iota3A, %add3A_305 : vector<16xi32>
    %and3A_307 = arith.constant 15 : i32
    %and3A_308 = vector.broadcast %and3A_307 : i32 to vector<16xi32>
    %and3A_309 = arith.andi %add3A_306, %and3A_308 : vector<16xi32>
    %broadcast_in_dim3A_310 = vector.shape_cast %and3A_309 : vector<16xi32> to vector<16x1xi32>
    %gather3A_311 = vector.shape_cast %broadcast_in_dim3A_310 : vector<16x1xi32> to vector<16xi32>
    %gather3A_312 = tpu.dynamic_gather %scan3A_302#0[%gather3A_311] in [0] : vector<16xf32>, vector<16xi32> -> vector<16xf32>
    %max3A_313 = arith.maximumf %scan3A_302#0, %gather3A_312 : vector<16xf32>
    %add3A_314 = arith.constant 4 : i32
    %add3A_315 = vector.broadcast %add3A_314 : i32 to vector<16xi32>
    %add3A_316 = arith.addi %iota3A, %add3A_315 : vector<16xi32>
    %and3A_317 = arith.constant 15 : i32
    %and3A_318 = vector.broadcast %and3A_317 : i32 to vector<16xi32>
    %and3A_319 = arith.andi %add3A_316, %and3A_318 : vector<16xi32>
    %broadcast_in_dim3A_320 = vector.shape_cast %and3A_319 : vector<16xi32> to vector<16x1xi32>
    %gather3A_321 = vector.shape_cast %broadcast_in_dim3A_320 : vector<16x1xi32> to vector<16xi32>
    %gather3A_322 = tpu.dynamic_gather %max3A_313[%gather3A_321] in [0] : vector<16xf32>, vector<16xi32> -> vector<16xf32>
    %max3A_323 = arith.maximumf %max3A_313, %gather3A_322 : vector<16xf32>
    %add3A_324 = arith.constant 2 : i32
    %add3A_325 = vector.broadcast %add3A_324 : i32 to vector<16xi32>
    %add3A_326 = arith.addi %iota3A, %add3A_325 : vector<16xi32>
    %and3A_327 = arith.constant 15 : i32
    %and3A_328 = vector.broadcast %and3A_327 : i32 to vector<16xi32>
    %and3A_329 = arith.andi %add3A_326, %and3A_328 : vector<16xi32>
    %broadcast_in_dim3A_330 = vector.shape_cast %and3A_329 : vector<16xi32> to vector<16x1xi32>
    %gather3A_331 = vector.shape_cast %broadcast_in_dim3A_330 : vector<16x1xi32> to vector<16xi32>
    %gather3A_332 = tpu.dynamic_gather %max3A_323[%gather3A_331] in [0] : vector<16xf32>, vector<16xi32> -> vector<16xf32>
    %max3A_333 = arith.maximumf %max3A_323, %gather3A_332 : vector<16xf32>
    %add3A_334 = arith.constant 1 : i32
    %add3A_335 = vector.broadcast %add3A_334 : i32 to vector<16xi32>
    %add3A_336 = arith.addi %iota3A, %add3A_335 : vector<16xi32>
    %and3A_337 = arith.constant 15 : i32
    %and3A_338 = vector.broadcast %and3A_337 : i32 to vector<16xi32>
    %and3A_339 = arith.andi %add3A_336, %and3A_338 : vector<16xi32>
    %broadcast_in_dim3A_340 = vector.shape_cast %and3A_339 : vector<16xi32> to vector<16x1xi32>
    %gather3A_341 = vector.shape_cast %broadcast_in_dim3A_340 : vector<16x1xi32> to vector<16xi32>
    %gather3A_342 = tpu.dynamic_gather %max3A_333[%gather3A_341] in [0] : vector<16xf32>, vector<16xi32> -> vector<16xf32>
    %max3A_343 = arith.maximumf %max3A_333, %gather3A_342 : vector<16xf32>
    %eq3A_344 = arith.cmpf oeq, %scan3A_302#0, %max3A_343 : vector<16xf32>
    %broadcast_in_dim3A_345 = arith.constant 2147483647 : i32
    %broadcast_in_dim3A_346 = vector.broadcast %broadcast_in_dim3A_345 : i32 to vector<16xi32>
    %select_n3A_347 = arith.select %eq3A_344, %scan3A_302#1, %broadcast_in_dim3A_346 : vector<16xi1>, vector<16xi32>
    %neg3A = arith.constant 0 : i32
    %neg3A_348 = vector.broadcast %neg3A : i32 to vector<16xi32>
    %neg3A_349 = arith.subi %neg3A_348, %select_n3A_347 : vector<16xi32>
    %add3A_350 = arith.constant 8 : i32
    %add3A_351 = vector.broadcast %add3A_350 : i32 to vector<16xi32>
    %add3A_352 = arith.addi %iota3A, %add3A_351 : vector<16xi32>
    %and3A_353 = arith.constant 15 : i32
    %and3A_354 = vector.broadcast %and3A_353 : i32 to vector<16xi32>
    %and3A_355 = arith.andi %add3A_352, %and3A_354 : vector<16xi32>
    %broadcast_in_dim3A_356 = vector.shape_cast %and3A_355 : vector<16xi32> to vector<16x1xi32>
    %gather3A_357 = vector.shape_cast %broadcast_in_dim3A_356 : vector<16x1xi32> to vector<16xi32>
    %gather3A_358 = tpu.dynamic_gather %neg3A_349[%gather3A_357] in [0] : vector<16xi32>, vector<16xi32> -> vector<16xi32>
    %max3A_359 = arith.maxsi %neg3A_349, %gather3A_358 : vector<16xi32>
    %add3A_360 = arith.constant 4 : i32
    %add3A_361 = vector.broadcast %add3A_360 : i32 to vector<16xi32>
    %add3A_362 = arith.addi %iota3A, %add3A_361 : vector<16xi32>
    %and3A_363 = arith.constant 15 : i32
    %and3A_364 = vector.broadcast %and3A_363 : i32 to vector<16xi32>
    %and3A_365 = arith.andi %add3A_362, %and3A_364 : vector<16xi32>
    %broadcast_in_dim3A_366 = vector.shape_cast %and3A_365 : vector<16xi32> to vector<16x1xi32>
    %gather3A_367 = vector.shape_cast %broadcast_in_dim3A_366 : vector<16x1xi32> to vector<16xi32>
    %gather3A_368 = tpu.dynamic_gather %max3A_359[%gather3A_367] in [0] : vector<16xi32>, vector<16xi32> -> vector<16xi32>
    %max3A_369 = arith.maxsi %max3A_359, %gather3A_368 : vector<16xi32>
    %add3A_370 = arith.constant 2 : i32
    %add3A_371 = vector.broadcast %add3A_370 : i32 to vector<16xi32>
    %add3A_372 = arith.addi %iota3A, %add3A_371 : vector<16xi32>
    %and3A_373 = arith.constant 15 : i32
    %and3A_374 = vector.broadcast %and3A_373 : i32 to vector<16xi32>
    %and3A_375 = arith.andi %add3A_372, %and3A_374 : vector<16xi32>
    %broadcast_in_dim3A_376 = vector.shape_cast %and3A_375 : vector<16xi32> to vector<16x1xi32>
    %gather3A_377 = vector.shape_cast %broadcast_in_dim3A_376 : vector<16x1xi32> to vector<16xi32>
    %gather3A_378 = tpu.dynamic_gather %max3A_369[%gather3A_377] in [0] : vector<16xi32>, vector<16xi32> -> vector<16xi32>
    %max3A_379 = arith.maxsi %max3A_369, %gather3A_378 : vector<16xi32>
    %add3A_380 = arith.constant 1 : i32
    %add3A_381 = vector.broadcast %add3A_380 : i32 to vector<16xi32>
    %add3A_382 = arith.addi %iota3A, %add3A_381 : vector<16xi32>
    %and3A_383 = arith.constant 15 : i32
    %and3A_384 = vector.broadcast %and3A_383 : i32 to vector<16xi32>
    %and3A_385 = arith.andi %add3A_382, %and3A_384 : vector<16xi32>
    %broadcast_in_dim3A_386 = vector.shape_cast %and3A_385 : vector<16xi32> to vector<16x1xi32>
    %gather3A_387 = vector.shape_cast %broadcast_in_dim3A_386 : vector<16x1xi32> to vector<16xi32>
    %gather3A_388 = tpu.dynamic_gather %max3A_379[%gather3A_387] in [0] : vector<16xi32>, vector<16xi32> -> vector<16xi32>
    %max3A_389 = arith.maxsi %max3A_379, %gather3A_388 : vector<16xi32>
    %neg3A_390 = arith.constant 0 : i32
    %neg3A_391 = vector.broadcast %neg3A_390 : i32 to vector<16xi32>
    %neg3A_392 = arith.subi %neg3A_391, %max3A_389 : vector<16xi32>
    %eq3A_393 = arith.constant 0 : i32
    %eq3A_394 = vector.broadcast %eq3A_393 : i32 to vector<16xi32>
    %eq3A_395 = arith.cmpi eq, %iota3A, %eq3A_394 : vector<16xi32>
    %select_n3A_396 = arith.select %eq3A_395, %neg3A_392, %broadcast_in_dim3A_1 : vector<16xi1>, vector<16xi32>
    %mul3A_397 = arith.constant 4 : i32
    %mul3A_398 = arith.muli %add3A, %mul3A_397 : i32
    %add3A_399 = arith.constant 1 : i32
    %add3A_400 = arith.addi %mul3A_398, %add3A_399 : i32
    %mul3A_401 = arith.constant 100000 : i32
    %mul3A_402 = arith.muli %add3A_400, %mul3A_401 : i32
    %add3A_403 = arith.constant 0 : i32
    %add3A_404 = arith.addi %mul3A_402, %add3A_403 : i32
    %dma_start3A_405 = arith.constant 0 : i32
    %dma_start3A_406 = tpu.memref_slice %arg6[%dma_start3A_405] : memref<100000xf32, #tpu.memory_space<vmem>> -> memref<20000xf32, #tpu.memory_space<vmem>>
    %dma_start3A_407 = tpu.memref_slice %arg2[%add3A_404] : memref<12800000xf32, #tpu.memory_space<hbm>> -> memref<20000xf32, #tpu.memory_space<hbm>>
    %dma_start3A_408 = arith.constant 0 : i32
    %dma_start3A_409 = tpu.memref_slice %arg6[%dma_start3A_408] : memref<100000xf32, #tpu.memory_space<vmem>> -> memref<20000xf32, #tpu.memory_space<vmem>>
    %dma_start3A_410 = tpu.memref_slice %arg2[%add3A_404] : memref<12800000xf32, #tpu.memory_space<hbm>> -> memref<20000xf32, #tpu.memory_space<hbm>>
    tpu.enqueue_dma source(%dma_start3A_410 : memref<20000xf32, #tpu.memory_space<hbm>>) target(%dma_start3A_409 : memref<20000xf32, #tpu.memory_space<vmem>>) target_semaphore(%arg11 : memref<!tpu.dma_semaphore, #tpu.memory_space<semaphore_mem>>)
    %mul3A_411 = arith.constant 100000 : i32
    %mul3A_412 = arith.muli %add3A_400, %mul3A_411 : i32
    %add3A_413 = arith.constant 20000 : i32
    %add3A_414 = arith.addi %mul3A_412, %add3A_413 : i32
    %dma_start3A_415 = arith.constant 20000 : i32
    %dma_start3A_416 = tpu.memref_slice %arg6[%dma_start3A_415] : memref<100000xf32, #tpu.memory_space<vmem>> -> memref<20000xf32, #tpu.memory_space<vmem>>
    %dma_start3A_417 = tpu.memref_slice %arg2[%add3A_414] : memref<12800000xf32, #tpu.memory_space<hbm>> -> memref<20000xf32, #tpu.memory_space<hbm>>
    %dma_start3A_418 = arith.constant 20000 : i32
    %dma_start3A_419 = tpu.memref_slice %arg6[%dma_start3A_418] : memref<100000xf32, #tpu.memory_space<vmem>> -> memref<20000xf32, #tpu.memory_space<vmem>>
    %dma_start3A_420 = tpu.memref_slice %arg2[%add3A_414] : memref<12800000xf32, #tpu.memory_space<hbm>> -> memref<20000xf32, #tpu.memory_space<hbm>>
    tpu.enqueue_dma source(%dma_start3A_420 : memref<20000xf32, #tpu.memory_space<hbm>>) target(%dma_start3A_419 : memref<20000xf32, #tpu.memory_space<vmem>>) target_semaphore(%arg12 : memref<!tpu.dma_semaphore, #tpu.memory_space<semaphore_mem>>)
    %mul3A_421 = arith.constant 100000 : i32
    %mul3A_422 = arith.muli %add3A_400, %mul3A_421 : i32
    %add3A_423 = arith.constant 40000 : i32
    %add3A_424 = arith.addi %mul3A_422, %add3A_423 : i32
    %dma_start3A_425 = arith.constant 40000 : i32
    %dma_start3A_426 = tpu.memref_slice %arg6[%dma_start3A_425] : memref<100000xf32, #tpu.memory_space<vmem>> -> memref<20000xf32, #tpu.memory_space<vmem>>
    %dma_start3A_427 = tpu.memref_slice %arg2[%add3A_424] : memref<12800000xf32, #tpu.memory_space<hbm>> -> memref<20000xf32, #tpu.memory_space<hbm>>
    %dma_start3A_428 = arith.constant 40000 : i32
    %dma_start3A_429 = tpu.memref_slice %arg6[%dma_start3A_428] : memref<100000xf32, #tpu.memory_space<vmem>> -> memref<20000xf32, #tpu.memory_space<vmem>>
    %dma_start3A_430 = tpu.memref_slice %arg2[%add3A_424] : memref<12800000xf32, #tpu.memory_space<hbm>> -> memref<20000xf32, #tpu.memory_space<hbm>>
    tpu.enqueue_dma source(%dma_start3A_430 : memref<20000xf32, #tpu.memory_space<hbm>>) target(%dma_start3A_429 : memref<20000xf32, #tpu.memory_space<vmem>>) target_semaphore(%arg13 : memref<!tpu.dma_semaphore, #tpu.memory_space<semaphore_mem>>)
    %mul3A_431 = arith.constant 100000 : i32
    %mul3A_432 = arith.muli %add3A_400, %mul3A_431 : i32
    %add3A_433 = arith.constant 60000 : i32
    %add3A_434 = arith.addi %mul3A_432, %add3A_433 : i32
    %dma_start3A_435 = arith.constant 60000 : i32
    %dma_start3A_436 = tpu.memref_slice %arg6[%dma_start3A_435] : memref<100000xf32, #tpu.memory_space<vmem>> -> memref<20000xf32, #tpu.memory_space<vmem>>
    %dma_start3A_437 = tpu.memref_slice %arg2[%add3A_434] : memref<12800000xf32, #tpu.memory_space<hbm>> -> memref<20000xf32, #tpu.memory_space<hbm>>
    %dma_start3A_438 = arith.constant 60000 : i32
    %dma_start3A_439 = tpu.memref_slice %arg6[%dma_start3A_438] : memref<100000xf32, #tpu.memory_space<vmem>> -> memref<20000xf32, #tpu.memory_space<vmem>>
    %dma_start3A_440 = tpu.memref_slice %arg2[%add3A_434] : memref<12800000xf32, #tpu.memory_space<hbm>> -> memref<20000xf32, #tpu.memory_space<hbm>>
    tpu.enqueue_dma source(%dma_start3A_440 : memref<20000xf32, #tpu.memory_space<hbm>>) target(%dma_start3A_439 : memref<20000xf32, #tpu.memory_space<vmem>>) target_semaphore(%arg14 : memref<!tpu.dma_semaphore, #tpu.memory_space<semaphore_mem>>)
    %mul3A_441 = arith.constant 100000 : i32
    %mul3A_442 = arith.muli %add3A_400, %mul3A_441 : i32
    %add3A_443 = arith.constant 80000 : i32
    %add3A_444 = arith.addi %mul3A_442, %add3A_443 : i32
    %dma_start3A_445 = arith.constant 80000 : i32
    %dma_start3A_446 = tpu.memref_slice %arg6[%dma_start3A_445] : memref<100000xf32, #tpu.memory_space<vmem>> -> memref<20000xf32, #tpu.memory_space<vmem>>
    %dma_start3A_447 = tpu.memref_slice %arg2[%add3A_444] : memref<12800000xf32, #tpu.memory_space<hbm>> -> memref<20000xf32, #tpu.memory_space<hbm>>
    %dma_start3A_448 = arith.constant 80000 : i32
    %dma_start3A_449 = tpu.memref_slice %arg6[%dma_start3A_448] : memref<100000xf32, #tpu.memory_space<vmem>> -> memref<20000xf32, #tpu.memory_space<vmem>>
    %dma_start3A_450 = tpu.memref_slice %arg2[%add3A_444] : memref<12800000xf32, #tpu.memory_space<hbm>> -> memref<20000xf32, #tpu.memory_space<hbm>>
    tpu.enqueue_dma source(%dma_start3A_450 : memref<20000xf32, #tpu.memory_space<hbm>>) target(%dma_start3A_449 : memref<20000xf32, #tpu.memory_space<vmem>>) target_semaphore(%arg15 : memref<!tpu.dma_semaphore, #tpu.memory_space<semaphore_mem>>)
    %mul3A_451 = arith.constant 100000 : i32
    %mul3A_452 = arith.muli %add3A_400, %mul3A_451 : i32
    %add3A_453 = arith.constant 0 : i32
    %add3A_454 = arith.addi %mul3A_452, %add3A_453 : i32
    %dma_start3A_455 = tpu.memref_slice %arg4[%add3A_454] : memref<12800000xf32, #tpu.memory_space<hbm>> -> memref<10000xf32, #tpu.memory_space<hbm>>
    %dma_start3A_456 = tpu.memref_slice %arg4[%add3A_454] : memref<12800000xf32, #tpu.memory_space<hbm>> -> memref<10000xf32, #tpu.memory_space<hbm>>
    tpu.enqueue_dma source(%dma_start3A_456 : memref<10000xf32, #tpu.memory_space<hbm>>) target(%arg7 : memref<10000xf32, #tpu.memory_space<vmem>>) target_semaphore(%arg16 : memref<!tpu.dma_semaphore, #tpu.memory_space<semaphore_mem>>)
    %mul3A_457 = arith.constant 100000 : i32
    %mul3A_458 = arith.muli %add3A_400, %mul3A_457 : i32
    %add3A_459 = arith.constant 10000 : i32
    %add3A_460 = arith.addi %mul3A_458, %add3A_459 : i32
    %dma_start3A_461 = tpu.memref_slice %arg4[%add3A_460] : memref<12800000xf32, #tpu.memory_space<hbm>> -> memref<10000xf32, #tpu.memory_space<hbm>>
    %dma_start3A_462 = tpu.memref_slice %arg4[%add3A_460] : memref<12800000xf32, #tpu.memory_space<hbm>> -> memref<10000xf32, #tpu.memory_space<hbm>>
    tpu.enqueue_dma source(%dma_start3A_462 : memref<10000xf32, #tpu.memory_space<hbm>>) target(%arg8 : memref<10000xf32, #tpu.memory_space<vmem>>) target_semaphore(%arg17 : memref<!tpu.dma_semaphore, #tpu.memory_space<semaphore_mem>>)
    %mul3A_463 = arith.constant 16 : i32
    %mul3A_464 = arith.muli %add3A_400, %mul3A_463 : i32
    "tpu.region"() ({
      %run_scoped3A = tpu.sem_alloc : memref<!tpu.dma_semaphore, #tpu.memory_space<semaphore_mem>>
      %dma_start3A_1620 = tpu.memref_slice %arg3[%mul3A_464] : memref<2048xf32, #tpu.memory_space<hbm>> -> memref<16xf32, #tpu.memory_space<hbm>>
      %dma_start3A_1621 = tpu.memref_slice %arg3[%mul3A_464] : memref<2048xf32, #tpu.memory_space<hbm>> -> memref<16xf32, #tpu.memory_space<hbm>>
      tpu.enqueue_dma source(%dma_start3A_1621 : memref<16xf32, #tpu.memory_space<hbm>>) target(%arg9 : memref<16xf32, #tpu.memory_space<vmem>>) target_semaphore(%run_scoped3A : memref<!tpu.dma_semaphore, #tpu.memory_space<semaphore_mem>>)
      %dma_wait3A_1622 = tpu.memref_slice %arg3[%mul3A_464] : memref<2048xf32, #tpu.memory_space<hbm>> -> memref<16xf32, #tpu.memory_space<hbm>>
      %dma_wait3A_1623 = tpu.memref_slice %arg3[%mul3A_464] : memref<2048xf32, #tpu.memory_space<hbm>> -> memref<16xf32, #tpu.memory_space<hbm>>
      tpu.wait_dma2 semaphore(%run_scoped3A : memref<!tpu.dma_semaphore, #tpu.memory_space<semaphore_mem>>) src(%dma_wait3A_1623 : memref<16xf32, #tpu.memory_space<hbm>>) dst(%arg9 : memref<16xf32, #tpu.memory_space<vmem>>)
      tpu.yield
    }) : () -> ()
    %broadcast_in_dim3A_465 = arith.constant 0xFF800000 : f32
    %broadcast_in_dim3A_466 = vector.broadcast %broadcast_in_dim3A_465 : f32 to vector<16xf32>
    %dma_wait3A_467 = arith.constant 0 : i32
    %dma_wait3A_468 = tpu.memref_slice %arg6[%dma_wait3A_467] : memref<100000xf32, #tpu.memory_space<vmem>> -> memref<20000xf32, #tpu.memory_space<vmem>>
    %dma_wait3A_469 = tpu.memref_slice %arg2[%add3A_404] : memref<12800000xf32, #tpu.memory_space<hbm>> -> memref<20000xf32, #tpu.memory_space<hbm>>
    %dma_wait3A_470 = arith.constant 0 : i32
    %dma_wait3A_471 = tpu.memref_slice %arg6[%dma_wait3A_470] : memref<100000xf32, #tpu.memory_space<vmem>> -> memref<20000xf32, #tpu.memory_space<vmem>>
    %dma_wait3A_472 = tpu.memref_slice %arg2[%add3A_404] : memref<12800000xf32, #tpu.memory_space<hbm>> -> memref<20000xf32, #tpu.memory_space<hbm>>
    tpu.wait_dma2 semaphore(%arg11 : memref<!tpu.dma_semaphore, #tpu.memory_space<semaphore_mem>>) src(%dma_wait3A_472 : memref<20000xf32, #tpu.memory_space<hbm>>) dst(%dma_wait3A_471 : memref<20000xf32, #tpu.memory_space<vmem>>)
    %scan3A_473 = arith.constant 0 : i32
    %scan3A_474 = arith.constant 1250 : i32
    %scan3A_475 = arith.addi %scan3A_473, %scan3A_474 : i32
    %scan3A_476 = arith.constant 1 : i32
    %scan3A_477 = scf.for %scan3A_1620 = %scan3A_473 to %scan3A_475 step %scan3A_476 iter_args(%scan3A_1621 = %broadcast_in_dim3A_466) -> (vector<16xf32>)  : i32 {
      %mul3A_1622 = arith.constant 16 : i32
      %mul3A_1623 = arith.muli %scan3A_1620, %mul3A_1622 : i32
      %add3A_1624 = arith.constant 0 : i32
      %add3A_1625 = arith.addi %add3A_1624, %mul3A_1623 : i32
      %get3A_1626 = arith.index_cast %add3A_1625 : i32 to index
      %get3A_1627 = tpu.vector_load %arg6[%get3A_1626] {strides = array<i32>} : memref<100000xf32, #tpu.memory_space<vmem>>, vector<16xf32>,
      %get3A_1628 = vector.shape_cast %get3A_1627 : vector<16xf32> to vector<16xf32>
      %max3A_1629 = arith.maximumf %scan3A_1621, %get3A_1628 : vector<16xf32>
      scf.yield %max3A_1629 : vector<16xf32>
    }
    %scan3A_478 = arith.constant 1250 : i32
    %dma_wait3A_479 = arith.constant 20000 : i32
    %dma_wait3A_480 = tpu.memref_slice %arg6[%dma_wait3A_479] : memref<100000xf32, #tpu.memory_space<vmem>> -> memref<20000xf32, #tpu.memory_space<vmem>>
    %dma_wait3A_481 = tpu.memref_slice %arg2[%add3A_414] : memref<12800000xf32, #tpu.memory_space<hbm>> -> memref<20000xf32, #tpu.memory_space<hbm>>
    %dma_wait3A_482 = arith.constant 20000 : i32
    %dma_wait3A_483 = tpu.memref_slice %arg6[%dma_wait3A_482] : memref<100000xf32, #tpu.memory_space<vmem>> -> memref<20000xf32, #tpu.memory_space<vmem>>
    %dma_wait3A_484 = tpu.memref_slice %arg2[%add3A_414] : memref<12800000xf32, #tpu.memory_space<hbm>> -> memref<20000xf32, #tpu.memory_space<hbm>>
    tpu.wait_dma2 semaphore(%arg12 : memref<!tpu.dma_semaphore, #tpu.memory_space<semaphore_mem>>) src(%dma_wait3A_484 : memref<20000xf32, #tpu.memory_space<hbm>>) dst(%dma_wait3A_483 : memref<20000xf32, #tpu.memory_space<vmem>>)
    %scan3A_485 = arith.constant 0 : i32
    %scan3A_486 = arith.constant 1250 : i32
    %scan3A_487 = arith.addi %scan3A_485, %scan3A_486 : i32
    %scan3A_488 = arith.constant 1 : i32
    %scan3A_489 = scf.for %scan3A_1620 = %scan3A_485 to %scan3A_487 step %scan3A_488 iter_args(%scan3A_1621 = %scan3A_477) -> (vector<16xf32>)  : i32 {
      %mul3A_1622 = arith.constant 16 : i32
      %mul3A_1623 = arith.muli %scan3A_1620, %mul3A_1622 : i32
      %add3A_1624 = arith.constant 20000 : i32
      %add3A_1625 = arith.addi %add3A_1624, %mul3A_1623 : i32
      %get3A_1626 = arith.index_cast %add3A_1625 : i32 to index
      %get3A_1627 = tpu.vector_load %arg6[%get3A_1626] {strides = array<i32>} : memref<100000xf32, #tpu.memory_space<vmem>>, vector<16xf32>,
      %get3A_1628 = vector.shape_cast %get3A_1627 : vector<16xf32> to vector<16xf32>
      %max3A_1629 = arith.maximumf %scan3A_1621, %get3A_1628 : vector<16xf32>
      scf.yield %max3A_1629 : vector<16xf32>
    }
    %scan3A_490 = arith.constant 1250 : i32
    %dma_wait3A_491 = arith.constant 40000 : i32
    %dma_wait3A_492 = tpu.memref_slice %arg6[%dma_wait3A_491] : memref<100000xf32, #tpu.memory_space<vmem>> -> memref<20000xf32, #tpu.memory_space<vmem>>
    %dma_wait3A_493 = tpu.memref_slice %arg2[%add3A_424] : memref<12800000xf32, #tpu.memory_space<hbm>> -> memref<20000xf32, #tpu.memory_space<hbm>>
    %dma_wait3A_494 = arith.constant 40000 : i32
    %dma_wait3A_495 = tpu.memref_slice %arg6[%dma_wait3A_494] : memref<100000xf32, #tpu.memory_space<vmem>> -> memref<20000xf32, #tpu.memory_space<vmem>>
    %dma_wait3A_496 = tpu.memref_slice %arg2[%add3A_424] : memref<12800000xf32, #tpu.memory_space<hbm>> -> memref<20000xf32, #tpu.memory_space<hbm>>
    tpu.wait_dma2 semaphore(%arg13 : memref<!tpu.dma_semaphore, #tpu.memory_space<semaphore_mem>>) src(%dma_wait3A_496 : memref<20000xf32, #tpu.memory_space<hbm>>) dst(%dma_wait3A_495 : memref<20000xf32, #tpu.memory_space<vmem>>)
    %scan3A_497 = arith.constant 0 : i32
    %scan3A_498 = arith.constant 1250 : i32
    %scan3A_499 = arith.addi %scan3A_497, %scan3A_498 : i32
    %scan3A_500 = arith.constant 1 : i32
    %scan3A_501 = scf.for %scan3A_1620 = %scan3A_497 to %scan3A_499 step %scan3A_500 iter_args(%scan3A_1621 = %scan3A_489) -> (vector<16xf32>)  : i32 {
      %mul3A_1622 = arith.constant 16 : i32
      %mul3A_1623 = arith.muli %scan3A_1620, %mul3A_1622 : i32
      %add3A_1624 = arith.constant 40000 : i32
      %add3A_1625 = arith.addi %add3A_1624, %mul3A_1623 : i32
      %get3A_1626 = arith.index_cast %add3A_1625 : i32 to index
      %get3A_1627 = tpu.vector_load %arg6[%get3A_1626] {strides = array<i32>} : memref<100000xf32, #tpu.memory_space<vmem>>, vector<16xf32>,
      %get3A_1628 = vector.shape_cast %get3A_1627 : vector<16xf32> to vector<16xf32>
      %max3A_1629 = arith.maximumf %scan3A_1621, %get3A_1628 : vector<16xf32>
      scf.yield %max3A_1629 : vector<16xf32>
    }
    %scan3A_502 = arith.constant 1250 : i32
    %dma_wait3A_503 = arith.constant 60000 : i32
    %dma_wait3A_504 = tpu.memref_slice %arg6[%dma_wait3A_503] : memref<100000xf32, #tpu.memory_space<vmem>> -> memref<20000xf32, #tpu.memory_space<vmem>>
    %dma_wait3A_505 = tpu.memref_slice %arg2[%add3A_434] : memref<12800000xf32, #tpu.memory_space<hbm>> -> memref<20000xf32, #tpu.memory_space<hbm>>
    %dma_wait3A_506 = arith.constant 60000 : i32
    %dma_wait3A_507 = tpu.memref_slice %arg6[%dma_wait3A_506] : memref<100000xf32, #tpu.memory_space<vmem>> -> memref<20000xf32, #tpu.memory_space<vmem>>
    %dma_wait3A_508 = tpu.memref_slice %arg2[%add3A_434] : memref<12800000xf32, #tpu.memory_space<hbm>> -> memref<20000xf32, #tpu.memory_space<hbm>>
    tpu.wait_dma2 semaphore(%arg14 : memref<!tpu.dma_semaphore, #tpu.memory_space<semaphore_mem>>) src(%dma_wait3A_508 : memref<20000xf32, #tpu.memory_space<hbm>>) dst(%dma_wait3A_507 : memref<20000xf32, #tpu.memory_space<vmem>>)
    %scan3A_509 = arith.constant 0 : i32
    %scan3A_510 = arith.constant 1250 : i32
    %scan3A_511 = arith.addi %scan3A_509, %scan3A_510 : i32
    %scan3A_512 = arith.constant 1 : i32
    %scan3A_513 = scf.for %scan3A_1620 = %scan3A_509 to %scan3A_511 step %scan3A_512 iter_args(%scan3A_1621 = %scan3A_501) -> (vector<16xf32>)  : i32 {
      %mul3A_1622 = arith.constant 16 : i32
      %mul3A_1623 = arith.muli %scan3A_1620, %mul3A_1622 : i32
      %add3A_1624 = arith.constant 60000 : i32
      %add3A_1625 = arith.addi %add3A_1624, %mul3A_1623 : i32
      %get3A_1626 = arith.index_cast %add3A_1625 : i32 to index
      %get3A_1627 = tpu.vector_load %arg6[%get3A_1626] {strides = array<i32>} : memref<100000xf32, #tpu.memory_space<vmem>>, vector<16xf32>,
      %get3A_1628 = vector.shape_cast %get3A_1627 : vector<16xf32> to vector<16xf32>
      %max3A_1629 = arith.maximumf %scan3A_1621, %get3A_1628 : vector<16xf32>
      scf.yield %max3A_1629 : vector<16xf32>
    }
    %scan3A_514 = arith.constant 1250 : i32
    %dma_wait3A_515 = arith.constant 80000 : i32
    %dma_wait3A_516 = tpu.memref_slice %arg6[%dma_wait3A_515] : memref<100000xf32, #tpu.memory_space<vmem>> -> memref<20000xf32, #tpu.memory_space<vmem>>
    %dma_wait3A_517 = tpu.memref_slice %arg2[%add3A_444] : memref<12800000xf32, #tpu.memory_space<hbm>> -> memref<20000xf32, #tpu.memory_space<hbm>>
    %dma_wait3A_518 = arith.constant 80000 : i32
    %dma_wait3A_519 = tpu.memref_slice %arg6[%dma_wait3A_518] : memref<100000xf32, #tpu.memory_space<vmem>> -> memref<20000xf32, #tpu.memory_space<vmem>>
    %dma_wait3A_520 = tpu.memref_slice %arg2[%add3A_444] : memref<12800000xf32, #tpu.memory_space<hbm>> -> memref<20000xf32, #tpu.memory_space<hbm>>
    tpu.wait_dma2 semaphore(%arg15 : memref<!tpu.dma_semaphore, #tpu.memory_space<semaphore_mem>>) src(%dma_wait3A_520 : memref<20000xf32, #tpu.memory_space<hbm>>) dst(%dma_wait3A_519 : memref<20000xf32, #tpu.memory_space<vmem>>)
    %scan3A_521 = arith.constant 0 : i32
    %scan3A_522 = arith.constant 1250 : i32
    %scan3A_523 = arith.addi %scan3A_521, %scan3A_522 : i32
    %scan3A_524 = arith.constant 1 : i32
    %scan3A_525 = scf.for %scan3A_1620 = %scan3A_521 to %scan3A_523 step %scan3A_524 iter_args(%scan3A_1621 = %scan3A_513) -> (vector<16xf32>)  : i32 {
      %mul3A_1622 = arith.constant 16 : i32
      %mul3A_1623 = arith.muli %scan3A_1620, %mul3A_1622 : i32
      %add3A_1624 = arith.constant 80000 : i32
      %add3A_1625 = arith.addi %add3A_1624, %mul3A_1623 : i32
      %get3A_1626 = arith.index_cast %add3A_1625 : i32 to index
      %get3A_1627 = tpu.vector_load %arg6[%get3A_1626] {strides = array<i32>} : memref<100000xf32, #tpu.memory_space<vmem>>, vector<16xf32>,
      %get3A_1628 = vector.shape_cast %get3A_1627 : vector<16xf32> to vector<16xf32>
      %max3A_1629 = arith.maximumf %scan3A_1621, %get3A_1628 : vector<16xf32>
      scf.yield %max3A_1629 : vector<16xf32>
    }
    %scan3A_526 = arith.constant 1250 : i32
    %add3A_527 = arith.constant 8 : i32
    %add3A_528 = vector.broadcast %add3A_527 : i32 to vector<16xi32>
    %add3A_529 = arith.addi %iota3A, %add3A_528 : vector<16xi32>
    %and3A_530 = arith.constant 15 : i32
    %and3A_531 = vector.broadcast %and3A_530 : i32 to vector<16xi32>
    %and3A_532 = arith.andi %add3A_529, %and3A_531 : vector<16xi32>
    %broadcast_in_dim3A_533 = vector.shape_cast %and3A_532 : vector<16xi32> to vector<16x1xi32>
    %gather3A_534 = vector.shape_cast %broadcast_in_dim3A_533 : vector<16x1xi32> to vector<16xi32>
    %gather3A_535 = tpu.dynamic_gather %scan3A_525[%gather3A_534] in [0] : vector<16xf32>, vector<16xi32> -> vector<16xf32>
    %max3A_536 = arith.maximumf %scan3A_525, %gather3A_535 : vector<16xf32>
    %add3A_537 = arith.constant 4 : i32
    %add3A_538 = vector.broadcast %add3A_537 : i32 to vector<16xi32>
    %add3A_539 = arith.addi %iota3A, %add3A_538 : vector<16xi32>
    %and3A_540 = arith.constant 15 : i32
    %and3A_541 = vector.broadcast %and3A_540 : i32 to vector<16xi32>
    %and3A_542 = arith.andi %add3A_539, %and3A_541 : vector<16xi32>
    %broadcast_in_dim3A_543 = vector.shape_cast %and3A_542 : vector<16xi32> to vector<16x1xi32>
    %gather3A_544 = vector.shape_cast %broadcast_in_dim3A_543 : vector<16x1xi32> to vector<16xi32>
    %gather3A_545 = tpu.dynamic_gather %max3A_536[%gather3A_544] in [0] : vector<16xf32>, vector<16xi32> -> vector<16xf32>
    %max3A_546 = arith.maximumf %max3A_536, %gather3A_545 : vector<16xf32>
    %add3A_547 = arith.constant 2 : i32
    %add3A_548 = vector.broadcast %add3A_547 : i32 to vector<16xi32>
    %add3A_549 = arith.addi %iota3A, %add3A_548 : vector<16xi32>
    %and3A_550 = arith.constant 15 : i32
    %and3A_551 = vector.broadcast %and3A_550 : i32 to vector<16xi32>
    %and3A_552 = arith.andi %add3A_549, %and3A_551 : vector<16xi32>
    %broadcast_in_dim3A_553 = vector.shape_cast %and3A_552 : vector<16xi32> to vector<16x1xi32>
    %gather3A_554 = vector.shape_cast %broadcast_in_dim3A_553 : vector<16x1xi32> to vector<16xi32>
    %gather3A_555 = tpu.dynamic_gather %max3A_546[%gather3A_554] in [0] : vector<16xf32>, vector<16xi32> -> vector<16xf32>
    %max3A_556 = arith.maximumf %max3A_546, %gather3A_555 : vector<16xf32>
    %add3A_557 = arith.constant 1 : i32
    %add3A_558 = vector.broadcast %add3A_557 : i32 to vector<16xi32>
    %add3A_559 = arith.addi %iota3A, %add3A_558 : vector<16xi32>
    %and3A_560 = arith.constant 15 : i32
    %and3A_561 = vector.broadcast %and3A_560 : i32 to vector<16xi32>
    %and3A_562 = arith.andi %add3A_559, %and3A_561 : vector<16xi32>
    %broadcast_in_dim3A_563 = vector.shape_cast %and3A_562 : vector<16xi32> to vector<16x1xi32>
    %gather3A_564 = vector.shape_cast %broadcast_in_dim3A_563 : vector<16x1xi32> to vector<16xi32>
    %gather3A_565 = tpu.dynamic_gather %max3A_556[%gather3A_564] in [0] : vector<16xf32>, vector<16xi32> -> vector<16xf32>
    %max3A_566 = arith.maximumf %max3A_556, %gather3A_565 : vector<16xf32>
    %get3A_567 = arith.constant 0 : index
    %get3A_568 = tpu.vector_load %arg9[%get3A_567] {strides = array<i32>} : memref<16xf32, #tpu.memory_space<vmem>>, vector<16xf32>,
    %get3A_569 = vector.shape_cast %get3A_568 : vector<16xf32> to vector<16xf32>
    %eq3A_570 = arith.constant 0.000000e+00 : f32
    %eq3A_571 = vector.broadcast %eq3A_570 : f32 to vector<16xf32>
    %eq3A_572 = arith.cmpf oeq, %get3A_569, %eq3A_571 : vector<16xf32>
    %broadcast_in_dim3A_573 = arith.constant 1.000000e+00 : f32
    %broadcast_in_dim3A_574 = vector.broadcast %broadcast_in_dim3A_573 : f32 to vector<16xf32>
    %select_n3A_575 = arith.select %eq3A_572, %broadcast_in_dim3A_574, %get3A_569 : vector<16xi1>, vector<16xf32>
    %div3A_576 = arith.divf %max3A_566, %select_n3A_575 : vector<16xf32>
    %broadcast_in_dim3A_577 = arith.constant -1.000000e+00 : f32
    %broadcast_in_dim3A_578 = vector.broadcast %broadcast_in_dim3A_577 : f32 to vector<16xf32>
    %broadcast_in_dim3A_579 = arith.constant 0 : i32
    %broadcast_in_dim3A_580 = vector.broadcast %broadcast_in_dim3A_579 : i32 to vector<16xi32>
    %dma_wait3A_581 = tpu.memref_slice %arg4[%add3A_454] : memref<12800000xf32, #tpu.memory_space<hbm>> -> memref<10000xf32, #tpu.memory_space<hbm>>
    %dma_wait3A_582 = tpu.memref_slice %arg4[%add3A_454] : memref<12800000xf32, #tpu.memory_space<hbm>> -> memref<10000xf32, #tpu.memory_space<hbm>>
    tpu.wait_dma2 semaphore(%arg16 : memref<!tpu.dma_semaphore, #tpu.memory_space<semaphore_mem>>) src(%dma_wait3A_582 : memref<10000xf32, #tpu.memory_space<hbm>>) dst(%arg7 : memref<10000xf32, #tpu.memory_space<vmem>>)
    %scan3A_583 = arith.constant 0 : i32
    %scan3A_584 = arith.constant 625 : i32
    %scan3A_585 = arith.addi %scan3A_583, %scan3A_584 : i32
    %scan3A_586 = arith.constant 1 : i32
    %scan3A_587:2 = scf.for %scan3A_1620 = %scan3A_583 to %scan3A_585 step %scan3A_586 iter_args(%scan3A_1621 = %broadcast_in_dim3A_578, %scan3A_1622 = %broadcast_in_dim3A_580) -> (vector<16xf32>, vector<16xi32>)  : i32 {
      %mul3A_1623 = arith.constant 16 : i32
      %mul3A_1624 = arith.muli %scan3A_1620, %mul3A_1623 : i32
      %add3A_1625 = arith.constant 0 : i32
      %add3A_1626 = arith.addi %add3A_1625, %mul3A_1624 : i32
      %get3A_1627 = arith.index_cast %add3A_1626 : i32 to index
      %get3A_1628 = tpu.vector_load %arg6[%get3A_1627] {strides = array<i32>} : memref<100000xf32, #tpu.memory_space<vmem>>, vector<16xf32>,
      %get3A_1629 = vector.shape_cast %get3A_1628 : vector<16xf32> to vector<16xf32>
      %mul3A_1630 = arith.constant 16 : i32
      %mul3A_1631 = arith.muli %scan3A_1620, %mul3A_1630 : i32
      %get3A_1632 = arith.index_cast %mul3A_1631 : i32 to index
      %get3A_1633 = tpu.vector_load %arg7[%get3A_1632] {strides = array<i32>} : memref<10000xf32, #tpu.memory_space<vmem>>, vector<16xf32>,
      %get3A_1634 = vector.shape_cast %get3A_1633 : vector<16xf32> to vector<16xf32>
      %div3A_1635 = arith.divf %get3A_1629, %select_n3A_575 : vector<16xf32>
      %sub3A = arith.subf %div3A_1635, %div3A_576 : vector<16xf32>
      %exp3A = math.exp %sub3A : vector<16xf32>
      %max3A_1636 = arith.constant 1.000000e-10 : f32
      %max3A_1637 = vector.broadcast %max3A_1636 : f32 to vector<16xf32>
      %max3A_1638 = arith.maximumf %get3A_1634, %max3A_1637 : vector<16xf32>
      %div3A_1639 = arith.divf %exp3A, %max3A_1638 : vector<16xf32>
      %select_n3A_1640 = arith.select %eq3A_572, %exp3A, %div3A_1639 : vector<16xi1>, vector<16xf32>
      %broadcast_in_dim3A_1641 = vector.broadcast %add3A_1626 : i32 to vector<16xi32>
      %add3A_1642 = arith.addi %iota3A, %broadcast_in_dim3A_1641 : vector<16xi32>
      %gt3A = arith.cmpf ogt, %select_n3A_1640, %scan3A_1621 : vector<16xf32>
      %select_n3A_1643 = arith.select %gt3A, %select_n3A_1640, %scan3A_1621 : vector<16xi1>, vector<16xf32>
      %select_n3A_1644 = arith.select %gt3A, %add3A_1642, %scan3A_1622 : vector<16xi1>, vector<16xi32>
      scf.yield %select_n3A_1643, %select_n3A_1644 : vector<16xf32>, vector<16xi32>
    }
    %scan3A_588 = arith.constant 625 : i32
    %mul3A_589 = arith.constant 100000 : i32
    %mul3A_590 = arith.muli %add3A_400, %mul3A_589 : i32
    %add3A_591 = arith.constant 20000 : i32
    %add3A_592 = arith.addi %mul3A_590, %add3A_591 : i32
    %dma_start3A_593 = tpu.memref_slice %arg4[%add3A_592] : memref<12800000xf32, #tpu.memory_space<hbm>> -> memref<10000xf32, #tpu.memory_space<hbm>>
    %dma_start3A_594 = tpu.memref_slice %arg4[%add3A_592] : memref<12800000xf32, #tpu.memory_space<hbm>> -> memref<10000xf32, #tpu.memory_space<hbm>>
    tpu.enqueue_dma source(%dma_start3A_594 : memref<10000xf32, #tpu.memory_space<hbm>>) target(%arg7 : memref<10000xf32, #tpu.memory_space<vmem>>) target_semaphore(%arg16 : memref<!tpu.dma_semaphore, #tpu.memory_space<semaphore_mem>>)
    %dma_wait3A_595 = tpu.memref_slice %arg4[%add3A_460] : memref<12800000xf32, #tpu.memory_space<hbm>> -> memref<10000xf32, #tpu.memory_space<hbm>>
    %dma_wait3A_596 = tpu.memref_slice %arg4[%add3A_460] : memref<12800000xf32, #tpu.memory_space<hbm>> -> memref<10000xf32, #tpu.memory_space<hbm>>
    tpu.wait_dma2 semaphore(%arg17 : memref<!tpu.dma_semaphore, #tpu.memory_space<semaphore_mem>>) src(%dma_wait3A_596 : memref<10000xf32, #tpu.memory_space<hbm>>) dst(%arg8 : memref<10000xf32, #tpu.memory_space<vmem>>)
    %scan3A_597 = arith.constant 0 : i32
    %scan3A_598 = arith.constant 625 : i32
    %scan3A_599 = arith.addi %scan3A_597, %scan3A_598 : i32
    %scan3A_600 = arith.constant 1 : i32
    %scan3A_601:2 = scf.for %scan3A_1620 = %scan3A_597 to %scan3A_599 step %scan3A_600 iter_args(%scan3A_1621 = %scan3A_587#0, %scan3A_1622 = %scan3A_587#1) -> (vector<16xf32>, vector<16xi32>)  : i32 {
      %mul3A_1623 = arith.constant 16 : i32
      %mul3A_1624 = arith.muli %scan3A_1620, %mul3A_1623 : i32
      %add3A_1625 = arith.constant 10000 : i32
      %add3A_1626 = arith.addi %add3A_1625, %mul3A_1624 : i32
      %get3A_1627 = arith.index_cast %add3A_1626 : i32 to index
      %get3A_1628 = tpu.vector_load %arg6[%get3A_1627] {strides = array<i32>} : memref<100000xf32, #tpu.memory_space<vmem>>, vector<16xf32>,
      %get3A_1629 = vector.shape_cast %get3A_1628 : vector<16xf32> to vector<16xf32>
      %mul3A_1630 = arith.constant 16 : i32
      %mul3A_1631 = arith.muli %scan3A_1620, %mul3A_1630 : i32
      %get3A_1632 = arith.index_cast %mul3A_1631 : i32 to index
      %get3A_1633 = tpu.vector_load %arg8[%get3A_1632] {strides = array<i32>} : memref<10000xf32, #tpu.memory_space<vmem>>, vector<16xf32>,
      %get3A_1634 = vector.shape_cast %get3A_1633 : vector<16xf32> to vector<16xf32>
      %div3A_1635 = arith.divf %get3A_1629, %select_n3A_575 : vector<16xf32>
      %sub3A = arith.subf %div3A_1635, %div3A_576 : vector<16xf32>
      %exp3A = math.exp %sub3A : vector<16xf32>
      %max3A_1636 = arith.constant 1.000000e-10 : f32
      %max3A_1637 = vector.broadcast %max3A_1636 : f32 to vector<16xf32>
      %max3A_1638 = arith.maximumf %get3A_1634, %max3A_1637 : vector<16xf32>
      %div3A_1639 = arith.divf %exp3A, %max3A_1638 : vector<16xf32>
      %select_n3A_1640 = arith.select %eq3A_572, %exp3A, %div3A_1639 : vector<16xi1>, vector<16xf32>
      %broadcast_in_dim3A_1641 = vector.broadcast %add3A_1626 : i32 to vector<16xi32>
      %add3A_1642 = arith.addi %iota3A, %broadcast_in_dim3A_1641 : vector<16xi32>
      %gt3A = arith.cmpf ogt, %select_n3A_1640, %scan3A_1621 : vector<16xf32>
      %select_n3A_1643 = arith.select %gt3A, %select_n3A_1640, %scan3A_1621 : vector<16xi1>, vector<16xf32>
      %select_n3A_1644 = arith.select %gt3A, %add3A_1642, %scan3A_1622 : vector<16xi1>, vector<16xi32>
      scf.yield %select_n3A_1643, %select_n3A_1644 : vector<16xf32>, vector<16xi32>
    }
    %scan3A_602 = arith.constant 625 : i32
    %mul3A_603 = arith.constant 100000 : i32
    %mul3A_604 = arith.muli %add3A_400, %mul3A_603 : i32
    %add3A_605 = arith.constant 30000 : i32
    %add3A_606 = arith.addi %mul3A_604, %add3A_605 : i32
    %dma_start3A_607 = tpu.memref_slice %arg4[%add3A_606] : memref<12800000xf32, #tpu.memory_space<hbm>> -> memref<10000xf32, #tpu.memory_space<hbm>>
    %dma_start3A_608 = tpu.memref_slice %arg4[%add3A_606] : memref<12800000xf32, #tpu.memory_space<hbm>> -> memref<10000xf32, #tpu.memory_space<hbm>>
    tpu.enqueue_dma source(%dma_start3A_608 : memref<10000xf32, #tpu.memory_space<hbm>>) target(%arg8 : memref<10000xf32, #tpu.memory_space<vmem>>) target_semaphore(%arg17 : memref<!tpu.dma_semaphore, #tpu.memory_space<semaphore_mem>>)
    %dma_wait3A_609 = tpu.memref_slice %arg4[%add3A_592] : memref<12800000xf32, #tpu.memory_space<hbm>> -> memref<10000xf32, #tpu.memory_space<hbm>>
    %dma_wait3A_610 = tpu.memref_slice %arg4[%add3A_592] : memref<12800000xf32, #tpu.memory_space<hbm>> -> memref<10000xf32, #tpu.memory_space<hbm>>
    tpu.wait_dma2 semaphore(%arg16 : memref<!tpu.dma_semaphore, #tpu.memory_space<semaphore_mem>>) src(%dma_wait3A_610 : memref<10000xf32, #tpu.memory_space<hbm>>) dst(%arg7 : memref<10000xf32, #tpu.memory_space<vmem>>)
    %scan3A_611 = arith.constant 0 : i32
    %scan3A_612 = arith.constant 625 : i32
    %scan3A_613 = arith.addi %scan3A_611, %scan3A_612 : i32
    %scan3A_614 = arith.constant 1 : i32
    %scan3A_615:2 = scf.for %scan3A_1620 = %scan3A_611 to %scan3A_613 step %scan3A_614 iter_args(%scan3A_1621 = %scan3A_601#0, %scan3A_1622 = %scan3A_601#1) -> (vector<16xf32>, vector<16xi32>)  : i32 {
      %mul3A_1623 = arith.constant 16 : i32
      %mul3A_1624 = arith.muli %scan3A_1620, %mul3A_1623 : i32
      %add3A_1625 = arith.constant 20000 : i32
      %add3A_1626 = arith.addi %add3A_1625, %mul3A_1624 : i32
      %get3A_1627 = arith.index_cast %add3A_1626 : i32 to index
      %get3A_1628 = tpu.vector_load %arg6[%get3A_1627] {strides = array<i32>} : memref<100000xf32, #tpu.memory_space<vmem>>, vector<16xf32>,
      %get3A_1629 = vector.shape_cast %get3A_1628 : vector<16xf32> to vector<16xf32>
      %mul3A_1630 = arith.constant 16 : i32
      %mul3A_1631 = arith.muli %scan3A_1620, %mul3A_1630 : i32
      %get3A_1632 = arith.index_cast %mul3A_1631 : i32 to index
      %get3A_1633 = tpu.vector_load %arg7[%get3A_1632] {strides = array<i32>} : memref<10000xf32, #tpu.memory_space<vmem>>, vector<16xf32>,
      %get3A_1634 = vector.shape_cast %get3A_1633 : vector<16xf32> to vector<16xf32>
      %div3A_1635 = arith.divf %get3A_1629, %select_n3A_575 : vector<16xf32>
      %sub3A = arith.subf %div3A_1635, %div3A_576 : vector<16xf32>
      %exp3A = math.exp %sub3A : vector<16xf32>
      %max3A_1636 = arith.constant 1.000000e-10 : f32
      %max3A_1637 = vector.broadcast %max3A_1636 : f32 to vector<16xf32>
      %max3A_1638 = arith.maximumf %get3A_1634, %max3A_1637 : vector<16xf32>
      %div3A_1639 = arith.divf %exp3A, %max3A_1638 : vector<16xf32>
      %select_n3A_1640 = arith.select %eq3A_572, %exp3A, %div3A_1639 : vector<16xi1>, vector<16xf32>
      %broadcast_in_dim3A_1641 = vector.broadcast %add3A_1626 : i32 to vector<16xi32>
      %add3A_1642 = arith.addi %iota3A, %broadcast_in_dim3A_1641 : vector<16xi32>
      %gt3A = arith.cmpf ogt, %select_n3A_1640, %scan3A_1621 : vector<16xf32>
      %select_n3A_1643 = arith.select %gt3A, %select_n3A_1640, %scan3A_1621 : vector<16xi1>, vector<16xf32>
      %select_n3A_1644 = arith.select %gt3A, %add3A_1642, %scan3A_1622 : vector<16xi1>, vector<16xi32>
      scf.yield %select_n3A_1643, %select_n3A_1644 : vector<16xf32>, vector<16xi32>
    }
    %scan3A_616 = arith.constant 625 : i32
    %mul3A_617 = arith.constant 100000 : i32
    %mul3A_618 = arith.muli %add3A_400, %mul3A_617 : i32
    %add3A_619 = arith.constant 40000 : i32
    %add3A_620 = arith.addi %mul3A_618, %add3A_619 : i32
    %dma_start3A_621 = tpu.memref_slice %arg4[%add3A_620] : memref<12800000xf32, #tpu.memory_space<hbm>> -> memref<10000xf32, #tpu.memory_space<hbm>>
    %dma_start3A_622 = tpu.memref_slice %arg4[%add3A_620] : memref<12800000xf32, #tpu.memory_space<hbm>> -> memref<10000xf32, #tpu.memory_space<hbm>>
    tpu.enqueue_dma source(%dma_start3A_622 : memref<10000xf32, #tpu.memory_space<hbm>>) target(%arg7 : memref<10000xf32, #tpu.memory_space<vmem>>) target_semaphore(%arg16 : memref<!tpu.dma_semaphore, #tpu.memory_space<semaphore_mem>>)
    %dma_wait3A_623 = tpu.memref_slice %arg4[%add3A_606] : memref<12800000xf32, #tpu.memory_space<hbm>> -> memref<10000xf32, #tpu.memory_space<hbm>>
    %dma_wait3A_624 = tpu.memref_slice %arg4[%add3A_606] : memref<12800000xf32, #tpu.memory_space<hbm>> -> memref<10000xf32, #tpu.memory_space<hbm>>
    tpu.wait_dma2 semaphore(%arg17 : memref<!tpu.dma_semaphore, #tpu.memory_space<semaphore_mem>>) src(%dma_wait3A_624 : memref<10000xf32, #tpu.memory_space<hbm>>) dst(%arg8 : memref<10000xf32, #tpu.memory_space<vmem>>)
    %scan3A_625 = arith.constant 0 : i32
    %scan3A_626 = arith.constant 625 : i32
    %scan3A_627 = arith.addi %scan3A_625, %scan3A_626 : i32
    %scan3A_628 = arith.constant 1 : i32
    %scan3A_629:2 = scf.for %scan3A_1620 = %scan3A_625 to %scan3A_627 step %scan3A_628 iter_args(%scan3A_1621 = %scan3A_615#0, %scan3A_1622 = %scan3A_615#1) -> (vector<16xf32>, vector<16xi32>)  : i32 {
      %mul3A_1623 = arith.constant 16 : i32
      %mul3A_1624 = arith.muli %scan3A_1620, %mul3A_1623 : i32
      %add3A_1625 = arith.constant 30000 : i32
      %add3A_1626 = arith.addi %add3A_1625, %mul3A_1624 : i32
      %get3A_1627 = arith.index_cast %add3A_1626 : i32 to index
      %get3A_1628 = tpu.vector_load %arg6[%get3A_1627] {strides = array<i32>} : memref<100000xf32, #tpu.memory_space<vmem>>, vector<16xf32>,
      %get3A_1629 = vector.shape_cast %get3A_1628 : vector<16xf32> to vector<16xf32>
      %mul3A_1630 = arith.constant 16 : i32
      %mul3A_1631 = arith.muli %scan3A_1620, %mul3A_1630 : i32
      %get3A_1632 = arith.index_cast %mul3A_1631 : i32 to index
      %get3A_1633 = tpu.vector_load %arg8[%get3A_1632] {strides = array<i32>} : memref<10000xf32, #tpu.memory_space<vmem>>, vector<16xf32>,
      %get3A_1634 = vector.shape_cast %get3A_1633 : vector<16xf32> to vector<16xf32>
      %div3A_1635 = arith.divf %get3A_1629, %select_n3A_575 : vector<16xf32>
      %sub3A = arith.subf %div3A_1635, %div3A_576 : vector<16xf32>
      %exp3A = math.exp %sub3A : vector<16xf32>
      %max3A_1636 = arith.constant 1.000000e-10 : f32
      %max3A_1637 = vector.broadcast %max3A_1636 : f32 to vector<16xf32>
      %max3A_1638 = arith.maximumf %get3A_1634, %max3A_1637 : vector<16xf32>
      %div3A_1639 = arith.divf %exp3A, %max3A_1638 : vector<16xf32>
      %select_n3A_1640 = arith.select %eq3A_572, %exp3A, %div3A_1639 : vector<16xi1>, vector<16xf32>
      %broadcast_in_dim3A_1641 = vector.broadcast %add3A_1626 : i32 to vector<16xi32>
      %add3A_1642 = arith.addi %iota3A, %broadcast_in_dim3A_1641 : vector<16xi32>
      %gt3A = arith.cmpf ogt, %select_n3A_1640, %scan3A_1621 : vector<16xf32>
      %select_n3A_1643 = arith.select %gt3A, %select_n3A_1640, %scan3A_1621 : vector<16xi1>, vector<16xf32>
      %select_n3A_1644 = arith.select %gt3A, %add3A_1642, %scan3A_1622 : vector<16xi1>, vector<16xi32>
      scf.yield %select_n3A_1643, %select_n3A_1644 : vector<16xf32>, vector<16xi32>
    }
    %scan3A_630 = arith.constant 625 : i32
    %mul3A_631 = arith.constant 100000 : i32
    %mul3A_632 = arith.muli %add3A_400, %mul3A_631 : i32
    %add3A_633 = arith.constant 50000 : i32
    %add3A_634 = arith.addi %mul3A_632, %add3A_633 : i32
    %dma_start3A_635 = tpu.memref_slice %arg4[%add3A_634] : memref<12800000xf32, #tpu.memory_space<hbm>> -> memref<10000xf32, #tpu.memory_space<hbm>>
    %dma_start3A_636 = tpu.memref_slice %arg4[%add3A_634] : memref<12800000xf32, #tpu.memory_space<hbm>> -> memref<10000xf32, #tpu.memory_space<hbm>>
    tpu.enqueue_dma source(%dma_start3A_636 : memref<10000xf32, #tpu.memory_space<hbm>>) target(%arg8 : memref<10000xf32, #tpu.memory_space<vmem>>) target_semaphore(%arg17 : memref<!tpu.dma_semaphore, #tpu.memory_space<semaphore_mem>>)
    %dma_wait3A_637 = tpu.memref_slice %arg4[%add3A_620] : memref<12800000xf32, #tpu.memory_space<hbm>> -> memref<10000xf32, #tpu.memory_space<hbm>>
    %dma_wait3A_638 = tpu.memref_slice %arg4[%add3A_620] : memref<12800000xf32, #tpu.memory_space<hbm>> -> memref<10000xf32, #tpu.memory_space<hbm>>
    tpu.wait_dma2 semaphore(%arg16 : memref<!tpu.dma_semaphore, #tpu.memory_space<semaphore_mem>>) src(%dma_wait3A_638 : memref<10000xf32, #tpu.memory_space<hbm>>) dst(%arg7 : memref<10000xf32, #tpu.memory_space<vmem>>)
    %scan3A_639 = arith.constant 0 : i32
    %scan3A_640 = arith.constant 625 : i32
    %scan3A_641 = arith.addi %scan3A_639, %scan3A_640 : i32
    %scan3A_642 = arith.constant 1 : i32
    %scan3A_643:2 = scf.for %scan3A_1620 = %scan3A_639 to %scan3A_641 step %scan3A_642 iter_args(%scan3A_1621 = %scan3A_629#0, %scan3A_1622 = %scan3A_629#1) -> (vector<16xf32>, vector<16xi32>)  : i32 {
      %mul3A_1623 = arith.constant 16 : i32
      %mul3A_1624 = arith.muli %scan3A_1620, %mul3A_1623 : i32
      %add3A_1625 = arith.constant 40000 : i32
      %add3A_1626 = arith.addi %add3A_1625, %mul3A_1624 : i32
      %get3A_1627 = arith.index_cast %add3A_1626 : i32 to index
      %get3A_1628 = tpu.vector_load %arg6[%get3A_1627] {strides = array<i32>} : memref<100000xf32, #tpu.memory_space<vmem>>, vector<16xf32>,
      %get3A_1629 = vector.shape_cast %get3A_1628 : vector<16xf32> to vector<16xf32>
      %mul3A_1630 = arith.constant 16 : i32
      %mul3A_1631 = arith.muli %scan3A_1620, %mul3A_1630 : i32
      %get3A_1632 = arith.index_cast %mul3A_1631 : i32 to index
      %get3A_1633 = tpu.vector_load %arg7[%get3A_1632] {strides = array<i32>} : memref<10000xf32, #tpu.memory_space<vmem>>, vector<16xf32>,
      %get3A_1634 = vector.shape_cast %get3A_1633 : vector<16xf32> to vector<16xf32>
      %div3A_1635 = arith.divf %get3A_1629, %select_n3A_575 : vector<16xf32>
      %sub3A = arith.subf %div3A_1635, %div3A_576 : vector<16xf32>
      %exp3A = math.exp %sub3A : vector<16xf32>
      %max3A_1636 = arith.constant 1.000000e-10 : f32
      %max3A_1637 = vector.broadcast %max3A_1636 : f32 to vector<16xf32>
      %max3A_1638 = arith.maximumf %get3A_1634, %max3A_1637 : vector<16xf32>
      %div3A_1639 = arith.divf %exp3A, %max3A_1638 : vector<16xf32>
      %select_n3A_1640 = arith.select %eq3A_572, %exp3A, %div3A_1639 : vector<16xi1>, vector<16xf32>
      %broadcast_in_dim3A_1641 = vector.broadcast %add3A_1626 : i32 to vector<16xi32>
      %add3A_1642 = arith.addi %iota3A, %broadcast_in_dim3A_1641 : vector<16xi32>
      %gt3A = arith.cmpf ogt, %select_n3A_1640, %scan3A_1621 : vector<16xf32>
      %select_n3A_1643 = arith.select %gt3A, %select_n3A_1640, %scan3A_1621 : vector<16xi1>, vector<16xf32>
      %select_n3A_1644 = arith.select %gt3A, %add3A_1642, %scan3A_1622 : vector<16xi1>, vector<16xi32>
      scf.yield %select_n3A_1643, %select_n3A_1644 : vector<16xf32>, vector<16xi32>
    }
    %scan3A_644 = arith.constant 625 : i32
    %mul3A_645 = arith.constant 100000 : i32
    %mul3A_646 = arith.muli %add3A_400, %mul3A_645 : i32
    %add3A_647 = arith.constant 60000 : i32
    %add3A_648 = arith.addi %mul3A_646, %add3A_647 : i32
    %dma_start3A_649 = tpu.memref_slice %arg4[%add3A_648] : memref<12800000xf32, #tpu.memory_space<hbm>> -> memref<10000xf32, #tpu.memory_space<hbm>>
    %dma_start3A_650 = tpu.memref_slice %arg4[%add3A_648] : memref<12800000xf32, #tpu.memory_space<hbm>> -> memref<10000xf32, #tpu.memory_space<hbm>>
    tpu.enqueue_dma source(%dma_start3A_650 : memref<10000xf32, #tpu.memory_space<hbm>>) target(%arg7 : memref<10000xf32, #tpu.memory_space<vmem>>) target_semaphore(%arg16 : memref<!tpu.dma_semaphore, #tpu.memory_space<semaphore_mem>>)
    %dma_wait3A_651 = tpu.memref_slice %arg4[%add3A_634] : memref<12800000xf32, #tpu.memory_space<hbm>> -> memref<10000xf32, #tpu.memory_space<hbm>>
    %dma_wait3A_652 = tpu.memref_slice %arg4[%add3A_634] : memref<12800000xf32, #tpu.memory_space<hbm>> -> memref<10000xf32, #tpu.memory_space<hbm>>
    tpu.wait_dma2 semaphore(%arg17 : memref<!tpu.dma_semaphore, #tpu.memory_space<semaphore_mem>>) src(%dma_wait3A_652 : memref<10000xf32, #tpu.memory_space<hbm>>) dst(%arg8 : memref<10000xf32, #tpu.memory_space<vmem>>)
    %scan3A_653 = arith.constant 0 : i32
    %scan3A_654 = arith.constant 625 : i32
    %scan3A_655 = arith.addi %scan3A_653, %scan3A_654 : i32
    %scan3A_656 = arith.constant 1 : i32
    %scan3A_657:2 = scf.for %scan3A_1620 = %scan3A_653 to %scan3A_655 step %scan3A_656 iter_args(%scan3A_1621 = %scan3A_643#0, %scan3A_1622 = %scan3A_643#1) -> (vector<16xf32>, vector<16xi32>)  : i32 {
      %mul3A_1623 = arith.constant 16 : i32
      %mul3A_1624 = arith.muli %scan3A_1620, %mul3A_1623 : i32
      %add3A_1625 = arith.constant 50000 : i32
      %add3A_1626 = arith.addi %add3A_1625, %mul3A_1624 : i32
      %get3A_1627 = arith.index_cast %add3A_1626 : i32 to index
      %get3A_1628 = tpu.vector_load %arg6[%get3A_1627] {strides = array<i32>} : memref<100000xf32, #tpu.memory_space<vmem>>, vector<16xf32>,
      %get3A_1629 = vector.shape_cast %get3A_1628 : vector<16xf32> to vector<16xf32>
      %mul3A_1630 = arith.constant 16 : i32
      %mul3A_1631 = arith.muli %scan3A_1620, %mul3A_1630 : i32
      %get3A_1632 = arith.index_cast %mul3A_1631 : i32 to index
      %get3A_1633 = tpu.vector_load %arg8[%get3A_1632] {strides = array<i32>} : memref<10000xf32, #tpu.memory_space<vmem>>, vector<16xf32>,
      %get3A_1634 = vector.shape_cast %get3A_1633 : vector<16xf32> to vector<16xf32>
      %div3A_1635 = arith.divf %get3A_1629, %select_n3A_575 : vector<16xf32>
      %sub3A = arith.subf %div3A_1635, %div3A_576 : vector<16xf32>
      %exp3A = math.exp %sub3A : vector<16xf32>
      %max3A_1636 = arith.constant 1.000000e-10 : f32
      %max3A_1637 = vector.broadcast %max3A_1636 : f32 to vector<16xf32>
      %max3A_1638 = arith.maximumf %get3A_1634, %max3A_1637 : vector<16xf32>
      %div3A_1639 = arith.divf %exp3A, %max3A_1638 : vector<16xf32>
      %select_n3A_1640 = arith.select %eq3A_572, %exp3A, %div3A_1639 : vector<16xi1>, vector<16xf32>
      %broadcast_in_dim3A_1641 = vector.broadcast %add3A_1626 : i32 to vector<16xi32>
      %add3A_1642 = arith.addi %iota3A, %broadcast_in_dim3A_1641 : vector<16xi32>
      %gt3A = arith.cmpf ogt, %select_n3A_1640, %scan3A_1621 : vector<16xf32>
      %select_n3A_1643 = arith.select %gt3A, %select_n3A_1640, %scan3A_1621 : vector<16xi1>, vector<16xf32>
      %select_n3A_1644 = arith.select %gt3A, %add3A_1642, %scan3A_1622 : vector<16xi1>, vector<16xi32>
      scf.yield %select_n3A_1643, %select_n3A_1644 : vector<16xf32>, vector<16xi32>
    }
    %scan3A_658 = arith.constant 625 : i32
    %mul3A_659 = arith.constant 100000 : i32
    %mul3A_660 = arith.muli %add3A_400, %mul3A_659 : i32
    %add3A_661 = arith.constant 70000 : i32
    %add3A_662 = arith.addi %mul3A_660, %add3A_661 : i32
    %dma_start3A_663 = tpu.memref_slice %arg4[%add3A_662] : memref<12800000xf32, #tpu.memory_space<hbm>> -> memref<10000xf32, #tpu.memory_space<hbm>>
    %dma_start3A_664 = tpu.memref_slice %arg4[%add3A_662] : memref<12800000xf32, #tpu.memory_space<hbm>> -> memref<10000xf32, #tpu.memory_space<hbm>>
    tpu.enqueue_dma source(%dma_start3A_664 : memref<10000xf32, #tpu.memory_space<hbm>>) target(%arg8 : memref<10000xf32, #tpu.memory_space<vmem>>) target_semaphore(%arg17 : memref<!tpu.dma_semaphore, #tpu.memory_space<semaphore_mem>>)
    %dma_wait3A_665 = tpu.memref_slice %arg4[%add3A_648] : memref<12800000xf32, #tpu.memory_space<hbm>> -> memref<10000xf32, #tpu.memory_space<hbm>>
    %dma_wait3A_666 = tpu.memref_slice %arg4[%add3A_648] : memref<12800000xf32, #tpu.memory_space<hbm>> -> memref<10000xf32, #tpu.memory_space<hbm>>
    tpu.wait_dma2 semaphore(%arg16 : memref<!tpu.dma_semaphore, #tpu.memory_space<semaphore_mem>>) src(%dma_wait3A_666 : memref<10000xf32, #tpu.memory_space<hbm>>) dst(%arg7 : memref<10000xf32, #tpu.memory_space<vmem>>)
    %scan3A_667 = arith.constant 0 : i32
    %scan3A_668 = arith.constant 625 : i32
    %scan3A_669 = arith.addi %scan3A_667, %scan3A_668 : i32
    %scan3A_670 = arith.constant 1 : i32
    %scan3A_671:2 = scf.for %scan3A_1620 = %scan3A_667 to %scan3A_669 step %scan3A_670 iter_args(%scan3A_1621 = %scan3A_657#0, %scan3A_1622 = %scan3A_657#1) -> (vector<16xf32>, vector<16xi32>)  : i32 {
      %mul3A_1623 = arith.constant 16 : i32
      %mul3A_1624 = arith.muli %scan3A_1620, %mul3A_1623 : i32
      %add3A_1625 = arith.constant 60000 : i32
      %add3A_1626 = arith.addi %add3A_1625, %mul3A_1624 : i32
      %get3A_1627 = arith.index_cast %add3A_1626 : i32 to index
      %get3A_1628 = tpu.vector_load %arg6[%get3A_1627] {strides = array<i32>} : memref<100000xf32, #tpu.memory_space<vmem>>, vector<16xf32>,
      %get3A_1629 = vector.shape_cast %get3A_1628 : vector<16xf32> to vector<16xf32>
      %mul3A_1630 = arith.constant 16 : i32
      %mul3A_1631 = arith.muli %scan3A_1620, %mul3A_1630 : i32
      %get3A_1632 = arith.index_cast %mul3A_1631 : i32 to index
      %get3A_1633 = tpu.vector_load %arg7[%get3A_1632] {strides = array<i32>} : memref<10000xf32, #tpu.memory_space<vmem>>, vector<16xf32>,
      %get3A_1634 = vector.shape_cast %get3A_1633 : vector<16xf32> to vector<16xf32>
      %div3A_1635 = arith.divf %get3A_1629, %select_n3A_575 : vector<16xf32>
      %sub3A = arith.subf %div3A_1635, %div3A_576 : vector<16xf32>
      %exp3A = math.exp %sub3A : vector<16xf32>
      %max3A_1636 = arith.constant 1.000000e-10 : f32
      %max3A_1637 = vector.broadcast %max3A_1636 : f32 to vector<16xf32>
      %max3A_1638 = arith.maximumf %get3A_1634, %max3A_1637 : vector<16xf32>
      %div3A_1639 = arith.divf %exp3A, %max3A_1638 : vector<16xf32>
      %select_n3A_1640 = arith.select %eq3A_572, %exp3A, %div3A_1639 : vector<16xi1>, vector<16xf32>
      %broadcast_in_dim3A_1641 = vector.broadcast %add3A_1626 : i32 to vector<16xi32>
      %add3A_1642 = arith.addi %iota3A, %broadcast_in_dim3A_1641 : vector<16xi32>
      %gt3A = arith.cmpf ogt, %select_n3A_1640, %scan3A_1621 : vector<16xf32>
      %select_n3A_1643 = arith.select %gt3A, %select_n3A_1640, %scan3A_1621 : vector<16xi1>, vector<16xf32>
      %select_n3A_1644 = arith.select %gt3A, %add3A_1642, %scan3A_1622 : vector<16xi1>, vector<16xi32>
      scf.yield %select_n3A_1643, %select_n3A_1644 : vector<16xf32>, vector<16xi32>
    }
    %scan3A_672 = arith.constant 625 : i32
    %mul3A_673 = arith.constant 100000 : i32
    %mul3A_674 = arith.muli %add3A_400, %mul3A_673 : i32
    %add3A_675 = arith.constant 80000 : i32
    %add3A_676 = arith.addi %mul3A_674, %add3A_675 : i32
    %dma_start3A_677 = tpu.memref_slice %arg4[%add3A_676] : memref<12800000xf32, #tpu.memory_space<hbm>> -> memref<10000xf32, #tpu.memory_space<hbm>>
    %dma_start3A_678 = tpu.memref_slice %arg4[%add3A_676] : memref<12800000xf32, #tpu.memory_space<hbm>> -> memref<10000xf32, #tpu.memory_space<hbm>>
    tpu.enqueue_dma source(%dma_start3A_678 : memref<10000xf32, #tpu.memory_space<hbm>>) target(%arg7 : memref<10000xf32, #tpu.memory_space<vmem>>) target_semaphore(%arg16 : memref<!tpu.dma_semaphore, #tpu.memory_space<semaphore_mem>>)
    %dma_wait3A_679 = tpu.memref_slice %arg4[%add3A_662] : memref<12800000xf32, #tpu.memory_space<hbm>> -> memref<10000xf32, #tpu.memory_space<hbm>>
    %dma_wait3A_680 = tpu.memref_slice %arg4[%add3A_662] : memref<12800000xf32, #tpu.memory_space<hbm>> -> memref<10000xf32, #tpu.memory_space<hbm>>
    tpu.wait_dma2 semaphore(%arg17 : memref<!tpu.dma_semaphore, #tpu.memory_space<semaphore_mem>>) src(%dma_wait3A_680 : memref<10000xf32, #tpu.memory_space<hbm>>) dst(%arg8 : memref<10000xf32, #tpu.memory_space<vmem>>)
    %scan3A_681 = arith.constant 0 : i32
    %scan3A_682 = arith.constant 625 : i32
    %scan3A_683 = arith.addi %scan3A_681, %scan3A_682 : i32
    %scan3A_684 = arith.constant 1 : i32
    %scan3A_685:2 = scf.for %scan3A_1620 = %scan3A_681 to %scan3A_683 step %scan3A_684 iter_args(%scan3A_1621 = %scan3A_671#0, %scan3A_1622 = %scan3A_671#1) -> (vector<16xf32>, vector<16xi32>)  : i32 {
      %mul3A_1623 = arith.constant 16 : i32
      %mul3A_1624 = arith.muli %scan3A_1620, %mul3A_1623 : i32
      %add3A_1625 = arith.constant 70000 : i32
      %add3A_1626 = arith.addi %add3A_1625, %mul3A_1624 : i32
      %get3A_1627 = arith.index_cast %add3A_1626 : i32 to index
      %get3A_1628 = tpu.vector_load %arg6[%get3A_1627] {strides = array<i32>} : memref<100000xf32, #tpu.memory_space<vmem>>, vector<16xf32>,
      %get3A_1629 = vector.shape_cast %get3A_1628 : vector<16xf32> to vector<16xf32>
      %mul3A_1630 = arith.constant 16 : i32
      %mul3A_1631 = arith.muli %scan3A_1620, %mul3A_1630 : i32
      %get3A_1632 = arith.index_cast %mul3A_1631 : i32 to index
      %get3A_1633 = tpu.vector_load %arg8[%get3A_1632] {strides = array<i32>} : memref<10000xf32, #tpu.memory_space<vmem>>, vector<16xf32>,
      %get3A_1634 = vector.shape_cast %get3A_1633 : vector<16xf32> to vector<16xf32>
      %div3A_1635 = arith.divf %get3A_1629, %select_n3A_575 : vector<16xf32>
      %sub3A = arith.subf %div3A_1635, %div3A_576 : vector<16xf32>
      %exp3A = math.exp %sub3A : vector<16xf32>
      %max3A_1636 = arith.constant 1.000000e-10 : f32
      %max3A_1637 = vector.broadcast %max3A_1636 : f32 to vector<16xf32>
      %max3A_1638 = arith.maximumf %get3A_1634, %max3A_1637 : vector<16xf32>
      %div3A_1639 = arith.divf %exp3A, %max3A_1638 : vector<16xf32>
      %select_n3A_1640 = arith.select %eq3A_572, %exp3A, %div3A_1639 : vector<16xi1>, vector<16xf32>
      %broadcast_in_dim3A_1641 = vector.broadcast %add3A_1626 : i32 to vector<16xi32>
      %add3A_1642 = arith.addi %iota3A, %broadcast_in_dim3A_1641 : vector<16xi32>
      %gt3A = arith.cmpf ogt, %select_n3A_1640, %scan3A_1621 : vector<16xf32>
      %select_n3A_1643 = arith.select %gt3A, %select_n3A_1640, %scan3A_1621 : vector<16xi1>, vector<16xf32>
      %select_n3A_1644 = arith.select %gt3A, %add3A_1642, %scan3A_1622 : vector<16xi1>, vector<16xi32>
      scf.yield %select_n3A_1643, %select_n3A_1644 : vector<16xf32>, vector<16xi32>
    }
    %scan3A_686 = arith.constant 625 : i32
    %mul3A_687 = arith.constant 100000 : i32
    %mul3A_688 = arith.muli %add3A_400, %mul3A_687 : i32
    %add3A_689 = arith.constant 90000 : i32
    %add3A_690 = arith.addi %mul3A_688, %add3A_689 : i32
    %dma_start3A_691 = tpu.memref_slice %arg4[%add3A_690] : memref<12800000xf32, #tpu.memory_space<hbm>> -> memref<10000xf32, #tpu.memory_space<hbm>>
    %dma_start3A_692 = tpu.memref_slice %arg4[%add3A_690] : memref<12800000xf32, #tpu.memory_space<hbm>> -> memref<10000xf32, #tpu.memory_space<hbm>>
    tpu.enqueue_dma source(%dma_start3A_692 : memref<10000xf32, #tpu.memory_space<hbm>>) target(%arg8 : memref<10000xf32, #tpu.memory_space<vmem>>) target_semaphore(%arg17 : memref<!tpu.dma_semaphore, #tpu.memory_space<semaphore_mem>>)
    %dma_wait3A_693 = tpu.memref_slice %arg4[%add3A_676] : memref<12800000xf32, #tpu.memory_space<hbm>> -> memref<10000xf32, #tpu.memory_space<hbm>>
    %dma_wait3A_694 = tpu.memref_slice %arg4[%add3A_676] : memref<12800000xf32, #tpu.memory_space<hbm>> -> memref<10000xf32, #tpu.memory_space<hbm>>
    tpu.wait_dma2 semaphore(%arg16 : memref<!tpu.dma_semaphore, #tpu.memory_space<semaphore_mem>>) src(%dma_wait3A_694 : memref<10000xf32, #tpu.memory_space<hbm>>) dst(%arg7 : memref<10000xf32, #tpu.memory_space<vmem>>)
    %scan3A_695 = arith.constant 0 : i32
    %scan3A_696 = arith.constant 625 : i32
    %scan3A_697 = arith.addi %scan3A_695, %scan3A_696 : i32
    %scan3A_698 = arith.constant 1 : i32
    %scan3A_699:2 = scf.for %scan3A_1620 = %scan3A_695 to %scan3A_697 step %scan3A_698 iter_args(%scan3A_1621 = %scan3A_685#0, %scan3A_1622 = %scan3A_685#1) -> (vector<16xf32>, vector<16xi32>)  : i32 {
      %mul3A_1623 = arith.constant 16 : i32
      %mul3A_1624 = arith.muli %scan3A_1620, %mul3A_1623 : i32
      %add3A_1625 = arith.constant 80000 : i32
      %add3A_1626 = arith.addi %add3A_1625, %mul3A_1624 : i32
      %get3A_1627 = arith.index_cast %add3A_1626 : i32 to index
      %get3A_1628 = tpu.vector_load %arg6[%get3A_1627] {strides = array<i32>} : memref<100000xf32, #tpu.memory_space<vmem>>, vector<16xf32>,
      %get3A_1629 = vector.shape_cast %get3A_1628 : vector<16xf32> to vector<16xf32>
      %mul3A_1630 = arith.constant 16 : i32
      %mul3A_1631 = arith.muli %scan3A_1620, %mul3A_1630 : i32
      %get3A_1632 = arith.index_cast %mul3A_1631 : i32 to index
      %get3A_1633 = tpu.vector_load %arg7[%get3A_1632] {strides = array<i32>} : memref<10000xf32, #tpu.memory_space<vmem>>, vector<16xf32>,
      %get3A_1634 = vector.shape_cast %get3A_1633 : vector<16xf32> to vector<16xf32>
      %div3A_1635 = arith.divf %get3A_1629, %select_n3A_575 : vector<16xf32>
      %sub3A = arith.subf %div3A_1635, %div3A_576 : vector<16xf32>
      %exp3A = math.exp %sub3A : vector<16xf32>
      %max3A_1636 = arith.constant 1.000000e-10 : f32
      %max3A_1637 = vector.broadcast %max3A_1636 : f32 to vector<16xf32>
      %max3A_1638 = arith.maximumf %get3A_1634, %max3A_1637 : vector<16xf32>
      %div3A_1639 = arith.divf %exp3A, %max3A_1638 : vector<16xf32>
      %select_n3A_1640 = arith.select %eq3A_572, %exp3A, %div3A_1639 : vector<16xi1>, vector<16xf32>
      %broadcast_in_dim3A_1641 = vector.broadcast %add3A_1626 : i32 to vector<16xi32>
      %add3A_1642 = arith.addi %iota3A, %broadcast_in_dim3A_1641 : vector<16xi32>
      %gt3A = arith.cmpf ogt, %select_n3A_1640, %scan3A_1621 : vector<16xf32>
      %select_n3A_1643 = arith.select %gt3A, %select_n3A_1640, %scan3A_1621 : vector<16xi1>, vector<16xf32>
      %select_n3A_1644 = arith.select %gt3A, %add3A_1642, %scan3A_1622 : vector<16xi1>, vector<16xi32>
      scf.yield %select_n3A_1643, %select_n3A_1644 : vector<16xf32>, vector<16xi32>
    }
    %scan3A_700 = arith.constant 625 : i32
    %dma_wait3A_701 = tpu.memref_slice %arg4[%add3A_690] : memref<12800000xf32, #tpu.memory_space<hbm>> -> memref<10000xf32, #tpu.memory_space<hbm>>
    %dma_wait3A_702 = tpu.memref_slice %arg4[%add3A_690] : memref<12800000xf32, #tpu.memory_space<hbm>> -> memref<10000xf32, #tpu.memory_space<hbm>>
    tpu.wait_dma2 semaphore(%arg17 : memref<!tpu.dma_semaphore, #tpu.memory_space<semaphore_mem>>) src(%dma_wait3A_702 : memref<10000xf32, #tpu.memory_space<hbm>>) dst(%arg8 : memref<10000xf32, #tpu.memory_space<vmem>>)
    %scan3A_703 = arith.constant 0 : i32
    %scan3A_704 = arith.constant 625 : i32
    %scan3A_705 = arith.addi %scan3A_703, %scan3A_704 : i32
    %scan3A_706 = arith.constant 1 : i32
    %scan3A_707:2 = scf.for %scan3A_1620 = %scan3A_703 to %scan3A_705 step %scan3A_706 iter_args(%scan3A_1621 = %scan3A_699#0, %scan3A_1622 = %scan3A_699#1) -> (vector<16xf32>, vector<16xi32>)  : i32 {
      %mul3A_1623 = arith.constant 16 : i32
      %mul3A_1624 = arith.muli %scan3A_1620, %mul3A_1623 : i32
      %add3A_1625 = arith.constant 90000 : i32
      %add3A_1626 = arith.addi %add3A_1625, %mul3A_1624 : i32
      %get3A_1627 = arith.index_cast %add3A_1626 : i32 to index
      %get3A_1628 = tpu.vector_load %arg6[%get3A_1627] {strides = array<i32>} : memref<100000xf32, #tpu.memory_space<vmem>>, vector<16xf32>,
      %get3A_1629 = vector.shape_cast %get3A_1628 : vector<16xf32> to vector<16xf32>
      %mul3A_1630 = arith.constant 16 : i32
      %mul3A_1631 = arith.muli %scan3A_1620, %mul3A_1630 : i32
      %get3A_1632 = arith.index_cast %mul3A_1631 : i32 to index
      %get3A_1633 = tpu.vector_load %arg8[%get3A_1632] {strides = array<i32>} : memref<10000xf32, #tpu.memory_space<vmem>>, vector<16xf32>,
      %get3A_1634 = vector.shape_cast %get3A_1633 : vector<16xf32> to vector<16xf32>
      %div3A_1635 = arith.divf %get3A_1629, %select_n3A_575 : vector<16xf32>
      %sub3A = arith.subf %div3A_1635, %div3A_576 : vector<16xf32>
      %exp3A = math.exp %sub3A : vector<16xf32>
      %max3A_1636 = arith.constant 1.000000e-10 : f32
      %max3A_1637 = vector.broadcast %max3A_1636 : f32 to vector<16xf32>
      %max3A_1638 = arith.maximumf %get3A_1634, %max3A_1637 : vector<16xf32>
      %div3A_1639 = arith.divf %exp3A, %max3A_1638 : vector<16xf32>
      %select_n3A_1640 = arith.select %eq3A_572, %exp3A, %div3A_1639 : vector<16xi1>, vector<16xf32>
      %broadcast_in_dim3A_1641 = vector.broadcast %add3A_1626 : i32 to vector<16xi32>
      %add3A_1642 = arith.addi %iota3A, %broadcast_in_dim3A_1641 : vector<16xi32>
      %gt3A = arith.cmpf ogt, %select_n3A_1640, %scan3A_1621 : vector<16xf32>
      %select_n3A_1643 = arith.select %gt3A, %select_n3A_1640, %scan3A_1621 : vector<16xi1>, vector<16xf32>
      %select_n3A_1644 = arith.select %gt3A, %add3A_1642, %scan3A_1622 : vector<16xi1>, vector<16xi32>
      scf.yield %select_n3A_1643, %select_n3A_1644 : vector<16xf32>, vector<16xi32>
    }
    %scan3A_708 = arith.constant 625 : i32
    %add3A_709 = arith.constant 8 : i32
    %add3A_710 = vector.broadcast %add3A_709 : i32 to vector<16xi32>
    %add3A_711 = arith.addi %iota3A, %add3A_710 : vector<16xi32>
    %and3A_712 = arith.constant 15 : i32
    %and3A_713 = vector.broadcast %and3A_712 : i32 to vector<16xi32>
    %and3A_714 = arith.andi %add3A_711, %and3A_713 : vector<16xi32>
    %broadcast_in_dim3A_715 = vector.shape_cast %and3A_714 : vector<16xi32> to vector<16x1xi32>
    %gather3A_716 = vector.shape_cast %broadcast_in_dim3A_715 : vector<16x1xi32> to vector<16xi32>
    %gather3A_717 = tpu.dynamic_gather %scan3A_707#0[%gather3A_716] in [0] : vector<16xf32>, vector<16xi32> -> vector<16xf32>
    %max3A_718 = arith.maximumf %scan3A_707#0, %gather3A_717 : vector<16xf32>
    %add3A_719 = arith.constant 4 : i32
    %add3A_720 = vector.broadcast %add3A_719 : i32 to vector<16xi32>
    %add3A_721 = arith.addi %iota3A, %add3A_720 : vector<16xi32>
    %and3A_722 = arith.constant 15 : i32
    %and3A_723 = vector.broadcast %and3A_722 : i32 to vector<16xi32>
    %and3A_724 = arith.andi %add3A_721, %and3A_723 : vector<16xi32>
    %broadcast_in_dim3A_725 = vector.shape_cast %and3A_724 : vector<16xi32> to vector<16x1xi32>
    %gather3A_726 = vector.shape_cast %broadcast_in_dim3A_725 : vector<16x1xi32> to vector<16xi32>
    %gather3A_727 = tpu.dynamic_gather %max3A_718[%gather3A_726] in [0] : vector<16xf32>, vector<16xi32> -> vector<16xf32>
    %max3A_728 = arith.maximumf %max3A_718, %gather3A_727 : vector<16xf32>
    %add3A_729 = arith.constant 2 : i32
    %add3A_730 = vector.broadcast %add3A_729 : i32 to vector<16xi32>
    %add3A_731 = arith.addi %iota3A, %add3A_730 : vector<16xi32>
    %and3A_732 = arith.constant 15 : i32
    %and3A_733 = vector.broadcast %and3A_732 : i32 to vector<16xi32>
    %and3A_734 = arith.andi %add3A_731, %and3A_733 : vector<16xi32>
    %broadcast_in_dim3A_735 = vector.shape_cast %and3A_734 : vector<16xi32> to vector<16x1xi32>
    %gather3A_736 = vector.shape_cast %broadcast_in_dim3A_735 : vector<16x1xi32> to vector<16xi32>
    %gather3A_737 = tpu.dynamic_gather %max3A_728[%gather3A_736] in [0] : vector<16xf32>, vector<16xi32> -> vector<16xf32>
    %max3A_738 = arith.maximumf %max3A_728, %gather3A_737 : vector<16xf32>
    %add3A_739 = arith.constant 1 : i32
    %add3A_740 = vector.broadcast %add3A_739 : i32 to vector<16xi32>
    %add3A_741 = arith.addi %iota3A, %add3A_740 : vector<16xi32>
    %and3A_742 = arith.constant 15 : i32
    %and3A_743 = vector.broadcast %and3A_742 : i32 to vector<16xi32>
    %and3A_744 = arith.andi %add3A_741, %and3A_743 : vector<16xi32>
    %broadcast_in_dim3A_745 = vector.shape_cast %and3A_744 : vector<16xi32> to vector<16x1xi32>
    %gather3A_746 = vector.shape_cast %broadcast_in_dim3A_745 : vector<16x1xi32> to vector<16xi32>
    %gather3A_747 = tpu.dynamic_gather %max3A_738[%gather3A_746] in [0] : vector<16xf32>, vector<16xi32> -> vector<16xf32>
    %max3A_748 = arith.maximumf %max3A_738, %gather3A_747 : vector<16xf32>
    %eq3A_749 = arith.cmpf oeq, %scan3A_707#0, %max3A_748 : vector<16xf32>
    %broadcast_in_dim3A_750 = arith.constant 2147483647 : i32
    %broadcast_in_dim3A_751 = vector.broadcast %broadcast_in_dim3A_750 : i32 to vector<16xi32>
    %select_n3A_752 = arith.select %eq3A_749, %scan3A_707#1, %broadcast_in_dim3A_751 : vector<16xi1>, vector<16xi32>
    %neg3A_753 = arith.constant 0 : i32
    %neg3A_754 = vector.broadcast %neg3A_753 : i32 to vector<16xi32>
    %neg3A_755 = arith.subi %neg3A_754, %select_n3A_752 : vector<16xi32>
    %add3A_756 = arith.constant 8 : i32
    %add3A_757 = vector.broadcast %add3A_756 : i32 to vector<16xi32>
    %add3A_758 = arith.addi %iota3A, %add3A_757 : vector<16xi32>
    %and3A_759 = arith.constant 15 : i32
    %and3A_760 = vector.broadcast %and3A_759 : i32 to vector<16xi32>
    %and3A_761 = arith.andi %add3A_758, %and3A_760 : vector<16xi32>
    %broadcast_in_dim3A_762 = vector.shape_cast %and3A_761 : vector<16xi32> to vector<16x1xi32>
    %gather3A_763 = vector.shape_cast %broadcast_in_dim3A_762 : vector<16x1xi32> to vector<16xi32>
    %gather3A_764 = tpu.dynamic_gather %neg3A_755[%gather3A_763] in [0] : vector<16xi32>, vector<16xi32> -> vector<16xi32>
    %max3A_765 = arith.maxsi %neg3A_755, %gather3A_764 : vector<16xi32>
    %add3A_766 = arith.constant 4 : i32
    %add3A_767 = vector.broadcast %add3A_766 : i32 to vector<16xi32>
    %add3A_768 = arith.addi %iota3A, %add3A_767 : vector<16xi32>
    %and3A_769 = arith.constant 15 : i32
    %and3A_770 = vector.broadcast %and3A_769 : i32 to vector<16xi32>
    %and3A_771 = arith.andi %add3A_768, %and3A_770 : vector<16xi32>
    %broadcast_in_dim3A_772 = vector.shape_cast %and3A_771 : vector<16xi32> to vector<16x1xi32>
    %gather3A_773 = vector.shape_cast %broadcast_in_dim3A_772 : vector<16x1xi32> to vector<16xi32>
    %gather3A_774 = tpu.dynamic_gather %max3A_765[%gather3A_773] in [0] : vector<16xi32>, vector<16xi32> -> vector<16xi32>
    %max3A_775 = arith.maxsi %max3A_765, %gather3A_774 : vector<16xi32>
    %add3A_776 = arith.constant 2 : i32
    %add3A_777 = vector.broadcast %add3A_776 : i32 to vector<16xi32>
    %add3A_778 = arith.addi %iota3A, %add3A_777 : vector<16xi32>
    %and3A_779 = arith.constant 15 : i32
    %and3A_780 = vector.broadcast %and3A_779 : i32 to vector<16xi32>
    %and3A_781 = arith.andi %add3A_778, %and3A_780 : vector<16xi32>
    %broadcast_in_dim3A_782 = vector.shape_cast %and3A_781 : vector<16xi32> to vector<16x1xi32>
    %gather3A_783 = vector.shape_cast %broadcast_in_dim3A_782 : vector<16x1xi32> to vector<16xi32>
    %gather3A_784 = tpu.dynamic_gather %max3A_775[%gather3A_783] in [0] : vector<16xi32>, vector<16xi32> -> vector<16xi32>
    %max3A_785 = arith.maxsi %max3A_775, %gather3A_784 : vector<16xi32>
    %add3A_786 = arith.constant 1 : i32
    %add3A_787 = vector.broadcast %add3A_786 : i32 to vector<16xi32>
    %add3A_788 = arith.addi %iota3A, %add3A_787 : vector<16xi32>
    %and3A_789 = arith.constant 15 : i32
    %and3A_790 = vector.broadcast %and3A_789 : i32 to vector<16xi32>
    %and3A_791 = arith.andi %add3A_788, %and3A_790 : vector<16xi32>
    %broadcast_in_dim3A_792 = vector.shape_cast %and3A_791 : vector<16xi32> to vector<16x1xi32>
    %gather3A_793 = vector.shape_cast %broadcast_in_dim3A_792 : vector<16x1xi32> to vector<16xi32>
    %gather3A_794 = tpu.dynamic_gather %max3A_785[%gather3A_793] in [0] : vector<16xi32>, vector<16xi32> -> vector<16xi32>
    %max3A_795 = arith.maxsi %max3A_785, %gather3A_794 : vector<16xi32>
    %neg3A_796 = arith.constant 0 : i32
    %neg3A_797 = vector.broadcast %neg3A_796 : i32 to vector<16xi32>
    %neg3A_798 = arith.subi %neg3A_797, %max3A_795 : vector<16xi32>
    %eq3A_799 = arith.constant 1 : i32
    %eq3A_800 = vector.broadcast %eq3A_799 : i32 to vector<16xi32>
    %eq3A_801 = arith.cmpi eq, %iota3A, %eq3A_800 : vector<16xi32>
    %select_n3A_802 = arith.select %eq3A_801, %neg3A_798, %select_n3A_396 : vector<16xi1>, vector<16xi32>
    %mul3A_803 = arith.constant 4 : i32
    %mul3A_804 = arith.muli %add3A, %mul3A_803 : i32
    %add3A_805 = arith.constant 2 : i32
    %add3A_806 = arith.addi %mul3A_804, %add3A_805 : i32
    %mul3A_807 = arith.constant 100000 : i32
    %mul3A_808 = arith.muli %add3A_806, %mul3A_807 : i32
    %add3A_809 = arith.constant 0 : i32
    %add3A_810 = arith.addi %mul3A_808, %add3A_809 : i32
    %dma_start3A_811 = arith.constant 0 : i32
    %dma_start3A_812 = tpu.memref_slice %arg6[%dma_start3A_811] : memref<100000xf32, #tpu.memory_space<vmem>> -> memref<20000xf32, #tpu.memory_space<vmem>>
    %dma_start3A_813 = tpu.memref_slice %arg2[%add3A_810] : memref<12800000xf32, #tpu.memory_space<hbm>> -> memref<20000xf32, #tpu.memory_space<hbm>>
    %dma_start3A_814 = arith.constant 0 : i32
    %dma_start3A_815 = tpu.memref_slice %arg6[%dma_start3A_814] : memref<100000xf32, #tpu.memory_space<vmem>> -> memref<20000xf32, #tpu.memory_space<vmem>>
    %dma_start3A_816 = tpu.memref_slice %arg2[%add3A_810] : memref<12800000xf32, #tpu.memory_space<hbm>> -> memref<20000xf32, #tpu.memory_space<hbm>>
    tpu.enqueue_dma source(%dma_start3A_816 : memref<20000xf32, #tpu.memory_space<hbm>>) target(%dma_start3A_815 : memref<20000xf32, #tpu.memory_space<vmem>>) target_semaphore(%arg11 : memref<!tpu.dma_semaphore, #tpu.memory_space<semaphore_mem>>)
    %mul3A_817 = arith.constant 100000 : i32
    %mul3A_818 = arith.muli %add3A_806, %mul3A_817 : i32
    %add3A_819 = arith.constant 20000 : i32
    %add3A_820 = arith.addi %mul3A_818, %add3A_819 : i32
    %dma_start3A_821 = arith.constant 20000 : i32
    %dma_start3A_822 = tpu.memref_slice %arg6[%dma_start3A_821] : memref<100000xf32, #tpu.memory_space<vmem>> -> memref<20000xf32, #tpu.memory_space<vmem>>
    %dma_start3A_823 = tpu.memref_slice %arg2[%add3A_820] : memref<12800000xf32, #tpu.memory_space<hbm>> -> memref<20000xf32, #tpu.memory_space<hbm>>
    %dma_start3A_824 = arith.constant 20000 : i32
    %dma_start3A_825 = tpu.memref_slice %arg6[%dma_start3A_824] : memref<100000xf32, #tpu.memory_space<vmem>> -> memref<20000xf32, #tpu.memory_space<vmem>>
    %dma_start3A_826 = tpu.memref_slice %arg2[%add3A_820] : memref<12800000xf32, #tpu.memory_space<hbm>> -> memref<20000xf32, #tpu.memory_space<hbm>>
    tpu.enqueue_dma source(%dma_start3A_826 : memref<20000xf32, #tpu.memory_space<hbm>>) target(%dma_start3A_825 : memref<20000xf32, #tpu.memory_space<vmem>>) target_semaphore(%arg12 : memref<!tpu.dma_semaphore, #tpu.memory_space<semaphore_mem>>)
    %mul3A_827 = arith.constant 100000 : i32
    %mul3A_828 = arith.muli %add3A_806, %mul3A_827 : i32
    %add3A_829 = arith.constant 40000 : i32
    %add3A_830 = arith.addi %mul3A_828, %add3A_829 : i32
    %dma_start3A_831 = arith.constant 40000 : i32
    %dma_start3A_832 = tpu.memref_slice %arg6[%dma_start3A_831] : memref<100000xf32, #tpu.memory_space<vmem>> -> memref<20000xf32, #tpu.memory_space<vmem>>
    %dma_start3A_833 = tpu.memref_slice %arg2[%add3A_830] : memref<12800000xf32, #tpu.memory_space<hbm>> -> memref<20000xf32, #tpu.memory_space<hbm>>
    %dma_start3A_834 = arith.constant 40000 : i32
    %dma_start3A_835 = tpu.memref_slice %arg6[%dma_start3A_834] : memref<100000xf32, #tpu.memory_space<vmem>> -> memref<20000xf32, #tpu.memory_space<vmem>>
    %dma_start3A_836 = tpu.memref_slice %arg2[%add3A_830] : memref<12800000xf32, #tpu.memory_space<hbm>> -> memref<20000xf32, #tpu.memory_space<hbm>>
    tpu.enqueue_dma source(%dma_start3A_836 : memref<20000xf32, #tpu.memory_space<hbm>>) target(%dma_start3A_835 : memref<20000xf32, #tpu.memory_space<vmem>>) target_semaphore(%arg13 : memref<!tpu.dma_semaphore, #tpu.memory_space<semaphore_mem>>)
    %mul3A_837 = arith.constant 100000 : i32
    %mul3A_838 = arith.muli %add3A_806, %mul3A_837 : i32
    %add3A_839 = arith.constant 60000 : i32
    %add3A_840 = arith.addi %mul3A_838, %add3A_839 : i32
    %dma_start3A_841 = arith.constant 60000 : i32
    %dma_start3A_842 = tpu.memref_slice %arg6[%dma_start3A_841] : memref<100000xf32, #tpu.memory_space<vmem>> -> memref<20000xf32, #tpu.memory_space<vmem>>
    %dma_start3A_843 = tpu.memref_slice %arg2[%add3A_840] : memref<12800000xf32, #tpu.memory_space<hbm>> -> memref<20000xf32, #tpu.memory_space<hbm>>
    %dma_start3A_844 = arith.constant 60000 : i32
    %dma_start3A_845 = tpu.memref_slice %arg6[%dma_start3A_844] : memref<100000xf32, #tpu.memory_space<vmem>> -> memref<20000xf32, #tpu.memory_space<vmem>>
    %dma_start3A_846 = tpu.memref_slice %arg2[%add3A_840] : memref<12800000xf32, #tpu.memory_space<hbm>> -> memref<20000xf32, #tpu.memory_space<hbm>>
    tpu.enqueue_dma source(%dma_start3A_846 : memref<20000xf32, #tpu.memory_space<hbm>>) target(%dma_start3A_845 : memref<20000xf32, #tpu.memory_space<vmem>>) target_semaphore(%arg14 : memref<!tpu.dma_semaphore, #tpu.memory_space<semaphore_mem>>)
    %mul3A_847 = arith.constant 100000 : i32
    %mul3A_848 = arith.muli %add3A_806, %mul3A_847 : i32
    %add3A_849 = arith.constant 80000 : i32
    %add3A_850 = arith.addi %mul3A_848, %add3A_849 : i32
    %dma_start3A_851 = arith.constant 80000 : i32
    %dma_start3A_852 = tpu.memref_slice %arg6[%dma_start3A_851] : memref<100000xf32, #tpu.memory_space<vmem>> -> memref<20000xf32, #tpu.memory_space<vmem>>
    %dma_start3A_853 = tpu.memref_slice %arg2[%add3A_850] : memref<12800000xf32, #tpu.memory_space<hbm>> -> memref<20000xf32, #tpu.memory_space<hbm>>
    %dma_start3A_854 = arith.constant 80000 : i32
    %dma_start3A_855 = tpu.memref_slice %arg6[%dma_start3A_854] : memref<100000xf32, #tpu.memory_space<vmem>> -> memref<20000xf32, #tpu.memory_space<vmem>>
    %dma_start3A_856 = tpu.memref_slice %arg2[%add3A_850] : memref<12800000xf32, #tpu.memory_space<hbm>> -> memref<20000xf32, #tpu.memory_space<hbm>>
    tpu.enqueue_dma source(%dma_start3A_856 : memref<20000xf32, #tpu.memory_space<hbm>>) target(%dma_start3A_855 : memref<20000xf32, #tpu.memory_space<vmem>>) target_semaphore(%arg15 : memref<!tpu.dma_semaphore, #tpu.memory_space<semaphore_mem>>)
    %mul3A_857 = arith.constant 100000 : i32
    %mul3A_858 = arith.muli %add3A_806, %mul3A_857 : i32
    %add3A_859 = arith.constant 0 : i32
    %add3A_860 = arith.addi %mul3A_858, %add3A_859 : i32
    %dma_start3A_861 = tpu.memref_slice %arg4[%add3A_860] : memref<12800000xf32, #tpu.memory_space<hbm>> -> memref<10000xf32, #tpu.memory_space<hbm>>
    %dma_start3A_862 = tpu.memref_slice %arg4[%add3A_860] : memref<12800000xf32, #tpu.memory_space<hbm>> -> memref<10000xf32, #tpu.memory_space<hbm>>
    tpu.enqueue_dma source(%dma_start3A_862 : memref<10000xf32, #tpu.memory_space<hbm>>) target(%arg7 : memref<10000xf32, #tpu.memory_space<vmem>>) target_semaphore(%arg16 : memref<!tpu.dma_semaphore, #tpu.memory_space<semaphore_mem>>)
    %mul3A_863 = arith.constant 100000 : i32
    %mul3A_864 = arith.muli %add3A_806, %mul3A_863 : i32
    %add3A_865 = arith.constant 10000 : i32
    %add3A_866 = arith.addi %mul3A_864, %add3A_865 : i32
    %dma_start3A_867 = tpu.memref_slice %arg4[%add3A_866] : memref<12800000xf32, #tpu.memory_space<hbm>> -> memref<10000xf32, #tpu.memory_space<hbm>>
    %dma_start3A_868 = tpu.memref_slice %arg4[%add3A_866] : memref<12800000xf32, #tpu.memory_space<hbm>> -> memref<10000xf32, #tpu.memory_space<hbm>>
    tpu.enqueue_dma source(%dma_start3A_868 : memref<10000xf32, #tpu.memory_space<hbm>>) target(%arg8 : memref<10000xf32, #tpu.memory_space<vmem>>) target_semaphore(%arg17 : memref<!tpu.dma_semaphore, #tpu.memory_space<semaphore_mem>>)
    %mul3A_869 = arith.constant 16 : i32
    %mul3A_870 = arith.muli %add3A_806, %mul3A_869 : i32
    "tpu.region"() ({
      %run_scoped3A = tpu.sem_alloc : memref<!tpu.dma_semaphore, #tpu.memory_space<semaphore_mem>>
      %dma_start3A_1620 = tpu.memref_slice %arg3[%mul3A_870] : memref<2048xf32, #tpu.memory_space<hbm>> -> memref<16xf32, #tpu.memory_space<hbm>>
      %dma_start3A_1621 = tpu.memref_slice %arg3[%mul3A_870] : memref<2048xf32, #tpu.memory_space<hbm>> -> memref<16xf32, #tpu.memory_space<hbm>>
      tpu.enqueue_dma source(%dma_start3A_1621 : memref<16xf32, #tpu.memory_space<hbm>>) target(%arg9 : memref<16xf32, #tpu.memory_space<vmem>>) target_semaphore(%run_scoped3A : memref<!tpu.dma_semaphore, #tpu.memory_space<semaphore_mem>>)
      %dma_wait3A_1622 = tpu.memref_slice %arg3[%mul3A_870] : memref<2048xf32, #tpu.memory_space<hbm>> -> memref<16xf32, #tpu.memory_space<hbm>>
      %dma_wait3A_1623 = tpu.memref_slice %arg3[%mul3A_870] : memref<2048xf32, #tpu.memory_space<hbm>> -> memref<16xf32, #tpu.memory_space<hbm>>
      tpu.wait_dma2 semaphore(%run_scoped3A : memref<!tpu.dma_semaphore, #tpu.memory_space<semaphore_mem>>) src(%dma_wait3A_1623 : memref<16xf32, #tpu.memory_space<hbm>>) dst(%arg9 : memref<16xf32, #tpu.memory_space<vmem>>)
      tpu.yield
    }) : () -> ()
    %broadcast_in_dim3A_871 = arith.constant 0xFF800000 : f32
    %broadcast_in_dim3A_872 = vector.broadcast %broadcast_in_dim3A_871 : f32 to vector<16xf32>
    %dma_wait3A_873 = arith.constant 0 : i32
    %dma_wait3A_874 = tpu.memref_slice %arg6[%dma_wait3A_873] : memref<100000xf32, #tpu.memory_space<vmem>> -> memref<20000xf32, #tpu.memory_space<vmem>>
    %dma_wait3A_875 = tpu.memref_slice %arg2[%add3A_810] : memref<12800000xf32, #tpu.memory_space<hbm>> -> memref<20000xf32, #tpu.memory_space<hbm>>
    %dma_wait3A_876 = arith.constant 0 : i32
    %dma_wait3A_877 = tpu.memref_slice %arg6[%dma_wait3A_876] : memref<100000xf32, #tpu.memory_space<vmem>> -> memref<20000xf32, #tpu.memory_space<vmem>>
    %dma_wait3A_878 = tpu.memref_slice %arg2[%add3A_810] : memref<12800000xf32, #tpu.memory_space<hbm>> -> memref<20000xf32, #tpu.memory_space<hbm>>
    tpu.wait_dma2 semaphore(%arg11 : memref<!tpu.dma_semaphore, #tpu.memory_space<semaphore_mem>>) src(%dma_wait3A_878 : memref<20000xf32, #tpu.memory_space<hbm>>) dst(%dma_wait3A_877 : memref<20000xf32, #tpu.memory_space<vmem>>)
    %scan3A_879 = arith.constant 0 : i32
    %scan3A_880 = arith.constant 1250 : i32
    %scan3A_881 = arith.addi %scan3A_879, %scan3A_880 : i32
    %scan3A_882 = arith.constant 1 : i32
    %scan3A_883 = scf.for %scan3A_1620 = %scan3A_879 to %scan3A_881 step %scan3A_882 iter_args(%scan3A_1621 = %broadcast_in_dim3A_872) -> (vector<16xf32>)  : i32 {
      %mul3A_1622 = arith.constant 16 : i32
      %mul3A_1623 = arith.muli %scan3A_1620, %mul3A_1622 : i32
      %add3A_1624 = arith.constant 0 : i32
      %add3A_1625 = arith.addi %add3A_1624, %mul3A_1623 : i32
      %get3A_1626 = arith.index_cast %add3A_1625 : i32 to index
      %get3A_1627 = tpu.vector_load %arg6[%get3A_1626] {strides = array<i32>} : memref<100000xf32, #tpu.memory_space<vmem>>, vector<16xf32>,
      %get3A_1628 = vector.shape_cast %get3A_1627 : vector<16xf32> to vector<16xf32>
      %max3A_1629 = arith.maximumf %scan3A_1621, %get3A_1628 : vector<16xf32>
      scf.yield %max3A_1629 : vector<16xf32>
    }
    %scan3A_884 = arith.constant 1250 : i32
    %dma_wait3A_885 = arith.constant 20000 : i32
    %dma_wait3A_886 = tpu.memref_slice %arg6[%dma_wait3A_885] : memref<100000xf32, #tpu.memory_space<vmem>> -> memref<20000xf32, #tpu.memory_space<vmem>>
    %dma_wait3A_887 = tpu.memref_slice %arg2[%add3A_820] : memref<12800000xf32, #tpu.memory_space<hbm>> -> memref<20000xf32, #tpu.memory_space<hbm>>
    %dma_wait3A_888 = arith.constant 20000 : i32
    %dma_wait3A_889 = tpu.memref_slice %arg6[%dma_wait3A_888] : memref<100000xf32, #tpu.memory_space<vmem>> -> memref<20000xf32, #tpu.memory_space<vmem>>
    %dma_wait3A_890 = tpu.memref_slice %arg2[%add3A_820] : memref<12800000xf32, #tpu.memory_space<hbm>> -> memref<20000xf32, #tpu.memory_space<hbm>>
    tpu.wait_dma2 semaphore(%arg12 : memref<!tpu.dma_semaphore, #tpu.memory_space<semaphore_mem>>) src(%dma_wait3A_890 : memref<20000xf32, #tpu.memory_space<hbm>>) dst(%dma_wait3A_889 : memref<20000xf32, #tpu.memory_space<vmem>>)
    %scan3A_891 = arith.constant 0 : i32
    %scan3A_892 = arith.constant 1250 : i32
    %scan3A_893 = arith.addi %scan3A_891, %scan3A_892 : i32
    %scan3A_894 = arith.constant 1 : i32
    %scan3A_895 = scf.for %scan3A_1620 = %scan3A_891 to %scan3A_893 step %scan3A_894 iter_args(%scan3A_1621 = %scan3A_883) -> (vector<16xf32>)  : i32 {
      %mul3A_1622 = arith.constant 16 : i32
      %mul3A_1623 = arith.muli %scan3A_1620, %mul3A_1622 : i32
      %add3A_1624 = arith.constant 20000 : i32
      %add3A_1625 = arith.addi %add3A_1624, %mul3A_1623 : i32
      %get3A_1626 = arith.index_cast %add3A_1625 : i32 to index
      %get3A_1627 = tpu.vector_load %arg6[%get3A_1626] {strides = array<i32>} : memref<100000xf32, #tpu.memory_space<vmem>>, vector<16xf32>,
      %get3A_1628 = vector.shape_cast %get3A_1627 : vector<16xf32> to vector<16xf32>
      %max3A_1629 = arith.maximumf %scan3A_1621, %get3A_1628 : vector<16xf32>
      scf.yield %max3A_1629 : vector<16xf32>
    }
    %scan3A_896 = arith.constant 1250 : i32
    %dma_wait3A_897 = arith.constant 40000 : i32
    %dma_wait3A_898 = tpu.memref_slice %arg6[%dma_wait3A_897] : memref<100000xf32, #tpu.memory_space<vmem>> -> memref<20000xf32, #tpu.memory_space<vmem>>
    %dma_wait3A_899 = tpu.memref_slice %arg2[%add3A_830] : memref<12800000xf32, #tpu.memory_space<hbm>> -> memref<20000xf32, #tpu.memory_space<hbm>>
    %dma_wait3A_900 = arith.constant 40000 : i32
    %dma_wait3A_901 = tpu.memref_slice %arg6[%dma_wait3A_900] : memref<100000xf32, #tpu.memory_space<vmem>> -> memref<20000xf32, #tpu.memory_space<vmem>>
    %dma_wait3A_902 = tpu.memref_slice %arg2[%add3A_830] : memref<12800000xf32, #tpu.memory_space<hbm>> -> memref<20000xf32, #tpu.memory_space<hbm>>
    tpu.wait_dma2 semaphore(%arg13 : memref<!tpu.dma_semaphore, #tpu.memory_space<semaphore_mem>>) src(%dma_wait3A_902 : memref<20000xf32, #tpu.memory_space<hbm>>) dst(%dma_wait3A_901 : memref<20000xf32, #tpu.memory_space<vmem>>)
    %scan3A_903 = arith.constant 0 : i32
    %scan3A_904 = arith.constant 1250 : i32
    %scan3A_905 = arith.addi %scan3A_903, %scan3A_904 : i32
    %scan3A_906 = arith.constant 1 : i32
    %scan3A_907 = scf.for %scan3A_1620 = %scan3A_903 to %scan3A_905 step %scan3A_906 iter_args(%scan3A_1621 = %scan3A_895) -> (vector<16xf32>)  : i32 {
      %mul3A_1622 = arith.constant 16 : i32
      %mul3A_1623 = arith.muli %scan3A_1620, %mul3A_1622 : i32
      %add3A_1624 = arith.constant 40000 : i32
      %add3A_1625 = arith.addi %add3A_1624, %mul3A_1623 : i32
      %get3A_1626 = arith.index_cast %add3A_1625 : i32 to index
      %get3A_1627 = tpu.vector_load %arg6[%get3A_1626] {strides = array<i32>} : memref<100000xf32, #tpu.memory_space<vmem>>, vector<16xf32>,
      %get3A_1628 = vector.shape_cast %get3A_1627 : vector<16xf32> to vector<16xf32>
      %max3A_1629 = arith.maximumf %scan3A_1621, %get3A_1628 : vector<16xf32>
      scf.yield %max3A_1629 : vector<16xf32>
    }
    %scan3A_908 = arith.constant 1250 : i32
    %dma_wait3A_909 = arith.constant 60000 : i32
    %dma_wait3A_910 = tpu.memref_slice %arg6[%dma_wait3A_909] : memref<100000xf32, #tpu.memory_space<vmem>> -> memref<20000xf32, #tpu.memory_space<vmem>>
    %dma_wait3A_911 = tpu.memref_slice %arg2[%add3A_840] : memref<12800000xf32, #tpu.memory_space<hbm>> -> memref<20000xf32, #tpu.memory_space<hbm>>
    %dma_wait3A_912 = arith.constant 60000 : i32
    %dma_wait3A_913 = tpu.memref_slice %arg6[%dma_wait3A_912] : memref<100000xf32, #tpu.memory_space<vmem>> -> memref<20000xf32, #tpu.memory_space<vmem>>
    %dma_wait3A_914 = tpu.memref_slice %arg2[%add3A_840] : memref<12800000xf32, #tpu.memory_space<hbm>> -> memref<20000xf32, #tpu.memory_space<hbm>>
    tpu.wait_dma2 semaphore(%arg14 : memref<!tpu.dma_semaphore, #tpu.memory_space<semaphore_mem>>) src(%dma_wait3A_914 : memref<20000xf32, #tpu.memory_space<hbm>>) dst(%dma_wait3A_913 : memref<20000xf32, #tpu.memory_space<vmem>>)
    %scan3A_915 = arith.constant 0 : i32
    %scan3A_916 = arith.constant 1250 : i32
    %scan3A_917 = arith.addi %scan3A_915, %scan3A_916 : i32
    %scan3A_918 = arith.constant 1 : i32
    %scan3A_919 = scf.for %scan3A_1620 = %scan3A_915 to %scan3A_917 step %scan3A_918 iter_args(%scan3A_1621 = %scan3A_907) -> (vector<16xf32>)  : i32 {
      %mul3A_1622 = arith.constant 16 : i32
      %mul3A_1623 = arith.muli %scan3A_1620, %mul3A_1622 : i32
      %add3A_1624 = arith.constant 60000 : i32
      %add3A_1625 = arith.addi %add3A_1624, %mul3A_1623 : i32
      %get3A_1626 = arith.index_cast %add3A_1625 : i32 to index
      %get3A_1627 = tpu.vector_load %arg6[%get3A_1626] {strides = array<i32>} : memref<100000xf32, #tpu.memory_space<vmem>>, vector<16xf32>,
      %get3A_1628 = vector.shape_cast %get3A_1627 : vector<16xf32> to vector<16xf32>
      %max3A_1629 = arith.maximumf %scan3A_1621, %get3A_1628 : vector<16xf32>
      scf.yield %max3A_1629 : vector<16xf32>
    }
    %scan3A_920 = arith.constant 1250 : i32
    %dma_wait3A_921 = arith.constant 80000 : i32
    %dma_wait3A_922 = tpu.memref_slice %arg6[%dma_wait3A_921] : memref<100000xf32, #tpu.memory_space<vmem>> -> memref<20000xf32, #tpu.memory_space<vmem>>
    %dma_wait3A_923 = tpu.memref_slice %arg2[%add3A_850] : memref<12800000xf32, #tpu.memory_space<hbm>> -> memref<20000xf32, #tpu.memory_space<hbm>>
    %dma_wait3A_924 = arith.constant 80000 : i32
    %dma_wait3A_925 = tpu.memref_slice %arg6[%dma_wait3A_924] : memref<100000xf32, #tpu.memory_space<vmem>> -> memref<20000xf32, #tpu.memory_space<vmem>>
    %dma_wait3A_926 = tpu.memref_slice %arg2[%add3A_850] : memref<12800000xf32, #tpu.memory_space<hbm>> -> memref<20000xf32, #tpu.memory_space<hbm>>
    tpu.wait_dma2 semaphore(%arg15 : memref<!tpu.dma_semaphore, #tpu.memory_space<semaphore_mem>>) src(%dma_wait3A_926 : memref<20000xf32, #tpu.memory_space<hbm>>) dst(%dma_wait3A_925 : memref<20000xf32, #tpu.memory_space<vmem>>)
    %scan3A_927 = arith.constant 0 : i32
    %scan3A_928 = arith.constant 1250 : i32
    %scan3A_929 = arith.addi %scan3A_927, %scan3A_928 : i32
    %scan3A_930 = arith.constant 1 : i32
    %scan3A_931 = scf.for %scan3A_1620 = %scan3A_927 to %scan3A_929 step %scan3A_930 iter_args(%scan3A_1621 = %scan3A_919) -> (vector<16xf32>)  : i32 {
      %mul3A_1622 = arith.constant 16 : i32
      %mul3A_1623 = arith.muli %scan3A_1620, %mul3A_1622 : i32
      %add3A_1624 = arith.constant 80000 : i32
      %add3A_1625 = arith.addi %add3A_1624, %mul3A_1623 : i32
      %get3A_1626 = arith.index_cast %add3A_1625 : i32 to index
      %get3A_1627 = tpu.vector_load %arg6[%get3A_1626] {strides = array<i32>} : memref<100000xf32, #tpu.memory_space<vmem>>, vector<16xf32>,
      %get3A_1628 = vector.shape_cast %get3A_1627 : vector<16xf32> to vector<16xf32>
      %max3A_1629 = arith.maximumf %scan3A_1621, %get3A_1628 : vector<16xf32>
      scf.yield %max3A_1629 : vector<16xf32>
    }
    %scan3A_932 = arith.constant 1250 : i32
    %add3A_933 = arith.constant 8 : i32
    %add3A_934 = vector.broadcast %add3A_933 : i32 to vector<16xi32>
    %add3A_935 = arith.addi %iota3A, %add3A_934 : vector<16xi32>
    %and3A_936 = arith.constant 15 : i32
    %and3A_937 = vector.broadcast %and3A_936 : i32 to vector<16xi32>
    %and3A_938 = arith.andi %add3A_935, %and3A_937 : vector<16xi32>
    %broadcast_in_dim3A_939 = vector.shape_cast %and3A_938 : vector<16xi32> to vector<16x1xi32>
    %gather3A_940 = vector.shape_cast %broadcast_in_dim3A_939 : vector<16x1xi32> to vector<16xi32>
    %gather3A_941 = tpu.dynamic_gather %scan3A_931[%gather3A_940] in [0] : vector<16xf32>, vector<16xi32> -> vector<16xf32>
    %max3A_942 = arith.maximumf %scan3A_931, %gather3A_941 : vector<16xf32>
    %add3A_943 = arith.constant 4 : i32
    %add3A_944 = vector.broadcast %add3A_943 : i32 to vector<16xi32>
    %add3A_945 = arith.addi %iota3A, %add3A_944 : vector<16xi32>
    %and3A_946 = arith.constant 15 : i32
    %and3A_947 = vector.broadcast %and3A_946 : i32 to vector<16xi32>
    %and3A_948 = arith.andi %add3A_945, %and3A_947 : vector<16xi32>
    %broadcast_in_dim3A_949 = vector.shape_cast %and3A_948 : vector<16xi32> to vector<16x1xi32>
    %gather3A_950 = vector.shape_cast %broadcast_in_dim3A_949 : vector<16x1xi32> to vector<16xi32>
    %gather3A_951 = tpu.dynamic_gather %max3A_942[%gather3A_950] in [0] : vector<16xf32>, vector<16xi32> -> vector<16xf32>
    %max3A_952 = arith.maximumf %max3A_942, %gather3A_951 : vector<16xf32>
    %add3A_953 = arith.constant 2 : i32
    %add3A_954 = vector.broadcast %add3A_953 : i32 to vector<16xi32>
    %add3A_955 = arith.addi %iota3A, %add3A_954 : vector<16xi32>
    %and3A_956 = arith.constant 15 : i32
    %and3A_957 = vector.broadcast %and3A_956 : i32 to vector<16xi32>
    %and3A_958 = arith.andi %add3A_955, %and3A_957 : vector<16xi32>
    %broadcast_in_dim3A_959 = vector.shape_cast %and3A_958 : vector<16xi32> to vector<16x1xi32>
    %gather3A_960 = vector.shape_cast %broadcast_in_dim3A_959 : vector<16x1xi32> to vector<16xi32>
    %gather3A_961 = tpu.dynamic_gather %max3A_952[%gather3A_960] in [0] : vector<16xf32>, vector<16xi32> -> vector<16xf32>
    %max3A_962 = arith.maximumf %max3A_952, %gather3A_961 : vector<16xf32>
    %add3A_963 = arith.constant 1 : i32
    %add3A_964 = vector.broadcast %add3A_963 : i32 to vector<16xi32>
    %add3A_965 = arith.addi %iota3A, %add3A_964 : vector<16xi32>
    %and3A_966 = arith.constant 15 : i32
    %and3A_967 = vector.broadcast %and3A_966 : i32 to vector<16xi32>
    %and3A_968 = arith.andi %add3A_965, %and3A_967 : vector<16xi32>
    %broadcast_in_dim3A_969 = vector.shape_cast %and3A_968 : vector<16xi32> to vector<16x1xi32>
    %gather3A_970 = vector.shape_cast %broadcast_in_dim3A_969 : vector<16x1xi32> to vector<16xi32>
    %gather3A_971 = tpu.dynamic_gather %max3A_962[%gather3A_970] in [0] : vector<16xf32>, vector<16xi32> -> vector<16xf32>
    %max3A_972 = arith.maximumf %max3A_962, %gather3A_971 : vector<16xf32>
    %get3A_973 = arith.constant 0 : index
    %get3A_974 = tpu.vector_load %arg9[%get3A_973] {strides = array<i32>} : memref<16xf32, #tpu.memory_space<vmem>>, vector<16xf32>,
    %get3A_975 = vector.shape_cast %get3A_974 : vector<16xf32> to vector<16xf32>
    %eq3A_976 = arith.constant 0.000000e+00 : f32
    %eq3A_977 = vector.broadcast %eq3A_976 : f32 to vector<16xf32>
    %eq3A_978 = arith.cmpf oeq, %get3A_975, %eq3A_977 : vector<16xf32>
    %broadcast_in_dim3A_979 = arith.constant 1.000000e+00 : f32
    %broadcast_in_dim3A_980 = vector.broadcast %broadcast_in_dim3A_979 : f32 to vector<16xf32>
    %select_n3A_981 = arith.select %eq3A_978, %broadcast_in_dim3A_980, %get3A_975 : vector<16xi1>, vector<16xf32>
    %div3A_982 = arith.divf %max3A_972, %select_n3A_981 : vector<16xf32>
    %broadcast_in_dim3A_983 = arith.constant -1.000000e+00 : f32
    %broadcast_in_dim3A_984 = vector.broadcast %broadcast_in_dim3A_983 : f32 to vector<16xf32>
    %broadcast_in_dim3A_985 = arith.constant 0 : i32
    %broadcast_in_dim3A_986 = vector.broadcast %broadcast_in_dim3A_985 : i32 to vector<16xi32>
    %dma_wait3A_987 = tpu.memref_slice %arg4[%add3A_860] : memref<12800000xf32, #tpu.memory_space<hbm>> -> memref<10000xf32, #tpu.memory_space<hbm>>
    %dma_wait3A_988 = tpu.memref_slice %arg4[%add3A_860] : memref<12800000xf32, #tpu.memory_space<hbm>> -> memref<10000xf32, #tpu.memory_space<hbm>>
    tpu.wait_dma2 semaphore(%arg16 : memref<!tpu.dma_semaphore, #tpu.memory_space<semaphore_mem>>) src(%dma_wait3A_988 : memref<10000xf32, #tpu.memory_space<hbm>>) dst(%arg7 : memref<10000xf32, #tpu.memory_space<vmem>>)
    %scan3A_989 = arith.constant 0 : i32
    %scan3A_990 = arith.constant 625 : i32
    %scan3A_991 = arith.addi %scan3A_989, %scan3A_990 : i32
    %scan3A_992 = arith.constant 1 : i32
    %scan3A_993:2 = scf.for %scan3A_1620 = %scan3A_989 to %scan3A_991 step %scan3A_992 iter_args(%scan3A_1621 = %broadcast_in_dim3A_984, %scan3A_1622 = %broadcast_in_dim3A_986) -> (vector<16xf32>, vector<16xi32>)  : i32 {
      %mul3A_1623 = arith.constant 16 : i32
      %mul3A_1624 = arith.muli %scan3A_1620, %mul3A_1623 : i32
      %add3A_1625 = arith.constant 0 : i32
      %add3A_1626 = arith.addi %add3A_1625, %mul3A_1624 : i32
      %get3A_1627 = arith.index_cast %add3A_1626 : i32 to index
      %get3A_1628 = tpu.vector_load %arg6[%get3A_1627] {strides = array<i32>} : memref<100000xf32, #tpu.memory_space<vmem>>, vector<16xf32>,
      %get3A_1629 = vector.shape_cast %get3A_1628 : vector<16xf32> to vector<16xf32>
      %mul3A_1630 = arith.constant 16 : i32
      %mul3A_1631 = arith.muli %scan3A_1620, %mul3A_1630 : i32
      %get3A_1632 = arith.index_cast %mul3A_1631 : i32 to index
      %get3A_1633 = tpu.vector_load %arg7[%get3A_1632] {strides = array<i32>} : memref<10000xf32, #tpu.memory_space<vmem>>, vector<16xf32>,
      %get3A_1634 = vector.shape_cast %get3A_1633 : vector<16xf32> to vector<16xf32>
      %div3A_1635 = arith.divf %get3A_1629, %select_n3A_981 : vector<16xf32>
      %sub3A = arith.subf %div3A_1635, %div3A_982 : vector<16xf32>
      %exp3A = math.exp %sub3A : vector<16xf32>
      %max3A_1636 = arith.constant 1.000000e-10 : f32
      %max3A_1637 = vector.broadcast %max3A_1636 : f32 to vector<16xf32>
      %max3A_1638 = arith.maximumf %get3A_1634, %max3A_1637 : vector<16xf32>
      %div3A_1639 = arith.divf %exp3A, %max3A_1638 : vector<16xf32>
      %select_n3A_1640 = arith.select %eq3A_978, %exp3A, %div3A_1639 : vector<16xi1>, vector<16xf32>
      %broadcast_in_dim3A_1641 = vector.broadcast %add3A_1626 : i32 to vector<16xi32>
      %add3A_1642 = arith.addi %iota3A, %broadcast_in_dim3A_1641 : vector<16xi32>
      %gt3A = arith.cmpf ogt, %select_n3A_1640, %scan3A_1621 : vector<16xf32>
      %select_n3A_1643 = arith.select %gt3A, %select_n3A_1640, %scan3A_1621 : vector<16xi1>, vector<16xf32>
      %select_n3A_1644 = arith.select %gt3A, %add3A_1642, %scan3A_1622 : vector<16xi1>, vector<16xi32>
      scf.yield %select_n3A_1643, %select_n3A_1644 : vector<16xf32>, vector<16xi32>
    }
    %scan3A_994 = arith.constant 625 : i32
    %mul3A_995 = arith.constant 100000 : i32
    %mul3A_996 = arith.muli %add3A_806, %mul3A_995 : i32
    %add3A_997 = arith.constant 20000 : i32
    %add3A_998 = arith.addi %mul3A_996, %add3A_997 : i32
    %dma_start3A_999 = tpu.memref_slice %arg4[%add3A_998] : memref<12800000xf32, #tpu.memory_space<hbm>> -> memref<10000xf32, #tpu.memory_space<hbm>>
    %dma_start3A_1000 = tpu.memref_slice %arg4[%add3A_998] : memref<12800000xf32, #tpu.memory_space<hbm>> -> memref<10000xf32, #tpu.memory_space<hbm>>
    tpu.enqueue_dma source(%dma_start3A_1000 : memref<10000xf32, #tpu.memory_space<hbm>>) target(%arg7 : memref<10000xf32, #tpu.memory_space<vmem>>) target_semaphore(%arg16 : memref<!tpu.dma_semaphore, #tpu.memory_space<semaphore_mem>>)
    %dma_wait3A_1001 = tpu.memref_slice %arg4[%add3A_866] : memref<12800000xf32, #tpu.memory_space<hbm>> -> memref<10000xf32, #tpu.memory_space<hbm>>
    %dma_wait3A_1002 = tpu.memref_slice %arg4[%add3A_866] : memref<12800000xf32, #tpu.memory_space<hbm>> -> memref<10000xf32, #tpu.memory_space<hbm>>
    tpu.wait_dma2 semaphore(%arg17 : memref<!tpu.dma_semaphore, #tpu.memory_space<semaphore_mem>>) src(%dma_wait3A_1002 : memref<10000xf32, #tpu.memory_space<hbm>>) dst(%arg8 : memref<10000xf32, #tpu.memory_space<vmem>>)
    %scan3A_1003 = arith.constant 0 : i32
    %scan3A_1004 = arith.constant 625 : i32
    %scan3A_1005 = arith.addi %scan3A_1003, %scan3A_1004 : i32
    %scan3A_1006 = arith.constant 1 : i32
    %scan3A_1007:2 = scf.for %scan3A_1620 = %scan3A_1003 to %scan3A_1005 step %scan3A_1006 iter_args(%scan3A_1621 = %scan3A_993#0, %scan3A_1622 = %scan3A_993#1) -> (vector<16xf32>, vector<16xi32>)  : i32 {
      %mul3A_1623 = arith.constant 16 : i32
      %mul3A_1624 = arith.muli %scan3A_1620, %mul3A_1623 : i32
      %add3A_1625 = arith.constant 10000 : i32
      %add3A_1626 = arith.addi %add3A_1625, %mul3A_1624 : i32
      %get3A_1627 = arith.index_cast %add3A_1626 : i32 to index
      %get3A_1628 = tpu.vector_load %arg6[%get3A_1627] {strides = array<i32>} : memref<100000xf32, #tpu.memory_space<vmem>>, vector<16xf32>,
      %get3A_1629 = vector.shape_cast %get3A_1628 : vector<16xf32> to vector<16xf32>
      %mul3A_1630 = arith.constant 16 : i32
      %mul3A_1631 = arith.muli %scan3A_1620, %mul3A_1630 : i32
      %get3A_1632 = arith.index_cast %mul3A_1631 : i32 to index
      %get3A_1633 = tpu.vector_load %arg8[%get3A_1632] {strides = array<i32>} : memref<10000xf32, #tpu.memory_space<vmem>>, vector<16xf32>,
      %get3A_1634 = vector.shape_cast %get3A_1633 : vector<16xf32> to vector<16xf32>
      %div3A_1635 = arith.divf %get3A_1629, %select_n3A_981 : vector<16xf32>
      %sub3A = arith.subf %div3A_1635, %div3A_982 : vector<16xf32>
      %exp3A = math.exp %sub3A : vector<16xf32>
      %max3A_1636 = arith.constant 1.000000e-10 : f32
      %max3A_1637 = vector.broadcast %max3A_1636 : f32 to vector<16xf32>
      %max3A_1638 = arith.maximumf %get3A_1634, %max3A_1637 : vector<16xf32>
      %div3A_1639 = arith.divf %exp3A, %max3A_1638 : vector<16xf32>
      %select_n3A_1640 = arith.select %eq3A_978, %exp3A, %div3A_1639 : vector<16xi1>, vector<16xf32>
      %broadcast_in_dim3A_1641 = vector.broadcast %add3A_1626 : i32 to vector<16xi32>
      %add3A_1642 = arith.addi %iota3A, %broadcast_in_dim3A_1641 : vector<16xi32>
      %gt3A = arith.cmpf ogt, %select_n3A_1640, %scan3A_1621 : vector<16xf32>
      %select_n3A_1643 = arith.select %gt3A, %select_n3A_1640, %scan3A_1621 : vector<16xi1>, vector<16xf32>
      %select_n3A_1644 = arith.select %gt3A, %add3A_1642, %scan3A_1622 : vector<16xi1>, vector<16xi32>
      scf.yield %select_n3A_1643, %select_n3A_1644 : vector<16xf32>, vector<16xi32>
    }
    %scan3A_1008 = arith.constant 625 : i32
    %mul3A_1009 = arith.constant 100000 : i32
    %mul3A_1010 = arith.muli %add3A_806, %mul3A_1009 : i32
    %add3A_1011 = arith.constant 30000 : i32
    %add3A_1012 = arith.addi %mul3A_1010, %add3A_1011 : i32
    %dma_start3A_1013 = tpu.memref_slice %arg4[%add3A_1012] : memref<12800000xf32, #tpu.memory_space<hbm>> -> memref<10000xf32, #tpu.memory_space<hbm>>
    %dma_start3A_1014 = tpu.memref_slice %arg4[%add3A_1012] : memref<12800000xf32, #tpu.memory_space<hbm>> -> memref<10000xf32, #tpu.memory_space<hbm>>
    tpu.enqueue_dma source(%dma_start3A_1014 : memref<10000xf32, #tpu.memory_space<hbm>>) target(%arg8 : memref<10000xf32, #tpu.memory_space<vmem>>) target_semaphore(%arg17 : memref<!tpu.dma_semaphore, #tpu.memory_space<semaphore_mem>>)
    %dma_wait3A_1015 = tpu.memref_slice %arg4[%add3A_998] : memref<12800000xf32, #tpu.memory_space<hbm>> -> memref<10000xf32, #tpu.memory_space<hbm>>
    %dma_wait3A_1016 = tpu.memref_slice %arg4[%add3A_998] : memref<12800000xf32, #tpu.memory_space<hbm>> -> memref<10000xf32, #tpu.memory_space<hbm>>
    tpu.wait_dma2 semaphore(%arg16 : memref<!tpu.dma_semaphore, #tpu.memory_space<semaphore_mem>>) src(%dma_wait3A_1016 : memref<10000xf32, #tpu.memory_space<hbm>>) dst(%arg7 : memref<10000xf32, #tpu.memory_space<vmem>>)
    %scan3A_1017 = arith.constant 0 : i32
    %scan3A_1018 = arith.constant 625 : i32
    %scan3A_1019 = arith.addi %scan3A_1017, %scan3A_1018 : i32
    %scan3A_1020 = arith.constant 1 : i32
    %scan3A_1021:2 = scf.for %scan3A_1620 = %scan3A_1017 to %scan3A_1019 step %scan3A_1020 iter_args(%scan3A_1621 = %scan3A_1007#0, %scan3A_1622 = %scan3A_1007#1) -> (vector<16xf32>, vector<16xi32>)  : i32 {
      %mul3A_1623 = arith.constant 16 : i32
      %mul3A_1624 = arith.muli %scan3A_1620, %mul3A_1623 : i32
      %add3A_1625 = arith.constant 20000 : i32
      %add3A_1626 = arith.addi %add3A_1625, %mul3A_1624 : i32
      %get3A_1627 = arith.index_cast %add3A_1626 : i32 to index
      %get3A_1628 = tpu.vector_load %arg6[%get3A_1627] {strides = array<i32>} : memref<100000xf32, #tpu.memory_space<vmem>>, vector<16xf32>,
      %get3A_1629 = vector.shape_cast %get3A_1628 : vector<16xf32> to vector<16xf32>
      %mul3A_1630 = arith.constant 16 : i32
      %mul3A_1631 = arith.muli %scan3A_1620, %mul3A_1630 : i32
      %get3A_1632 = arith.index_cast %mul3A_1631 : i32 to index
      %get3A_1633 = tpu.vector_load %arg7[%get3A_1632] {strides = array<i32>} : memref<10000xf32, #tpu.memory_space<vmem>>, vector<16xf32>,
      %get3A_1634 = vector.shape_cast %get3A_1633 : vector<16xf32> to vector<16xf32>
      %div3A_1635 = arith.divf %get3A_1629, %select_n3A_981 : vector<16xf32>
      %sub3A = arith.subf %div3A_1635, %div3A_982 : vector<16xf32>
      %exp3A = math.exp %sub3A : vector<16xf32>
      %max3A_1636 = arith.constant 1.000000e-10 : f32
      %max3A_1637 = vector.broadcast %max3A_1636 : f32 to vector<16xf32>
      %max3A_1638 = arith.maximumf %get3A_1634, %max3A_1637 : vector<16xf32>
      %div3A_1639 = arith.divf %exp3A, %max3A_1638 : vector<16xf32>
      %select_n3A_1640 = arith.select %eq3A_978, %exp3A, %div3A_1639 : vector<16xi1>, vector<16xf32>
      %broadcast_in_dim3A_1641 = vector.broadcast %add3A_1626 : i32 to vector<16xi32>
      %add3A_1642 = arith.addi %iota3A, %broadcast_in_dim3A_1641 : vector<16xi32>
      %gt3A = arith.cmpf ogt, %select_n3A_1640, %scan3A_1621 : vector<16xf32>
      %select_n3A_1643 = arith.select %gt3A, %select_n3A_1640, %scan3A_1621 : vector<16xi1>, vector<16xf32>
      %select_n3A_1644 = arith.select %gt3A, %add3A_1642, %scan3A_1622 : vector<16xi1>, vector<16xi32>
      scf.yield %select_n3A_1643, %select_n3A_1644 : vector<16xf32>, vector<16xi32>
    }
    %scan3A_1022 = arith.constant 625 : i32
    %mul3A_1023 = arith.constant 100000 : i32
    %mul3A_1024 = arith.muli %add3A_806, %mul3A_1023 : i32
    %add3A_1025 = arith.constant 40000 : i32
    %add3A_1026 = arith.addi %mul3A_1024, %add3A_1025 : i32
    %dma_start3A_1027 = tpu.memref_slice %arg4[%add3A_1026] : memref<12800000xf32, #tpu.memory_space<hbm>> -> memref<10000xf32, #tpu.memory_space<hbm>>
    %dma_start3A_1028 = tpu.memref_slice %arg4[%add3A_1026] : memref<12800000xf32, #tpu.memory_space<hbm>> -> memref<10000xf32, #tpu.memory_space<hbm>>
    tpu.enqueue_dma source(%dma_start3A_1028 : memref<10000xf32, #tpu.memory_space<hbm>>) target(%arg7 : memref<10000xf32, #tpu.memory_space<vmem>>) target_semaphore(%arg16 : memref<!tpu.dma_semaphore, #tpu.memory_space<semaphore_mem>>)
    %dma_wait3A_1029 = tpu.memref_slice %arg4[%add3A_1012] : memref<12800000xf32, #tpu.memory_space<hbm>> -> memref<10000xf32, #tpu.memory_space<hbm>>
    %dma_wait3A_1030 = tpu.memref_slice %arg4[%add3A_1012] : memref<12800000xf32, #tpu.memory_space<hbm>> -> memref<10000xf32, #tpu.memory_space<hbm>>
    tpu.wait_dma2 semaphore(%arg17 : memref<!tpu.dma_semaphore, #tpu.memory_space<semaphore_mem>>) src(%dma_wait3A_1030 : memref<10000xf32, #tpu.memory_space<hbm>>) dst(%arg8 : memref<10000xf32, #tpu.memory_space<vmem>>)
    %scan3A_1031 = arith.constant 0 : i32
    %scan3A_1032 = arith.constant 625 : i32
    %scan3A_1033 = arith.addi %scan3A_1031, %scan3A_1032 : i32
    %scan3A_1034 = arith.constant 1 : i32
    %scan3A_1035:2 = scf.for %scan3A_1620 = %scan3A_1031 to %scan3A_1033 step %scan3A_1034 iter_args(%scan3A_1621 = %scan3A_1021#0, %scan3A_1622 = %scan3A_1021#1) -> (vector<16xf32>, vector<16xi32>)  : i32 {
      %mul3A_1623 = arith.constant 16 : i32
      %mul3A_1624 = arith.muli %scan3A_1620, %mul3A_1623 : i32
      %add3A_1625 = arith.constant 30000 : i32
      %add3A_1626 = arith.addi %add3A_1625, %mul3A_1624 : i32
      %get3A_1627 = arith.index_cast %add3A_1626 : i32 to index
      %get3A_1628 = tpu.vector_load %arg6[%get3A_1627] {strides = array<i32>} : memref<100000xf32, #tpu.memory_space<vmem>>, vector<16xf32>,
      %get3A_1629 = vector.shape_cast %get3A_1628 : vector<16xf32> to vector<16xf32>
      %mul3A_1630 = arith.constant 16 : i32
      %mul3A_1631 = arith.muli %scan3A_1620, %mul3A_1630 : i32
      %get3A_1632 = arith.index_cast %mul3A_1631 : i32 to index
      %get3A_1633 = tpu.vector_load %arg8[%get3A_1632] {strides = array<i32>} : memref<10000xf32, #tpu.memory_space<vmem>>, vector<16xf32>,
      %get3A_1634 = vector.shape_cast %get3A_1633 : vector<16xf32> to vector<16xf32>
      %div3A_1635 = arith.divf %get3A_1629, %select_n3A_981 : vector<16xf32>
      %sub3A = arith.subf %div3A_1635, %div3A_982 : vector<16xf32>
      %exp3A = math.exp %sub3A : vector<16xf32>
      %max3A_1636 = arith.constant 1.000000e-10 : f32
      %max3A_1637 = vector.broadcast %max3A_1636 : f32 to vector<16xf32>
      %max3A_1638 = arith.maximumf %get3A_1634, %max3A_1637 : vector<16xf32>
      %div3A_1639 = arith.divf %exp3A, %max3A_1638 : vector<16xf32>
      %select_n3A_1640 = arith.select %eq3A_978, %exp3A, %div3A_1639 : vector<16xi1>, vector<16xf32>
      %broadcast_in_dim3A_1641 = vector.broadcast %add3A_1626 : i32 to vector<16xi32>
      %add3A_1642 = arith.addi %iota3A, %broadcast_in_dim3A_1641 : vector<16xi32>
      %gt3A = arith.cmpf ogt, %select_n3A_1640, %scan3A_1621 : vector<16xf32>
      %select_n3A_1643 = arith.select %gt3A, %select_n3A_1640, %scan3A_1621 : vector<16xi1>, vector<16xf32>
      %select_n3A_1644 = arith.select %gt3A, %add3A_1642, %scan3A_1622 : vector<16xi1>, vector<16xi32>
      scf.yield %select_n3A_1643, %select_n3A_1644 : vector<16xf32>, vector<16xi32>
    }
    %scan3A_1036 = arith.constant 625 : i32
    %mul3A_1037 = arith.constant 100000 : i32
    %mul3A_1038 = arith.muli %add3A_806, %mul3A_1037 : i32
    %add3A_1039 = arith.constant 50000 : i32
    %add3A_1040 = arith.addi %mul3A_1038, %add3A_1039 : i32
    %dma_start3A_1041 = tpu.memref_slice %arg4[%add3A_1040] : memref<12800000xf32, #tpu.memory_space<hbm>> -> memref<10000xf32, #tpu.memory_space<hbm>>
    %dma_start3A_1042 = tpu.memref_slice %arg4[%add3A_1040] : memref<12800000xf32, #tpu.memory_space<hbm>> -> memref<10000xf32, #tpu.memory_space<hbm>>
    tpu.enqueue_dma source(%dma_start3A_1042 : memref<10000xf32, #tpu.memory_space<hbm>>) target(%arg8 : memref<10000xf32, #tpu.memory_space<vmem>>) target_semaphore(%arg17 : memref<!tpu.dma_semaphore, #tpu.memory_space<semaphore_mem>>)
    %dma_wait3A_1043 = tpu.memref_slice %arg4[%add3A_1026] : memref<12800000xf32, #tpu.memory_space<hbm>> -> memref<10000xf32, #tpu.memory_space<hbm>>
    %dma_wait3A_1044 = tpu.memref_slice %arg4[%add3A_1026] : memref<12800000xf32, #tpu.memory_space<hbm>> -> memref<10000xf32, #tpu.memory_space<hbm>>
    tpu.wait_dma2 semaphore(%arg16 : memref<!tpu.dma_semaphore, #tpu.memory_space<semaphore_mem>>) src(%dma_wait3A_1044 : memref<10000xf32, #tpu.memory_space<hbm>>) dst(%arg7 : memref<10000xf32, #tpu.memory_space<vmem>>)
    %scan3A_1045 = arith.constant 0 : i32
    %scan3A_1046 = arith.constant 625 : i32
    %scan3A_1047 = arith.addi %scan3A_1045, %scan3A_1046 : i32
    %scan3A_1048 = arith.constant 1 : i32
    %scan3A_1049:2 = scf.for %scan3A_1620 = %scan3A_1045 to %scan3A_1047 step %scan3A_1048 iter_args(%scan3A_1621 = %scan3A_1035#0, %scan3A_1622 = %scan3A_1035#1) -> (vector<16xf32>, vector<16xi32>)  : i32 {
      %mul3A_1623 = arith.constant 16 : i32
      %mul3A_1624 = arith.muli %scan3A_1620, %mul3A_1623 : i32
      %add3A_1625 = arith.constant 40000 : i32
      %add3A_1626 = arith.addi %add3A_1625, %mul3A_1624 : i32
      %get3A_1627 = arith.index_cast %add3A_1626 : i32 to index
      %get3A_1628 = tpu.vector_load %arg6[%get3A_1627] {strides = array<i32>} : memref<100000xf32, #tpu.memory_space<vmem>>, vector<16xf32>,
      %get3A_1629 = vector.shape_cast %get3A_1628 : vector<16xf32> to vector<16xf32>
      %mul3A_1630 = arith.constant 16 : i32
      %mul3A_1631 = arith.muli %scan3A_1620, %mul3A_1630 : i32
      %get3A_1632 = arith.index_cast %mul3A_1631 : i32 to index
      %get3A_1633 = tpu.vector_load %arg7[%get3A_1632] {strides = array<i32>} : memref<10000xf32, #tpu.memory_space<vmem>>, vector<16xf32>,
      %get3A_1634 = vector.shape_cast %get3A_1633 : vector<16xf32> to vector<16xf32>
      %div3A_1635 = arith.divf %get3A_1629, %select_n3A_981 : vector<16xf32>
      %sub3A = arith.subf %div3A_1635, %div3A_982 : vector<16xf32>
      %exp3A = math.exp %sub3A : vector<16xf32>
      %max3A_1636 = arith.constant 1.000000e-10 : f32
      %max3A_1637 = vector.broadcast %max3A_1636 : f32 to vector<16xf32>
      %max3A_1638 = arith.maximumf %get3A_1634, %max3A_1637 : vector<16xf32>
      %div3A_1639 = arith.divf %exp3A, %max3A_1638 : vector<16xf32>
      %select_n3A_1640 = arith.select %eq3A_978, %exp3A, %div3A_1639 : vector<16xi1>, vector<16xf32>
      %broadcast_in_dim3A_1641 = vector.broadcast %add3A_1626 : i32 to vector<16xi32>
      %add3A_1642 = arith.addi %iota3A, %broadcast_in_dim3A_1641 : vector<16xi32>
      %gt3A = arith.cmpf ogt, %select_n3A_1640, %scan3A_1621 : vector<16xf32>
      %select_n3A_1643 = arith.select %gt3A, %select_n3A_1640, %scan3A_1621 : vector<16xi1>, vector<16xf32>
      %select_n3A_1644 = arith.select %gt3A, %add3A_1642, %scan3A_1622 : vector<16xi1>, vector<16xi32>
      scf.yield %select_n3A_1643, %select_n3A_1644 : vector<16xf32>, vector<16xi32>
    }
    %scan3A_1050 = arith.constant 625 : i32
    %mul3A_1051 = arith.constant 100000 : i32
    %mul3A_1052 = arith.muli %add3A_806, %mul3A_1051 : i32
    %add3A_1053 = arith.constant 60000 : i32
    %add3A_1054 = arith.addi %mul3A_1052, %add3A_1053 : i32
    %dma_start3A_1055 = tpu.memref_slice %arg4[%add3A_1054] : memref<12800000xf32, #tpu.memory_space<hbm>> -> memref<10000xf32, #tpu.memory_space<hbm>>
    %dma_start3A_1056 = tpu.memref_slice %arg4[%add3A_1054] : memref<12800000xf32, #tpu.memory_space<hbm>> -> memref<10000xf32, #tpu.memory_space<hbm>>
    tpu.enqueue_dma source(%dma_start3A_1056 : memref<10000xf32, #tpu.memory_space<hbm>>) target(%arg7 : memref<10000xf32, #tpu.memory_space<vmem>>) target_semaphore(%arg16 : memref<!tpu.dma_semaphore, #tpu.memory_space<semaphore_mem>>)
    %dma_wait3A_1057 = tpu.memref_slice %arg4[%add3A_1040] : memref<12800000xf32, #tpu.memory_space<hbm>> -> memref<10000xf32, #tpu.memory_space<hbm>>
    %dma_wait3A_1058 = tpu.memref_slice %arg4[%add3A_1040] : memref<12800000xf32, #tpu.memory_space<hbm>> -> memref<10000xf32, #tpu.memory_space<hbm>>
    tpu.wait_dma2 semaphore(%arg17 : memref<!tpu.dma_semaphore, #tpu.memory_space<semaphore_mem>>) src(%dma_wait3A_1058 : memref<10000xf32, #tpu.memory_space<hbm>>) dst(%arg8 : memref<10000xf32, #tpu.memory_space<vmem>>)
    %scan3A_1059 = arith.constant 0 : i32
    %scan3A_1060 = arith.constant 625 : i32
    %scan3A_1061 = arith.addi %scan3A_1059, %scan3A_1060 : i32
    %scan3A_1062 = arith.constant 1 : i32
    %scan3A_1063:2 = scf.for %scan3A_1620 = %scan3A_1059 to %scan3A_1061 step %scan3A_1062 iter_args(%scan3A_1621 = %scan3A_1049#0, %scan3A_1622 = %scan3A_1049#1) -> (vector<16xf32>, vector<16xi32>)  : i32 {
      %mul3A_1623 = arith.constant 16 : i32
      %mul3A_1624 = arith.muli %scan3A_1620, %mul3A_1623 : i32
      %add3A_1625 = arith.constant 50000 : i32
      %add3A_1626 = arith.addi %add3A_1625, %mul3A_1624 : i32
      %get3A_1627 = arith.index_cast %add3A_1626 : i32 to index
      %get3A_1628 = tpu.vector_load %arg6[%get3A_1627] {strides = array<i32>} : memref<100000xf32, #tpu.memory_space<vmem>>, vector<16xf32>,
      %get3A_1629 = vector.shape_cast %get3A_1628 : vector<16xf32> to vector<16xf32>
      %mul3A_1630 = arith.constant 16 : i32
      %mul3A_1631 = arith.muli %scan3A_1620, %mul3A_1630 : i32
      %get3A_1632 = arith.index_cast %mul3A_1631 : i32 to index
      %get3A_1633 = tpu.vector_load %arg8[%get3A_1632] {strides = array<i32>} : memref<10000xf32, #tpu.memory_space<vmem>>, vector<16xf32>,
      %get3A_1634 = vector.shape_cast %get3A_1633 : vector<16xf32> to vector<16xf32>
      %div3A_1635 = arith.divf %get3A_1629, %select_n3A_981 : vector<16xf32>
      %sub3A = arith.subf %div3A_1635, %div3A_982 : vector<16xf32>
      %exp3A = math.exp %sub3A : vector<16xf32>
      %max3A_1636 = arith.constant 1.000000e-10 : f32
      %max3A_1637 = vector.broadcast %max3A_1636 : f32 to vector<16xf32>
      %max3A_1638 = arith.maximumf %get3A_1634, %max3A_1637 : vector<16xf32>
      %div3A_1639 = arith.divf %exp3A, %max3A_1638 : vector<16xf32>
      %select_n3A_1640 = arith.select %eq3A_978, %exp3A, %div3A_1639 : vector<16xi1>, vector<16xf32>
      %broadcast_in_dim3A_1641 = vector.broadcast %add3A_1626 : i32 to vector<16xi32>
      %add3A_1642 = arith.addi %iota3A, %broadcast_in_dim3A_1641 : vector<16xi32>
      %gt3A = arith.cmpf ogt, %select_n3A_1640, %scan3A_1621 : vector<16xf32>
      %select_n3A_1643 = arith.select %gt3A, %select_n3A_1640, %scan3A_1621 : vector<16xi1>, vector<16xf32>
      %select_n3A_1644 = arith.select %gt3A, %add3A_1642, %scan3A_1622 : vector<16xi1>, vector<16xi32>
      scf.yield %select_n3A_1643, %select_n3A_1644 : vector<16xf32>, vector<16xi32>
    }
    %scan3A_1064 = arith.constant 625 : i32
    %mul3A_1065 = arith.constant 100000 : i32
    %mul3A_1066 = arith.muli %add3A_806, %mul3A_1065 : i32
    %add3A_1067 = arith.constant 70000 : i32
    %add3A_1068 = arith.addi %mul3A_1066, %add3A_1067 : i32
    %dma_start3A_1069 = tpu.memref_slice %arg4[%add3A_1068] : memref<12800000xf32, #tpu.memory_space<hbm>> -> memref<10000xf32, #tpu.memory_space<hbm>>
    %dma_start3A_1070 = tpu.memref_slice %arg4[%add3A_1068] : memref<12800000xf32, #tpu.memory_space<hbm>> -> memref<10000xf32, #tpu.memory_space<hbm>>
    tpu.enqueue_dma source(%dma_start3A_1070 : memref<10000xf32, #tpu.memory_space<hbm>>) target(%arg8 : memref<10000xf32, #tpu.memory_space<vmem>>) target_semaphore(%arg17 : memref<!tpu.dma_semaphore, #tpu.memory_space<semaphore_mem>>)
    %dma_wait3A_1071 = tpu.memref_slice %arg4[%add3A_1054] : memref<12800000xf32, #tpu.memory_space<hbm>> -> memref<10000xf32, #tpu.memory_space<hbm>>
    %dma_wait3A_1072 = tpu.memref_slice %arg4[%add3A_1054] : memref<12800000xf32, #tpu.memory_space<hbm>> -> memref<10000xf32, #tpu.memory_space<hbm>>
    tpu.wait_dma2 semaphore(%arg16 : memref<!tpu.dma_semaphore, #tpu.memory_space<semaphore_mem>>) src(%dma_wait3A_1072 : memref<10000xf32, #tpu.memory_space<hbm>>) dst(%arg7 : memref<10000xf32, #tpu.memory_space<vmem>>)
    %scan3A_1073 = arith.constant 0 : i32
    %scan3A_1074 = arith.constant 625 : i32
    %scan3A_1075 = arith.addi %scan3A_1073, %scan3A_1074 : i32
    %scan3A_1076 = arith.constant 1 : i32
    %scan3A_1077:2 = scf.for %scan3A_1620 = %scan3A_1073 to %scan3A_1075 step %scan3A_1076 iter_args(%scan3A_1621 = %scan3A_1063#0, %scan3A_1622 = %scan3A_1063#1) -> (vector<16xf32>, vector<16xi32>)  : i32 {
      %mul3A_1623 = arith.constant 16 : i32
      %mul3A_1624 = arith.muli %scan3A_1620, %mul3A_1623 : i32
      %add3A_1625 = arith.constant 60000 : i32
      %add3A_1626 = arith.addi %add3A_1625, %mul3A_1624 : i32
      %get3A_1627 = arith.index_cast %add3A_1626 : i32 to index
      %get3A_1628 = tpu.vector_load %arg6[%get3A_1627] {strides = array<i32>} : memref<100000xf32, #tpu.memory_space<vmem>>, vector<16xf32>,
      %get3A_1629 = vector.shape_cast %get3A_1628 : vector<16xf32> to vector<16xf32>
      %mul3A_1630 = arith.constant 16 : i32
      %mul3A_1631 = arith.muli %scan3A_1620, %mul3A_1630 : i32
      %get3A_1632 = arith.index_cast %mul3A_1631 : i32 to index
      %get3A_1633 = tpu.vector_load %arg7[%get3A_1632] {strides = array<i32>} : memref<10000xf32, #tpu.memory_space<vmem>>, vector<16xf32>,
      %get3A_1634 = vector.shape_cast %get3A_1633 : vector<16xf32> to vector<16xf32>
      %div3A_1635 = arith.divf %get3A_1629, %select_n3A_981 : vector<16xf32>
      %sub3A = arith.subf %div3A_1635, %div3A_982 : vector<16xf32>
      %exp3A = math.exp %sub3A : vector<16xf32>
      %max3A_1636 = arith.constant 1.000000e-10 : f32
      %max3A_1637 = vector.broadcast %max3A_1636 : f32 to vector<16xf32>
      %max3A_1638 = arith.maximumf %get3A_1634, %max3A_1637 : vector<16xf32>
      %div3A_1639 = arith.divf %exp3A, %max3A_1638 : vector<16xf32>
      %select_n3A_1640 = arith.select %eq3A_978, %exp3A, %div3A_1639 : vector<16xi1>, vector<16xf32>
      %broadcast_in_dim3A_1641 = vector.broadcast %add3A_1626 : i32 to vector<16xi32>
      %add3A_1642 = arith.addi %iota3A, %broadcast_in_dim3A_1641 : vector<16xi32>
      %gt3A = arith.cmpf ogt, %select_n3A_1640, %scan3A_1621 : vector<16xf32>
      %select_n3A_1643 = arith.select %gt3A, %select_n3A_1640, %scan3A_1621 : vector<16xi1>, vector<16xf32>
      %select_n3A_1644 = arith.select %gt3A, %add3A_1642, %scan3A_1622 : vector<16xi1>, vector<16xi32>
      scf.yield %select_n3A_1643, %select_n3A_1644 : vector<16xf32>, vector<16xi32>
    }
    %scan3A_1078 = arith.constant 625 : i32
    %mul3A_1079 = arith.constant 100000 : i32
    %mul3A_1080 = arith.muli %add3A_806, %mul3A_1079 : i32
    %add3A_1081 = arith.constant 80000 : i32
    %add3A_1082 = arith.addi %mul3A_1080, %add3A_1081 : i32
    %dma_start3A_1083 = tpu.memref_slice %arg4[%add3A_1082] : memref<12800000xf32, #tpu.memory_space<hbm>> -> memref<10000xf32, #tpu.memory_space<hbm>>
    %dma_start3A_1084 = tpu.memref_slice %arg4[%add3A_1082] : memref<12800000xf32, #tpu.memory_space<hbm>> -> memref<10000xf32, #tpu.memory_space<hbm>>
    tpu.enqueue_dma source(%dma_start3A_1084 : memref<10000xf32, #tpu.memory_space<hbm>>) target(%arg7 : memref<10000xf32, #tpu.memory_space<vmem>>) target_semaphore(%arg16 : memref<!tpu.dma_semaphore, #tpu.memory_space<semaphore_mem>>)
    %dma_wait3A_1085 = tpu.memref_slice %arg4[%add3A_1068] : memref<12800000xf32, #tpu.memory_space<hbm>> -> memref<10000xf32, #tpu.memory_space<hbm>>
    %dma_wait3A_1086 = tpu.memref_slice %arg4[%add3A_1068] : memref<12800000xf32, #tpu.memory_space<hbm>> -> memref<10000xf32, #tpu.memory_space<hbm>>
    tpu.wait_dma2 semaphore(%arg17 : memref<!tpu.dma_semaphore, #tpu.memory_space<semaphore_mem>>) src(%dma_wait3A_1086 : memref<10000xf32, #tpu.memory_space<hbm>>) dst(%arg8 : memref<10000xf32, #tpu.memory_space<vmem>>)
    %scan3A_1087 = arith.constant 0 : i32
    %scan3A_1088 = arith.constant 625 : i32
    %scan3A_1089 = arith.addi %scan3A_1087, %scan3A_1088 : i32
    %scan3A_1090 = arith.constant 1 : i32
    %scan3A_1091:2 = scf.for %scan3A_1620 = %scan3A_1087 to %scan3A_1089 step %scan3A_1090 iter_args(%scan3A_1621 = %scan3A_1077#0, %scan3A_1622 = %scan3A_1077#1) -> (vector<16xf32>, vector<16xi32>)  : i32 {
      %mul3A_1623 = arith.constant 16 : i32
      %mul3A_1624 = arith.muli %scan3A_1620, %mul3A_1623 : i32
      %add3A_1625 = arith.constant 70000 : i32
      %add3A_1626 = arith.addi %add3A_1625, %mul3A_1624 : i32
      %get3A_1627 = arith.index_cast %add3A_1626 : i32 to index
      %get3A_1628 = tpu.vector_load %arg6[%get3A_1627] {strides = array<i32>} : memref<100000xf32, #tpu.memory_space<vmem>>, vector<16xf32>,
      %get3A_1629 = vector.shape_cast %get3A_1628 : vector<16xf32> to vector<16xf32>
      %mul3A_1630 = arith.constant 16 : i32
      %mul3A_1631 = arith.muli %scan3A_1620, %mul3A_1630 : i32
      %get3A_1632 = arith.index_cast %mul3A_1631 : i32 to index
      %get3A_1633 = tpu.vector_load %arg8[%get3A_1632] {strides = array<i32>} : memref<10000xf32, #tpu.memory_space<vmem>>, vector<16xf32>,
      %get3A_1634 = vector.shape_cast %get3A_1633 : vector<16xf32> to vector<16xf32>
      %div3A_1635 = arith.divf %get3A_1629, %select_n3A_981 : vector<16xf32>
      %sub3A = arith.subf %div3A_1635, %div3A_982 : vector<16xf32>
      %exp3A = math.exp %sub3A : vector<16xf32>
      %max3A_1636 = arith.constant 1.000000e-10 : f32
      %max3A_1637 = vector.broadcast %max3A_1636 : f32 to vector<16xf32>
      %max3A_1638 = arith.maximumf %get3A_1634, %max3A_1637 : vector<16xf32>
      %div3A_1639 = arith.divf %exp3A, %max3A_1638 : vector<16xf32>
      %select_n3A_1640 = arith.select %eq3A_978, %exp3A, %div3A_1639 : vector<16xi1>, vector<16xf32>
      %broadcast_in_dim3A_1641 = vector.broadcast %add3A_1626 : i32 to vector<16xi32>
      %add3A_1642 = arith.addi %iota3A, %broadcast_in_dim3A_1641 : vector<16xi32>
      %gt3A = arith.cmpf ogt, %select_n3A_1640, %scan3A_1621 : vector<16xf32>
      %select_n3A_1643 = arith.select %gt3A, %select_n3A_1640, %scan3A_1621 : vector<16xi1>, vector<16xf32>
      %select_n3A_1644 = arith.select %gt3A, %add3A_1642, %scan3A_1622 : vector<16xi1>, vector<16xi32>
      scf.yield %select_n3A_1643, %select_n3A_1644 : vector<16xf32>, vector<16xi32>
    }
    %scan3A_1092 = arith.constant 625 : i32
    %mul3A_1093 = arith.constant 100000 : i32
    %mul3A_1094 = arith.muli %add3A_806, %mul3A_1093 : i32
    %add3A_1095 = arith.constant 90000 : i32
    %add3A_1096 = arith.addi %mul3A_1094, %add3A_1095 : i32
    %dma_start3A_1097 = tpu.memref_slice %arg4[%add3A_1096] : memref<12800000xf32, #tpu.memory_space<hbm>> -> memref<10000xf32, #tpu.memory_space<hbm>>
    %dma_start3A_1098 = tpu.memref_slice %arg4[%add3A_1096] : memref<12800000xf32, #tpu.memory_space<hbm>> -> memref<10000xf32, #tpu.memory_space<hbm>>
    tpu.enqueue_dma source(%dma_start3A_1098 : memref<10000xf32, #tpu.memory_space<hbm>>) target(%arg8 : memref<10000xf32, #tpu.memory_space<vmem>>) target_semaphore(%arg17 : memref<!tpu.dma_semaphore, #tpu.memory_space<semaphore_mem>>)
    %dma_wait3A_1099 = tpu.memref_slice %arg4[%add3A_1082] : memref<12800000xf32, #tpu.memory_space<hbm>> -> memref<10000xf32, #tpu.memory_space<hbm>>
    %dma_wait3A_1100 = tpu.memref_slice %arg4[%add3A_1082] : memref<12800000xf32, #tpu.memory_space<hbm>> -> memref<10000xf32, #tpu.memory_space<hbm>>
    tpu.wait_dma2 semaphore(%arg16 : memref<!tpu.dma_semaphore, #tpu.memory_space<semaphore_mem>>) src(%dma_wait3A_1100 : memref<10000xf32, #tpu.memory_space<hbm>>) dst(%arg7 : memref<10000xf32, #tpu.memory_space<vmem>>)
    %scan3A_1101 = arith.constant 0 : i32
    %scan3A_1102 = arith.constant 625 : i32
    %scan3A_1103 = arith.addi %scan3A_1101, %scan3A_1102 : i32
    %scan3A_1104 = arith.constant 1 : i32
    %scan3A_1105:2 = scf.for %scan3A_1620 = %scan3A_1101 to %scan3A_1103 step %scan3A_1104 iter_args(%scan3A_1621 = %scan3A_1091#0, %scan3A_1622 = %scan3A_1091#1) -> (vector<16xf32>, vector<16xi32>)  : i32 {
      %mul3A_1623 = arith.constant 16 : i32
      %mul3A_1624 = arith.muli %scan3A_1620, %mul3A_1623 : i32
      %add3A_1625 = arith.constant 80000 : i32
      %add3A_1626 = arith.addi %add3A_1625, %mul3A_1624 : i32
      %get3A_1627 = arith.index_cast %add3A_1626 : i32 to index
      %get3A_1628 = tpu.vector_load %arg6[%get3A_1627] {strides = array<i32>} : memref<100000xf32, #tpu.memory_space<vmem>>, vector<16xf32>,
      %get3A_1629 = vector.shape_cast %get3A_1628 : vector<16xf32> to vector<16xf32>
      %mul3A_1630 = arith.constant 16 : i32
      %mul3A_1631 = arith.muli %scan3A_1620, %mul3A_1630 : i32
      %get3A_1632 = arith.index_cast %mul3A_1631 : i32 to index
      %get3A_1633 = tpu.vector_load %arg7[%get3A_1632] {strides = array<i32>} : memref<10000xf32, #tpu.memory_space<vmem>>, vector<16xf32>,
      %get3A_1634 = vector.shape_cast %get3A_1633 : vector<16xf32> to vector<16xf32>
      %div3A_1635 = arith.divf %get3A_1629, %select_n3A_981 : vector<16xf32>
      %sub3A = arith.subf %div3A_1635, %div3A_982 : vector<16xf32>
      %exp3A = math.exp %sub3A : vector<16xf32>
      %max3A_1636 = arith.constant 1.000000e-10 : f32
      %max3A_1637 = vector.broadcast %max3A_1636 : f32 to vector<16xf32>
      %max3A_1638 = arith.maximumf %get3A_1634, %max3A_1637 : vector<16xf32>
      %div3A_1639 = arith.divf %exp3A, %max3A_1638 : vector<16xf32>
      %select_n3A_1640 = arith.select %eq3A_978, %exp3A, %div3A_1639 : vector<16xi1>, vector<16xf32>
      %broadcast_in_dim3A_1641 = vector.broadcast %add3A_1626 : i32 to vector<16xi32>
      %add3A_1642 = arith.addi %iota3A, %broadcast_in_dim3A_1641 : vector<16xi32>
      %gt3A = arith.cmpf ogt, %select_n3A_1640, %scan3A_1621 : vector<16xf32>
      %select_n3A_1643 = arith.select %gt3A, %select_n3A_1640, %scan3A_1621 : vector<16xi1>, vector<16xf32>
      %select_n3A_1644 = arith.select %gt3A, %add3A_1642, %scan3A_1622 : vector<16xi1>, vector<16xi32>
      scf.yield %select_n3A_1643, %select_n3A_1644 : vector<16xf32>, vector<16xi32>
    }
    %scan3A_1106 = arith.constant 625 : i32
    %dma_wait3A_1107 = tpu.memref_slice %arg4[%add3A_1096] : memref<12800000xf32, #tpu.memory_space<hbm>> -> memref<10000xf32, #tpu.memory_space<hbm>>
    %dma_wait3A_1108 = tpu.memref_slice %arg4[%add3A_1096] : memref<12800000xf32, #tpu.memory_space<hbm>> -> memref<10000xf32, #tpu.memory_space<hbm>>
    tpu.wait_dma2 semaphore(%arg17 : memref<!tpu.dma_semaphore, #tpu.memory_space<semaphore_mem>>) src(%dma_wait3A_1108 : memref<10000xf32, #tpu.memory_space<hbm>>) dst(%arg8 : memref<10000xf32, #tpu.memory_space<vmem>>)
    %scan3A_1109 = arith.constant 0 : i32
    %scan3A_1110 = arith.constant 625 : i32
    %scan3A_1111 = arith.addi %scan3A_1109, %scan3A_1110 : i32
    %scan3A_1112 = arith.constant 1 : i32
    %scan3A_1113:2 = scf.for %scan3A_1620 = %scan3A_1109 to %scan3A_1111 step %scan3A_1112 iter_args(%scan3A_1621 = %scan3A_1105#0, %scan3A_1622 = %scan3A_1105#1) -> (vector<16xf32>, vector<16xi32>)  : i32 {
      %mul3A_1623 = arith.constant 16 : i32
      %mul3A_1624 = arith.muli %scan3A_1620, %mul3A_1623 : i32
      %add3A_1625 = arith.constant 90000 : i32
      %add3A_1626 = arith.addi %add3A_1625, %mul3A_1624 : i32
      %get3A_1627 = arith.index_cast %add3A_1626 : i32 to index
      %get3A_1628 = tpu.vector_load %arg6[%get3A_1627] {strides = array<i32>} : memref<100000xf32, #tpu.memory_space<vmem>>, vector<16xf32>,
      %get3A_1629 = vector.shape_cast %get3A_1628 : vector<16xf32> to vector<16xf32>
      %mul3A_1630 = arith.constant 16 : i32
      %mul3A_1631 = arith.muli %scan3A_1620, %mul3A_1630 : i32
      %get3A_1632 = arith.index_cast %mul3A_1631 : i32 to index
      %get3A_1633 = tpu.vector_load %arg8[%get3A_1632] {strides = array<i32>} : memref<10000xf32, #tpu.memory_space<vmem>>, vector<16xf32>,
      %get3A_1634 = vector.shape_cast %get3A_1633 : vector<16xf32> to vector<16xf32>
      %div3A_1635 = arith.divf %get3A_1629, %select_n3A_981 : vector<16xf32>
      %sub3A = arith.subf %div3A_1635, %div3A_982 : vector<16xf32>
      %exp3A = math.exp %sub3A : vector<16xf32>
      %max3A_1636 = arith.constant 1.000000e-10 : f32
      %max3A_1637 = vector.broadcast %max3A_1636 : f32 to vector<16xf32>
      %max3A_1638 = arith.maximumf %get3A_1634, %max3A_1637 : vector<16xf32>
      %div3A_1639 = arith.divf %exp3A, %max3A_1638 : vector<16xf32>
      %select_n3A_1640 = arith.select %eq3A_978, %exp3A, %div3A_1639 : vector<16xi1>, vector<16xf32>
      %broadcast_in_dim3A_1641 = vector.broadcast %add3A_1626 : i32 to vector<16xi32>
      %add3A_1642 = arith.addi %iota3A, %broadcast_in_dim3A_1641 : vector<16xi32>
      %gt3A = arith.cmpf ogt, %select_n3A_1640, %scan3A_1621 : vector<16xf32>
      %select_n3A_1643 = arith.select %gt3A, %select_n3A_1640, %scan3A_1621 : vector<16xi1>, vector<16xf32>
      %select_n3A_1644 = arith.select %gt3A, %add3A_1642, %scan3A_1622 : vector<16xi1>, vector<16xi32>
      scf.yield %select_n3A_1643, %select_n3A_1644 : vector<16xf32>, vector<16xi32>
    }
    %scan3A_1114 = arith.constant 625 : i32
    %add3A_1115 = arith.constant 8 : i32
    %add3A_1116 = vector.broadcast %add3A_1115 : i32 to vector<16xi32>
    %add3A_1117 = arith.addi %iota3A, %add3A_1116 : vector<16xi32>
    %and3A_1118 = arith.constant 15 : i32
    %and3A_1119 = vector.broadcast %and3A_1118 : i32 to vector<16xi32>
    %and3A_1120 = arith.andi %add3A_1117, %and3A_1119 : vector<16xi32>
    %broadcast_in_dim3A_1121 = vector.shape_cast %and3A_1120 : vector<16xi32> to vector<16x1xi32>
    %gather3A_1122 = vector.shape_cast %broadcast_in_dim3A_1121 : vector<16x1xi32> to vector<16xi32>
    %gather3A_1123 = tpu.dynamic_gather %scan3A_1113#0[%gather3A_1122] in [0] : vector<16xf32>, vector<16xi32> -> vector<16xf32>
    %max3A_1124 = arith.maximumf %scan3A_1113#0, %gather3A_1123 : vector<16xf32>
    %add3A_1125 = arith.constant 4 : i32
    %add3A_1126 = vector.broadcast %add3A_1125 : i32 to vector<16xi32>
    %add3A_1127 = arith.addi %iota3A, %add3A_1126 : vector<16xi32>
    %and3A_1128 = arith.constant 15 : i32
    %and3A_1129 = vector.broadcast %and3A_1128 : i32 to vector<16xi32>
    %and3A_1130 = arith.andi %add3A_1127, %and3A_1129 : vector<16xi32>
    %broadcast_in_dim3A_1131 = vector.shape_cast %and3A_1130 : vector<16xi32> to vector<16x1xi32>
    %gather3A_1132 = vector.shape_cast %broadcast_in_dim3A_1131 : vector<16x1xi32> to vector<16xi32>
    %gather3A_1133 = tpu.dynamic_gather %max3A_1124[%gather3A_1132] in [0] : vector<16xf32>, vector<16xi32> -> vector<16xf32>
    %max3A_1134 = arith.maximumf %max3A_1124, %gather3A_1133 : vector<16xf32>
    %add3A_1135 = arith.constant 2 : i32
    %add3A_1136 = vector.broadcast %add3A_1135 : i32 to vector<16xi32>
    %add3A_1137 = arith.addi %iota3A, %add3A_1136 : vector<16xi32>
    %and3A_1138 = arith.constant 15 : i32
    %and3A_1139 = vector.broadcast %and3A_1138 : i32 to vector<16xi32>
    %and3A_1140 = arith.andi %add3A_1137, %and3A_1139 : vector<16xi32>
    %broadcast_in_dim3A_1141 = vector.shape_cast %and3A_1140 : vector<16xi32> to vector<16x1xi32>
    %gather3A_1142 = vector.shape_cast %broadcast_in_dim3A_1141 : vector<16x1xi32> to vector<16xi32>
    %gather3A_1143 = tpu.dynamic_gather %max3A_1134[%gather3A_1142] in [0] : vector<16xf32>, vector<16xi32> -> vector<16xf32>
    %max3A_1144 = arith.maximumf %max3A_1134, %gather3A_1143 : vector<16xf32>
    %add3A_1145 = arith.constant 1 : i32
    %add3A_1146 = vector.broadcast %add3A_1145 : i32 to vector<16xi32>
    %add3A_1147 = arith.addi %iota3A, %add3A_1146 : vector<16xi32>
    %and3A_1148 = arith.constant 15 : i32
    %and3A_1149 = vector.broadcast %and3A_1148 : i32 to vector<16xi32>
    %and3A_1150 = arith.andi %add3A_1147, %and3A_1149 : vector<16xi32>
    %broadcast_in_dim3A_1151 = vector.shape_cast %and3A_1150 : vector<16xi32> to vector<16x1xi32>
    %gather3A_1152 = vector.shape_cast %broadcast_in_dim3A_1151 : vector<16x1xi32> to vector<16xi32>
    %gather3A_1153 = tpu.dynamic_gather %max3A_1144[%gather3A_1152] in [0] : vector<16xf32>, vector<16xi32> -> vector<16xf32>
    %max3A_1154 = arith.maximumf %max3A_1144, %gather3A_1153 : vector<16xf32>
    %eq3A_1155 = arith.cmpf oeq, %scan3A_1113#0, %max3A_1154 : vector<16xf32>
    %broadcast_in_dim3A_1156 = arith.constant 2147483647 : i32
    %broadcast_in_dim3A_1157 = vector.broadcast %broadcast_in_dim3A_1156 : i32 to vector<16xi32>
    %select_n3A_1158 = arith.select %eq3A_1155, %scan3A_1113#1, %broadcast_in_dim3A_1157 : vector<16xi1>, vector<16xi32>
    %neg3A_1159 = arith.constant 0 : i32
    %neg3A_1160 = vector.broadcast %neg3A_1159 : i32 to vector<16xi32>
    %neg3A_1161 = arith.subi %neg3A_1160, %select_n3A_1158 : vector<16xi32>
    %add3A_1162 = arith.constant 8 : i32
    %add3A_1163 = vector.broadcast %add3A_1162 : i32 to vector<16xi32>
    %add3A_1164 = arith.addi %iota3A, %add3A_1163 : vector<16xi32>
    %and3A_1165 = arith.constant 15 : i32
    %and3A_1166 = vector.broadcast %and3A_1165 : i32 to vector<16xi32>
    %and3A_1167 = arith.andi %add3A_1164, %and3A_1166 : vector<16xi32>
    %broadcast_in_dim3A_1168 = vector.shape_cast %and3A_1167 : vector<16xi32> to vector<16x1xi32>
    %gather3A_1169 = vector.shape_cast %broadcast_in_dim3A_1168 : vector<16x1xi32> to vector<16xi32>
    %gather3A_1170 = tpu.dynamic_gather %neg3A_1161[%gather3A_1169] in [0] : vector<16xi32>, vector<16xi32> -> vector<16xi32>
    %max3A_1171 = arith.maxsi %neg3A_1161, %gather3A_1170 : vector<16xi32>
    %add3A_1172 = arith.constant 4 : i32
    %add3A_1173 = vector.broadcast %add3A_1172 : i32 to vector<16xi32>
    %add3A_1174 = arith.addi %iota3A, %add3A_1173 : vector<16xi32>
    %and3A_1175 = arith.constant 15 : i32
    %and3A_1176 = vector.broadcast %and3A_1175 : i32 to vector<16xi32>
    %and3A_1177 = arith.andi %add3A_1174, %and3A_1176 : vector<16xi32>
    %broadcast_in_dim3A_1178 = vector.shape_cast %and3A_1177 : vector<16xi32> to vector<16x1xi32>
    %gather3A_1179 = vector.shape_cast %broadcast_in_dim3A_1178 : vector<16x1xi32> to vector<16xi32>
    %gather3A_1180 = tpu.dynamic_gather %max3A_1171[%gather3A_1179] in [0] : vector<16xi32>, vector<16xi32> -> vector<16xi32>
    %max3A_1181 = arith.maxsi %max3A_1171, %gather3A_1180 : vector<16xi32>
    %add3A_1182 = arith.constant 2 : i32
    %add3A_1183 = vector.broadcast %add3A_1182 : i32 to vector<16xi32>
    %add3A_1184 = arith.addi %iota3A, %add3A_1183 : vector<16xi32>
    %and3A_1185 = arith.constant 15 : i32
    %and3A_1186 = vector.broadcast %and3A_1185 : i32 to vector<16xi32>
    %and3A_1187 = arith.andi %add3A_1184, %and3A_1186 : vector<16xi32>
    %broadcast_in_dim3A_1188 = vector.shape_cast %and3A_1187 : vector<16xi32> to vector<16x1xi32>
    %gather3A_1189 = vector.shape_cast %broadcast_in_dim3A_1188 : vector<16x1xi32> to vector<16xi32>
    %gather3A_1190 = tpu.dynamic_gather %max3A_1181[%gather3A_1189] in [0] : vector<16xi32>, vector<16xi32> -> vector<16xi32>
    %max3A_1191 = arith.maxsi %max3A_1181, %gather3A_1190 : vector<16xi32>
    %add3A_1192 = arith.constant 1 : i32
    %add3A_1193 = vector.broadcast %add3A_1192 : i32 to vector<16xi32>
    %add3A_1194 = arith.addi %iota3A, %add3A_1193 : vector<16xi32>
    %and3A_1195 = arith.constant 15 : i32
    %and3A_1196 = vector.broadcast %and3A_1195 : i32 to vector<16xi32>
    %and3A_1197 = arith.andi %add3A_1194, %and3A_1196 : vector<16xi32>
    %broadcast_in_dim3A_1198 = vector.shape_cast %and3A_1197 : vector<16xi32> to vector<16x1xi32>
    %gather3A_1199 = vector.shape_cast %broadcast_in_dim3A_1198 : vector<16x1xi32> to vector<16xi32>
    %gather3A_1200 = tpu.dynamic_gather %max3A_1191[%gather3A_1199] in [0] : vector<16xi32>, vector<16xi32> -> vector<16xi32>
    %max3A_1201 = arith.maxsi %max3A_1191, %gather3A_1200 : vector<16xi32>
    %neg3A_1202 = arith.constant 0 : i32
    %neg3A_1203 = vector.broadcast %neg3A_1202 : i32 to vector<16xi32>
    %neg3A_1204 = arith.subi %neg3A_1203, %max3A_1201 : vector<16xi32>
    %eq3A_1205 = arith.constant 2 : i32
    %eq3A_1206 = vector.broadcast %eq3A_1205 : i32 to vector<16xi32>
    %eq3A_1207 = arith.cmpi eq, %iota3A, %eq3A_1206 : vector<16xi32>
    %select_n3A_1208 = arith.select %eq3A_1207, %neg3A_1204, %select_n3A_802 : vector<16xi1>, vector<16xi32>
    %mul3A_1209 = arith.constant 4 : i32
    %mul3A_1210 = arith.muli %add3A, %mul3A_1209 : i32
    %add3A_1211 = arith.constant 3 : i32
    %add3A_1212 = arith.addi %mul3A_1210, %add3A_1211 : i32
    %mul3A_1213 = arith.constant 100000 : i32
    %mul3A_1214 = arith.muli %add3A_1212, %mul3A_1213 : i32
    %add3A_1215 = arith.constant 0 : i32
    %add3A_1216 = arith.addi %mul3A_1214, %add3A_1215 : i32
    %dma_start3A_1217 = arith.constant 0 : i32
    %dma_start3A_1218 = tpu.memref_slice %arg6[%dma_start3A_1217] : memref<100000xf32, #tpu.memory_space<vmem>> -> memref<20000xf32, #tpu.memory_space<vmem>>
    %dma_start3A_1219 = tpu.memref_slice %arg2[%add3A_1216] : memref<12800000xf32, #tpu.memory_space<hbm>> -> memref<20000xf32, #tpu.memory_space<hbm>>
    %dma_start3A_1220 = arith.constant 0 : i32
    %dma_start3A_1221 = tpu.memref_slice %arg6[%dma_start3A_1220] : memref<100000xf32, #tpu.memory_space<vmem>> -> memref<20000xf32, #tpu.memory_space<vmem>>
    %dma_start3A_1222 = tpu.memref_slice %arg2[%add3A_1216] : memref<12800000xf32, #tpu.memory_space<hbm>> -> memref<20000xf32, #tpu.memory_space<hbm>>
    tpu.enqueue_dma source(%dma_start3A_1222 : memref<20000xf32, #tpu.memory_space<hbm>>) target(%dma_start3A_1221 : memref<20000xf32, #tpu.memory_space<vmem>>) target_semaphore(%arg11 : memref<!tpu.dma_semaphore, #tpu.memory_space<semaphore_mem>>)
    %mul3A_1223 = arith.constant 100000 : i32
    %mul3A_1224 = arith.muli %add3A_1212, %mul3A_1223 : i32
    %add3A_1225 = arith.constant 20000 : i32
    %add3A_1226 = arith.addi %mul3A_1224, %add3A_1225 : i32
    %dma_start3A_1227 = arith.constant 20000 : i32
    %dma_start3A_1228 = tpu.memref_slice %arg6[%dma_start3A_1227] : memref<100000xf32, #tpu.memory_space<vmem>> -> memref<20000xf32, #tpu.memory_space<vmem>>
    %dma_start3A_1229 = tpu.memref_slice %arg2[%add3A_1226] : memref<12800000xf32, #tpu.memory_space<hbm>> -> memref<20000xf32, #tpu.memory_space<hbm>>
    %dma_start3A_1230 = arith.constant 20000 : i32
    %dma_start3A_1231 = tpu.memref_slice %arg6[%dma_start3A_1230] : memref<100000xf32, #tpu.memory_space<vmem>> -> memref<20000xf32, #tpu.memory_space<vmem>>
    %dma_start3A_1232 = tpu.memref_slice %arg2[%add3A_1226] : memref<12800000xf32, #tpu.memory_space<hbm>> -> memref<20000xf32, #tpu.memory_space<hbm>>
    tpu.enqueue_dma source(%dma_start3A_1232 : memref<20000xf32, #tpu.memory_space<hbm>>) target(%dma_start3A_1231 : memref<20000xf32, #tpu.memory_space<vmem>>) target_semaphore(%arg12 : memref<!tpu.dma_semaphore, #tpu.memory_space<semaphore_mem>>)
    %mul3A_1233 = arith.constant 100000 : i32
    %mul3A_1234 = arith.muli %add3A_1212, %mul3A_1233 : i32
    %add3A_1235 = arith.constant 40000 : i32
    %add3A_1236 = arith.addi %mul3A_1234, %add3A_1235 : i32
    %dma_start3A_1237 = arith.constant 40000 : i32
    %dma_start3A_1238 = tpu.memref_slice %arg6[%dma_start3A_1237] : memref<100000xf32, #tpu.memory_space<vmem>> -> memref<20000xf32, #tpu.memory_space<vmem>>
    %dma_start3A_1239 = tpu.memref_slice %arg2[%add3A_1236] : memref<12800000xf32, #tpu.memory_space<hbm>> -> memref<20000xf32, #tpu.memory_space<hbm>>
    %dma_start3A_1240 = arith.constant 40000 : i32
    %dma_start3A_1241 = tpu.memref_slice %arg6[%dma_start3A_1240] : memref<100000xf32, #tpu.memory_space<vmem>> -> memref<20000xf32, #tpu.memory_space<vmem>>
    %dma_start3A_1242 = tpu.memref_slice %arg2[%add3A_1236] : memref<12800000xf32, #tpu.memory_space<hbm>> -> memref<20000xf32, #tpu.memory_space<hbm>>
    tpu.enqueue_dma source(%dma_start3A_1242 : memref<20000xf32, #tpu.memory_space<hbm>>) target(%dma_start3A_1241 : memref<20000xf32, #tpu.memory_space<vmem>>) target_semaphore(%arg13 : memref<!tpu.dma_semaphore, #tpu.memory_space<semaphore_mem>>)
    %mul3A_1243 = arith.constant 100000 : i32
    %mul3A_1244 = arith.muli %add3A_1212, %mul3A_1243 : i32
    %add3A_1245 = arith.constant 60000 : i32
    %add3A_1246 = arith.addi %mul3A_1244, %add3A_1245 : i32
    %dma_start3A_1247 = arith.constant 60000 : i32
    %dma_start3A_1248 = tpu.memref_slice %arg6[%dma_start3A_1247] : memref<100000xf32, #tpu.memory_space<vmem>> -> memref<20000xf32, #tpu.memory_space<vmem>>
    %dma_start3A_1249 = tpu.memref_slice %arg2[%add3A_1246] : memref<12800000xf32, #tpu.memory_space<hbm>> -> memref<20000xf32, #tpu.memory_space<hbm>>
    %dma_start3A_1250 = arith.constant 60000 : i32
    %dma_start3A_1251 = tpu.memref_slice %arg6[%dma_start3A_1250] : memref<100000xf32, #tpu.memory_space<vmem>> -> memref<20000xf32, #tpu.memory_space<vmem>>
    %dma_start3A_1252 = tpu.memref_slice %arg2[%add3A_1246] : memref<12800000xf32, #tpu.memory_space<hbm>> -> memref<20000xf32, #tpu.memory_space<hbm>>
    tpu.enqueue_dma source(%dma_start3A_1252 : memref<20000xf32, #tpu.memory_space<hbm>>) target(%dma_start3A_1251 : memref<20000xf32, #tpu.memory_space<vmem>>) target_semaphore(%arg14 : memref<!tpu.dma_semaphore, #tpu.memory_space<semaphore_mem>>)
    %mul3A_1253 = arith.constant 100000 : i32
    %mul3A_1254 = arith.muli %add3A_1212, %mul3A_1253 : i32
    %add3A_1255 = arith.constant 80000 : i32
    %add3A_1256 = arith.addi %mul3A_1254, %add3A_1255 : i32
    %dma_start3A_1257 = arith.constant 80000 : i32
    %dma_start3A_1258 = tpu.memref_slice %arg6[%dma_start3A_1257] : memref<100000xf32, #tpu.memory_space<vmem>> -> memref<20000xf32, #tpu.memory_space<vmem>>
    %dma_start3A_1259 = tpu.memref_slice %arg2[%add3A_1256] : memref<12800000xf32, #tpu.memory_space<hbm>> -> memref<20000xf32, #tpu.memory_space<hbm>>
    %dma_start3A_1260 = arith.constant 80000 : i32
    %dma_start3A_1261 = tpu.memref_slice %arg6[%dma_start3A_1260] : memref<100000xf32, #tpu.memory_space<vmem>> -> memref<20000xf32, #tpu.memory_space<vmem>>
    %dma_start3A_1262 = tpu.memref_slice %arg2[%add3A_1256] : memref<12800000xf32, #tpu.memory_space<hbm>> -> memref<20000xf32, #tpu.memory_space<hbm>>
    tpu.enqueue_dma source(%dma_start3A_1262 : memref<20000xf32, #tpu.memory_space<hbm>>) target(%dma_start3A_1261 : memref<20000xf32, #tpu.memory_space<vmem>>) target_semaphore(%arg15 : memref<!tpu.dma_semaphore, #tpu.memory_space<semaphore_mem>>)
    %mul3A_1263 = arith.constant 100000 : i32
    %mul3A_1264 = arith.muli %add3A_1212, %mul3A_1263 : i32
    %add3A_1265 = arith.constant 0 : i32
    %add3A_1266 = arith.addi %mul3A_1264, %add3A_1265 : i32
    %dma_start3A_1267 = tpu.memref_slice %arg4[%add3A_1266] : memref<12800000xf32, #tpu.memory_space<hbm>> -> memref<10000xf32, #tpu.memory_space<hbm>>
    %dma_start3A_1268 = tpu.memref_slice %arg4[%add3A_1266] : memref<12800000xf32, #tpu.memory_space<hbm>> -> memref<10000xf32, #tpu.memory_space<hbm>>
    tpu.enqueue_dma source(%dma_start3A_1268 : memref<10000xf32, #tpu.memory_space<hbm>>) target(%arg7 : memref<10000xf32, #tpu.memory_space<vmem>>) target_semaphore(%arg16 : memref<!tpu.dma_semaphore, #tpu.memory_space<semaphore_mem>>)
    %mul3A_1269 = arith.constant 100000 : i32
    %mul3A_1270 = arith.muli %add3A_1212, %mul3A_1269 : i32
    %add3A_1271 = arith.constant 10000 : i32
    %add3A_1272 = arith.addi %mul3A_1270, %add3A_1271 : i32
    %dma_start3A_1273 = tpu.memref_slice %arg4[%add3A_1272] : memref<12800000xf32, #tpu.memory_space<hbm>> -> memref<10000xf32, #tpu.memory_space<hbm>>
    %dma_start3A_1274 = tpu.memref_slice %arg4[%add3A_1272] : memref<12800000xf32, #tpu.memory_space<hbm>> -> memref<10000xf32, #tpu.memory_space<hbm>>
    tpu.enqueue_dma source(%dma_start3A_1274 : memref<10000xf32, #tpu.memory_space<hbm>>) target(%arg8 : memref<10000xf32, #tpu.memory_space<vmem>>) target_semaphore(%arg17 : memref<!tpu.dma_semaphore, #tpu.memory_space<semaphore_mem>>)
    %mul3A_1275 = arith.constant 16 : i32
    %mul3A_1276 = arith.muli %add3A_1212, %mul3A_1275 : i32
    "tpu.region"() ({
      %run_scoped3A = tpu.sem_alloc : memref<!tpu.dma_semaphore, #tpu.memory_space<semaphore_mem>>
      %dma_start3A_1620 = tpu.memref_slice %arg3[%mul3A_1276] : memref<2048xf32, #tpu.memory_space<hbm>> -> memref<16xf32, #tpu.memory_space<hbm>>
      %dma_start3A_1621 = tpu.memref_slice %arg3[%mul3A_1276] : memref<2048xf32, #tpu.memory_space<hbm>> -> memref<16xf32, #tpu.memory_space<hbm>>
      tpu.enqueue_dma source(%dma_start3A_1621 : memref<16xf32, #tpu.memory_space<hbm>>) target(%arg9 : memref<16xf32, #tpu.memory_space<vmem>>) target_semaphore(%run_scoped3A : memref<!tpu.dma_semaphore, #tpu.memory_space<semaphore_mem>>)
      %dma_wait3A_1622 = tpu.memref_slice %arg3[%mul3A_1276] : memref<2048xf32, #tpu.memory_space<hbm>> -> memref<16xf32, #tpu.memory_space<hbm>>
      %dma_wait3A_1623 = tpu.memref_slice %arg3[%mul3A_1276] : memref<2048xf32, #tpu.memory_space<hbm>> -> memref<16xf32, #tpu.memory_space<hbm>>
      tpu.wait_dma2 semaphore(%run_scoped3A : memref<!tpu.dma_semaphore, #tpu.memory_space<semaphore_mem>>) src(%dma_wait3A_1623 : memref<16xf32, #tpu.memory_space<hbm>>) dst(%arg9 : memref<16xf32, #tpu.memory_space<vmem>>)
      tpu.yield
    }) : () -> ()
    %broadcast_in_dim3A_1277 = arith.constant 0xFF800000 : f32
    %broadcast_in_dim3A_1278 = vector.broadcast %broadcast_in_dim3A_1277 : f32 to vector<16xf32>
    %dma_wait3A_1279 = arith.constant 0 : i32
    %dma_wait3A_1280 = tpu.memref_slice %arg6[%dma_wait3A_1279] : memref<100000xf32, #tpu.memory_space<vmem>> -> memref<20000xf32, #tpu.memory_space<vmem>>
    %dma_wait3A_1281 = tpu.memref_slice %arg2[%add3A_1216] : memref<12800000xf32, #tpu.memory_space<hbm>> -> memref<20000xf32, #tpu.memory_space<hbm>>
    %dma_wait3A_1282 = arith.constant 0 : i32
    %dma_wait3A_1283 = tpu.memref_slice %arg6[%dma_wait3A_1282] : memref<100000xf32, #tpu.memory_space<vmem>> -> memref<20000xf32, #tpu.memory_space<vmem>>
    %dma_wait3A_1284 = tpu.memref_slice %arg2[%add3A_1216] : memref<12800000xf32, #tpu.memory_space<hbm>> -> memref<20000xf32, #tpu.memory_space<hbm>>
    tpu.wait_dma2 semaphore(%arg11 : memref<!tpu.dma_semaphore, #tpu.memory_space<semaphore_mem>>) src(%dma_wait3A_1284 : memref<20000xf32, #tpu.memory_space<hbm>>) dst(%dma_wait3A_1283 : memref<20000xf32, #tpu.memory_space<vmem>>)
    %scan3A_1285 = arith.constant 0 : i32
    %scan3A_1286 = arith.constant 1250 : i32
    %scan3A_1287 = arith.addi %scan3A_1285, %scan3A_1286 : i32
    %scan3A_1288 = arith.constant 1 : i32
    %scan3A_1289 = scf.for %scan3A_1620 = %scan3A_1285 to %scan3A_1287 step %scan3A_1288 iter_args(%scan3A_1621 = %broadcast_in_dim3A_1278) -> (vector<16xf32>)  : i32 {
      %mul3A_1622 = arith.constant 16 : i32
      %mul3A_1623 = arith.muli %scan3A_1620, %mul3A_1622 : i32
      %add3A_1624 = arith.constant 0 : i32
      %add3A_1625 = arith.addi %add3A_1624, %mul3A_1623 : i32
      %get3A_1626 = arith.index_cast %add3A_1625 : i32 to index
      %get3A_1627 = tpu.vector_load %arg6[%get3A_1626] {strides = array<i32>} : memref<100000xf32, #tpu.memory_space<vmem>>, vector<16xf32>,
      %get3A_1628 = vector.shape_cast %get3A_1627 : vector<16xf32> to vector<16xf32>
      %max3A_1629 = arith.maximumf %scan3A_1621, %get3A_1628 : vector<16xf32>
      scf.yield %max3A_1629 : vector<16xf32>
    }
    %scan3A_1290 = arith.constant 1250 : i32
    %dma_wait3A_1291 = arith.constant 20000 : i32
    %dma_wait3A_1292 = tpu.memref_slice %arg6[%dma_wait3A_1291] : memref<100000xf32, #tpu.memory_space<vmem>> -> memref<20000xf32, #tpu.memory_space<vmem>>
    %dma_wait3A_1293 = tpu.memref_slice %arg2[%add3A_1226] : memref<12800000xf32, #tpu.memory_space<hbm>> -> memref<20000xf32, #tpu.memory_space<hbm>>
    %dma_wait3A_1294 = arith.constant 20000 : i32
    %dma_wait3A_1295 = tpu.memref_slice %arg6[%dma_wait3A_1294] : memref<100000xf32, #tpu.memory_space<vmem>> -> memref<20000xf32, #tpu.memory_space<vmem>>
    %dma_wait3A_1296 = tpu.memref_slice %arg2[%add3A_1226] : memref<12800000xf32, #tpu.memory_space<hbm>> -> memref<20000xf32, #tpu.memory_space<hbm>>
    tpu.wait_dma2 semaphore(%arg12 : memref<!tpu.dma_semaphore, #tpu.memory_space<semaphore_mem>>) src(%dma_wait3A_1296 : memref<20000xf32, #tpu.memory_space<hbm>>) dst(%dma_wait3A_1295 : memref<20000xf32, #tpu.memory_space<vmem>>)
    %scan3A_1297 = arith.constant 0 : i32
    %scan3A_1298 = arith.constant 1250 : i32
    %scan3A_1299 = arith.addi %scan3A_1297, %scan3A_1298 : i32
    %scan3A_1300 = arith.constant 1 : i32
    %scan3A_1301 = scf.for %scan3A_1620 = %scan3A_1297 to %scan3A_1299 step %scan3A_1300 iter_args(%scan3A_1621 = %scan3A_1289) -> (vector<16xf32>)  : i32 {
      %mul3A_1622 = arith.constant 16 : i32
      %mul3A_1623 = arith.muli %scan3A_1620, %mul3A_1622 : i32
      %add3A_1624 = arith.constant 20000 : i32
      %add3A_1625 = arith.addi %add3A_1624, %mul3A_1623 : i32
      %get3A_1626 = arith.index_cast %add3A_1625 : i32 to index
      %get3A_1627 = tpu.vector_load %arg6[%get3A_1626] {strides = array<i32>} : memref<100000xf32, #tpu.memory_space<vmem>>, vector<16xf32>,
      %get3A_1628 = vector.shape_cast %get3A_1627 : vector<16xf32> to vector<16xf32>
      %max3A_1629 = arith.maximumf %scan3A_1621, %get3A_1628 : vector<16xf32>
      scf.yield %max3A_1629 : vector<16xf32>
    }
    %scan3A_1302 = arith.constant 1250 : i32
    %dma_wait3A_1303 = arith.constant 40000 : i32
    %dma_wait3A_1304 = tpu.memref_slice %arg6[%dma_wait3A_1303] : memref<100000xf32, #tpu.memory_space<vmem>> -> memref<20000xf32, #tpu.memory_space<vmem>>
    %dma_wait3A_1305 = tpu.memref_slice %arg2[%add3A_1236] : memref<12800000xf32, #tpu.memory_space<hbm>> -> memref<20000xf32, #tpu.memory_space<hbm>>
    %dma_wait3A_1306 = arith.constant 40000 : i32
    %dma_wait3A_1307 = tpu.memref_slice %arg6[%dma_wait3A_1306] : memref<100000xf32, #tpu.memory_space<vmem>> -> memref<20000xf32, #tpu.memory_space<vmem>>
    %dma_wait3A_1308 = tpu.memref_slice %arg2[%add3A_1236] : memref<12800000xf32, #tpu.memory_space<hbm>> -> memref<20000xf32, #tpu.memory_space<hbm>>
    tpu.wait_dma2 semaphore(%arg13 : memref<!tpu.dma_semaphore, #tpu.memory_space<semaphore_mem>>) src(%dma_wait3A_1308 : memref<20000xf32, #tpu.memory_space<hbm>>) dst(%dma_wait3A_1307 : memref<20000xf32, #tpu.memory_space<vmem>>)
    %scan3A_1309 = arith.constant 0 : i32
    %scan3A_1310 = arith.constant 1250 : i32
    %scan3A_1311 = arith.addi %scan3A_1309, %scan3A_1310 : i32
    %scan3A_1312 = arith.constant 1 : i32
    %scan3A_1313 = scf.for %scan3A_1620 = %scan3A_1309 to %scan3A_1311 step %scan3A_1312 iter_args(%scan3A_1621 = %scan3A_1301) -> (vector<16xf32>)  : i32 {
      %mul3A_1622 = arith.constant 16 : i32
      %mul3A_1623 = arith.muli %scan3A_1620, %mul3A_1622 : i32
      %add3A_1624 = arith.constant 40000 : i32
      %add3A_1625 = arith.addi %add3A_1624, %mul3A_1623 : i32
      %get3A_1626 = arith.index_cast %add3A_1625 : i32 to index
      %get3A_1627 = tpu.vector_load %arg6[%get3A_1626] {strides = array<i32>} : memref<100000xf32, #tpu.memory_space<vmem>>, vector<16xf32>,
      %get3A_1628 = vector.shape_cast %get3A_1627 : vector<16xf32> to vector<16xf32>
      %max3A_1629 = arith.maximumf %scan3A_1621, %get3A_1628 : vector<16xf32>
      scf.yield %max3A_1629 : vector<16xf32>
    }
    %scan3A_1314 = arith.constant 1250 : i32
    %dma_wait3A_1315 = arith.constant 60000 : i32
    %dma_wait3A_1316 = tpu.memref_slice %arg6[%dma_wait3A_1315] : memref<100000xf32, #tpu.memory_space<vmem>> -> memref<20000xf32, #tpu.memory_space<vmem>>
    %dma_wait3A_1317 = tpu.memref_slice %arg2[%add3A_1246] : memref<12800000xf32, #tpu.memory_space<hbm>> -> memref<20000xf32, #tpu.memory_space<hbm>>
    %dma_wait3A_1318 = arith.constant 60000 : i32
    %dma_wait3A_1319 = tpu.memref_slice %arg6[%dma_wait3A_1318] : memref<100000xf32, #tpu.memory_space<vmem>> -> memref<20000xf32, #tpu.memory_space<vmem>>
    %dma_wait3A_1320 = tpu.memref_slice %arg2[%add3A_1246] : memref<12800000xf32, #tpu.memory_space<hbm>> -> memref<20000xf32, #tpu.memory_space<hbm>>
    tpu.wait_dma2 semaphore(%arg14 : memref<!tpu.dma_semaphore, #tpu.memory_space<semaphore_mem>>) src(%dma_wait3A_1320 : memref<20000xf32, #tpu.memory_space<hbm>>) dst(%dma_wait3A_1319 : memref<20000xf32, #tpu.memory_space<vmem>>)
    %scan3A_1321 = arith.constant 0 : i32
    %scan3A_1322 = arith.constant 1250 : i32
    %scan3A_1323 = arith.addi %scan3A_1321, %scan3A_1322 : i32
    %scan3A_1324 = arith.constant 1 : i32
    %scan3A_1325 = scf.for %scan3A_1620 = %scan3A_1321 to %scan3A_1323 step %scan3A_1324 iter_args(%scan3A_1621 = %scan3A_1313) -> (vector<16xf32>)  : i32 {
      %mul3A_1622 = arith.constant 16 : i32
      %mul3A_1623 = arith.muli %scan3A_1620, %mul3A_1622 : i32
      %add3A_1624 = arith.constant 60000 : i32
      %add3A_1625 = arith.addi %add3A_1624, %mul3A_1623 : i32
      %get3A_1626 = arith.index_cast %add3A_1625 : i32 to index
      %get3A_1627 = tpu.vector_load %arg6[%get3A_1626] {strides = array<i32>} : memref<100000xf32, #tpu.memory_space<vmem>>, vector<16xf32>,
      %get3A_1628 = vector.shape_cast %get3A_1627 : vector<16xf32> to vector<16xf32>
      %max3A_1629 = arith.maximumf %scan3A_1621, %get3A_1628 : vector<16xf32>
      scf.yield %max3A_1629 : vector<16xf32>
    }
    %scan3A_1326 = arith.constant 1250 : i32
    %dma_wait3A_1327 = arith.constant 80000 : i32
    %dma_wait3A_1328 = tpu.memref_slice %arg6[%dma_wait3A_1327] : memref<100000xf32, #tpu.memory_space<vmem>> -> memref<20000xf32, #tpu.memory_space<vmem>>
    %dma_wait3A_1329 = tpu.memref_slice %arg2[%add3A_1256] : memref<12800000xf32, #tpu.memory_space<hbm>> -> memref<20000xf32, #tpu.memory_space<hbm>>
    %dma_wait3A_1330 = arith.constant 80000 : i32
    %dma_wait3A_1331 = tpu.memref_slice %arg6[%dma_wait3A_1330] : memref<100000xf32, #tpu.memory_space<vmem>> -> memref<20000xf32, #tpu.memory_space<vmem>>
    %dma_wait3A_1332 = tpu.memref_slice %arg2[%add3A_1256] : memref<12800000xf32, #tpu.memory_space<hbm>> -> memref<20000xf32, #tpu.memory_space<hbm>>
    tpu.wait_dma2 semaphore(%arg15 : memref<!tpu.dma_semaphore, #tpu.memory_space<semaphore_mem>>) src(%dma_wait3A_1332 : memref<20000xf32, #tpu.memory_space<hbm>>) dst(%dma_wait3A_1331 : memref<20000xf32, #tpu.memory_space<vmem>>)
    %scan3A_1333 = arith.constant 0 : i32
    %scan3A_1334 = arith.constant 1250 : i32
    %scan3A_1335 = arith.addi %scan3A_1333, %scan3A_1334 : i32
    %scan3A_1336 = arith.constant 1 : i32
    %scan3A_1337 = scf.for %scan3A_1620 = %scan3A_1333 to %scan3A_1335 step %scan3A_1336 iter_args(%scan3A_1621 = %scan3A_1325) -> (vector<16xf32>)  : i32 {
      %mul3A_1622 = arith.constant 16 : i32
      %mul3A_1623 = arith.muli %scan3A_1620, %mul3A_1622 : i32
      %add3A_1624 = arith.constant 80000 : i32
      %add3A_1625 = arith.addi %add3A_1624, %mul3A_1623 : i32
      %get3A_1626 = arith.index_cast %add3A_1625 : i32 to index
      %get3A_1627 = tpu.vector_load %arg6[%get3A_1626] {strides = array<i32>} : memref<100000xf32, #tpu.memory_space<vmem>>, vector<16xf32>,
      %get3A_1628 = vector.shape_cast %get3A_1627 : vector<16xf32> to vector<16xf32>
      %max3A_1629 = arith.maximumf %scan3A_1621, %get3A_1628 : vector<16xf32>
      scf.yield %max3A_1629 : vector<16xf32>
    }
    %scan3A_1338 = arith.constant 1250 : i32
    %add3A_1339 = arith.constant 8 : i32
    %add3A_1340 = vector.broadcast %add3A_1339 : i32 to vector<16xi32>
    %add3A_1341 = arith.addi %iota3A, %add3A_1340 : vector<16xi32>
    %and3A_1342 = arith.constant 15 : i32
    %and3A_1343 = vector.broadcast %and3A_1342 : i32 to vector<16xi32>
    %and3A_1344 = arith.andi %add3A_1341, %and3A_1343 : vector<16xi32>
    %broadcast_in_dim3A_1345 = vector.shape_cast %and3A_1344 : vector<16xi32> to vector<16x1xi32>
    %gather3A_1346 = vector.shape_cast %broadcast_in_dim3A_1345 : vector<16x1xi32> to vector<16xi32>
    %gather3A_1347 = tpu.dynamic_gather %scan3A_1337[%gather3A_1346] in [0] : vector<16xf32>, vector<16xi32> -> vector<16xf32>
    %max3A_1348 = arith.maximumf %scan3A_1337, %gather3A_1347 : vector<16xf32>
    %add3A_1349 = arith.constant 4 : i32
    %add3A_1350 = vector.broadcast %add3A_1349 : i32 to vector<16xi32>
    %add3A_1351 = arith.addi %iota3A, %add3A_1350 : vector<16xi32>
    %and3A_1352 = arith.constant 15 : i32
    %and3A_1353 = vector.broadcast %and3A_1352 : i32 to vector<16xi32>
    %and3A_1354 = arith.andi %add3A_1351, %and3A_1353 : vector<16xi32>
    %broadcast_in_dim3A_1355 = vector.shape_cast %and3A_1354 : vector<16xi32> to vector<16x1xi32>
    %gather3A_1356 = vector.shape_cast %broadcast_in_dim3A_1355 : vector<16x1xi32> to vector<16xi32>
    %gather3A_1357 = tpu.dynamic_gather %max3A_1348[%gather3A_1356] in [0] : vector<16xf32>, vector<16xi32> -> vector<16xf32>
    %max3A_1358 = arith.maximumf %max3A_1348, %gather3A_1357 : vector<16xf32>
    %add3A_1359 = arith.constant 2 : i32
    %add3A_1360 = vector.broadcast %add3A_1359 : i32 to vector<16xi32>
    %add3A_1361 = arith.addi %iota3A, %add3A_1360 : vector<16xi32>
    %and3A_1362 = arith.constant 15 : i32
    %and3A_1363 = vector.broadcast %and3A_1362 : i32 to vector<16xi32>
    %and3A_1364 = arith.andi %add3A_1361, %and3A_1363 : vector<16xi32>
    %broadcast_in_dim3A_1365 = vector.shape_cast %and3A_1364 : vector<16xi32> to vector<16x1xi32>
    %gather3A_1366 = vector.shape_cast %broadcast_in_dim3A_1365 : vector<16x1xi32> to vector<16xi32>
    %gather3A_1367 = tpu.dynamic_gather %max3A_1358[%gather3A_1366] in [0] : vector<16xf32>, vector<16xi32> -> vector<16xf32>
    %max3A_1368 = arith.maximumf %max3A_1358, %gather3A_1367 : vector<16xf32>
    %add3A_1369 = arith.constant 1 : i32
    %add3A_1370 = vector.broadcast %add3A_1369 : i32 to vector<16xi32>
    %add3A_1371 = arith.addi %iota3A, %add3A_1370 : vector<16xi32>
    %and3A_1372 = arith.constant 15 : i32
    %and3A_1373 = vector.broadcast %and3A_1372 : i32 to vector<16xi32>
    %and3A_1374 = arith.andi %add3A_1371, %and3A_1373 : vector<16xi32>
    %broadcast_in_dim3A_1375 = vector.shape_cast %and3A_1374 : vector<16xi32> to vector<16x1xi32>
    %gather3A_1376 = vector.shape_cast %broadcast_in_dim3A_1375 : vector<16x1xi32> to vector<16xi32>
    %gather3A_1377 = tpu.dynamic_gather %max3A_1368[%gather3A_1376] in [0] : vector<16xf32>, vector<16xi32> -> vector<16xf32>
    %max3A_1378 = arith.maximumf %max3A_1368, %gather3A_1377 : vector<16xf32>
    %get3A_1379 = arith.constant 0 : index
    %get3A_1380 = tpu.vector_load %arg9[%get3A_1379] {strides = array<i32>} : memref<16xf32, #tpu.memory_space<vmem>>, vector<16xf32>,
    %get3A_1381 = vector.shape_cast %get3A_1380 : vector<16xf32> to vector<16xf32>
    %eq3A_1382 = arith.constant 0.000000e+00 : f32
    %eq3A_1383 = vector.broadcast %eq3A_1382 : f32 to vector<16xf32>
    %eq3A_1384 = arith.cmpf oeq, %get3A_1381, %eq3A_1383 : vector<16xf32>
    %broadcast_in_dim3A_1385 = arith.constant 1.000000e+00 : f32
    %broadcast_in_dim3A_1386 = vector.broadcast %broadcast_in_dim3A_1385 : f32 to vector<16xf32>
    %select_n3A_1387 = arith.select %eq3A_1384, %broadcast_in_dim3A_1386, %get3A_1381 : vector<16xi1>, vector<16xf32>
    %div3A_1388 = arith.divf %max3A_1378, %select_n3A_1387 : vector<16xf32>
    %broadcast_in_dim3A_1389 = arith.constant -1.000000e+00 : f32
    %broadcast_in_dim3A_1390 = vector.broadcast %broadcast_in_dim3A_1389 : f32 to vector<16xf32>
    %broadcast_in_dim3A_1391 = arith.constant 0 : i32
    %broadcast_in_dim3A_1392 = vector.broadcast %broadcast_in_dim3A_1391 : i32 to vector<16xi32>
    %dma_wait3A_1393 = tpu.memref_slice %arg4[%add3A_1266] : memref<12800000xf32, #tpu.memory_space<hbm>> -> memref<10000xf32, #tpu.memory_space<hbm>>
    %dma_wait3A_1394 = tpu.memref_slice %arg4[%add3A_1266] : memref<12800000xf32, #tpu.memory_space<hbm>> -> memref<10000xf32, #tpu.memory_space<hbm>>
    tpu.wait_dma2 semaphore(%arg16 : memref<!tpu.dma_semaphore, #tpu.memory_space<semaphore_mem>>) src(%dma_wait3A_1394 : memref<10000xf32, #tpu.memory_space<hbm>>) dst(%arg7 : memref<10000xf32, #tpu.memory_space<vmem>>)
    %scan3A_1395 = arith.constant 0 : i32
    %scan3A_1396 = arith.constant 625 : i32
    %scan3A_1397 = arith.addi %scan3A_1395, %scan3A_1396 : i32
    %scan3A_1398 = arith.constant 1 : i32
    %scan3A_1399:2 = scf.for %scan3A_1620 = %scan3A_1395 to %scan3A_1397 step %scan3A_1398 iter_args(%scan3A_1621 = %broadcast_in_dim3A_1390, %scan3A_1622 = %broadcast_in_dim3A_1392) -> (vector<16xf32>, vector<16xi32>)  : i32 {
      %mul3A_1623 = arith.constant 16 : i32
      %mul3A_1624 = arith.muli %scan3A_1620, %mul3A_1623 : i32
      %add3A_1625 = arith.constant 0 : i32
      %add3A_1626 = arith.addi %add3A_1625, %mul3A_1624 : i32
      %get3A_1627 = arith.index_cast %add3A_1626 : i32 to index
      %get3A_1628 = tpu.vector_load %arg6[%get3A_1627] {strides = array<i32>} : memref<100000xf32, #tpu.memory_space<vmem>>, vector<16xf32>,
      %get3A_1629 = vector.shape_cast %get3A_1628 : vector<16xf32> to vector<16xf32>
      %mul3A_1630 = arith.constant 16 : i32
      %mul3A_1631 = arith.muli %scan3A_1620, %mul3A_1630 : i32
      %get3A_1632 = arith.index_cast %mul3A_1631 : i32 to index
      %get3A_1633 = tpu.vector_load %arg7[%get3A_1632] {strides = array<i32>} : memref<10000xf32, #tpu.memory_space<vmem>>, vector<16xf32>,
      %get3A_1634 = vector.shape_cast %get3A_1633 : vector<16xf32> to vector<16xf32>
      %div3A_1635 = arith.divf %get3A_1629, %select_n3A_1387 : vector<16xf32>
      %sub3A = arith.subf %div3A_1635, %div3A_1388 : vector<16xf32>
      %exp3A = math.exp %sub3A : vector<16xf32>
      %max3A_1636 = arith.constant 1.000000e-10 : f32
      %max3A_1637 = vector.broadcast %max3A_1636 : f32 to vector<16xf32>
      %max3A_1638 = arith.maximumf %get3A_1634, %max3A_1637 : vector<16xf32>
      %div3A_1639 = arith.divf %exp3A, %max3A_1638 : vector<16xf32>
      %select_n3A_1640 = arith.select %eq3A_1384, %exp3A, %div3A_1639 : vector<16xi1>, vector<16xf32>
      %broadcast_in_dim3A_1641 = vector.broadcast %add3A_1626 : i32 to vector<16xi32>
      %add3A_1642 = arith.addi %iota3A, %broadcast_in_dim3A_1641 : vector<16xi32>
      %gt3A = arith.cmpf ogt, %select_n3A_1640, %scan3A_1621 : vector<16xf32>
      %select_n3A_1643 = arith.select %gt3A, %select_n3A_1640, %scan3A_1621 : vector<16xi1>, vector<16xf32>
      %select_n3A_1644 = arith.select %gt3A, %add3A_1642, %scan3A_1622 : vector<16xi1>, vector<16xi32>
      scf.yield %select_n3A_1643, %select_n3A_1644 : vector<16xf32>, vector<16xi32>
    }
    %scan3A_1400 = arith.constant 625 : i32
    %mul3A_1401 = arith.constant 100000 : i32
    %mul3A_1402 = arith.muli %add3A_1212, %mul3A_1401 : i32
    %add3A_1403 = arith.constant 20000 : i32
    %add3A_1404 = arith.addi %mul3A_1402, %add3A_1403 : i32
    %dma_start3A_1405 = tpu.memref_slice %arg4[%add3A_1404] : memref<12800000xf32, #tpu.memory_space<hbm>> -> memref<10000xf32, #tpu.memory_space<hbm>>
    %dma_start3A_1406 = tpu.memref_slice %arg4[%add3A_1404] : memref<12800000xf32, #tpu.memory_space<hbm>> -> memref<10000xf32, #tpu.memory_space<hbm>>
    tpu.enqueue_dma source(%dma_start3A_1406 : memref<10000xf32, #tpu.memory_space<hbm>>) target(%arg7 : memref<10000xf32, #tpu.memory_space<vmem>>) target_semaphore(%arg16 : memref<!tpu.dma_semaphore, #tpu.memory_space<semaphore_mem>>)
    %dma_wait3A_1407 = tpu.memref_slice %arg4[%add3A_1272] : memref<12800000xf32, #tpu.memory_space<hbm>> -> memref<10000xf32, #tpu.memory_space<hbm>>
    %dma_wait3A_1408 = tpu.memref_slice %arg4[%add3A_1272] : memref<12800000xf32, #tpu.memory_space<hbm>> -> memref<10000xf32, #tpu.memory_space<hbm>>
    tpu.wait_dma2 semaphore(%arg17 : memref<!tpu.dma_semaphore, #tpu.memory_space<semaphore_mem>>) src(%dma_wait3A_1408 : memref<10000xf32, #tpu.memory_space<hbm>>) dst(%arg8 : memref<10000xf32, #tpu.memory_space<vmem>>)
    %scan3A_1409 = arith.constant 0 : i32
    %scan3A_1410 = arith.constant 625 : i32
    %scan3A_1411 = arith.addi %scan3A_1409, %scan3A_1410 : i32
    %scan3A_1412 = arith.constant 1 : i32
    %scan3A_1413:2 = scf.for %scan3A_1620 = %scan3A_1409 to %scan3A_1411 step %scan3A_1412 iter_args(%scan3A_1621 = %scan3A_1399#0, %scan3A_1622 = %scan3A_1399#1) -> (vector<16xf32>, vector<16xi32>)  : i32 {
      %mul3A_1623 = arith.constant 16 : i32
      %mul3A_1624 = arith.muli %scan3A_1620, %mul3A_1623 : i32
      %add3A_1625 = arith.constant 10000 : i32
      %add3A_1626 = arith.addi %add3A_1625, %mul3A_1624 : i32
      %get3A_1627 = arith.index_cast %add3A_1626 : i32 to index
      %get3A_1628 = tpu.vector_load %arg6[%get3A_1627] {strides = array<i32>} : memref<100000xf32, #tpu.memory_space<vmem>>, vector<16xf32>,
      %get3A_1629 = vector.shape_cast %get3A_1628 : vector<16xf32> to vector<16xf32>
      %mul3A_1630 = arith.constant 16 : i32
      %mul3A_1631 = arith.muli %scan3A_1620, %mul3A_1630 : i32
      %get3A_1632 = arith.index_cast %mul3A_1631 : i32 to index
      %get3A_1633 = tpu.vector_load %arg8[%get3A_1632] {strides = array<i32>} : memref<10000xf32, #tpu.memory_space<vmem>>, vector<16xf32>,
      %get3A_1634 = vector.shape_cast %get3A_1633 : vector<16xf32> to vector<16xf32>
      %div3A_1635 = arith.divf %get3A_1629, %select_n3A_1387 : vector<16xf32>
      %sub3A = arith.subf %div3A_1635, %div3A_1388 : vector<16xf32>
      %exp3A = math.exp %sub3A : vector<16xf32>
      %max3A_1636 = arith.constant 1.000000e-10 : f32
      %max3A_1637 = vector.broadcast %max3A_1636 : f32 to vector<16xf32>
      %max3A_1638 = arith.maximumf %get3A_1634, %max3A_1637 : vector<16xf32>
      %div3A_1639 = arith.divf %exp3A, %max3A_1638 : vector<16xf32>
      %select_n3A_1640 = arith.select %eq3A_1384, %exp3A, %div3A_1639 : vector<16xi1>, vector<16xf32>
      %broadcast_in_dim3A_1641 = vector.broadcast %add3A_1626 : i32 to vector<16xi32>
      %add3A_1642 = arith.addi %iota3A, %broadcast_in_dim3A_1641 : vector<16xi32>
      %gt3A = arith.cmpf ogt, %select_n3A_1640, %scan3A_1621 : vector<16xf32>
      %select_n3A_1643 = arith.select %gt3A, %select_n3A_1640, %scan3A_1621 : vector<16xi1>, vector<16xf32>
      %select_n3A_1644 = arith.select %gt3A, %add3A_1642, %scan3A_1622 : vector<16xi1>, vector<16xi32>
      scf.yield %select_n3A_1643, %select_n3A_1644 : vector<16xf32>, vector<16xi32>
    }
    %scan3A_1414 = arith.constant 625 : i32
    %mul3A_1415 = arith.constant 100000 : i32
    %mul3A_1416 = arith.muli %add3A_1212, %mul3A_1415 : i32
    %add3A_1417 = arith.constant 30000 : i32
    %add3A_1418 = arith.addi %mul3A_1416, %add3A_1417 : i32
    %dma_start3A_1419 = tpu.memref_slice %arg4[%add3A_1418] : memref<12800000xf32, #tpu.memory_space<hbm>> -> memref<10000xf32, #tpu.memory_space<hbm>>
    %dma_start3A_1420 = tpu.memref_slice %arg4[%add3A_1418] : memref<12800000xf32, #tpu.memory_space<hbm>> -> memref<10000xf32, #tpu.memory_space<hbm>>
    tpu.enqueue_dma source(%dma_start3A_1420 : memref<10000xf32, #tpu.memory_space<hbm>>) target(%arg8 : memref<10000xf32, #tpu.memory_space<vmem>>) target_semaphore(%arg17 : memref<!tpu.dma_semaphore, #tpu.memory_space<semaphore_mem>>)
    %dma_wait3A_1421 = tpu.memref_slice %arg4[%add3A_1404] : memref<12800000xf32, #tpu.memory_space<hbm>> -> memref<10000xf32, #tpu.memory_space<hbm>>
    %dma_wait3A_1422 = tpu.memref_slice %arg4[%add3A_1404] : memref<12800000xf32, #tpu.memory_space<hbm>> -> memref<10000xf32, #tpu.memory_space<hbm>>
    tpu.wait_dma2 semaphore(%arg16 : memref<!tpu.dma_semaphore, #tpu.memory_space<semaphore_mem>>) src(%dma_wait3A_1422 : memref<10000xf32, #tpu.memory_space<hbm>>) dst(%arg7 : memref<10000xf32, #tpu.memory_space<vmem>>)
    %scan3A_1423 = arith.constant 0 : i32
    %scan3A_1424 = arith.constant 625 : i32
    %scan3A_1425 = arith.addi %scan3A_1423, %scan3A_1424 : i32
    %scan3A_1426 = arith.constant 1 : i32
    %scan3A_1427:2 = scf.for %scan3A_1620 = %scan3A_1423 to %scan3A_1425 step %scan3A_1426 iter_args(%scan3A_1621 = %scan3A_1413#0, %scan3A_1622 = %scan3A_1413#1) -> (vector<16xf32>, vector<16xi32>)  : i32 {
      %mul3A_1623 = arith.constant 16 : i32
      %mul3A_1624 = arith.muli %scan3A_1620, %mul3A_1623 : i32
      %add3A_1625 = arith.constant 20000 : i32
      %add3A_1626 = arith.addi %add3A_1625, %mul3A_1624 : i32
      %get3A_1627 = arith.index_cast %add3A_1626 : i32 to index
      %get3A_1628 = tpu.vector_load %arg6[%get3A_1627] {strides = array<i32>} : memref<100000xf32, #tpu.memory_space<vmem>>, vector<16xf32>,
      %get3A_1629 = vector.shape_cast %get3A_1628 : vector<16xf32> to vector<16xf32>
      %mul3A_1630 = arith.constant 16 : i32
      %mul3A_1631 = arith.muli %scan3A_1620, %mul3A_1630 : i32
      %get3A_1632 = arith.index_cast %mul3A_1631 : i32 to index
      %get3A_1633 = tpu.vector_load %arg7[%get3A_1632] {strides = array<i32>} : memref<10000xf32, #tpu.memory_space<vmem>>, vector<16xf32>,
      %get3A_1634 = vector.shape_cast %get3A_1633 : vector<16xf32> to vector<16xf32>
      %div3A_1635 = arith.divf %get3A_1629, %select_n3A_1387 : vector<16xf32>
      %sub3A = arith.subf %div3A_1635, %div3A_1388 : vector<16xf32>
      %exp3A = math.exp %sub3A : vector<16xf32>
      %max3A_1636 = arith.constant 1.000000e-10 : f32
      %max3A_1637 = vector.broadcast %max3A_1636 : f32 to vector<16xf32>
      %max3A_1638 = arith.maximumf %get3A_1634, %max3A_1637 : vector<16xf32>
      %div3A_1639 = arith.divf %exp3A, %max3A_1638 : vector<16xf32>
      %select_n3A_1640 = arith.select %eq3A_1384, %exp3A, %div3A_1639 : vector<16xi1>, vector<16xf32>
      %broadcast_in_dim3A_1641 = vector.broadcast %add3A_1626 : i32 to vector<16xi32>
      %add3A_1642 = arith.addi %iota3A, %broadcast_in_dim3A_1641 : vector<16xi32>
      %gt3A = arith.cmpf ogt, %select_n3A_1640, %scan3A_1621 : vector<16xf32>
      %select_n3A_1643 = arith.select %gt3A, %select_n3A_1640, %scan3A_1621 : vector<16xi1>, vector<16xf32>
      %select_n3A_1644 = arith.select %gt3A, %add3A_1642, %scan3A_1622 : vector<16xi1>, vector<16xi32>
      scf.yield %select_n3A_1643, %select_n3A_1644 : vector<16xf32>, vector<16xi32>
    }
    %scan3A_1428 = arith.constant 625 : i32
    %mul3A_1429 = arith.constant 100000 : i32
    %mul3A_1430 = arith.muli %add3A_1212, %mul3A_1429 : i32
    %add3A_1431 = arith.constant 40000 : i32
    %add3A_1432 = arith.addi %mul3A_1430, %add3A_1431 : i32
    %dma_start3A_1433 = tpu.memref_slice %arg4[%add3A_1432] : memref<12800000xf32, #tpu.memory_space<hbm>> -> memref<10000xf32, #tpu.memory_space<hbm>>
    %dma_start3A_1434 = tpu.memref_slice %arg4[%add3A_1432] : memref<12800000xf32, #tpu.memory_space<hbm>> -> memref<10000xf32, #tpu.memory_space<hbm>>
    tpu.enqueue_dma source(%dma_start3A_1434 : memref<10000xf32, #tpu.memory_space<hbm>>) target(%arg7 : memref<10000xf32, #tpu.memory_space<vmem>>) target_semaphore(%arg16 : memref<!tpu.dma_semaphore, #tpu.memory_space<semaphore_mem>>)
    %dma_wait3A_1435 = tpu.memref_slice %arg4[%add3A_1418] : memref<12800000xf32, #tpu.memory_space<hbm>> -> memref<10000xf32, #tpu.memory_space<hbm>>
    %dma_wait3A_1436 = tpu.memref_slice %arg4[%add3A_1418] : memref<12800000xf32, #tpu.memory_space<hbm>> -> memref<10000xf32, #tpu.memory_space<hbm>>
    tpu.wait_dma2 semaphore(%arg17 : memref<!tpu.dma_semaphore, #tpu.memory_space<semaphore_mem>>) src(%dma_wait3A_1436 : memref<10000xf32, #tpu.memory_space<hbm>>) dst(%arg8 : memref<10000xf32, #tpu.memory_space<vmem>>)
    %scan3A_1437 = arith.constant 0 : i32
    %scan3A_1438 = arith.constant 625 : i32
    %scan3A_1439 = arith.addi %scan3A_1437, %scan3A_1438 : i32
    %scan3A_1440 = arith.constant 1 : i32
    %scan3A_1441:2 = scf.for %scan3A_1620 = %scan3A_1437 to %scan3A_1439 step %scan3A_1440 iter_args(%scan3A_1621 = %scan3A_1427#0, %scan3A_1622 = %scan3A_1427#1) -> (vector<16xf32>, vector<16xi32>)  : i32 {
      %mul3A_1623 = arith.constant 16 : i32
      %mul3A_1624 = arith.muli %scan3A_1620, %mul3A_1623 : i32
      %add3A_1625 = arith.constant 30000 : i32
      %add3A_1626 = arith.addi %add3A_1625, %mul3A_1624 : i32
      %get3A_1627 = arith.index_cast %add3A_1626 : i32 to index
      %get3A_1628 = tpu.vector_load %arg6[%get3A_1627] {strides = array<i32>} : memref<100000xf32, #tpu.memory_space<vmem>>, vector<16xf32>,
      %get3A_1629 = vector.shape_cast %get3A_1628 : vector<16xf32> to vector<16xf32>
      %mul3A_1630 = arith.constant 16 : i32
      %mul3A_1631 = arith.muli %scan3A_1620, %mul3A_1630 : i32
      %get3A_1632 = arith.index_cast %mul3A_1631 : i32 to index
      %get3A_1633 = tpu.vector_load %arg8[%get3A_1632] {strides = array<i32>} : memref<10000xf32, #tpu.memory_space<vmem>>, vector<16xf32>,
      %get3A_1634 = vector.shape_cast %get3A_1633 : vector<16xf32> to vector<16xf32>
      %div3A_1635 = arith.divf %get3A_1629, %select_n3A_1387 : vector<16xf32>
      %sub3A = arith.subf %div3A_1635, %div3A_1388 : vector<16xf32>
      %exp3A = math.exp %sub3A : vector<16xf32>
      %max3A_1636 = arith.constant 1.000000e-10 : f32
      %max3A_1637 = vector.broadcast %max3A_1636 : f32 to vector<16xf32>
      %max3A_1638 = arith.maximumf %get3A_1634, %max3A_1637 : vector<16xf32>
      %div3A_1639 = arith.divf %exp3A, %max3A_1638 : vector<16xf32>
      %select_n3A_1640 = arith.select %eq3A_1384, %exp3A, %div3A_1639 : vector<16xi1>, vector<16xf32>
      %broadcast_in_dim3A_1641 = vector.broadcast %add3A_1626 : i32 to vector<16xi32>
      %add3A_1642 = arith.addi %iota3A, %broadcast_in_dim3A_1641 : vector<16xi32>
      %gt3A = arith.cmpf ogt, %select_n3A_1640, %scan3A_1621 : vector<16xf32>
      %select_n3A_1643 = arith.select %gt3A, %select_n3A_1640, %scan3A_1621 : vector<16xi1>, vector<16xf32>
      %select_n3A_1644 = arith.select %gt3A, %add3A_1642, %scan3A_1622 : vector<16xi1>, vector<16xi32>
      scf.yield %select_n3A_1643, %select_n3A_1644 : vector<16xf32>, vector<16xi32>
    }
    %scan3A_1442 = arith.constant 625 : i32
    %mul3A_1443 = arith.constant 100000 : i32
    %mul3A_1444 = arith.muli %add3A_1212, %mul3A_1443 : i32
    %add3A_1445 = arith.constant 50000 : i32
    %add3A_1446 = arith.addi %mul3A_1444, %add3A_1445 : i32
    %dma_start3A_1447 = tpu.memref_slice %arg4[%add3A_1446] : memref<12800000xf32, #tpu.memory_space<hbm>> -> memref<10000xf32, #tpu.memory_space<hbm>>
    %dma_start3A_1448 = tpu.memref_slice %arg4[%add3A_1446] : memref<12800000xf32, #tpu.memory_space<hbm>> -> memref<10000xf32, #tpu.memory_space<hbm>>
    tpu.enqueue_dma source(%dma_start3A_1448 : memref<10000xf32, #tpu.memory_space<hbm>>) target(%arg8 : memref<10000xf32, #tpu.memory_space<vmem>>) target_semaphore(%arg17 : memref<!tpu.dma_semaphore, #tpu.memory_space<semaphore_mem>>)
    %dma_wait3A_1449 = tpu.memref_slice %arg4[%add3A_1432] : memref<12800000xf32, #tpu.memory_space<hbm>> -> memref<10000xf32, #tpu.memory_space<hbm>>
    %dma_wait3A_1450 = tpu.memref_slice %arg4[%add3A_1432] : memref<12800000xf32, #tpu.memory_space<hbm>> -> memref<10000xf32, #tpu.memory_space<hbm>>
    tpu.wait_dma2 semaphore(%arg16 : memref<!tpu.dma_semaphore, #tpu.memory_space<semaphore_mem>>) src(%dma_wait3A_1450 : memref<10000xf32, #tpu.memory_space<hbm>>) dst(%arg7 : memref<10000xf32, #tpu.memory_space<vmem>>)
    %scan3A_1451 = arith.constant 0 : i32
    %scan3A_1452 = arith.constant 625 : i32
    %scan3A_1453 = arith.addi %scan3A_1451, %scan3A_1452 : i32
    %scan3A_1454 = arith.constant 1 : i32
    %scan3A_1455:2 = scf.for %scan3A_1620 = %scan3A_1451 to %scan3A_1453 step %scan3A_1454 iter_args(%scan3A_1621 = %scan3A_1441#0, %scan3A_1622 = %scan3A_1441#1) -> (vector<16xf32>, vector<16xi32>)  : i32 {
      %mul3A_1623 = arith.constant 16 : i32
      %mul3A_1624 = arith.muli %scan3A_1620, %mul3A_1623 : i32
      %add3A_1625 = arith.constant 40000 : i32
      %add3A_1626 = arith.addi %add3A_1625, %mul3A_1624 : i32
      %get3A_1627 = arith.index_cast %add3A_1626 : i32 to index
      %get3A_1628 = tpu.vector_load %arg6[%get3A_1627] {strides = array<i32>} : memref<100000xf32, #tpu.memory_space<vmem>>, vector<16xf32>,
      %get3A_1629 = vector.shape_cast %get3A_1628 : vector<16xf32> to vector<16xf32>
      %mul3A_1630 = arith.constant 16 : i32
      %mul3A_1631 = arith.muli %scan3A_1620, %mul3A_1630 : i32
      %get3A_1632 = arith.index_cast %mul3A_1631 : i32 to index
      %get3A_1633 = tpu.vector_load %arg7[%get3A_1632] {strides = array<i32>} : memref<10000xf32, #tpu.memory_space<vmem>>, vector<16xf32>,
      %get3A_1634 = vector.shape_cast %get3A_1633 : vector<16xf32> to vector<16xf32>
      %div3A_1635 = arith.divf %get3A_1629, %select_n3A_1387 : vector<16xf32>
      %sub3A = arith.subf %div3A_1635, %div3A_1388 : vector<16xf32>
      %exp3A = math.exp %sub3A : vector<16xf32>
      %max3A_1636 = arith.constant 1.000000e-10 : f32
      %max3A_1637 = vector.broadcast %max3A_1636 : f32 to vector<16xf32>
      %max3A_1638 = arith.maximumf %get3A_1634, %max3A_1637 : vector<16xf32>
      %div3A_1639 = arith.divf %exp3A, %max3A_1638 : vector<16xf32>
      %select_n3A_1640 = arith.select %eq3A_1384, %exp3A, %div3A_1639 : vector<16xi1>, vector<16xf32>
      %broadcast_in_dim3A_1641 = vector.broadcast %add3A_1626 : i32 to vector<16xi32>
      %add3A_1642 = arith.addi %iota3A, %broadcast_in_dim3A_1641 : vector<16xi32>
      %gt3A = arith.cmpf ogt, %select_n3A_1640, %scan3A_1621 : vector<16xf32>
      %select_n3A_1643 = arith.select %gt3A, %select_n3A_1640, %scan3A_1621 : vector<16xi1>, vector<16xf32>
      %select_n3A_1644 = arith.select %gt3A, %add3A_1642, %scan3A_1622 : vector<16xi1>, vector<16xi32>
      scf.yield %select_n3A_1643, %select_n3A_1644 : vector<16xf32>, vector<16xi32>
    }
    %scan3A_1456 = arith.constant 625 : i32
    %mul3A_1457 = arith.constant 100000 : i32
    %mul3A_1458 = arith.muli %add3A_1212, %mul3A_1457 : i32
    %add3A_1459 = arith.constant 60000 : i32
    %add3A_1460 = arith.addi %mul3A_1458, %add3A_1459 : i32
    %dma_start3A_1461 = tpu.memref_slice %arg4[%add3A_1460] : memref<12800000xf32, #tpu.memory_space<hbm>> -> memref<10000xf32, #tpu.memory_space<hbm>>
    %dma_start3A_1462 = tpu.memref_slice %arg4[%add3A_1460] : memref<12800000xf32, #tpu.memory_space<hbm>> -> memref<10000xf32, #tpu.memory_space<hbm>>
    tpu.enqueue_dma source(%dma_start3A_1462 : memref<10000xf32, #tpu.memory_space<hbm>>) target(%arg7 : memref<10000xf32, #tpu.memory_space<vmem>>) target_semaphore(%arg16 : memref<!tpu.dma_semaphore, #tpu.memory_space<semaphore_mem>>)
    %dma_wait3A_1463 = tpu.memref_slice %arg4[%add3A_1446] : memref<12800000xf32, #tpu.memory_space<hbm>> -> memref<10000xf32, #tpu.memory_space<hbm>>
    %dma_wait3A_1464 = tpu.memref_slice %arg4[%add3A_1446] : memref<12800000xf32, #tpu.memory_space<hbm>> -> memref<10000xf32, #tpu.memory_space<hbm>>
    tpu.wait_dma2 semaphore(%arg17 : memref<!tpu.dma_semaphore, #tpu.memory_space<semaphore_mem>>) src(%dma_wait3A_1464 : memref<10000xf32, #tpu.memory_space<hbm>>) dst(%arg8 : memref<10000xf32, #tpu.memory_space<vmem>>)
    %scan3A_1465 = arith.constant 0 : i32
    %scan3A_1466 = arith.constant 625 : i32
    %scan3A_1467 = arith.addi %scan3A_1465, %scan3A_1466 : i32
    %scan3A_1468 = arith.constant 1 : i32
    %scan3A_1469:2 = scf.for %scan3A_1620 = %scan3A_1465 to %scan3A_1467 step %scan3A_1468 iter_args(%scan3A_1621 = %scan3A_1455#0, %scan3A_1622 = %scan3A_1455#1) -> (vector<16xf32>, vector<16xi32>)  : i32 {
      %mul3A_1623 = arith.constant 16 : i32
      %mul3A_1624 = arith.muli %scan3A_1620, %mul3A_1623 : i32
      %add3A_1625 = arith.constant 50000 : i32
      %add3A_1626 = arith.addi %add3A_1625, %mul3A_1624 : i32
      %get3A_1627 = arith.index_cast %add3A_1626 : i32 to index
      %get3A_1628 = tpu.vector_load %arg6[%get3A_1627] {strides = array<i32>} : memref<100000xf32, #tpu.memory_space<vmem>>, vector<16xf32>,
      %get3A_1629 = vector.shape_cast %get3A_1628 : vector<16xf32> to vector<16xf32>
      %mul3A_1630 = arith.constant 16 : i32
      %mul3A_1631 = arith.muli %scan3A_1620, %mul3A_1630 : i32
      %get3A_1632 = arith.index_cast %mul3A_1631 : i32 to index
      %get3A_1633 = tpu.vector_load %arg8[%get3A_1632] {strides = array<i32>} : memref<10000xf32, #tpu.memory_space<vmem>>, vector<16xf32>,
      %get3A_1634 = vector.shape_cast %get3A_1633 : vector<16xf32> to vector<16xf32>
      %div3A_1635 = arith.divf %get3A_1629, %select_n3A_1387 : vector<16xf32>
      %sub3A = arith.subf %div3A_1635, %div3A_1388 : vector<16xf32>
      %exp3A = math.exp %sub3A : vector<16xf32>
      %max3A_1636 = arith.constant 1.000000e-10 : f32
      %max3A_1637 = vector.broadcast %max3A_1636 : f32 to vector<16xf32>
      %max3A_1638 = arith.maximumf %get3A_1634, %max3A_1637 : vector<16xf32>
      %div3A_1639 = arith.divf %exp3A, %max3A_1638 : vector<16xf32>
      %select_n3A_1640 = arith.select %eq3A_1384, %exp3A, %div3A_1639 : vector<16xi1>, vector<16xf32>
      %broadcast_in_dim3A_1641 = vector.broadcast %add3A_1626 : i32 to vector<16xi32>
      %add3A_1642 = arith.addi %iota3A, %broadcast_in_dim3A_1641 : vector<16xi32>
      %gt3A = arith.cmpf ogt, %select_n3A_1640, %scan3A_1621 : vector<16xf32>
      %select_n3A_1643 = arith.select %gt3A, %select_n3A_1640, %scan3A_1621 : vector<16xi1>, vector<16xf32>
      %select_n3A_1644 = arith.select %gt3A, %add3A_1642, %scan3A_1622 : vector<16xi1>, vector<16xi32>
      scf.yield %select_n3A_1643, %select_n3A_1644 : vector<16xf32>, vector<16xi32>
    }
    %scan3A_1470 = arith.constant 625 : i32
    %mul3A_1471 = arith.constant 100000 : i32
    %mul3A_1472 = arith.muli %add3A_1212, %mul3A_1471 : i32
    %add3A_1473 = arith.constant 70000 : i32
    %add3A_1474 = arith.addi %mul3A_1472, %add3A_1473 : i32
    %dma_start3A_1475 = tpu.memref_slice %arg4[%add3A_1474] : memref<12800000xf32, #tpu.memory_space<hbm>> -> memref<10000xf32, #tpu.memory_space<hbm>>
    %dma_start3A_1476 = tpu.memref_slice %arg4[%add3A_1474] : memref<12800000xf32, #tpu.memory_space<hbm>> -> memref<10000xf32, #tpu.memory_space<hbm>>
    tpu.enqueue_dma source(%dma_start3A_1476 : memref<10000xf32, #tpu.memory_space<hbm>>) target(%arg8 : memref<10000xf32, #tpu.memory_space<vmem>>) target_semaphore(%arg17 : memref<!tpu.dma_semaphore, #tpu.memory_space<semaphore_mem>>)
    %dma_wait3A_1477 = tpu.memref_slice %arg4[%add3A_1460] : memref<12800000xf32, #tpu.memory_space<hbm>> -> memref<10000xf32, #tpu.memory_space<hbm>>
    %dma_wait3A_1478 = tpu.memref_slice %arg4[%add3A_1460] : memref<12800000xf32, #tpu.memory_space<hbm>> -> memref<10000xf32, #tpu.memory_space<hbm>>
    tpu.wait_dma2 semaphore(%arg16 : memref<!tpu.dma_semaphore, #tpu.memory_space<semaphore_mem>>) src(%dma_wait3A_1478 : memref<10000xf32, #tpu.memory_space<hbm>>) dst(%arg7 : memref<10000xf32, #tpu.memory_space<vmem>>)
    %scan3A_1479 = arith.constant 0 : i32
    %scan3A_1480 = arith.constant 625 : i32
    %scan3A_1481 = arith.addi %scan3A_1479, %scan3A_1480 : i32
    %scan3A_1482 = arith.constant 1 : i32
    %scan3A_1483:2 = scf.for %scan3A_1620 = %scan3A_1479 to %scan3A_1481 step %scan3A_1482 iter_args(%scan3A_1621 = %scan3A_1469#0, %scan3A_1622 = %scan3A_1469#1) -> (vector<16xf32>, vector<16xi32>)  : i32 {
      %mul3A_1623 = arith.constant 16 : i32
      %mul3A_1624 = arith.muli %scan3A_1620, %mul3A_1623 : i32
      %add3A_1625 = arith.constant 60000 : i32
      %add3A_1626 = arith.addi %add3A_1625, %mul3A_1624 : i32
      %get3A_1627 = arith.index_cast %add3A_1626 : i32 to index
      %get3A_1628 = tpu.vector_load %arg6[%get3A_1627] {strides = array<i32>} : memref<100000xf32, #tpu.memory_space<vmem>>, vector<16xf32>,
      %get3A_1629 = vector.shape_cast %get3A_1628 : vector<16xf32> to vector<16xf32>
      %mul3A_1630 = arith.constant 16 : i32
      %mul3A_1631 = arith.muli %scan3A_1620, %mul3A_1630 : i32
      %get3A_1632 = arith.index_cast %mul3A_1631 : i32 to index
      %get3A_1633 = tpu.vector_load %arg7[%get3A_1632] {strides = array<i32>} : memref<10000xf32, #tpu.memory_space<vmem>>, vector<16xf32>,
      %get3A_1634 = vector.shape_cast %get3A_1633 : vector<16xf32> to vector<16xf32>
      %div3A_1635 = arith.divf %get3A_1629, %select_n3A_1387 : vector<16xf32>
      %sub3A = arith.subf %div3A_1635, %div3A_1388 : vector<16xf32>
      %exp3A = math.exp %sub3A : vector<16xf32>
      %max3A_1636 = arith.constant 1.000000e-10 : f32
      %max3A_1637 = vector.broadcast %max3A_1636 : f32 to vector<16xf32>
      %max3A_1638 = arith.maximumf %get3A_1634, %max3A_1637 : vector<16xf32>
      %div3A_1639 = arith.divf %exp3A, %max3A_1638 : vector<16xf32>
      %select_n3A_1640 = arith.select %eq3A_1384, %exp3A, %div3A_1639 : vector<16xi1>, vector<16xf32>
      %broadcast_in_dim3A_1641 = vector.broadcast %add3A_1626 : i32 to vector<16xi32>
      %add3A_1642 = arith.addi %iota3A, %broadcast_in_dim3A_1641 : vector<16xi32>
      %gt3A = arith.cmpf ogt, %select_n3A_1640, %scan3A_1621 : vector<16xf32>
      %select_n3A_1643 = arith.select %gt3A, %select_n3A_1640, %scan3A_1621 : vector<16xi1>, vector<16xf32>
      %select_n3A_1644 = arith.select %gt3A, %add3A_1642, %scan3A_1622 : vector<16xi1>, vector<16xi32>
      scf.yield %select_n3A_1643, %select_n3A_1644 : vector<16xf32>, vector<16xi32>
    }
    %scan3A_1484 = arith.constant 625 : i32
    %mul3A_1485 = arith.constant 100000 : i32
    %mul3A_1486 = arith.muli %add3A_1212, %mul3A_1485 : i32
    %add3A_1487 = arith.constant 80000 : i32
    %add3A_1488 = arith.addi %mul3A_1486, %add3A_1487 : i32
    %dma_start3A_1489 = tpu.memref_slice %arg4[%add3A_1488] : memref<12800000xf32, #tpu.memory_space<hbm>> -> memref<10000xf32, #tpu.memory_space<hbm>>
    %dma_start3A_1490 = tpu.memref_slice %arg4[%add3A_1488] : memref<12800000xf32, #tpu.memory_space<hbm>> -> memref<10000xf32, #tpu.memory_space<hbm>>
    tpu.enqueue_dma source(%dma_start3A_1490 : memref<10000xf32, #tpu.memory_space<hbm>>) target(%arg7 : memref<10000xf32, #tpu.memory_space<vmem>>) target_semaphore(%arg16 : memref<!tpu.dma_semaphore, #tpu.memory_space<semaphore_mem>>)
    %dma_wait3A_1491 = tpu.memref_slice %arg4[%add3A_1474] : memref<12800000xf32, #tpu.memory_space<hbm>> -> memref<10000xf32, #tpu.memory_space<hbm>>
    %dma_wait3A_1492 = tpu.memref_slice %arg4[%add3A_1474] : memref<12800000xf32, #tpu.memory_space<hbm>> -> memref<10000xf32, #tpu.memory_space<hbm>>
    tpu.wait_dma2 semaphore(%arg17 : memref<!tpu.dma_semaphore, #tpu.memory_space<semaphore_mem>>) src(%dma_wait3A_1492 : memref<10000xf32, #tpu.memory_space<hbm>>) dst(%arg8 : memref<10000xf32, #tpu.memory_space<vmem>>)
    %scan3A_1493 = arith.constant 0 : i32
    %scan3A_1494 = arith.constant 625 : i32
    %scan3A_1495 = arith.addi %scan3A_1493, %scan3A_1494 : i32
    %scan3A_1496 = arith.constant 1 : i32
    %scan3A_1497:2 = scf.for %scan3A_1620 = %scan3A_1493 to %scan3A_1495 step %scan3A_1496 iter_args(%scan3A_1621 = %scan3A_1483#0, %scan3A_1622 = %scan3A_1483#1) -> (vector<16xf32>, vector<16xi32>)  : i32 {
      %mul3A_1623 = arith.constant 16 : i32
      %mul3A_1624 = arith.muli %scan3A_1620, %mul3A_1623 : i32
      %add3A_1625 = arith.constant 70000 : i32
      %add3A_1626 = arith.addi %add3A_1625, %mul3A_1624 : i32
      %get3A_1627 = arith.index_cast %add3A_1626 : i32 to index
      %get3A_1628 = tpu.vector_load %arg6[%get3A_1627] {strides = array<i32>} : memref<100000xf32, #tpu.memory_space<vmem>>, vector<16xf32>,
      %get3A_1629 = vector.shape_cast %get3A_1628 : vector<16xf32> to vector<16xf32>
      %mul3A_1630 = arith.constant 16 : i32
      %mul3A_1631 = arith.muli %scan3A_1620, %mul3A_1630 : i32
      %get3A_1632 = arith.index_cast %mul3A_1631 : i32 to index
      %get3A_1633 = tpu.vector_load %arg8[%get3A_1632] {strides = array<i32>} : memref<10000xf32, #tpu.memory_space<vmem>>, vector<16xf32>,
      %get3A_1634 = vector.shape_cast %get3A_1633 : vector<16xf32> to vector<16xf32>
      %div3A_1635 = arith.divf %get3A_1629, %select_n3A_1387 : vector<16xf32>
      %sub3A = arith.subf %div3A_1635, %div3A_1388 : vector<16xf32>
      %exp3A = math.exp %sub3A : vector<16xf32>
      %max3A_1636 = arith.constant 1.000000e-10 : f32
      %max3A_1637 = vector.broadcast %max3A_1636 : f32 to vector<16xf32>
      %max3A_1638 = arith.maximumf %get3A_1634, %max3A_1637 : vector<16xf32>
      %div3A_1639 = arith.divf %exp3A, %max3A_1638 : vector<16xf32>
      %select_n3A_1640 = arith.select %eq3A_1384, %exp3A, %div3A_1639 : vector<16xi1>, vector<16xf32>
      %broadcast_in_dim3A_1641 = vector.broadcast %add3A_1626 : i32 to vector<16xi32>
      %add3A_1642 = arith.addi %iota3A, %broadcast_in_dim3A_1641 : vector<16xi32>
      %gt3A = arith.cmpf ogt, %select_n3A_1640, %scan3A_1621 : vector<16xf32>
      %select_n3A_1643 = arith.select %gt3A, %select_n3A_1640, %scan3A_1621 : vector<16xi1>, vector<16xf32>
      %select_n3A_1644 = arith.select %gt3A, %add3A_1642, %scan3A_1622 : vector<16xi1>, vector<16xi32>
      scf.yield %select_n3A_1643, %select_n3A_1644 : vector<16xf32>, vector<16xi32>
    }
    %scan3A_1498 = arith.constant 625 : i32
    %mul3A_1499 = arith.constant 100000 : i32
    %mul3A_1500 = arith.muli %add3A_1212, %mul3A_1499 : i32
    %add3A_1501 = arith.constant 90000 : i32
    %add3A_1502 = arith.addi %mul3A_1500, %add3A_1501 : i32
    %dma_start3A_1503 = tpu.memref_slice %arg4[%add3A_1502] : memref<12800000xf32, #tpu.memory_space<hbm>> -> memref<10000xf32, #tpu.memory_space<hbm>>
    %dma_start3A_1504 = tpu.memref_slice %arg4[%add3A_1502] : memref<12800000xf32, #tpu.memory_space<hbm>> -> memref<10000xf32, #tpu.memory_space<hbm>>
    tpu.enqueue_dma source(%dma_start3A_1504 : memref<10000xf32, #tpu.memory_space<hbm>>) target(%arg8 : memref<10000xf32, #tpu.memory_space<vmem>>) target_semaphore(%arg17 : memref<!tpu.dma_semaphore, #tpu.memory_space<semaphore_mem>>)
    %dma_wait3A_1505 = tpu.memref_slice %arg4[%add3A_1488] : memref<12800000xf32, #tpu.memory_space<hbm>> -> memref<10000xf32, #tpu.memory_space<hbm>>
    %dma_wait3A_1506 = tpu.memref_slice %arg4[%add3A_1488] : memref<12800000xf32, #tpu.memory_space<hbm>> -> memref<10000xf32, #tpu.memory_space<hbm>>
    tpu.wait_dma2 semaphore(%arg16 : memref<!tpu.dma_semaphore, #tpu.memory_space<semaphore_mem>>) src(%dma_wait3A_1506 : memref<10000xf32, #tpu.memory_space<hbm>>) dst(%arg7 : memref<10000xf32, #tpu.memory_space<vmem>>)
    %scan3A_1507 = arith.constant 0 : i32
    %scan3A_1508 = arith.constant 625 : i32
    %scan3A_1509 = arith.addi %scan3A_1507, %scan3A_1508 : i32
    %scan3A_1510 = arith.constant 1 : i32
    %scan3A_1511:2 = scf.for %scan3A_1620 = %scan3A_1507 to %scan3A_1509 step %scan3A_1510 iter_args(%scan3A_1621 = %scan3A_1497#0, %scan3A_1622 = %scan3A_1497#1) -> (vector<16xf32>, vector<16xi32>)  : i32 {
      %mul3A_1623 = arith.constant 16 : i32
      %mul3A_1624 = arith.muli %scan3A_1620, %mul3A_1623 : i32
      %add3A_1625 = arith.constant 80000 : i32
      %add3A_1626 = arith.addi %add3A_1625, %mul3A_1624 : i32
      %get3A_1627 = arith.index_cast %add3A_1626 : i32 to index
      %get3A_1628 = tpu.vector_load %arg6[%get3A_1627] {strides = array<i32>} : memref<100000xf32, #tpu.memory_space<vmem>>, vector<16xf32>,
      %get3A_1629 = vector.shape_cast %get3A_1628 : vector<16xf32> to vector<16xf32>
      %mul3A_1630 = arith.constant 16 : i32
      %mul3A_1631 = arith.muli %scan3A_1620, %mul3A_1630 : i32
      %get3A_1632 = arith.index_cast %mul3A_1631 : i32 to index
      %get3A_1633 = tpu.vector_load %arg7[%get3A_1632] {strides = array<i32>} : memref<10000xf32, #tpu.memory_space<vmem>>, vector<16xf32>,
      %get3A_1634 = vector.shape_cast %get3A_1633 : vector<16xf32> to vector<16xf32>
      %div3A_1635 = arith.divf %get3A_1629, %select_n3A_1387 : vector<16xf32>
      %sub3A = arith.subf %div3A_1635, %div3A_1388 : vector<16xf32>
      %exp3A = math.exp %sub3A : vector<16xf32>
      %max3A_1636 = arith.constant 1.000000e-10 : f32
      %max3A_1637 = vector.broadcast %max3A_1636 : f32 to vector<16xf32>
      %max3A_1638 = arith.maximumf %get3A_1634, %max3A_1637 : vector<16xf32>
      %div3A_1639 = arith.divf %exp3A, %max3A_1638 : vector<16xf32>
      %select_n3A_1640 = arith.select %eq3A_1384, %exp3A, %div3A_1639 : vector<16xi1>, vector<16xf32>
      %broadcast_in_dim3A_1641 = vector.broadcast %add3A_1626 : i32 to vector<16xi32>
      %add3A_1642 = arith.addi %iota3A, %broadcast_in_dim3A_1641 : vector<16xi32>
      %gt3A = arith.cmpf ogt, %select_n3A_1640, %scan3A_1621 : vector<16xf32>
      %select_n3A_1643 = arith.select %gt3A, %select_n3A_1640, %scan3A_1621 : vector<16xi1>, vector<16xf32>
      %select_n3A_1644 = arith.select %gt3A, %add3A_1642, %scan3A_1622 : vector<16xi1>, vector<16xi32>
      scf.yield %select_n3A_1643, %select_n3A_1644 : vector<16xf32>, vector<16xi32>
    }
    %scan3A_1512 = arith.constant 625 : i32
    %dma_wait3A_1513 = tpu.memref_slice %arg4[%add3A_1502] : memref<12800000xf32, #tpu.memory_space<hbm>> -> memref<10000xf32, #tpu.memory_space<hbm>>
    %dma_wait3A_1514 = tpu.memref_slice %arg4[%add3A_1502] : memref<12800000xf32, #tpu.memory_space<hbm>> -> memref<10000xf32, #tpu.memory_space<hbm>>
    tpu.wait_dma2 semaphore(%arg17 : memref<!tpu.dma_semaphore, #tpu.memory_space<semaphore_mem>>) src(%dma_wait3A_1514 : memref<10000xf32, #tpu.memory_space<hbm>>) dst(%arg8 : memref<10000xf32, #tpu.memory_space<vmem>>)
    %scan3A_1515 = arith.constant 0 : i32
    %scan3A_1516 = arith.constant 625 : i32
    %scan3A_1517 = arith.addi %scan3A_1515, %scan3A_1516 : i32
    %scan3A_1518 = arith.constant 1 : i32
    %scan3A_1519:2 = scf.for %scan3A_1620 = %scan3A_1515 to %scan3A_1517 step %scan3A_1518 iter_args(%scan3A_1621 = %scan3A_1511#0, %scan3A_1622 = %scan3A_1511#1) -> (vector<16xf32>, vector<16xi32>)  : i32 {
      %mul3A_1623 = arith.constant 16 : i32
      %mul3A_1624 = arith.muli %scan3A_1620, %mul3A_1623 : i32
      %add3A_1625 = arith.constant 90000 : i32
      %add3A_1626 = arith.addi %add3A_1625, %mul3A_1624 : i32
      %get3A_1627 = arith.index_cast %add3A_1626 : i32 to index
      %get3A_1628 = tpu.vector_load %arg6[%get3A_1627] {strides = array<i32>} : memref<100000xf32, #tpu.memory_space<vmem>>, vector<16xf32>,
      %get3A_1629 = vector.shape_cast %get3A_1628 : vector<16xf32> to vector<16xf32>
      %mul3A_1630 = arith.constant 16 : i32
      %mul3A_1631 = arith.muli %scan3A_1620, %mul3A_1630 : i32
      %get3A_1632 = arith.index_cast %mul3A_1631 : i32 to index
      %get3A_1633 = tpu.vector_load %arg8[%get3A_1632] {strides = array<i32>} : memref<10000xf32, #tpu.memory_space<vmem>>, vector<16xf32>,
      %get3A_1634 = vector.shape_cast %get3A_1633 : vector<16xf32> to vector<16xf32>
      %div3A_1635 = arith.divf %get3A_1629, %select_n3A_1387 : vector<16xf32>
      %sub3A = arith.subf %div3A_1635, %div3A_1388 : vector<16xf32>
      %exp3A = math.exp %sub3A : vector<16xf32>
      %max3A_1636 = arith.constant 1.000000e-10 : f32
      %max3A_1637 = vector.broadcast %max3A_1636 : f32 to vector<16xf32>
      %max3A_1638 = arith.maximumf %get3A_1634, %max3A_1637 : vector<16xf32>
      %div3A_1639 = arith.divf %exp3A, %max3A_1638 : vector<16xf32>
      %select_n3A_1640 = arith.select %eq3A_1384, %exp3A, %div3A_1639 : vector<16xi1>, vector<16xf32>
      %broadcast_in_dim3A_1641 = vector.broadcast %add3A_1626 : i32 to vector<16xi32>
      %add3A_1642 = arith.addi %iota3A, %broadcast_in_dim3A_1641 : vector<16xi32>
      %gt3A = arith.cmpf ogt, %select_n3A_1640, %scan3A_1621 : vector<16xf32>
      %select_n3A_1643 = arith.select %gt3A, %select_n3A_1640, %scan3A_1621 : vector<16xi1>, vector<16xf32>
      %select_n3A_1644 = arith.select %gt3A, %add3A_1642, %scan3A_1622 : vector<16xi1>, vector<16xi32>
      scf.yield %select_n3A_1643, %select_n3A_1644 : vector<16xf32>, vector<16xi32>
    }
    %scan3A_1520 = arith.constant 625 : i32
    %add3A_1521 = arith.constant 8 : i32
    %add3A_1522 = vector.broadcast %add3A_1521 : i32 to vector<16xi32>
    %add3A_1523 = arith.addi %iota3A, %add3A_1522 : vector<16xi32>
    %and3A_1524 = arith.constant 15 : i32
    %and3A_1525 = vector.broadcast %and3A_1524 : i32 to vector<16xi32>
    %and3A_1526 = arith.andi %add3A_1523, %and3A_1525 : vector<16xi32>
    %broadcast_in_dim3A_1527 = vector.shape_cast %and3A_1526 : vector<16xi32> to vector<16x1xi32>
    %gather3A_1528 = vector.shape_cast %broadcast_in_dim3A_1527 : vector<16x1xi32> to vector<16xi32>
    %gather3A_1529 = tpu.dynamic_gather %scan3A_1519#0[%gather3A_1528] in [0] : vector<16xf32>, vector<16xi32> -> vector<16xf32>
    %max3A_1530 = arith.maximumf %scan3A_1519#0, %gather3A_1529 : vector<16xf32>
    %add3A_1531 = arith.constant 4 : i32
    %add3A_1532 = vector.broadcast %add3A_1531 : i32 to vector<16xi32>
    %add3A_1533 = arith.addi %iota3A, %add3A_1532 : vector<16xi32>
    %and3A_1534 = arith.constant 15 : i32
    %and3A_1535 = vector.broadcast %and3A_1534 : i32 to vector<16xi32>
    %and3A_1536 = arith.andi %add3A_1533, %and3A_1535 : vector<16xi32>
    %broadcast_in_dim3A_1537 = vector.shape_cast %and3A_1536 : vector<16xi32> to vector<16x1xi32>
    %gather3A_1538 = vector.shape_cast %broadcast_in_dim3A_1537 : vector<16x1xi32> to vector<16xi32>
    %gather3A_1539 = tpu.dynamic_gather %max3A_1530[%gather3A_1538] in [0] : vector<16xf32>, vector<16xi32> -> vector<16xf32>
    %max3A_1540 = arith.maximumf %max3A_1530, %gather3A_1539 : vector<16xf32>
    %add3A_1541 = arith.constant 2 : i32
    %add3A_1542 = vector.broadcast %add3A_1541 : i32 to vector<16xi32>
    %add3A_1543 = arith.addi %iota3A, %add3A_1542 : vector<16xi32>
    %and3A_1544 = arith.constant 15 : i32
    %and3A_1545 = vector.broadcast %and3A_1544 : i32 to vector<16xi32>
    %and3A_1546 = arith.andi %add3A_1543, %and3A_1545 : vector<16xi32>
    %broadcast_in_dim3A_1547 = vector.shape_cast %and3A_1546 : vector<16xi32> to vector<16x1xi32>
    %gather3A_1548 = vector.shape_cast %broadcast_in_dim3A_1547 : vector<16x1xi32> to vector<16xi32>
    %gather3A_1549 = tpu.dynamic_gather %max3A_1540[%gather3A_1548] in [0] : vector<16xf32>, vector<16xi32> -> vector<16xf32>
    %max3A_1550 = arith.maximumf %max3A_1540, %gather3A_1549 : vector<16xf32>
    %add3A_1551 = arith.constant 1 : i32
    %add3A_1552 = vector.broadcast %add3A_1551 : i32 to vector<16xi32>
    %add3A_1553 = arith.addi %iota3A, %add3A_1552 : vector<16xi32>
    %and3A_1554 = arith.constant 15 : i32
    %and3A_1555 = vector.broadcast %and3A_1554 : i32 to vector<16xi32>
    %and3A_1556 = arith.andi %add3A_1553, %and3A_1555 : vector<16xi32>
    %broadcast_in_dim3A_1557 = vector.shape_cast %and3A_1556 : vector<16xi32> to vector<16x1xi32>
    %gather3A_1558 = vector.shape_cast %broadcast_in_dim3A_1557 : vector<16x1xi32> to vector<16xi32>
    %gather3A_1559 = tpu.dynamic_gather %max3A_1550[%gather3A_1558] in [0] : vector<16xf32>, vector<16xi32> -> vector<16xf32>
    %max3A_1560 = arith.maximumf %max3A_1550, %gather3A_1559 : vector<16xf32>
    %eq3A_1561 = arith.cmpf oeq, %scan3A_1519#0, %max3A_1560 : vector<16xf32>
    %broadcast_in_dim3A_1562 = arith.constant 2147483647 : i32
    %broadcast_in_dim3A_1563 = vector.broadcast %broadcast_in_dim3A_1562 : i32 to vector<16xi32>
    %select_n3A_1564 = arith.select %eq3A_1561, %scan3A_1519#1, %broadcast_in_dim3A_1563 : vector<16xi1>, vector<16xi32>
    %neg3A_1565 = arith.constant 0 : i32
    %neg3A_1566 = vector.broadcast %neg3A_1565 : i32 to vector<16xi32>
    %neg3A_1567 = arith.subi %neg3A_1566, %select_n3A_1564 : vector<16xi32>
    %add3A_1568 = arith.constant 8 : i32
    %add3A_1569 = vector.broadcast %add3A_1568 : i32 to vector<16xi32>
    %add3A_1570 = arith.addi %iota3A, %add3A_1569 : vector<16xi32>
    %and3A_1571 = arith.constant 15 : i32
    %and3A_1572 = vector.broadcast %and3A_1571 : i32 to vector<16xi32>
    %and3A_1573 = arith.andi %add3A_1570, %and3A_1572 : vector<16xi32>
    %broadcast_in_dim3A_1574 = vector.shape_cast %and3A_1573 : vector<16xi32> to vector<16x1xi32>
    %gather3A_1575 = vector.shape_cast %broadcast_in_dim3A_1574 : vector<16x1xi32> to vector<16xi32>
    %gather3A_1576 = tpu.dynamic_gather %neg3A_1567[%gather3A_1575] in [0] : vector<16xi32>, vector<16xi32> -> vector<16xi32>
    %max3A_1577 = arith.maxsi %neg3A_1567, %gather3A_1576 : vector<16xi32>
    %add3A_1578 = arith.constant 4 : i32
    %add3A_1579 = vector.broadcast %add3A_1578 : i32 to vector<16xi32>
    %add3A_1580 = arith.addi %iota3A, %add3A_1579 : vector<16xi32>
    %and3A_1581 = arith.constant 15 : i32
    %and3A_1582 = vector.broadcast %and3A_1581 : i32 to vector<16xi32>
    %and3A_1583 = arith.andi %add3A_1580, %and3A_1582 : vector<16xi32>
    %broadcast_in_dim3A_1584 = vector.shape_cast %and3A_1583 : vector<16xi32> to vector<16x1xi32>
    %gather3A_1585 = vector.shape_cast %broadcast_in_dim3A_1584 : vector<16x1xi32> to vector<16xi32>
    %gather3A_1586 = tpu.dynamic_gather %max3A_1577[%gather3A_1585] in [0] : vector<16xi32>, vector<16xi32> -> vector<16xi32>
    %max3A_1587 = arith.maxsi %max3A_1577, %gather3A_1586 : vector<16xi32>
    %add3A_1588 = arith.constant 2 : i32
    %add3A_1589 = vector.broadcast %add3A_1588 : i32 to vector<16xi32>
    %add3A_1590 = arith.addi %iota3A, %add3A_1589 : vector<16xi32>
    %and3A_1591 = arith.constant 15 : i32
    %and3A_1592 = vector.broadcast %and3A_1591 : i32 to vector<16xi32>
    %and3A_1593 = arith.andi %add3A_1590, %and3A_1592 : vector<16xi32>
    %broadcast_in_dim3A_1594 = vector.shape_cast %and3A_1593 : vector<16xi32> to vector<16x1xi32>
    %gather3A_1595 = vector.shape_cast %broadcast_in_dim3A_1594 : vector<16x1xi32> to vector<16xi32>
    %gather3A_1596 = tpu.dynamic_gather %max3A_1587[%gather3A_1595] in [0] : vector<16xi32>, vector<16xi32> -> vector<16xi32>
    %max3A_1597 = arith.maxsi %max3A_1587, %gather3A_1596 : vector<16xi32>
    %add3A_1598 = arith.constant 1 : i32
    %add3A_1599 = vector.broadcast %add3A_1598 : i32 to vector<16xi32>
    %add3A_1600 = arith.addi %iota3A, %add3A_1599 : vector<16xi32>
    %and3A_1601 = arith.constant 15 : i32
    %and3A_1602 = vector.broadcast %and3A_1601 : i32 to vector<16xi32>
    %and3A_1603 = arith.andi %add3A_1600, %and3A_1602 : vector<16xi32>
    %broadcast_in_dim3A_1604 = vector.shape_cast %and3A_1603 : vector<16xi32> to vector<16x1xi32>
    %gather3A_1605 = vector.shape_cast %broadcast_in_dim3A_1604 : vector<16x1xi32> to vector<16xi32>
    %gather3A_1606 = tpu.dynamic_gather %max3A_1597[%gather3A_1605] in [0] : vector<16xi32>, vector<16xi32> -> vector<16xi32>
    %max3A_1607 = arith.maxsi %max3A_1597, %gather3A_1606 : vector<16xi32>
    %neg3A_1608 = arith.constant 0 : i32
    %neg3A_1609 = vector.broadcast %neg3A_1608 : i32 to vector<16xi32>
    %neg3A_1610 = arith.subi %neg3A_1609, %max3A_1607 : vector<16xi32>
    %eq3A_1611 = arith.constant 3 : i32
    %eq3A_1612 = vector.broadcast %eq3A_1611 : i32 to vector<16xi32>
    %eq3A_1613 = arith.cmpi eq, %iota3A, %eq3A_1612 : vector<16xi32>
    %select_n3A_1614 = arith.select %eq3A_1613, %neg3A_1610, %select_n3A_1208 : vector<16xi1>, vector<16xi32>
    %swap3A = arith.constant 0 : index
    %swap3A_1615 = tpu.vector_load %arg10[%swap3A] {strides = array<i32>} : memref<16xi32, #tpu.memory_space<vmem>>, vector<16xi32>,
    %swap3A_1616 = vector.shape_cast %swap3A_1615 : vector<16xi32> to vector<16xi32>
    %swap3A_1617 = vector.shape_cast %select_n3A_1614 : vector<16xi32> to vector<16xi32>
    tpu.vector_store %arg10[%swap3A], %swap3A_1617 {strides = array<i32>} : memref<16xi32, #tpu.memory_space<vmem>>, vector<16xi32>,
    %mul3A_1618 = arith.constant 16 : i32
    %mul3A_1619 = arith.muli %add3A, %mul3A_1618 : i32
    "tpu.region"() ({
      %run_scoped3A = tpu.sem_alloc : memref<!tpu.dma_semaphore, #tpu.memory_space<semaphore_mem>>
      %dma_start3A_1620 = tpu.memref_slice %arg5[%mul3A_1619] : memref<512xi32, #tpu.memory_space<hbm>> -> memref<16xi32, #tpu.memory_space<hbm>>
      %dma_start3A_1621 = tpu.memref_slice %arg5[%mul3A_1619] : memref<512xi32, #tpu.memory_space<hbm>> -> memref<16xi32, #tpu.memory_space<hbm>>
      tpu.enqueue_dma source(%arg10 : memref<16xi32, #tpu.memory_space<vmem>>) target(%dma_start3A_1621 : memref<16xi32, #tpu.memory_space<hbm>>) target_semaphore(%run_scoped3A : memref<!tpu.dma_semaphore, #tpu.memory_space<semaphore_mem>>)
      %dma_wait3A_1622 = tpu.memref_slice %arg5[%mul3A_1619] : memref<512xi32, #tpu.memory_space<hbm>> -> memref<16xi32, #tpu.memory_space<hbm>>
      %dma_wait3A_1623 = tpu.memref_slice %arg5[%mul3A_1619] : memref<512xi32, #tpu.memory_space<hbm>> -> memref<16xi32, #tpu.memory_space<hbm>>
      tpu.wait_dma2 semaphore(%run_scoped3A : memref<!tpu.dma_semaphore, #tpu.memory_space<semaphore_mem>>) src(%arg10 : memref<16xi32, #tpu.memory_space<vmem>>) dst(%dma_wait3A_1623 : memref<16xi32, #tpu.memory_space<hbm>>)
      tpu.yield
    }) : () -> ()
    return
  }
}

</mosaic_0001>

<sc_bundles>
// kernel: kernel.3.cloned.1.call-start
scs
__scs_entry_jumppad:
0x0: {  	(pc) =	sbr.rel $0x88, $3  }
0x1: {  	(tag) =	ssettag $0x0;
	lr =	simm.s32 $0x1  }
0x2: {  	[smem:$0x3F9E] =	sst lr;
	_ =	strace $0xD0000000  }
0x3: {  	_ = 	snop  }
0x4: {  	_ = 	snop  }
0x5: {  	_ = 	snop  }
0x6: {  	_ = 	snop  }
0x7: {  	_ = 	snop  }
__scs_overlays_trampoline_lowered:
0x8: {  	[smem:$0x3FAD] =	sst s0  }
0x9: {  	[smem:$0x3FAE] =	sst s1  }
0xa: {  	[smem:$0x3FAF] =	sst s2  }
0xb: {  	[smem:$0x3FB0] =	sst s3  }
0xc: {  	[smem:$0x3FB1] =	sst s4  }
0xd: {  	[smem:$0x3FB2] =	sst s5  }
0xe: {  	[smem:$0x3FB3] =	sst s6  }
0xf: {  	[smem:$0x3FB4] =	sst s7  }
0x10: {  	[smem:$0x3FB5] =	sst s8  }
0x11: {  	[smem:$0x3FB6] =	sst s9;
	s0 =	simm.s32 @!p0 $0x0  }
0x12: {  	s1 =	sld [smem:$0x3F9C];
	s0 =	simm.s32 @p0 $0x1  }
0x13: {  	[smem:$0x3FB7] =	sst s0;
	s0 =	simm.s32 @!p1 $0x0  }
0x14: {  	s2 =	sld [smem:$0x3F9B];
	s0 =	simm.s32 @p1 $0x1  }
0x15: {  	[smem:$0x3FB8] =	sst s0;
	s0 =	simm.s32 @!p2 $0x0  }
0x16: {  	s3 =	sld [smem:$0x3FDB];
	s0 =	simm.s32 @p2 $0x1  }
0x17: {  	s4 =	simm.s32 $0x1BF5;
	[smem:$0x3FBA] =	sst s0  }
0x18: {  	s0 =	sld [smem:$0x3F9D];
	_ =	swait.ge [sflag:s4], $0x0  }
0x19: {  	s7 =	sld [smem:$0x3F9E]  }
0x1a: {  	s8 =	sadd.s32 $0xFFFFE003, lr  }
0x1b: {  	s9 =	sadd.s32 $0xFFFFFEF7, lr;
	s5 =	simm.s32 $0xFFFFFFFF;
	p2 =	slt.u32 s8, $0xFFFFF086  }
0x1c: {  	p1 =	slt.u32 s9, $0xF7A;
	s5 =	simm.s32 @!p2 $0x0  }
0x1d: {  	s5 =	simm.s32 @p1 $0x1;
	p0 =	seq.s32 s7, s2  }
0x1e: {  	s7 =	smul.u32 @!p0 $0xF7A, s2;
	p2 =	seq.s32 @!p0 s5, $0x0  }
0x1f: {  	s9 =	smul.u32 $0xF7A, s1;
	s8 =	simm.s32 @!p0 $0x1BF5;
	p2 =	por !p2, p0  }
0x20: {  	[sflag:s8] =	ssyncset.s32 @!p0 $0xFFFFF086;
	s6 =	sadd.s32 @!p0 s3, s7;
	s7 =	simm.s32 @!p0 $0x108  }
0x21: {  	s3 =	sadd.s32 s3, s9;
	s6 =	sadd.s32 @!p0 $0x88, s6;
	s7 =	simm.s32 @p2 $0x1082  }
0x22: {  	[simem:s7], [sflag:s8] =	dma.local @!p0 [hbm:s6], $0xF7A  }
0x23: {  	s9 =	sor.u32 $0xD0000000, s2;
	s6 =	simm.s32 $0x108;
	_ =	swait.ge @!p0 [sflag:s8], $0x0  }
0x24: {  	s3 =	sadd.s32 $0x88, s3;
	s6 =	simm.s32 @!p1 $0x1082;
	[sflag:s4] =	ssyncset.s32 $0xFFFFF086  }
0x25: {  	[simem:s6], [sflag:s4] =	dma.local [hbm:s3], $0xF7A  }
0x26: {  	[smem:$0x3F9E] =	sst s1;
	(tag) =	ssettag s2;
	_ =	strace s9  }
0x27: {  	s1 =	sld [smem:$0x3FAE]  }
0x28: {  	s2 =	sld [smem:$0x3FAF]  }
0x29: {  	s4 =	sld [smem:$0x3FB1]  }
0x2a: {  	p0 =	seq.s32 s5, $0x0;
	s5 =	sld [smem:$0x3FB2]  }
0x2b: {  	s6 =	sld [smem:$0x3FB3]  }
0x2c: {  	s7 =	sld [smem:$0x3FB4]  }
0x2d: {  	s3 =	simm.s32 $0x108;
	s8 =	sld [smem:$0x3FB5]  }
0x2e: {  	s3 =	simm.s32 @!p0 $0x1082;
	s9 =	sld [smem:$0x3FB6]  }
0x2f: {  	lr =	sadd.s32 s0, s3;
	s0 =	sld [smem:$0x3FAD]  }
0x30: {  	s3 =	sld [smem:$0x3FB0]  }
0x31: {  	[smem:$0x3FB9] =	sst s10  }
0x32: {  	s10 =	sld [smem:$0x3FB7];
	_ =	sdelay $0x3  }
0x33: {  	p0 =	seq.s32 s10, $0x1;
	s10 =	sld [smem:$0x3FB9];
	_ =	sdelay $0x3  }
0x34: {  	[smem:$0x3FB9] =	sst s10  }
0x35: {  	s10 =	sld [smem:$0x3FB8];
	_ =	sdelay $0x3  }
0x36: {  	p1 =	seq.s32 s10, $0x1;
	s10 =	sld [smem:$0x3FB9];
	_ =	sdelay $0x3  }
0x37: {  	[smem:$0x3FB9] =	sst s10  }
0x38: {  	s10 =	sld [smem:$0x3FBA]  }
0x39: {  	_ = 	snop;
	(pc) =	sbr.ind lr, $3  }
0x3a: {  	_ = 	snop  }
0x3b: {  	_ = 	snop  }
0x3c: {  	p2 =	seq.s32 s10, $0x1;
	s10 =	sld [smem:$0x3FB9]  }
0x3d: {  	_ =	shalt  }
0x3e: {  	_ =	shalt  }
0x3f: {  	_ =	shalt  }
0x40: {  	_ =	shalt  }
0x41: {  	_ =	shalt  }
0x42: {  	_ =	shalt  }
0x43: {  	_ =	shalt  }
0x44: {  	_ =	shalt  }
0x45: {  	_ =	shalt  }
0x46: {  	_ =	shalt  }
0x47: {  	_ =	shalt  }
0x48: {  	_ =	shalt  }
0x49: {  	_ =	shalt  }
0x4a: {  	_ =	shalt  }
0x4b: {  	_ =	shalt  }
0x4c: {  	_ =	shalt  }
0x4d: {  	_ =	shalt  }
0x4e: {  	_ =	shalt  }
0x4f: {  	_ =	shalt  }
0x50: {  	_ =	shalt  }
0x51: {  	_ =	shalt  }
0x52: {  	_ =	shalt  }
0x53: {  	_ =	shalt  }
0x54: {  	_ =	shalt  }
0x55: {  	_ =	shalt  }
0x56: {  	_ =	shalt  }
0x57: {  	_ =	shalt  }
0x58: {  	_ =	shalt  }
0x59: {  	_ =	shalt  }
0x5a: {  	_ =	shalt  }
0x5b: {  	_ =	shalt  }
0x5c: {  	_ =	shalt  }
0x5d: {  	_ =	shalt  }
0x5e: {  	_ =	shalt  }
0x5f: {  	_ =	shalt  }
0x60: {  	_ =	shalt  }
0x61: {  	_ =	shalt  }
0x62: {  	_ =	shalt  }
0x63: {  	_ =	shalt  }
0x64: {  	_ =	shalt  }
0x65: {  	_ =	shalt  }
0x66: {  	_ =	shalt  }
0x67: {  	_ =	shalt  }
0x68: {  	_ =	shalt  }
0x69: {  	_ =	shalt  }
0x6a: {  	_ =	shalt  }
0x6b: {  	_ =	shalt  }
0x6c: {  	_ =	shalt  }
0x6d: {  	_ =	shalt  }
0x6e: {  	_ =	shalt  }
0x6f: {  	_ =	shalt  }
0x70: {  	_ =	shalt  }
0x71: {  	_ =	shalt  }
0x72: {  	_ =	shalt  }
0x73: {  	_ =	shalt  }
0x74: {  	_ =	shalt  }
0x75: {  	_ =	shalt  }
0x76: {  	_ =	shalt  }
0x77: {  	_ =	shalt  }
0x78: {  	_ =	shalt  }
0x79: {  	_ =	shalt  }
0x7a: {  	_ =	shalt  }
0x7b: {  	_ =	shalt  }
0x7c: {  	_ =	shalt  }
0x7d: {  	_ =	shalt  }
0x7e: {  	_ =	shalt  }
0x7f: {  	_ =	shalt  }
0x80: {  	_ =	shalt  }
0x81: {  	_ =	shalt  }
0x82: {  	_ =	shalt  }
0x83: {  	_ =	shalt  }
0x84: {  	_ =	shalt  }
0x85: {  	_ =	shalt  }
0x86: {  	_ =	shalt  }
0x87: {  	_ =	shalt  }
.Lfunc_end0:
.L_simem_size_0:
called_computation_lowered:
.L_overlay_start_0:
0x88: {  	s2 =	sld [smem:$0x3FD9]  }
0x89: {  	s3 =	sld [smem:$0x3FFE];
	_ =	sdelay $0x1  }
0x8a: {  	s1 =	srdreg.scid  }
0x8b: {  	s0 =	sand.u32 $0x1, s1  }
0x8c: {  	s16 =	sshll.u32 s0, $0xA;
	s2 =	sadd.s32 s3, s2  }
0x8d: {  	s2 =	sadd.s32 s2, s16  }
0x8e: {  	[smem:$0x3FC5] =	sst s2  }
0x8f: {  	_ = 	snop  }
0x90: {  	(tm) =	ssettm $0x1  }
0x91: {  	s17 =	sld [smem:$0x3FFB];
	_ =	sdelay $0x3  }
0x92: {  	_ =	strace s17  }
0x93: {  	s2 =	sld [smem:$0x3FFC];
	_ =	sdelay $0x3  }
0x94: {  	_ =	strace s2  }
0x95: {  	s2 =	sld [smem:$0x3FFD];
	_ =	sdelay $0x3  }
0x96: {  	_ =	strace s2  }
0x97: {  	_ =	strace $0x8FFFFFFF  }
0x98: {  	s18 =	sld [smem:$0x3FDB];
	_ =	sdelay $0x1  }
0x99: {  	s19 =	simm.s32 $_scs_section_size  }
0x9a: {  	s4 =	simm.s32 $_size__tile_overlayer_lowered;
	s5 =	simm.s32 $_tile_overlayer_lowered  }
0x9b: {  	s22 =	simm.s32 $0x1BFF;
	s21 =	sshll.u32 s5, $0x1;
	s2 =	sadd.s32 s19, s18  }
0x9c: {  	s6 =	simm.s32 $0x0;
	s20 =	sshll.u32 s4, $0x1;
	s4 =	sadd.s32 s21, s2  }
0x9d: {  	[timem:s6], [sflag:s22] =	dma.local [hbm:s4], s20  }
0x9e: {  	_ =	swait.ge [sflag:s22], s20  }
0x9f: {  	s3 =	ssub.s32 $0x0, s20;
	[sflag:s22] =	ssyncset.done $0x0  }
0xa0: {  	[sflag:s22] =	ssyncadd.s32 s3;
	_ =	sdelay $0x1  }
0xa1: {  	s23 =	simm.s32 $0x1B8B  }
0xa2: {  	_ =	swait.ge [sflag:s23], $0x1  }
0xa3: {  	[sflag:s23] =	ssyncset.done $0x0  }
0xa4: {  	s25 =	simm.s32 $0x1B8E;
	s24 =	sld [smem:$0x3FFE];
	[sflag:s23] =	ssyncadd.s32 $0xFFFFFFFF  }
0xa5: {  	s26 =	simm.s32 $execute0_lowered;
	[smem:$0x3FD2] =	sst s25  }
0xa6: {  	s4 =	sshll.u32 s26, $0x1;
	_ =	strace $0x80000046;
	[dreg:$0x1] =	wrdreg $0xFFFFFFFF  }
0xa7: {  	s28 =	simm.s32 $_size_execute0_lowered;
	s2 =	sadd.s32 s2, s4;
	[dreg:$0x0] =	wrdreg $0x0  }
0xa8: {  	s4 =	sshll.u32 s28, $0x1;
	[dreg:$0x2] =	wrdreg s2  }
0xa9: {  	[dreg:$0x3] =	wrdreg s4  }
0xaa: {  	[dreg:$0x4] =	wrdreg $0xC0  }
0xab: {  	_ =	task [dreg:s6], $0x5FFFF  }
0xac: {  	[dreg:$0x1] =	wrdreg $0xFFFFFFFF  }
0xad: {  	[dreg:$0x0] =	wrdreg $0x60  }
0xae: {  	[dreg:$0x2] =	wrdreg s24  }
0xaf: {  	[dreg:$0x3] =	wrdreg $0x9  }
0xb0: {  	_ =	task.clear_ibuf [dreg:s6], $0x4FFFF;
	_ =	strace $0x90000046  }
0xb1: {  	s29 =	simm.s32 $0x9;
	_ =	strace $0x80000048  }
0xb2: {  	_ =	swait.ge [sflag:s29], $0x1  }
0xb3: {  	[sflag:s29] =	ssyncadd.s32 $0xFFFFFFFF  }
0xb4: {  	_ =	strace $0x90000048  }
0xb5: {  	_ =	sfence  }
0xb6: {  	s30 =	sld [smem:$0x0];
	_ =	sdelay $0x2  }
0xb7: {  	s31 =	sshll.u32 s1, $0xD;
	s1 =	sshrl.u32 s1, $0x2  }
0xb8: {  	s3 =	sand.u32 $0x4000, s31;
	s1 =	sadd.s32 s1, s30  }
0xb9: {  	s0 =	sor.u32 s3, s0;
	s1 =	sshll.u32 s1, $0x11  }
0xba: {  	s0 =	sor.u32 s1, s0  }
0xbb: {  	s0 =	sadd.s32 $0x8F2B, s0  }
0xbc: {  	[sflag:s0] =	ssyncadd.remote.s32 $0x1  }
0xbd: {  	_ =	sfence.sel $0xFFFF  }
0xbe: {  	[dreg:$0x0] =	wrdreg $0xFFFFFFFF;
	(pc) =	sbr.abs _section_cstart, $3  }
0xbf: {  	[dreg:$0x1] =	wrdreg $0xFFFFFFFF  }
0xc0: {  	_ =	task.clear_ibuf [dreg:s6], $0x2FFFF;
	_ =	strace $0x9FFFFFFF  }
0xc1: {  	(tm) =	ssettm $0x7FFFFFFF  }
tec
execute0_lowered:
.L_overlay_start_1:
0x0: {  	(tag) =	ssettag $0x1  }
0x1: {  	s0 =	srdreg.scid;
	s4 =	rddreg [dreg:$0x0];
	s1 =	simm.s32 $0x0  }
0x2: {  	s2 =	stileid.u32;
	s3 =	sand.u32 $0x1, s0;
	[smem:$0x7FF] =	sst s1  }
0x3: {  	s8 =	sadd.s32 $0x600, s4;
	s0 =	sshll.u32 s3, $0x4;
	s7 =	ssub.s32 $0x2, s3  }
0x4: {  	s5 =	sor.u32 s2, s0;
	s2 =	sadd.s32 $0x187600, s4;
	s0 =	sadd.s32 $0x30E000, s4  }
0x5: {  	s9 =	sshrl.u32 s7, $0x1;
	s6 =	smul.u32 $0x61A80, s5;
	s19 =	sshll.u32 s5, $0x1  }
0x6: {  	s12 =	sshll.u32 s5, $0x2;
	s15 =	sshll.u32 s5, $0x3;
	s5 =	sshllo.u32 s5, $0x2  }
0x7: {  	s3 =	sadd.s32 s19, s4;
	s26 =	sadd.s32 s8, s15;
	s6 =	sshrl.u32 s6, $0x3  }
0x8: {  	[dreg:$0x7] =	wrdreg s26;
	s20 =	sadd.s32 $0x9C4, s6;
	s21 =	sadd.s32 s2, s6  }
0x9: {  	s10 =	sadd.s32 $0x1388, s6;
	[dreg:$0x2] =	wrdreg s21;
	s22 =	sadd.s32 s2, s20  }
0xa: {  	s11 =	sadd.s32 $0x1D4C, s6;
	s23 =	sadd.s32 s2, s10;
	[dreg:$0x3] =	wrdreg s22  }
0xb: {  	s13 =	sadd.s32 $0x2710, s6;
	s24 =	sadd.s32 s2, s11;
	[dreg:$0x4] =	wrdreg s23  }
0xc: {  	s4 =	ssub.s32 s7, s9;
	s25 =	sadd.s32 s2, s13;
	[dreg:$0x5] =	wrdreg s24  }
0xd: {  	s14 =	sor.u32 $0x1, s12;
	s9 =	sadd.s32 s0, s20;
	[dreg:$0x6] =	wrdreg s25  }
0xe: {  	s16 =	smul.u32 $0x186A0, s14;
	s10 =	sadd.s32 s0, s10;
	[dreg:$0x8] =	wrdreg s9  }
0xf: {  	s19 =	sshll.u32 s14, $0x1;
	s11 =	sadd.s32 s0, s11;
	[dreg:$0x9] =	wrdreg s10  }
0x10: {  	s15 =	sshrl.u32 s16, $0x3;
	s16 =	sadd.s32 s0, s13;
	[dreg:$0xa] =	wrdreg s11  }
0x11: {  	s20 =	sor.u32 $0x2, s12;
	[dreg:$0xb] =	wrdreg s16;
	s17 =	sadd.s32 s2, s15  }
0x12: {  	s10 =	sadd.s32 s8, s19;
	s21 =	sshll.u32 s20, $0x1;
	[dreg:$0xc] =	wrdreg s17  }
0x13: {  	s22 =	sshll.u32 s5, $0x1;
	[dreg:$0xd] =	wrdreg s10;
	s10 =	sadd.s32 s8, s21  }
0x14: {  	s18 =	sadd.s32 $0x9C4, s15;
	s8 =	sadd.s32 s8, s22;
	[dreg:$0xe] =	wrdreg s10  }
0x15: {  	s7 =	sadd.s32 s0, s6;
	s26 =	sadd.s32 s2, s18;
	[dreg:$0xf] =	wrdreg s8  }
0x16: {  	s23 =	sadd.s32 $0x1388, s15;
	s9 =	sadd.s32 s0, s18;
	[dreg:$0x10] =	wrdreg s26  }
0x17: {  	s24 =	sadd.s32 $0x1D4C, s15;
	s13 =	sadd.s32 s2, s23;
	[dreg:$0x11] =	wrdreg s9  }
0x18: {  	s25 =	sadd.s32 $0x2710, s15;
	s14 =	sadd.s32 s2, s24;
	[dreg:$0x12] =	wrdreg s13  }
0x19: {  	s17 =	sadd.s32 s0, s15;
	s15 =	sadd.s32 s0, s24;
	[dreg:$0x14] =	wrdreg s14  }
0x1a: {  	s11 =	smul.u32 $0x186A0, s20;
	s16 =	sadd.s32 s2, s25;
	[dreg:$0x15] =	wrdreg s15  }
0x1b: {  	s5 =	smul.u32 $0x186A0, s5;
	s18 =	sadd.s32 s0, s25;
	[dreg:$0x16] =	wrdreg s16  }
0x1c: {  	s8 =	sadd.s32 s0, s23;
	s6 =	sshrl.u32 s11, $0x3;
	[dreg:$0x17] =	wrdreg s18  }
0x1d: {  	s5 =	sshrl.u32 s5, $0x3;
	[dreg:$0x13] =	wrdreg s8;
	s19 =	sadd.s32 s2, s6  }
0x1e: {  	s20 =	sadd.s32 $0x9C4, s6;
	s16 =	sadd.s32 s2, s5;
	[dreg:$0x18] =	wrdreg s19  }
0x1f: {  	s24 =	sadd.s32 s2, s20;
	[smem:$0x7E0] =	sst s16  }
0x20: {  	s21 =	sadd.s32 $0x1388, s6;
	s25 =	sadd.s32 s0, s20;
	[dreg:$0x19] =	wrdreg s24  }
0x21: {  	s26 =	sadd.s32 s2, s21;
	[dreg:$0x1a] =	wrdreg s25  }
0x22: {  	s22 =	sadd.s32 $0x1D4C, s6;
	s8 =	sadd.s32 s0, s21;
	[dreg:$0x1b] =	wrdreg s26  }
0x23: {  	s9 =	sadd.s32 s2, s22;
	[dreg:$0x1c] =	wrdreg s8  }
0x24: {  	s23 =	sadd.s32 $0x2710, s6;
	s12 =	sadd.s32 s0, s22;
	[dreg:$0x1d] =	wrdreg s9  }
0x25: {  	s13 =	sadd.s32 s2, s23;
	[dreg:$0x1e] =	wrdreg s12  }
0x26: {  	s15 =	sadd.s32 $0x9C4, s5;
	s14 =	sadd.s32 s0, s23;
	[dreg:$0x1f] =	wrdreg s13  }
0x27: {  	s18 =	sadd.s32 s2, s15;
	s19 =	sadd.s32 $0x1388, s5;
	[smem:$0x7DF] =	sst s14  }
0x28: {  	s21 =	sadd.s32 $0x1D4C, s5;
	[smem:$0x7E1] =	sst s18;
	s20 =	sadd.s32 s2, s19  }
0x29: {  	s22 =	sadd.s32 $0x2710, s5;
	s23 =	sadd.s32 s2, s21;
	[smem:$0x7E2] =	sst s20  }
0x2a: {  	s2 =	sadd.s32 s2, s22;
	[smem:$0x7E3] =	sst s23  }
0x2b: {  	s24 =	sadd.s32 s0, s15;
	[smem:$0x7E4] =	sst s2  }
0x2c: {  	s25 =	sadd.s32 s0, s19;
	[smem:$0x7E5] =	sst s24  }
0x2d: {  	s28 =	sadd.s32 s0, s6;
	s26 =	sadd.s32 s0, s21;
	[smem:$0x7E6] =	sst s25  }
0x2e: {  	s12 =	sadd.s32 s0, s5;
	s0 =	sadd.s32 s0, s22;
	[smem:$0x7E7] =	sst s26  }
0x2f: {  	s3 =	sadd.s32 $0x800, s3;
	[smem:$0x7E8] =	sst s0  }
0x30: {  	s4 =	smax.u32 s4, $0x1;
	_ =	strace $0x80000047;
	[smem:$0x7E9] =	sst s3  }
0x31: {  	s5 =	sadd.s32 $0x4E2, s7;
	[smem:$0x7EA] =	sst s4  }
0x32: {  	s6 =	sadd.s32 $0xEA6, s7;
	[smem:$0x7EB] =	sst s5  }
0x33: {  	s8 =	sadd.s32 $0x186A, s7;
	[smem:$0x7EC] =	sst s6  }
0x34: {  	s9 =	sadd.s32 $0x222E, s7;
	[smem:$0x7ED] =	sst s8  }
0x35: {  	s10 =	sadd.s32 $0x2BF2, s7;
	[smem:$0x7EE] =	sst s9  }
0x36: {  	s11 =	sadd.s32 $0x4E2, s17;
	[smem:$0x7EF] =	sst s10  }
0x37: {  	s13 =	sadd.s32 $0xEA6, s17;
	[smem:$0x7F0] =	sst s11  }
0x38: {  	s14 =	sadd.s32 $0x186A, s17;
	[smem:$0x7F1] =	sst s13  }
0x39: {  	s15 =	sadd.s32 $0x222E, s17;
	[smem:$0x7F2] =	sst s14  }
0x3a: {  	s16 =	sadd.s32 $0x2BF2, s17;
	[smem:$0x7F3] =	sst s15  }
0x3b: {  	s18 =	sadd.s32 $0x4E2, s28;
	[smem:$0x7F4] =	sst s16  }
0x3c: {  	v0 =	vimm.s32 $0x76543210;
	s19 =	sadd.s32 $0xEA6, s28;
	[smem:$0x7F5] =	sst s18  }
0x3d: {  	v1 =	vimm.s32 $0xFEDCBA98;
	v2 =	vimm.s32 $0x3210FEDC;
	s20 =	sadd.s32 $0x186A, s28;
	[smem:$0x7F6] =	sst s19  }
0x3e: {  	v3 =	vimm.s32 $0xBA987654;
	v4 =	vimm.s32 $0x10FEDCBA;
	s21 =	sadd.s32 $0x222E, s28;
	[smem:$0x7F7] =	sst s20  }
0x3f: {  	v5 =	vimm.s32 $0x98765432;
	v6 =	vimm.s32 $0xFEDCBA9;
	s22 =	sadd.s32 $0x2BF2, s28;
	[smem:$0x7F8] =	sst s21  }
0x40: {  	v7 =	vimm.s32 $0x87654321;
	vm0 =	vcmask $0x310;
	s23 =	sadd.s32 $0x4E2, s12;
	[smem:$0x7F9] =	sst s22  }
0x41: {  	s29 =	simm.s32 $0x6;
	vm1 =	vcmask $0x710;
	v1 =	vunpack.c.l.s4.s8 v1;
	v0 =	vunpack.c.l.s4.s8 v0;
	s24 =	sadd.s32 $0xEA6, s12;
	[smem:$0x7FA] =	sst s23  }
0x42: {  	s30 =	simm.s32 $0x7;
	v2 =	vunpack.c.l.s4.s8 v2;
	v3 =	vunpack.c.l.s4.s8 v3;
	v4 =	vunpack.c.l.s4.s8 v4;
	s25 =	sadd.s32 $0x186A, s12;
	[smem:$0x7FB] =	sst s24  }
0x43: {  	s31 =	simm.s32 $0x0;
	v5 =	vunpack.c.l.s4.s8 v5;
	v6 =	vunpack.c.l.s4.s8 v6;
	v7 =	vunpack.c.l.s4.s8 v7;
	s26 =	sadd.s32 $0x222E, s12;
	[smem:$0x7FC] =	sst s25  }
0x44: {  	v1 =	vunpack.c.0.s8.s32 v1;
	v0 =	vunpack.c.0.s8.s32 v0;
	v2 =	vunpack.c.0.s8.s32 v2;
	[smem:$0x7FD] =	sst s26;
	s11 =	sadd.s32 $0x2BF2, s12;
	s13 =	simm.s32 $0x4E20  }
0x45: {  	v3 =	vunpack.c.0.s8.s32 v3;
	v4 =	vunpack.c.0.s8.s32 v4;
	v5 =	vunpack.c.0.s8.s32 v5;
	s14 =	simm.s32 $0x9C40;
	s15 =	simm.s32 $0xEA60;
	s16 =	simm.s32 $0x13880  }
0x46: {  	v6 =	vunpack.c.0.s8.s32 v6;
	v7 =	vunpack.c.0.s8.s32 v7;
	v1 =	vand.u32 $0xF, v1;
	s18 =	simm.s32 $0x18700;
	s19 =	simm.s32 $0x1AE80;
	s20 =	simm.s32 $0x1D600  }
0x47: {  	vm2 =	vcmask $0xB10;
	v0 =	vcombine.low v1, v0;
	v1 =	vcombine.low v3, v2;
	s21 =	simm.s32 $0x8;
	s22 =	simm.s32 $0x1;
	s23 =	simm.s32 $0x2  }
0x48: {  	v2 =	vcombine.low v5, v4;
	v3 =	vcombine.low v7, v6;
	v4 =	vlaneseq.u32;
	s24 =	simm.s32 $0x3;
	s25 =	simm.s32 $0x4;
	s26 =	simm.s32 $0x5  }
.LBB2_1:
0x49: {  	s0 =	rddreg [dreg:$0x2]  }
0x4a: {  	[tilespmem:s1], [sflag:$0x1] =	stream.linear.gather [hbm4b:s0+s1], $0x4E20, $0x38;
	[tilespmem:$0x1D700] =	vst v63  }
0x4b: {  	s4 =	rddreg [dreg:$0x3]  }
0x4c: {  	[tilespmem:s13], [sflag:$0x2] =	stream.linear.gather [hbm4b:s4+s1], $0x4E20, $0x38;
	[tilespmem:$0x1D700] =	vst v63  }
0x4d: {  	s5 =	rddreg [dreg:$0x4]  }
0x4e: {  	[tilespmem:s14], [sflag:$0x3] =	stream.linear.gather [hbm4b:s5+s1], $0x4E20, $0x38;
	[tilespmem:$0x1D700] =	vst v63  }
0x4f: {  	s6 =	rddreg [dreg:$0x5]  }
0x50: {  	[tilespmem:s15], [sflag:$0x4] =	stream.linear.gather [hbm4b:s6+s1], $0x4E20, $0x38;
	[tilespmem:$0x1D700] =	vst v63  }
0x51: {  	s8 =	rddreg [dreg:$0x6]  }
0x52: {  	[tilespmem:s16], [sflag:$0x5] =	stream.linear.gather [hbm4b:s8+s1], $0x4E20, $0x38;
	[tilespmem:$0x1D700] =	vst v63  }
0x53: {  	s9 =	sld [smem:$0x7EB]  }
0x54: {  	[tilespmem:s18], [sflag:$0x6] =	stream.linear.gather [hbm4b:s7+s1], $0x2710, $0x38;
	[tilespmem:$0x1D700] =	vst v63  }
0x55: {  	_ = 	snop  }
0x56: {  	[tilespmem:s19], [sflag:$0x7] =	stream.linear.gather [hbm4b:s9+s1], $0x2710, $0x38;
	[tilespmem:$0x1D700] =	vst v63  }
0x57: {  	s10 =	rddreg [dreg:$0x7]  }
0x58: {  	[tilespmem:s20], [sflag:$0x8] =	stream.linear.gather [hbm4b:s10+s1], $0x10, $0x38;
	[tilespmem:$0x1D700] =	vst v63  }
0x59: {  	_ =	swait.ge [sflag:s21], $0x10  }
0x5a: {  	[sflag:s21] =	ssyncset.done $0x0  }
0x5b: {  	[sflag:s21] =	ssyncadd.s32 $0xFFFFFFF0  }
0x5c: {  	_ =	swait.ge [sflag:s22], $0x4E20  }
0x5d: {  	[sflag:s22] =	ssyncset.done $0x0  }
0x5e: {  	s2 =	simm.s32 $0x0;
	[sflag:s22] =	ssyncadd.s32 $0xFFFFB1E0  }
0x5f: {  	v5 =	vimm.f32 $-Inf;
	s0 =	simm.s32 $0x40;
	v6 =	vld [tilespmem:s2+$0x0]  }
.LBB2_2:
0x60: {  	p0 =	sne.s32 s0, $0x13840  }
.Ltmp0:
0x61: {  	_ = 	snop;
	(pc) =	sbr.rel @p0 .LBB2_2-.Ltmp0, $3  }
0x62: {  	_ =	sdelay $0x1  }
0x63: {  	s2 =	sshra.s32 s0, $0x2;
	s0 =	sadd.s32 $0x40, s0;
	v5 =	vmax.f32 v5, v6  }
0x64: {  	v6 =	vld [tilespmem:s2+$0x0]  }
0x65: {  	_ = 	snop  }
0x66: {  	_ =	swait.ge [sflag:s23], $0x4E20  }
0x67: {  	[sflag:s23] =	ssyncset.done $0x0  }
0x68: {  	s2 =	simm.s32 $0x0;
	[sflag:s23] =	ssyncadd.s32 $0xFFFFB1E0  }
0x69: {  	s0 =	simm.s32 $0x40;
	v5 =	vmax.f32 v5, v6;
	v6 =	vld [tilespmem:s2+$0x4E20]  }
.LBB2_4:
0x6a: {  	p0 =	sne.s32 s0, $0x13840  }
.Ltmp1:
0x6b: {  	_ = 	snop;
	(pc) =	sbr.rel @p0 .LBB2_4-.Ltmp1, $3  }
0x6c: {  	_ =	sdelay $0x1  }
0x6d: {  	s2 =	sshra.s32 s0, $0x2;
	s0 =	sadd.s32 $0x40, s0;
	v5 =	vmax.f32 v5, v6  }
0x6e: {  	v6 =	vld [tilespmem:s2+$0x4E20]  }
0x6f: {  	_ = 	snop  }
0x70: {  	_ =	swait.ge [sflag:s24], $0x4E20  }
0x71: {  	[sflag:s24] =	ssyncset.done $0x0  }
0x72: {  	s2 =	simm.s32 $0x0;
	[sflag:s24] =	ssyncadd.s32 $0xFFFFB1E0  }
0x73: {  	s0 =	simm.s32 $0x40;
	v5 =	vmax.f32 v5, v6;
	v6 =	vld [tilespmem:s2+$0x9C40]  }
.LBB2_6:
0x74: {  	p0 =	sne.s32 s0, $0x13840  }
.Ltmp2:
0x75: {  	_ = 	snop;
	(pc) =	sbr.rel @p0 .LBB2_6-.Ltmp2, $3  }
0x76: {  	_ =	sdelay $0x1  }
0x77: {  	s2 =	sshra.s32 s0, $0x2;
	s0 =	sadd.s32 $0x40, s0;
	v5 =	vmax.f32 v5, v6  }
0x78: {  	v6 =	vld [tilespmem:s2+$0x9C40]  }
0x79: {  	_ = 	snop  }
0x7a: {  	_ =	swait.ge [sflag:s25], $0x4E20  }
0x7b: {  	[sflag:s25] =	ssyncset.done $0x0  }
0x7c: {  	s2 =	simm.s32 $0x0;
	[sflag:s25] =	ssyncadd.s32 $0xFFFFB1E0  }
0x7d: {  	s0 =	simm.s32 $0x40;
	v5 =	vmax.f32 v5, v6;
	v6 =	vld [tilespmem:s2+$0xEA60]  }
.LBB2_8:
0x7e: {  	p0 =	sne.s32 s0, $0x13840  }
.Ltmp3:
0x7f: {  	_ = 	snop;
	(pc) =	sbr.rel @p0 .LBB2_8-.Ltmp3, $3  }
0x80: {  	_ =	sdelay $0x1  }
0x81: {  	s2 =	sshra.s32 s0, $0x2;
	s0 =	sadd.s32 $0x40, s0;
	v5 =	vmax.f32 v5, v6  }
0x82: {  	v6 =	vld [tilespmem:s2+$0xEA60]  }
0x83: {  	_ = 	snop  }
0x84: {  	_ =	swait.ge [sflag:s26], $0x4E20  }
0x85: {  	s0 =	simm.s32 $0x0;
	[sflag:s26] =	ssyncset.done $0x0  }
0x86: {  	s2 =	sand.u32 $0x7FF0, s0;
	[sflag:s26] =	ssyncadd.s32 $0xFFFFB1E0  }
0x87: {  	s0 =	simm.s32 $0x10;
	v5 =	vmax.f32 v5, v6;
	v6 =	vld [tilespmem:s2+$0x13880]  }
.LBB2_10:
0x88: {  	p0 =	sne.s32 s0, $0x4E10  }
.Ltmp4:
0x89: {  	_ = 	snop;
	(pc) =	sbr.rel @p0 .LBB2_10-.Ltmp4, $3  }
0x8a: {  	_ =	sdelay $0x1  }
0x8b: {  	s2 =	sand.u32 $0x7FF0, s0;
	s0 =	sadd.s32 $0x10, s0;
	v5 =	vmax.f32 v5, v6  }
0x8c: {  	v6 =	vld [tilespmem:s2+$0x13880]  }
0x8d: {  	v7 =	vld [tilespmem:$0x1D600];
	_ =	sdelay $0x4  }
0x8e: {  	vm3 =	veq.f32 v7, $0.0e+00  }
0x8f: {  	v7 =	vsel vm3, $0x3F800000, v7  }
0x90: {  	(erf) = vrcp.f32 v7;
	_ =	sdelay $0x4  }
0x91: {  	v5 =	vmax.f32 v5, v6  }
0x92: {  	v6 =	vperm.xlane v5, v0;
	_ =	sdelay $0x1  }
0x93: {  	v6 =	vmax.f32 v5, v6  }
0x94: {  	v7 =	vperm.xlane v6, v1;
	v5 =	vpop (erf)  }
0x95: {  	_ =	swait.ge [sflag:s29], $0x2710  }
0x96: {  	v6 =	vmax.f32 v6, v7;
	[sflag:s29] =	ssyncset.done $0x0  }
0x97: {  	s2 =	simm.s32 $0x0;
	v7 =	vperm.xlane v6, v2;
	[sflag:s29] =	ssyncadd.s32 $0xFFFFD8F0  }
0x98: {  	v8 =	vld [tilespmem:s2+$0x0]  }
0x99: {  	v6 =	vmax.f32 v6, v7  }
0x9a: {  	v7 =	vperm.xlane v6, v3  }
0x9b: {  	s0 =	simm.s32 $0x18700  }
0x9c: {  	v6 =	vmax.f32 v6, v7;
	v7 =	vld [tilespmem:s0+$0x0]  }
0x9d: {  	v6 =	vmul.f32 v5, v6;
	v8 =	vmul.f32 v8, v5;
	_ =	sdelay $0x1  }
0x9e: {  	s8 =	simm.s32 $0x10;
	v8 =	vsub.f32 v8, v6  }
0x9f: {  	v9 =	vld [tilespmem:s8+$0x0]  }
0xa0: {  	s6 =	simm.s32 $0x20;
	v7 =	vmax.f32 v7, $1.000000010e-10;
	v8 =	vmul.f32 $1.442695020e+00, v8  }
0xa1: {  	s9 =	simm.s32 $0x18710;
	(erf) = vrcp.f32 v7;
	v7 =	vld [tilespmem:s6+$0x0]  }
0xa2: {  	(erf) = vpow2.f32 v8;
	v8 =	vld [tilespmem:s9+$0x0];
	_ =	sdelay $0x1  }
0xa3: {  	v9 =	vmul.f32 v9, v5  }
0xa4: {  	s10 =	simm.s32 $0x18720  }
0xa5: {  	v10 =	vld [tilespmem:s10+$0x0];
	v9 =	vsub.f32 v9, v6  }
0xa6: {  	v7 =	vmul.f32 v7, v5;
	v8 =	vmax.f32 v8, $1.000000010e-10  }
0xa7: {  	s4 =	simm.s32 $0x30;
	v9 =	vmul.f32 $1.442695020e+00, v9  }
0xa8: {  	v11 =	vld [tilespmem:s4+$0x0];
	v7 =	vsub.f32 v7, v6;
	(erf) = vrcp.f32 v8  }
0xa9: {  	v8 =	vpop (erf);
	(erf) = vpow2.f32 v9  }
0xaa: {  	v10 =	vmax.f32 v10, $1.000000010e-10;
	v12 =	vmul.f32 $1.442695020e+00, v7  }
0xab: {  	v9 =	vpop (erf);
	(erf) = vrcp.f32 v10  }
0xac: {  	v13 =	vmul.f32 v9, v8;
	(erf) = vpow2.f32 v12  }
0xad: {  	s0 =	simm.s32 $0x18730;
	v11 =	vmul.f32 v11, v5  }
0xae: {  	s3 =	simm.s32 $0x40;
	s5 =	simm.s32 $0x40;
	v7 =	vimm.s32 $0x0;
	v10 =	vld [tilespmem:s0+$0x0];
	v8 =	vimm.f32 $-1.000000000e+00;
	v9 =	vsel vm3, v9, v13  }
.LBB2_12:
0xaf: {  	p0 =	sne.s32 s3, $0x2700;
	v13 =	vor.u32 s2, v4;
	s2 =	smov.u32 s8;
	s8 =	smov.u32 s6  }
0xb0: {  	v12 =	vld [tilespmem:s5+$0x0];
	vm4 =	vgt.f32 v9, v8;
	s6 =	smov.u32 s4;
	s4 =	smov.u32 s3;
	s3 =	sadd.s32 $0x10, s3  }
.Ltmp5:
0xb1: {  	v11 =	vsub.f32 v11, v6;
	v14 =	vpop (erf);
	v8 =	vsel vm4, v9, v8;
	v7 =	vsel vm4, v13, v7;
	(pc) =	sbr.rel @p0 .LBB2_12-.Ltmp5, $4  }
0xb2: {  	v9 =	vpop (erf)  }
0xb3: {  	s0 =	sadd.s32 $0x10, s0;
	v13 =	vmul.f32 $1.442695020e+00, v11;
	v11 =	vmax.f32 v10, $1.000000010e-10;
	v14 =	vmul.f32 v9, v14  }
0xb4: {  	v10 =	vld [tilespmem:s0+$0x0];
	(erf) = vrcp.f32 v11  }
0xb5: {  	s5 =	sadd.s32 $0x10, s5;
	v11 =	vmul.f32 v12, v5;
	(erf) = vpow2.f32 v13;
	v9 =	vsel vm3, v9, v14  }
0xb6: {  	_ = 	snop  }
0xb7: {  	v11 =	vsub.f32 v11, v6;
	_ =	sdelay $0x1  }
0xb8: {  	v11 =	vmul.f32 $1.442695020e+00, v11;
	v10 =	vmax.f32 v10, $1.000000010e-10  }
0xb9: {  	(erf) = vrcp.f32 v10  }
0xba: {  	(erf) = vpow2.f32 v11;
	_ =	sdelay $0x3  }
0xbb: {  	v10 =	vpop (erf)  }
0xbc: {  	v11 =	vpop (erf)  }
0xbd: {  	v12 =	vpop (erf)  }
0xbe: {  	v13 =	vpop (erf)  }
0xbf: {  	s0 =	rddreg [dreg:$0x8];
	v14 =	vpop (erf)  }
0xc0: {  	[tilespmem:s18], [sflag:$0x6] =	stream.linear.gather [hbm4b:s0+s1], $0x2710, $0x38;
	v15 =	vpop (erf);
	[tilespmem:$0x1D700] =	vst v63  }
0xc1: {  	_ =	swait.ge [sflag:s30], $0x2710  }
0xc2: {  	[sflag:s30] =	ssyncset.done $0x0  }
0xc3: {  	s0 =	simm.s32 $0x2710;
	[sflag:s30] =	ssyncadd.s32 $0xFFFFD8F0  }
0xc4: {  	v16 =	vld [tilespmem:s0+$0x0];
	_ =	sdelay $0x2  }
0xc5: {  	s3 =	simm.s32 $0x1AE80  }
0xc6: {  	v17 =	vld [tilespmem:s3+$0x0]  }
0xc7: {  	v16 =	vmul.f32 v16, v5  }
0xc8: {  	s3 =	simm.s32 $0x2720  }
0xc9: {  	vm4 =	vgt.f32 v9, v8;
	v10 =	vmul.f32 v11, v10;
	v18 =	vld [tilespmem:s3+$0x0];
	v16 =	vsub.f32 v16, v6  }
0xca: {  	v8 =	vsel vm4, v9, v8  }
0xcb: {  	s5 =	simm.s32 $0x2730;
	v9 =	vsel vm3, v11, v10;
	v17 =	vmax.f32 v17, $1.000000010e-10;
	v16 =	vmul.f32 $1.442695020e+00, v16  }
0xcc: {  	s9 =	simm.s32 $0x1AE90;
	v10 =	vmul.f32 v13, v12;
	vm5 =	vgt.f32 v9, v8;
	v11 =	vld [tilespmem:s5+$0x0];
	(erf) = vrcp.f32 v17  }
0xcd: {  	v8 =	vsel vm5, v9, v8;
	v57 =	vld [tilespmem:s9+$0x0];
	(erf) = vpow2.f32 v16  }
0xce: {  	v9 =	vsel vm3, v13, v10;
	v10 =	vor.u32 s2, v4;
	v58 =	vmul.f32 v18, v5  }
0xcf: {  	s10 =	simm.s32 $0x1AEA0;
	v7 =	vsel vm4, v10, v7;
	v10 =	vor.u32 s8, v4;
	vm4 =	vgt.f32 v9, v8  }
0xd0: {  	v7 =	vsel vm5, v10, v7;
	v8 =	vsel vm4, v9, v8;
	v10 =	vld [tilespmem:s10+$0x0];
	v9 =	vsub.f32 v58, v6  }
0xd1: {  	v11 =	vmul.f32 v11, v5  }
0xd2: {  	v12 =	vmax.f32 v57, $1.000000010e-10;
	v9 =	vmul.f32 $1.442695020e+00, v9  }
0xd3: {  	s8 =	simm.s32 $0x2740;
	v11 =	vsub.f32 v11, v6;
	(erf) = vrcp.f32 v12  }
0xd4: {  	v14 =	vmul.f32 v15, v14;
	v60 =	vld [tilespmem:s8+$0x0];
	(erf) = vpow2.f32 v9  }
0xd5: {  	v59 =	vor.u32 s6, v4;
	v10 =	vmax.f32 v10, $1.000000010e-10;
	v63 =	vmul.f32 $1.442695020e+00, v11;
	v61 =	vpop (erf)  }
0xd6: {  	v7 =	vsel vm4, v59, v7;
	v14 =	vsel vm3, v15, v14;
	(erf) = vrcp.f32 v10;
	v9 =	vpop (erf)  }
0xd7: {  	vm4 =	vgt.f32 v14, v8;
	(erf) = vpow2.f32 v63;
	v12 =	vmul.f32 v9, v61  }
0xd8: {  	v62 =	vor.u32 s4, v4;
	s2 =	simm.s32 $0x1AEB0;
	v8 =	vsel vm4, v14, v8  }
0xd9: {  	s4 =	simm.s32 $0x2750;
	s6 =	simm.s32 $0x2750;
	v7 =	vsel vm4, v62, v7;
	v11 =	vmul.f32 v60, v5;
	v10 =	vld [tilespmem:s2+$0x0];
	v9 =	vsel vm3, v9, v12  }
.LBB2_14:
0xda: {  	p0 =	sne.s32 s4, $0x4E10;
	v13 =	vor.u32 s0, v4;
	s0 =	smov.u32 s3;
	s3 =	smov.u32 s5  }
0xdb: {  	v12 =	vld [tilespmem:s6+$0x0];
	vm4 =	vgt.f32 v9, v8;
	s5 =	smov.u32 s8;
	s8 =	smov.u32 s4;
	s4 =	sadd.s32 $0x10, s4  }
.Ltmp6:
0xdc: {  	v11 =	vsub.f32 v11, v6;
	v14 =	vpop (erf);
	v8 =	vsel vm4, v9, v8;
	v7 =	vsel vm4, v13, v7;
	(pc) =	sbr.rel @p0 .LBB2_14-.Ltmp6, $4  }
0xdd: {  	v9 =	vpop (erf)  }
0xde: {  	s2 =	sadd.s32 $0x10, s2;
	v13 =	vmul.f32 $1.442695020e+00, v11;
	v11 =	vmax.f32 v10, $1.000000010e-10;
	v14 =	vmul.f32 v9, v14  }
0xdf: {  	v10 =	vld [tilespmem:s2+$0x0];
	(erf) = vrcp.f32 v11  }
0xe0: {  	s6 =	sadd.s32 $0x10, s6;
	v11 =	vmul.f32 v12, v5;
	(erf) = vpow2.f32 v13;
	v9 =	vsel vm3, v9, v14  }
0xe1: {  	_ = 	snop  }
0xe2: {  	v11 =	vsub.f32 v11, v6;
	_ =	sdelay $0x1  }
0xe3: {  	v11 =	vmul.f32 $1.442695020e+00, v11;
	v10 =	vmax.f32 v10, $1.000000010e-10  }
0xe4: {  	(erf) = vrcp.f32 v10  }
0xe5: {  	(erf) = vpow2.f32 v11;
	_ =	sdelay $0x3  }
0xe6: {  	v10 =	vpop (erf)  }
0xe7: {  	v11 =	vpop (erf)  }
0xe8: {  	s2 =	sld [smem:$0x7EC];
	v12 =	vpop (erf)  }
0xe9: {  	v13 =	vpop (erf)  }
0xea: {  	v14 =	vpop (erf)  }
0xeb: {  	[tilespmem:s19], [sflag:$0x7] =	stream.linear.gather [hbm4b:s2+s1], $0x2710, $0x38;
	v15 =	vpop (erf);
	[tilespmem:$0x1D700] =	vst v63  }
0xec: {  	_ =	swait.ge [sflag:s29], $0x2710  }
0xed: {  	[sflag:s29] =	ssyncset.done $0x0  }
0xee: {  	s2 =	simm.s32 $0x4E20;
	[sflag:s29] =	ssyncadd.s32 $0xFFFFD8F0  }
0xef: {  	v16 =	vld [tilespmem:s2+$0x0];
	_ =	sdelay $0x2  }
0xf0: {  	s4 =	simm.s32 $0x18700  }
0xf1: {  	v17 =	vld [tilespmem:s4+$0x0]  }
0xf2: {  	v16 =	vmul.f32 v16, v5  }
0xf3: {  	s4 =	simm.s32 $0x4E30  }
0xf4: {  	vm4 =	vgt.f32 v9, v8;
	v10 =	vmul.f32 v11, v10;
	v18 =	vld [tilespmem:s4+$0x0];
	v16 =	vsub.f32 v16, v6  }
0xf5: {  	v8 =	vsel vm4, v9, v8  }
0xf6: {  	s6 =	simm.s32 $0x4E40;
	v9 =	vsel vm3, v11, v10;
	v17 =	vmax.f32 v17, $1.000000010e-10;
	v16 =	vmul.f32 $1.442695020e+00, v16  }
0xf7: {  	s9 =	simm.s32 $0x18710;
	v10 =	vmul.f32 v13, v12;
	vm5 =	vgt.f32 v9, v8;
	v11 =	vld [tilespmem:s6+$0x0];
	(erf) = vrcp.f32 v17  }
0xf8: {  	v8 =	vsel vm5, v9, v8;
	v57 =	vld [tilespmem:s9+$0x0];
	(erf) = vpow2.f32 v16  }
0xf9: {  	v9 =	vsel vm3, v13, v10;
	v10 =	vor.u32 s0, v4;
	v58 =	vmul.f32 v18, v5  }
0xfa: {  	s10 =	simm.s32 $0x18720;
	v7 =	vsel vm4, v10, v7;
	v10 =	vor.u32 s3, v4;
	vm4 =	vgt.f32 v9, v8  }
0xfb: {  	v7 =	vsel vm5, v10, v7;
	v8 =	vsel vm4, v9, v8;
	v10 =	vld [tilespmem:s10+$0x0];
	v9 =	vsub.f32 v58, v6  }
0xfc: {  	v11 =	vmul.f32 v11, v5  }
0xfd: {  	v12 =	vmax.f32 v57, $1.000000010e-10;
	v9 =	vmul.f32 $1.442695020e+00, v9  }
0xfe: {  	s9 =	simm.s32 $0x4E50;
	v11 =	vsub.f32 v11, v6;
	(erf) = vrcp.f32 v12  }
0xff: {  	v14 =	vmul.f32 v15, v14;
	v60 =	vld [tilespmem:s9+$0x0];
	(erf) = vpow2.f32 v9  }
0x100: {  	v59 =	vor.u32 s5, v4;
	v10 =	vmax.f32 v10, $1.000000010e-10;
	v63 =	vmul.f32 $1.442695020e+00, v11;
	v61 =	vpop (erf)  }
0x101: {  	v7 =	vsel vm4, v59, v7;
	v14 =	vsel vm3, v15, v14;
	(erf) = vrcp.f32 v10;
	v9 =	vpop (erf)  }
0x102: {  	vm4 =	vgt.f32 v14, v8;
	(erf) = vpow2.f32 v63;
	v12 =	vmul.f32 v9, v61  }
0x103: {  	v62 =	vor.u32 s8, v4;
	s0 =	simm.s32 $0x18730;
	v8 =	vsel vm4, v14, v8  }
0x104: {  	s5 =	simm.s32 $0x4E60;
	s3 =	simm.s32 $0x4E60;
	v7 =	vsel vm4, v62, v7;
	v11 =	vmul.f32 v60, v5;
	v10 =	vld [tilespmem:s0+$0x0];
	v9 =	vsel vm3, v9, v12  }
.LBB2_16:
0x105: {  	p0 =	sne.s32 s3, $0x7520;
	v13 =	vor.u32 s2, v4;
	s2 =	smov.u32 s4;
	s4 =	smov.u32 s6  }
0x106: {  	v12 =	vld [tilespmem:s5+$0x0];
	vm4 =	vgt.f32 v9, v8;
	s6 =	smov.u32 s9;
	s9 =	smov.u32 s3;
	s3 =	sadd.s32 $0x10, s3  }
.Ltmp7:
0x107: {  	v11 =	vsub.f32 v11, v6;
	v14 =	vpop (erf);
	v8 =	vsel vm4, v9, v8;
	v7 =	vsel vm4, v13, v7;
	(pc) =	sbr.rel @p0 .LBB2_16-.Ltmp7, $4  }
0x108: {  	v9 =	vpop (erf)  }
0x109: {  	s0 =	sadd.s32 $0x10, s0;
	v13 =	vmul.f32 $1.442695020e+00, v11;
	v11 =	vmax.f32 v10, $1.000000010e-10;
	v14 =	vmul.f32 v9, v14  }
0x10a: {  	v10 =	vld [tilespmem:s0+$0x0];
	(erf) = vrcp.f32 v11  }
0x10b: {  	s5 =	sadd.s32 $0x10, s5;
	v11 =	vmul.f32 v12, v5;
	(erf) = vpow2.f32 v13;
	v9 =	vsel vm3, v9, v14  }
0x10c: {  	_ = 	snop  }
0x10d: {  	v11 =	vsub.f32 v11, v6;
	_ =	sdelay $0x1  }
0x10e: {  	v11 =	vmul.f32 $1.442695020e+00, v11;
	v10 =	vmax.f32 v10, $1.000000010e-10  }
0x10f: {  	(erf) = vrcp.f32 v10  }
0x110: {  	(erf) = vpow2.f32 v11;
	_ =	sdelay $0x3  }
0x111: {  	v10 =	vpop (erf)  }
0x112: {  	v11 =	vpop (erf)  }
0x113: {  	v12 =	vpop (erf)  }
0x114: {  	v13 =	vpop (erf)  }
0x115: {  	s0 =	rddreg [dreg:$0x9];
	v14 =	vpop (erf)  }
0x116: {  	[tilespmem:s18], [sflag:$0x6] =	stream.linear.gather [hbm4b:s0+s1], $0x2710, $0x38;
	v15 =	vpop (erf);
	[tilespmem:$0x1D700] =	vst v63  }
0x117: {  	_ =	swait.ge [sflag:s30], $0x2710  }
0x118: {  	[sflag:s30] =	ssyncset.done $0x0  }
0x119: {  	s0 =	simm.s32 $0x7530;
	[sflag:s30] =	ssyncadd.s32 $0xFFFFD8F0  }
0x11a: {  	v16 =	vld [tilespmem:s0+$0x0];
	_ =	sdelay $0x2  }
0x11b: {  	s3 =	simm.s32 $0x1AE80  }
0x11c: {  	v17 =	vld [tilespmem:s3+$0x0]  }
0x11d: {  	v16 =	vmul.f32 v16, v5  }
0x11e: {  	s3 =	simm.s32 $0x7540  }
0x11f: {  	vm4 =	vgt.f32 v9, v8;
	v10 =	vmul.f32 v11, v10;
	v18 =	vld [tilespmem:s3+$0x0];
	v16 =	vsub.f32 v16, v6  }
0x120: {  	v8 =	vsel vm4, v9, v8  }
0x121: {  	s5 =	simm.s32 $0x7550;
	v9 =	vsel vm3, v11, v10;
	v17 =	vmax.f32 v17, $1.000000010e-10;
	v16 =	vmul.f32 $1.442695020e+00, v16  }
0x122: {  	s8 =	simm.s32 $0x1AE90;
	v10 =	vmul.f32 v13, v12;
	vm5 =	vgt.f32 v9, v8;
	v11 =	vld [tilespmem:s5+$0x0];
	(erf) = vrcp.f32 v17  }
0x123: {  	v8 =	vsel vm5, v9, v8;
	v57 =	vld [tilespmem:s8+$0x0];
	(erf) = vpow2.f32 v16  }
0x124: {  	v9 =	vsel vm3, v13, v10;
	v10 =	vor.u32 s2, v4;
	v58 =	vmul.f32 v18, v5  }
0x125: {  	s10 =	simm.s32 $0x1AEA0;
	v7 =	vsel vm4, v10, v7;
	v10 =	vor.u32 s4, v4;
	vm4 =	vgt.f32 v9, v8  }
0x126: {  	v7 =	vsel vm5, v10, v7;
	v8 =	vsel vm4, v9, v8;
	v10 =	vld [tilespmem:s10+$0x0];
	v9 =	vsub.f32 v58, v6  }
0x127: {  	v11 =	vmul.f32 v11, v5  }
0x128: {  	v12 =	vmax.f32 v57, $1.000000010e-10;
	v9 =	vmul.f32 $1.442695020e+00, v9  }
0x129: {  	s8 =	simm.s32 $0x7560;
	v11 =	vsub.f32 v11, v6;
	(erf) = vrcp.f32 v12  }
0x12a: {  	v14 =	vmul.f32 v15, v14;
	v60 =	vld [tilespmem:s8+$0x0];
	(erf) = vpow2.f32 v9  }
0x12b: {  	v59 =	vor.u32 s6, v4;
	v10 =	vmax.f32 v10, $1.000000010e-10;
	v63 =	vmul.f32 $1.442695020e+00, v11;
	v61 =	vpop (erf)  }
0x12c: {  	v7 =	vsel vm4, v59, v7;
	v14 =	vsel vm3, v15, v14;
	(erf) = vrcp.f32 v10;
	v9 =	vpop (erf)  }
0x12d: {  	vm4 =	vgt.f32 v14, v8;
	(erf) = vpow2.f32 v63;
	v12 =	vmul.f32 v9, v61  }
0x12e: {  	v62 =	vor.u32 s9, v4;
	s2 =	simm.s32 $0x1AEB0;
	v8 =	vsel vm4, v14, v8  }
0x12f: {  	s6 =	simm.s32 $0x7570;
	s4 =	simm.s32 $0x7570;
	v7 =	vsel vm4, v62, v7;
	v11 =	vmul.f32 v60, v5;
	v10 =	vld [tilespmem:s2+$0x0];
	v9 =	vsel vm3, v9, v12  }
.LBB2_18:
0x130: {  	p0 =	sne.s32 s4, $0x9C30;
	v13 =	vor.u32 s0, v4;
	s0 =	smov.u32 s3;
	s3 =	smov.u32 s5  }
0x131: {  	v12 =	vld [tilespmem:s6+$0x0];
	vm4 =	vgt.f32 v9, v8;
	s5 =	smov.u32 s8;
	s8 =	smov.u32 s4;
	s4 =	sadd.s32 $0x10, s4  }
.Ltmp8:
0x132: {  	v11 =	vsub.f32 v11, v6;
	v14 =	vpop (erf);
	v8 =	vsel vm4, v9, v8;
	v7 =	vsel vm4, v13, v7;
	(pc) =	sbr.rel @p0 .LBB2_18-.Ltmp8, $4  }
0x133: {  	v9 =	vpop (erf)  }
0x134: {  	s2 =	sadd.s32 $0x10, s2;
	v13 =	vmul.f32 $1.442695020e+00, v11;
	v11 =	vmax.f32 v10, $1.000000010e-10;
	v14 =	vmul.f32 v9, v14  }
0x135: {  	v10 =	vld [tilespmem:s2+$0x0];
	(erf) = vrcp.f32 v11  }
0x136: {  	s6 =	sadd.s32 $0x10, s6;
	v11 =	vmul.f32 v12, v5;
	(erf) = vpow2.f32 v13;
	v9 =	vsel vm3, v9, v14  }
0x137: {  	_ = 	snop  }
0x138: {  	v11 =	vsub.f32 v11, v6;
	_ =	sdelay $0x1  }
0x139: {  	v11 =	vmul.f32 $1.442695020e+00, v11;
	v10 =	vmax.f32 v10, $1.000000010e-10  }
0x13a: {  	(erf) = vrcp.f32 v10  }
0x13b: {  	(erf) = vpow2.f32 v11;
	_ =	sdelay $0x3  }
0x13c: {  	v10 =	vpop (erf)  }
0x13d: {  	v11 =	vpop (erf)  }
0x13e: {  	s2 =	sld [smem:$0x7ED];
	v12 =	vpop (erf)  }
0x13f: {  	v13 =	vpop (erf)  }
0x140: {  	v14 =	vpop (erf)  }
0x141: {  	[tilespmem:s19], [sflag:$0x7] =	stream.linear.gather [hbm4b:s2+s1], $0x2710, $0x38;
	v15 =	vpop (erf);
	[tilespmem:$0x1D700] =	vst v63  }
0x142: {  	_ =	swait.ge [sflag:s29], $0x2710  }
0x143: {  	[sflag:s29] =	ssyncset.done $0x0  }
0x144: {  	s2 =	simm.s32 $0x9C40;
	[sflag:s29] =	ssyncadd.s32 $0xFFFFD8F0  }
0x145: {  	v16 =	vld [tilespmem:s2+$0x0];
	_ =	sdelay $0x2  }
0x146: {  	s4 =	simm.s32 $0x18700  }
0x147: {  	v17 =	vld [tilespmem:s4+$0x0]  }
0x148: {  	v16 =	vmul.f32 v16, v5  }
0x149: {  	s4 =	simm.s32 $0x9C50  }
0x14a: {  	vm4 =	vgt.f32 v9, v8;
	v10 =	vmul.f32 v11, v10;
	v18 =	vld [tilespmem:s4+$0x0];
	v16 =	vsub.f32 v16, v6  }
0x14b: {  	v8 =	vsel vm4, v9, v8  }
0x14c: {  	s6 =	simm.s32 $0x9C60;
	v9 =	vsel vm3, v11, v10;
	v17 =	vmax.f32 v17, $1.000000010e-10;
	v16 =	vmul.f32 $1.442695020e+00, v16  }
0x14d: {  	s9 =	simm.s32 $0x18710;
	v10 =	vmul.f32 v13, v12;
	vm5 =	vgt.f32 v9, v8;
	v11 =	vld [tilespmem:s6+$0x0];
	(erf) = vrcp.f32 v17  }
0x14e: {  	v8 =	vsel vm5, v9, v8;
	v57 =	vld [tilespmem:s9+$0x0];
	(erf) = vpow2.f32 v16  }
0x14f: {  	v9 =	vsel vm3, v13, v10;
	v10 =	vor.u32 s0, v4;
	v58 =	vmul.f32 v18, v5  }
0x150: {  	s10 =	simm.s32 $0x18720;
	v7 =	vsel vm4, v10, v7;
	v10 =	vor.u32 s3, v4;
	vm4 =	vgt.f32 v9, v8  }
0x151: {  	v7 =	vsel vm5, v10, v7;
	v8 =	vsel vm4, v9, v8;
	v10 =	vld [tilespmem:s10+$0x0];
	v9 =	vsub.f32 v58, v6  }
0x152: {  	v11 =	vmul.f32 v11, v5  }
0x153: {  	v12 =	vmax.f32 v57, $1.000000010e-10;
	v9 =	vmul.f32 $1.442695020e+00, v9  }
0x154: {  	s3 =	simm.s32 $0x9C70;
	v11 =	vsub.f32 v11, v6;
	(erf) = vrcp.f32 v12  }
0x155: {  	v14 =	vmul.f32 v15, v14;
	v60 =	vld [tilespmem:s3+$0x0];
	(erf) = vpow2.f32 v9  }
0x156: {  	v59 =	vor.u32 s5, v4;
	v10 =	vmax.f32 v10, $1.000000010e-10;
	v63 =	vmul.f32 $1.442695020e+00, v11;
	v61 =	vpop (erf)  }
0x157: {  	v7 =	vsel vm4, v59, v7;
	v14 =	vsel vm3, v15, v14;
	(erf) = vrcp.f32 v10;
	v9 =	vpop (erf)  }
0x158: {  	vm4 =	vgt.f32 v14, v8;
	(erf) = vpow2.f32 v63;
	v12 =	vmul.f32 v9, v61  }
0x159: {  	v62 =	vor.u32 s8, v4;
	s0 =	simm.s32 $0x18730;
	v8 =	vsel vm4, v14, v8  }
0x15a: {  	s5 =	simm.s32 $0x9C80;
	s8 =	simm.s32 $0x9C80;
	v7 =	vsel vm4, v62, v7;
	v11 =	vmul.f32 v60, v5;
	v10 =	vld [tilespmem:s0+$0x0];
	v9 =	vsel vm3, v9, v12  }
.LBB2_20:
0x15b: {  	p0 =	sne.s32 s5, $0xC340;
	v13 =	vor.u32 s2, v4;
	s2 =	smov.u32 s4;
	s4 =	smov.u32 s6  }
0x15c: {  	v12 =	vld [tilespmem:s8+$0x0];
	vm4 =	vgt.f32 v9, v8;
	s6 =	smov.u32 s3;
	s3 =	smov.u32 s5;
	s5 =	sadd.s32 $0x10, s5  }
.Ltmp9:
0x15d: {  	v11 =	vsub.f32 v11, v6;
	v14 =	vpop (erf);
	v8 =	vsel vm4, v9, v8;
	v7 =	vsel vm4, v13, v7;
	(pc) =	sbr.rel @p0 .LBB2_20-.Ltmp9, $4  }
0x15e: {  	v9 =	vpop (erf)  }
0x15f: {  	s0 =	sadd.s32 $0x10, s0;
	v13 =	vmul.f32 $1.442695020e+00, v11;
	v11 =	vmax.f32 v10, $1.000000010e-10;
	v14 =	vmul.f32 v9, v14  }
0x160: {  	v10 =	vld [tilespmem:s0+$0x0];
	(erf) = vrcp.f32 v11  }
0x161: {  	s8 =	sadd.s32 $0x10, s8;
	v11 =	vmul.f32 v12, v5;
	(erf) = vpow2.f32 v13;
	v9 =	vsel vm3, v9, v14  }
0x162: {  	_ = 	snop  }
0x163: {  	v11 =	vsub.f32 v11, v6;
	_ =	sdelay $0x1  }
0x164: {  	v11 =	vmul.f32 $1.442695020e+00, v11;
	v10 =	vmax.f32 v10, $1.000000010e-10  }
0x165: {  	(erf) = vrcp.f32 v10  }
0x166: {  	(erf) = vpow2.f32 v11;
	_ =	sdelay $0x3  }
0x167: {  	v10 =	vpop (erf)  }
0x168: {  	v11 =	vpop (erf)  }
0x169: {  	v12 =	vpop (erf)  }
0x16a: {  	v13 =	vpop (erf)  }
0x16b: {  	s0 =	rddreg [dreg:$0xa];
	v14 =	vpop (erf)  }
0x16c: {  	[tilespmem:s18], [sflag:$0x6] =	stream.linear.gather [hbm4b:s0+s1], $0x2710, $0x38;
	v15 =	vpop (erf);
	[tilespmem:$0x1D700] =	vst v63  }
0x16d: {  	_ =	swait.ge [sflag:s30], $0x2710  }
0x16e: {  	[sflag:s30] =	ssyncset.done $0x0  }
0x16f: {  	s0 =	simm.s32 $0xC350;
	[sflag:s30] =	ssyncadd.s32 $0xFFFFD8F0  }
0x170: {  	v16 =	vld [tilespmem:s0+$0x0];
	_ =	sdelay $0x2  }
0x171: {  	s5 =	simm.s32 $0x1AE80  }
0x172: {  	v17 =	vld [tilespmem:s5+$0x0]  }
0x173: {  	v16 =	vmul.f32 v16, v5  }
0x174: {  	s5 =	simm.s32 $0xC360  }
0x175: {  	vm4 =	vgt.f32 v9, v8;
	v10 =	vmul.f32 v11, v10;
	v18 =	vld [tilespmem:s5+$0x0];
	v16 =	vsub.f32 v16, v6  }
0x176: {  	v8 =	vsel vm4, v9, v8  }
0x177: {  	s8 =	simm.s32 $0xC370;
	v9 =	vsel vm3, v11, v10;
	v17 =	vmax.f32 v17, $1.000000010e-10;
	v16 =	vmul.f32 $1.442695020e+00, v16  }
0x178: {  	s9 =	simm.s32 $0x1AE90;
	v10 =	vmul.f32 v13, v12;
	vm5 =	vgt.f32 v9, v8;
	v11 =	vld [tilespmem:s8+$0x0];
	(erf) = vrcp.f32 v17  }
0x179: {  	v8 =	vsel vm5, v9, v8;
	v57 =	vld [tilespmem:s9+$0x0];
	(erf) = vpow2.f32 v16  }
0x17a: {  	v9 =	vsel vm3, v13, v10;
	v10 =	vor.u32 s2, v4;
	v58 =	vmul.f32 v18, v5  }
0x17b: {  	s10 =	simm.s32 $0x1AEA0;
	v7 =	vsel vm4, v10, v7;
	v10 =	vor.u32 s4, v4;
	vm4 =	vgt.f32 v9, v8  }
0x17c: {  	v7 =	vsel vm5, v10, v7;
	v8 =	vsel vm4, v9, v8;
	v10 =	vld [tilespmem:s10+$0x0];
	v9 =	vsub.f32 v58, v6  }
0x17d: {  	v11 =	vmul.f32 v11, v5  }
0x17e: {  	v12 =	vmax.f32 v57, $1.000000010e-10;
	v9 =	vmul.f32 $1.442695020e+00, v9  }
0x17f: {  	s2 =	simm.s32 $0xC380;
	v11 =	vsub.f32 v11, v6;
	(erf) = vrcp.f32 v12  }
0x180: {  	v14 =	vmul.f32 v15, v14;
	v60 =	vld [tilespmem:s2+$0x0];
	(erf) = vpow2.f32 v9  }
0x181: {  	v59 =	vor.u32 s6, v4;
	v10 =	vmax.f32 v10, $1.000000010e-10;
	v63 =	vmul.f32 $1.442695020e+00, v11;
	v61 =	vpop (erf)  }
0x182: {  	v7 =	vsel vm4, v59, v7;
	v14 =	vsel vm3, v15, v14;
	(erf) = vrcp.f32 v10;
	v9 =	vpop (erf)  }
0x183: {  	vm4 =	vgt.f32 v14, v8;
	(erf) = vpow2.f32 v63;
	v12 =	vmul.f32 v9, v61  }
0x184: {  	v62 =	vor.u32 s3, v4;
	s3 =	simm.s32 $0x1AEB0;
	v8 =	vsel vm4, v14, v8  }
0x185: {  	s6 =	simm.s32 $0xC390;
	s4 =	simm.s32 $0xC390;
	v7 =	vsel vm4, v62, v7;
	v11 =	vmul.f32 v60, v5;
	v10 =	vld [tilespmem:s3+$0x0];
	v9 =	vsel vm3, v9, v12  }
.LBB2_22:
0x186: {  	p0 =	sne.s32 s4, $0xEA50;
	v13 =	vor.u32 s0, v4;
	s0 =	smov.u32 s5;
	s5 =	smov.u32 s8  }
0x187: {  	v12 =	vld [tilespmem:s6+$0x0];
	vm4 =	vgt.f32 v9, v8;
	s8 =	smov.u32 s2;
	s2 =	smov.u32 s4;
	s4 =	sadd.s32 $0x10, s4  }
.Ltmp10:
0x188: {  	v11 =	vsub.f32 v11, v6;
	v14 =	vpop (erf);
	v8 =	vsel vm4, v9, v8;
	v7 =	vsel vm4, v13, v7;
	(pc) =	sbr.rel @p0 .LBB2_22-.Ltmp10, $4  }
0x189: {  	v9 =	vpop (erf)  }
0x18a: {  	s3 =	sadd.s32 $0x10, s3;
	v13 =	vmul.f32 $1.442695020e+00, v11;
	v11 =	vmax.f32 v10, $1.000000010e-10;
	v14 =	vmul.f32 v9, v14  }
0x18b: {  	v10 =	vld [tilespmem:s3+$0x0];
	(erf) = vrcp.f32 v11  }
0x18c: {  	s6 =	sadd.s32 $0x10, s6;
	v11 =	vmul.f32 v12, v5;
	(erf) = vpow2.f32 v13;
	v9 =	vsel vm3, v9, v14  }
0x18d: {  	_ = 	snop  }
0x18e: {  	v11 =	vsub.f32 v11, v6;
	_ =	sdelay $0x1  }
0x18f: {  	v11 =	vmul.f32 $1.442695020e+00, v11;
	v10 =	vmax.f32 v10, $1.000000010e-10  }
0x190: {  	(erf) = vrcp.f32 v10  }
0x191: {  	(erf) = vpow2.f32 v11;
	_ =	sdelay $0x3  }
0x192: {  	v10 =	vpop (erf)  }
0x193: {  	v11 =	vpop (erf)  }
0x194: {  	s3 =	sld [smem:$0x7EE];
	v12 =	vpop (erf)  }
0x195: {  	v13 =	vpop (erf)  }
0x196: {  	v14 =	vpop (erf)  }
0x197: {  	[tilespmem:s19], [sflag:$0x7] =	stream.linear.gather [hbm4b:s3+s1], $0x2710, $0x38;
	v15 =	vpop (erf);
	[tilespmem:$0x1D700] =	vst v63  }
0x198: {  	_ =	swait.ge [sflag:s29], $0x2710  }
0x199: {  	[sflag:s29] =	ssyncset.done $0x0  }
0x19a: {  	s3 =	simm.s32 $0xEA60;
	[sflag:s29] =	ssyncadd.s32 $0xFFFFD8F0  }
0x19b: {  	v16 =	vld [tilespmem:s3+$0x0];
	_ =	sdelay $0x2  }
0x19c: {  	s4 =	simm.s32 $0x18700  }
0x19d: {  	v17 =	vld [tilespmem:s4+$0x0]  }
0x19e: {  	v16 =	vmul.f32 v16, v5  }
0x19f: {  	s4 =	simm.s32 $0xEA70  }
0x1a0: {  	vm4 =	vgt.f32 v9, v8;
	v10 =	vmul.f32 v11, v10;
	v18 =	vld [tilespmem:s4+$0x0];
	v16 =	vsub.f32 v16, v6  }
0x1a1: {  	v8 =	vsel vm4, v9, v8  }
0x1a2: {  	s6 =	simm.s32 $0xEA80;
	v9 =	vsel vm3, v11, v10;
	v17 =	vmax.f32 v17, $1.000000010e-10;
	v16 =	vmul.f32 $1.442695020e+00, v16  }
0x1a3: {  	s9 =	simm.s32 $0x18710;
	v10 =	vmul.f32 v13, v12;
	vm5 =	vgt.f32 v9, v8;
	v11 =	vld [tilespmem:s6+$0x0];
	(erf) = vrcp.f32 v17  }
0x1a4: {  	v8 =	vsel vm5, v9, v8;
	v57 =	vld [tilespmem:s9+$0x0];
	(erf) = vpow2.f32 v16  }
0x1a5: {  	v9 =	vsel vm3, v13, v10;
	v10 =	vor.u32 s0, v4;
	v58 =	vmul.f32 v18, v5  }
0x1a6: {  	s10 =	simm.s32 $0x18720;
	v7 =	vsel vm4, v10, v7;
	v10 =	vor.u32 s5, v4;
	vm4 =	vgt.f32 v9, v8  }
0x1a7: {  	v7 =	vsel vm5, v10, v7;
	v8 =	vsel vm4, v9, v8;
	v10 =	vld [tilespmem:s10+$0x0];
	v9 =	vsub.f32 v58, v6  }
0x1a8: {  	v11 =	vmul.f32 v11, v5  }
0x1a9: {  	v12 =	vmax.f32 v57, $1.000000010e-10;
	v9 =	vmul.f32 $1.442695020e+00, v9  }
0x1aa: {  	v59 =	vor.u32 s8, v4;
	s8 =	simm.s32 $0xEA90;
	v11 =	vsub.f32 v11, v6;
	(erf) = vrcp.f32 v12  }
0x1ab: {  	v14 =	vmul.f32 v15, v14;
	v60 =	vld [tilespmem:s8+$0x0];
	(erf) = vpow2.f32 v9  }
0x1ac: {  	v10 =	vmax.f32 v10, $1.000000010e-10;
	v63 =	vmul.f32 $1.442695020e+00, v11;
	v61 =	vpop (erf)  }
0x1ad: {  	v7 =	vsel vm4, v59, v7;
	v14 =	vsel vm3, v15, v14;
	(erf) = vrcp.f32 v10;
	v9 =	vpop (erf)  }
0x1ae: {  	vm4 =	vgt.f32 v14, v8;
	(erf) = vpow2.f32 v63;
	v12 =	vmul.f32 v9, v61  }
0x1af: {  	v62 =	vor.u32 s2, v4;
	s0 =	simm.s32 $0x18730;
	v8 =	vsel vm4, v14, v8  }
0x1b0: {  	s2 =	simm.s32 $0xEAA0;
	s5 =	simm.s32 $0xEAA0;
	v7 =	vsel vm4, v62, v7;
	v11 =	vmul.f32 v60, v5;
	v10 =	vld [tilespmem:s0+$0x0];
	v9 =	vsel vm3, v9, v12  }
.LBB2_24:
0x1b1: {  	p0 =	sne.s32 s2, $0x11160;
	v13 =	vor.u32 s3, v4;
	s3 =	smov.u32 s4;
	s4 =	smov.u32 s6  }
0x1b2: {  	v12 =	vld [tilespmem:s5+$0x0];
	vm4 =	vgt.f32 v9, v8;
	s6 =	smov.u32 s8;
	s8 =	smov.u32 s2;
	s2 =	sadd.s32 $0x10, s2  }
.Ltmp11:
0x1b3: {  	v11 =	vsub.f32 v11, v6;
	v14 =	vpop (erf);
	v8 =	vsel vm4, v9, v8;
	v7 =	vsel vm4, v13, v7;
	(pc) =	sbr.rel @p0 .LBB2_24-.Ltmp11, $4  }
0x1b4: {  	v9 =	vpop (erf)  }
0x1b5: {  	s0 =	sadd.s32 $0x10, s0;
	v13 =	vmul.f32 $1.442695020e+00, v11;
	v11 =	vmax.f32 v10, $1.000000010e-10;
	v14 =	vmul.f32 v9, v14  }
0x1b6: {  	v10 =	vld [tilespmem:s0+$0x0];
	(erf) = vrcp.f32 v11  }
0x1b7: {  	s5 =	sadd.s32 $0x10, s5;
	v11 =	vmul.f32 v12, v5;
	(erf) = vpow2.f32 v13;
	v9 =	vsel vm3, v9, v14  }
0x1b8: {  	_ = 	snop  }
0x1b9: {  	v11 =	vsub.f32 v11, v6;
	_ =	sdelay $0x1  }
0x1ba: {  	v11 =	vmul.f32 $1.442695020e+00, v11;
	v10 =	vmax.f32 v10, $1.000000010e-10  }
0x1bb: {  	(erf) = vrcp.f32 v10  }
0x1bc: {  	(erf) = vpow2.f32 v11;
	_ =	sdelay $0x3  }
0x1bd: {  	v10 =	vpop (erf)  }
0x1be: {  	v11 =	vpop (erf)  }
0x1bf: {  	v12 =	vpop (erf)  }
0x1c0: {  	v13 =	vpop (erf)  }
0x1c1: {  	s0 =	rddreg [dreg:$0xb];
	v14 =	vpop (erf)  }
0x1c2: {  	[tilespmem:s18], [sflag:$0x6] =	stream.linear.gather [hbm4b:s0+s1], $0x2710, $0x38;
	v15 =	vpop (erf);
	[tilespmem:$0x1D700] =	vst v63  }
0x1c3: {  	_ =	swait.ge [sflag:s30], $0x2710  }
0x1c4: {  	[sflag:s30] =	ssyncset.done $0x0  }
0x1c5: {  	s5 =	simm.s32 $0x11170;
	[sflag:s30] =	ssyncadd.s32 $0xFFFFD8F0  }
0x1c6: {  	v16 =	vld [tilespmem:s5+$0x0];
	_ =	sdelay $0x2  }
0x1c7: {  	s9 =	simm.s32 $0x1AE80  }
0x1c8: {  	v17 =	vld [tilespmem:s9+$0x0]  }
0x1c9: {  	v16 =	vmul.f32 v16, v5  }
0x1ca: {  	s0 =	simm.s32 $0x11180  }
0x1cb: {  	vm4 =	vgt.f32 v9, v8;
	v10 =	vmul.f32 v11, v10;
	v18 =	vld [tilespmem:s0+$0x0];
	v16 =	vsub.f32 v16, v6  }
0x1cc: {  	v8 =	vsel vm4, v9, v8  }
0x1cd: {  	s2 =	simm.s32 $0x11190;
	v9 =	vsel vm3, v11, v10;
	v17 =	vmax.f32 v17, $1.000000010e-10;
	v16 =	vmul.f32 $1.442695020e+00, v16  }
0x1ce: {  	v10 =	vmul.f32 v13, v12;
	vm5 =	vgt.f32 v9, v8;
	s9 =	simm.s32 $0x1AE90;
	v11 =	vld [tilespmem:s2+$0x0];
	(erf) = vrcp.f32 v17  }
0x1cf: {  	v8 =	vsel vm5, v9, v8;
	v57 =	vld [tilespmem:s9+$0x0];
	(erf) = vpow2.f32 v16  }
0x1d0: {  	v9 =	vsel vm3, v13, v10;
	v10 =	vor.u32 s3, v4;
	v58 =	vmul.f32 v18, v5  }
0x1d1: {  	s10 =	simm.s32 $0x1AEA0;
	v7 =	vsel vm4, v10, v7;
	v10 =	vor.u32 s4, v4;
	vm4 =	vgt.f32 v9, v8  }
0x1d2: {  	v7 =	vsel vm5, v10, v7;
	v8 =	vsel vm4, v9, v8;
	v10 =	vld [tilespmem:s10+$0x0];
	v9 =	vsub.f32 v58, v6  }
0x1d3: {  	v11 =	vmul.f32 v11, v5  }
0x1d4: {  	v12 =	vmax.f32 v57, $1.000000010e-10;
	v9 =	vmul.f32 $1.442695020e+00, v9  }
0x1d5: {  	s3 =	simm.s32 $0x111A0;
	v11 =	vsub.f32 v11, v6;
	(erf) = vrcp.f32 v12  }
0x1d6: {  	v14 =	vmul.f32 v15, v14;
	v60 =	vld [tilespmem:s3+$0x0];
	(erf) = vpow2.f32 v9  }
0x1d7: {  	v59 =	vor.u32 s6, v4;
	v10 =	vmax.f32 v10, $1.000000010e-10;
	v63 =	vmul.f32 $1.442695020e+00, v11;
	v61 =	vpop (erf)  }
0x1d8: {  	v7 =	vsel vm4, v59, v7;
	v14 =	vsel vm3, v15, v14;
	(erf) = vrcp.f32 v10;
	v9 =	vpop (erf)  }
0x1d9: {  	vm4 =	vgt.f32 v14, v8;
	(erf) = vpow2.f32 v63;
	v12 =	vmul.f32 v9, v61  }
0x1da: {  	v62 =	vor.u32 s8, v4;
	s4 =	simm.s32 $0x1AEB0;
	v8 =	vsel vm4, v14, v8  }
0x1db: {  	s6 =	simm.s32 $0x111B0;
	s8 =	simm.s32 $0x111B0;
	v7 =	vsel vm4, v62, v7;
	v11 =	vmul.f32 v60, v5;
	v10 =	vld [tilespmem:s4+$0x0];
	v9 =	vsel vm3, v9, v12  }
.LBB2_26:
0x1dc: {  	p0 =	sne.s32 s6, $0x13870;
	v13 =	vor.u32 s5, v4;
	s5 =	smov.u32 s0;
	s0 =	smov.u32 s2  }
0x1dd: {  	v12 =	vld [tilespmem:s8+$0x0];
	vm4 =	vgt.f32 v9, v8;
	s2 =	smov.u32 s3;
	s3 =	smov.u32 s6;
	s6 =	sadd.s32 $0x10, s6  }
.Ltmp12:
0x1de: {  	v11 =	vsub.f32 v11, v6;
	v14 =	vpop (erf);
	v8 =	vsel vm4, v9, v8;
	v7 =	vsel vm4, v13, v7;
	(pc) =	sbr.rel @p0 .LBB2_26-.Ltmp12, $4  }
0x1df: {  	v9 =	vpop (erf)  }
0x1e0: {  	s4 =	sadd.s32 $0x10, s4;
	v13 =	vmul.f32 $1.442695020e+00, v11;
	v11 =	vmax.f32 v10, $1.000000010e-10;
	v14 =	vmul.f32 v9, v14  }
0x1e1: {  	v10 =	vld [tilespmem:s4+$0x0];
	(erf) = vrcp.f32 v11  }
0x1e2: {  	s8 =	sadd.s32 $0x10, s8;
	v11 =	vmul.f32 v12, v5;
	(erf) = vpow2.f32 v13;
	v9 =	vsel vm3, v9, v14  }
0x1e3: {  	_ = 	snop  }
0x1e4: {  	v11 =	vsub.f32 v11, v6;
	_ =	sdelay $0x1  }
0x1e5: {  	v11 =	vmul.f32 $1.442695020e+00, v11;
	v10 =	vmax.f32 v10, $1.000000010e-10  }
0x1e6: {  	(erf) = vrcp.f32 v10  }
0x1e7: {  	(erf) = vpow2.f32 v11;
	_ =	sdelay $0x3  }
0x1e8: {  	v10 =	vpop (erf)  }
0x1e9: {  	v11 =	vpop (erf)  }
0x1ea: {  	s6 =	sld [smem:$0x7EF];
	v12 =	vpop (erf)  }
0x1eb: {  	v13 =	vpop (erf)  }
0x1ec: {  	s4 =	simm.s32 $0x0;
	v14 =	vpop (erf)  }
0x1ed: {  	[tilespmem:s19], [sflag:$0x7] =	stream.linear.gather [hbm4b:s6+s4], $0x2710, $0x38;
	v15 =	vpop (erf);
	[tilespmem:$0x1D700] =	vst v63  }
0x1ee: {  	s6 =	simm.s32 $0x13880;
	_ =	swait.ge [sflag:s29], $0x2710  }
0x1ef: {  	s4 =	sand.u32 $0x70, s4;
	s8 =	sand.u32 $0x17F80, s6;
	[sflag:s29] =	ssyncset.done $0x0  }
0x1f0: {  	s4 =	sor.u32 s4, s8;
	[sflag:s29] =	ssyncadd.s32 $0xFFFFD8F0  }
0x1f1: {  	v16 =	vld [tilespmem:s4+$0x0];
	_ =	sdelay $0x1  }
0x1f2: {  	s9 =	simm.s32 $0x18700  }
0x1f3: {  	s10 =	simm.s32 $0x10;
	s8 =	simm.s32 $0x13890;
	v17 =	vld [tilespmem:s9+$0x0]  }
0x1f4: {  	s9 =	sand.u32 $0x17F80, s8;
	s4 =	sand.u32 $0x70, s10  }
0x1f5: {  	vm4 =	vgt.f32 v9, v8;
	v10 =	vmul.f32 v11, v10;
	s4 =	sor.u32 s4, s9;
	v16 =	vmul.f32 v16, v5  }
0x1f6: {  	v8 =	vsel vm4, v9, v8;
	v9 =	vld [tilespmem:s4+$0x0]  }
0x1f7: {  	v10 =	vsel vm3, v11, v10;
	v16 =	vsub.f32 v16, v6  }
0x1f8: {  	v11 =	vor.u32 s5, v4;
	v12 =	vmul.f32 v13, v12;
	v17 =	vmax.f32 v17, $1.000000010e-10  }
0x1f9: {  	vm5 =	vgt.f32 v10, v8;
	(erf) = vrcp.f32 v17;
	v16 =	vmul.f32 $1.442695020e+00, v16  }
0x1fa: {  	s5 =	simm.s32 $0x138A0;
	v7 =	vsel vm4, v11, v7;
	v8 =	vsel vm5, v10, v8;
	s9 =	simm.s32 $0x18710;
	s4 =	simm.s32 $0x20  }
0x1fb: {  	v10 =	vsel vm3, v13, v12;
	s10 =	sand.u32 $0x17F80, s5;
	s4 =	sand.u32 $0x70, s4;
	v17 =	vld [tilespmem:s9+$0x0];
	v9 =	vmul.f32 v9, v5;
	(erf) = vpow2.f32 v16  }
0x1fc: {  	v12 =	vor.u32 s2, v4;
	vm4 =	vgt.f32 v10, v8;
	v11 =	vmul.f32 v15, v14;
	s10 =	sor.u32 s4, s10  }
0x1fd: {  	v8 =	vsel vm4, v10, v8;
	v18 =	vld [tilespmem:s10+$0x0];
	v13 =	vsub.f32 v9, v6;
	v16 =	vor.u32 s0, v4  }
0x1fe: {  	v10 =	vsel vm3, v15, v11;
	v9 =	vor.u32 s8, v4;
	v7 =	vsel vm5, v16, v7  }
0x1ff: {  	v13 =	vmul.f32 $1.442695020e+00, v13;
	v7 =	vsel vm4, v12, v7;
	vm4 =	vgt.f32 v10, v8  }
0x200: {  	s4 =	simm.s32 $0x30;
	s8 =	simm.s32 $0x138B0;
	v11 =	vsel vm4, v10, v8;
	v10 =	vor.u32 s6, v4;
	s6 =	simm.s32 $0x18720;
	v8 =	vmax.f32 v17, $1.000000010e-10  }
0x201: {  	s9 =	sand.u32 $0x17F80, s8;
	s0 =	sand.u32 $0x70, s4;
	v15 =	vld [tilespmem:s6+$0x0];
	(erf) = vrcp.f32 v8  }
0x202: {  	s10 =	sor.u32 s0, s9;
	v12 =	vor.u32 s3, v4;
	v17 =	vmul.f32 v18, v5;
	v14 =	vpop (erf);
	(erf) = vpow2.f32 v13  }
0x203: {  	v16 =	vld [tilespmem:s10+$0x0];
	v12 =	vsel vm4, v12, v7  }
0x204: {  	s2 =	simm.s32 $0x18730;
	s0 =	simm.s32 $0x40;
	v7 =	vor.u32 s5, v4;
	v8 =	vor.u32 s8, v4;
	v17 =	vsub.f32 v17, v6;
	v13 =	vpop (erf)  }
.LBB2_28:
0x205: {  	s3 =	sadd.s32 $0x13880, s0  }
0x206: {  	p0 =	sne.s32 s0, $0x2700;
	v17 =	vmul.f32 $1.442695020e+00, v17;
	v18 =	vmax.f32 v15, $1.000000010e-10;
	v14 =	vmul.f32 v13, v14;
	v19 =	vmovc v8;
	s4 =	smov.u32 s0;
	s0 =	sadd.s32 $0x10, s0  }
.Ltmp13:
0x207: {  	s5 =	sand.u32 $0x17F80, s3;
	s4 =	sand.u32 $0x70, s4;
	v8 =	vor.u32 s3, v4;
	v15 =	vld [tilespmem:s2+$0x0];
	(erf) = vrcp.f32 v18;
	(pc) =	sbr.rel @p0 .LBB2_28-.Ltmp13, $4  }
0x208: {  	s3 =	sor.u32 s4, s5;
	v18 =	vmul.f32 v16, v5;
	(erf) = vpow2.f32 v17;
	v13 =	vsel vm3, v13, v14  }
0x209: {  	v16 =	vld [tilespmem:s3+$0x0];
	vm4 =	vgt.f32 v13, v11  }
0x20a: {  	v17 =	vsub.f32 v18, v6;
	v14 =	vpop (erf);
	v11 =	vsel vm4, v13, v11;
	v12 =	vsel vm4, v10, v12  }
0x20b: {  	s2 =	sadd.s32 $0x10, s2;
	v10 =	vmov v9;
	v9 =	vmov v7;
	v7 =	vmov v19;
	v13 =	vpop (erf)  }
0x20c: {  	_ = 	snop  }
0x20d: {  	v18 =	vld [tilespmem:s2+$0x0]  }
0x20e: {  	v16 =	vmul.f32 v16, v5;
	_ =	sdelay $0x1  }
0x20f: {  	v17 =	vmul.f32 $1.442695020e+00, v17;
	v15 =	vmax.f32 v15, $1.000000010e-10;
	v16 =	vsub.f32 v16, v6  }
0x210: {  	(erf) = vrcp.f32 v15  }
0x211: {  	(erf) = vpow2.f32 v17;
	v44 =	vmax.f32 v18, $1.000000010e-10;
	v43 =	vmul.f32 $1.442695020e+00, v16  }
0x212: {  	(erf) = vrcp.f32 v44  }
0x213: {  	(erf) = vpow2.f32 v43;
	_ =	sdelay $0x3  }
0x214: {  	v45 =	vpop (erf)  }
0x215: {  	v46 =	vpop (erf)  }
0x216: {  	v47 =	vpop (erf)  }
0x217: {  	v48 =	vpop (erf)  }
0x218: {  	v19 =	vpop (erf)  }
0x219: {  	v20 =	vpop (erf)  }
0x21a: {  	_ =	swait.ge [sflag:s30], $0x2710  }
0x21b: {  	[sflag:s30] =	ssyncset.done $0x0  }
0x21c: {  	s0 =	simm.s32 $0x15F90;
	[sflag:s30] =	ssyncadd.s32 $0xFFFFD8F0  }
0x21d: {  	v21 =	vld [tilespmem:s0+$0x0];
	_ =	sdelay $0x2  }
0x21e: {  	s9 =	simm.s32 $0x1AE80  }
0x21f: {  	v22 =	vld [tilespmem:s9+$0x0]  }
0x220: {  	v21 =	vmul.f32 v21, v5  }
0x221: {  	s2 =	simm.s32 $0x15FA0;
	v14 =	vmul.f32 v13, v14  }
0x222: {  	v23 =	vld [tilespmem:s2+$0x0];
	v21 =	vsub.f32 v21, v6  }
0x223: {  	v13 =	vsel vm3, v13, v14  }
0x224: {  	s3 =	simm.s32 $0x15FB0;
	v49 =	vmul.f32 v46, v45;
	v22 =	vmax.f32 v22, $1.000000010e-10;
	v21 =	vmul.f32 $1.442695020e+00, v21  }
0x225: {  	s4 =	simm.s32 $0x1AE90;
	vm4 =	vgt.f32 v13, v11;
	v50 =	vld [tilespmem:s3+$0x0];
	(erf) = vrcp.f32 v22  }
0x226: {  	v11 =	vsel vm4, v13, v11;
	v51 =	vsel vm3, v46, v49;
	v52 =	vld [tilespmem:s4+$0x0];
	(erf) = vpow2.f32 v21  }
0x227: {  	vm5 =	vgt.f32 v51, v11;
	v53 =	vmul.f32 v48, v47;
	v54 =	vmul.f32 v23, v5  }
0x228: {  	s10 =	simm.s32 $0x1AEA0;
	v10 =	vsel vm4, v10, v12;
	v11 =	vsel vm5, v51, v11  }
0x229: {  	v9 =	vsel vm5, v9, v10;
	v10 =	vsel vm3, v48, v53;
	v56 =	vld [tilespmem:s10+$0x0];
	v55 =	vsub.f32 v54, v6  }
0x22a: {  	vm4 =	vgt.f32 v10, v11;
	v15 =	vmul.f32 v50, v5  }
0x22b: {  	v10 =	vsel vm4, v10, v11;
	v58 =	vmax.f32 v52, $1.000000010e-10;
	v11 =	vmul.f32 $1.442695020e+00, v55  }
0x22c: {  	s4 =	simm.s32 $0x15FC0;
	v60 =	vsub.f32 v15, v6;
	(erf) = vrcp.f32 v58  }
0x22d: {  	v57 =	vmul.f32 v20, v19;
	v59 =	vld [tilespmem:s4+$0x0];
	(erf) = vpow2.f32 v11  }
0x22e: {  	v12 =	vmul.f32 $1.442695020e+00, v60;
	v11 =	vmax.f32 v56, $1.000000010e-10;
	v61 =	vpop (erf)  }
0x22f: {  	v9 =	vsel vm4, v7, v9;
	v16 =	vsel vm3, v20, v57;
	(erf) = vrcp.f32 v11;
	v62 =	vpop (erf)  }
0x230: {  	vm4 =	vgt.f32 v16, v10;
	(erf) = vpow2.f32 v12;
	v63 =	vmul.f32 v62, v61  }
0x231: {  	s5 =	simm.s32 $0x1AEB0;
	v7 =	vsel vm4, v16, v10  }
0x232: {  	s6 =	simm.s32 $0x15FD0;
	s8 =	simm.s32 $0x15FD0;
	v8 =	vsel vm4, v8, v9;
	v9 =	vld [tilespmem:s5+$0x0];
	v11 =	vmul.f32 v59, v5;
	v10 =	vsel vm3, v62, v63  }
.LBB2_30:
0x233: {  	p0 =	sne.s32 s6, $0x18690;
	v13 =	vor.u32 s0, v4;
	s0 =	smov.u32 s2;
	s2 =	smov.u32 s3  }
0x234: {  	v12 =	vld [tilespmem:s8+$0x0];
	vm4 =	vgt.f32 v10, v7;
	s3 =	smov.u32 s4;
	s4 =	smov.u32 s6;
	s6 =	sadd.s32 $0x10, s6  }
.Ltmp14:
0x235: {  	v11 =	vsub.f32 v11, v6;
	v14 =	vpop (erf);
	v7 =	vsel vm4, v10, v7;
	v8 =	vsel vm4, v13, v8;
	(pc) =	sbr.rel @p0 .LBB2_30-.Ltmp14, $4  }
0x236: {  	v10 =	vpop (erf)  }
0x237: {  	s5 =	sadd.s32 $0x10, s5;
	v13 =	vmul.f32 $1.442695020e+00, v11;
	v11 =	vmax.f32 v9, $1.000000010e-10;
	v14 =	vmul.f32 v10, v14  }
0x238: {  	v9 =	vld [tilespmem:s5+$0x0];
	(erf) = vrcp.f32 v11  }
0x239: {  	s8 =	sadd.s32 $0x10, s8;
	v11 =	vmul.f32 v12, v5;
	(erf) = vpow2.f32 v13;
	v10 =	vsel vm3, v10, v14  }
0x23a: {  	_ = 	snop  }
0x23b: {  	v5 =	vsub.f32 v11, v6;
	_ =	sdelay $0x1  }
0x23c: {  	v5 =	vmul.f32 $1.442695020e+00, v5;
	v6 =	vmax.f32 v9, $1.000000010e-10  }
0x23d: {  	(erf) = vrcp.f32 v6  }
0x23e: {  	(erf) = vpow2.f32 v5;
	_ =	sdelay $0x3  }
0x23f: {  	v5 =	vpop (erf)  }
0x240: {  	v6 =	vpop (erf)  }
0x241: {  	v5 =	vmul.f32 v6, v5;
	v9 =	vpop (erf)  }
0x242: {  	vm4 =	vgt.f32 v10, v7;
	v11 =	vpop (erf)  }
0x243: {  	v7 =	vsel vm4, v10, v7;
	v5 =	vsel vm3, v6, v5;
	v6 =	vmul.f32 v11, v9;
	v9 =	vpop (erf)  }
0x244: {  	vm5 =	vgt.f32 v5, v7;
	v10 =	vpop (erf)  }
0x245: {  	v5 =	vsel vm5, v5, v7;
	v6 =	vsel vm3, v11, v6;
	v7 =	vmul.f32 v10, v9  }
0x246: {  	vm6 =	vgt.f32 v6, v5  }
0x247: {  	v5 =	vsel vm6, v6, v5;
	v6 =	vsel vm3, v10, v7  }
0x248: {  	vm3 =	vgt.f32 v6, v5  }
0x249: {  	v9 =	vsel vm3, v6, v5  }
0x24a: {  	v5 =	vperm.xlane v9, v0;
	_ =	sdelay $0x1  }
0x24b: {  	v6 =	vand.u32 $0xF, v1;
	v5 =	vmax.f32 v9, v5  }
0x24c: {  	v7 =	vperm.xlane v5, v6;
	_ =	sdelay $0x1  }
0x24d: {  	s5 =	simm.s32 $0x0;
	s6 =	rddreg [dreg:$0xc];
	v5 =	vmax.f32 v5, v7;
	v7 =	vand.u32 $0xF, v2  }
0x24e: {  	[tilespmem:s5], [sflag:$0x1] =	stream.linear.gather [hbm4b:s6+s5], $0x4E20, $0x38;
	v11 =	vor.u32 s0, v4;
	v10 =	vperm.xlane v5, v7;
	[tilespmem:$0x1D700] =	vst v63  }
0x24f: {  	s10 =	rddreg [dreg:$0x10];
	v8 =	vsel vm4, v11, v8  }
0x250: {  	[tilespmem:s13], [sflag:$0x2] =	stream.linear.gather [hbm4b:s10+s5], $0x4E20, $0x38;
	v11 =	vor.u32 s2, v4;
	v10 =	vmax.f32 v5, v10;
	v5 =	vand.u32 $0xF, v3;
	[tilespmem:$0x1D700] =	vst v63  }
0x251: {  	v8 =	vsel vm5, v11, v8;
	v11 =	vor.u32 s3, v4;
	s3 =	rddreg [dreg:$0x12];
	v12 =	vperm.xlane v10, v5  }
0x252: {  	[tilespmem:s14], [sflag:$0x3] =	stream.linear.gather [hbm4b:s3+s5], $0x4E20, $0x38;
	[tilespmem:$0x1D700] =	vst v63  }
0x253: {  	v8 =	vsel vm6, v11, v8;
	v11 =	vor.u32 s4, v4;
	s4 =	rddreg [dreg:$0x14];
	v10 =	vmax.f32 v10, v12  }
0x254: {  	[tilespmem:s15], [sflag:$0x4] =	stream.linear.gather [hbm4b:s4+s5], $0x4E20, $0x38;
	v8 =	vsel vm3, v11, v8;
	vm3 =	veq.f32 v9, v10;
	[tilespmem:$0x1D700] =	vst v63  }
0x255: {  	s6 =	rddreg [dreg:$0x16];
	v8 =	vnsel vm3, $0x7FFFFFFF, v8  }
0x256: {  	[tilespmem:s16], [sflag:$0x5] =	stream.linear.gather [hbm4b:s6+s5], $0x4E20, $0x38;
	v8 =	vsub.s32 $0x0, v8;
	[tilespmem:$0x1D700] =	vst v63  }
0x257: {  	s8 =	sld [smem:$0x7F0];
	v9 =	vperm.xlane v8, v0  }
0x258: {  	[tilespmem:s18], [sflag:$0x6] =	stream.linear.gather [hbm4b:s17+s5], $0x2710, $0x38;
	[tilespmem:$0x1D700] =	vst v63  }
0x259: {  	vm3 =	vgt.s32 v8, v9  }
0x25a: {  	[tilespmem:s19], [sflag:$0x7] =	stream.linear.gather [hbm4b:s8+s5], $0x2710, $0x38;
	v8 =	vsel vm3, v8, v9;
	[tilespmem:$0x1D700] =	vst v63  }
0x25b: {  	s9 =	rddreg [dreg:$0xd];
	v9 =	vperm.xlane v8, v6  }
0x25c: {  	[tilespmem:s20], [sflag:$0x8] =	stream.linear.gather [hbm4b:s9+s5], $0x10, $0x38;
	[tilespmem:$0x1D700] =	vst v63  }
0x25d: {  	_ =	swait.ge [sflag:s21], $0x10;
	vm3 =	vgt.s32 v8, v9  }
0x25e: {  	[sflag:s21] =	ssyncset.done $0x0;
	v8 =	vsel vm3, v8, v9  }
0x25f: {  	[sflag:s21] =	ssyncadd.s32 $0xFFFFFFF0;
	v9 =	vperm.xlane v8, v7  }
0x260: {  	_ =	swait.ge [sflag:s22], $0x4E20  }
0x261: {  	[sflag:s22] =	ssyncset.done $0x0;
	vm3 =	vgt.s32 v8, v9  }
0x262: {  	s10 =	simm.s32 $0x0;
	[sflag:s22] =	ssyncadd.s32 $0xFFFFB1E0;
	v8 =	vsel vm3, v8, v9  }
0x263: {  	s0 =	simm.s32 $0x40;
	v10 =	vimm.f32 $-Inf;
	v11 =	vld [tilespmem:s10+$0x0];
	v9 =	vperm.xlane v8, v5  }
.LBB2_32:
0x264: {  	p0 =	sne.s32 s0, $0x13840  }
.Ltmp15:
0x265: {  	_ = 	snop;
	(pc) =	sbr.rel @p0 .LBB2_32-.Ltmp15, $3  }
0x266: {  	_ =	sdelay $0x1  }
0x267: {  	s2 =	sshra.s32 s0, $0x2;
	s0 =	sadd.s32 $0x40, s0;
	v10 =	vmax.f32 v10, v11  }
0x268: {  	v11 =	vld [tilespmem:s2+$0x0]  }
0x269: {  	_ = 	snop  }
0x26a: {  	_ =	swait.ge [sflag:s23], $0x4E20  }
0x26b: {  	[sflag:s23] =	ssyncset.done $0x0  }
0x26c: {  	s2 =	simm.s32 $0x0;
	[sflag:s23] =	ssyncadd.s32 $0xFFFFB1E0  }
0x26d: {  	s0 =	simm.s32 $0x40;
	v10 =	vmax.f32 v10, v11;
	v11 =	vld [tilespmem:s2+$0x4E20]  }
.LBB2_34:
0x26e: {  	p0 =	sne.s32 s0, $0x13840  }
.Ltmp16:
0x26f: {  	_ = 	snop;
	(pc) =	sbr.rel @p0 .LBB2_34-.Ltmp16, $3  }
0x270: {  	_ =	sdelay $0x1  }
0x271: {  	s2 =	sshra.s32 s0, $0x2;
	s0 =	sadd.s32 $0x40, s0;
	v10 =	vmax.f32 v10, v11  }
0x272: {  	v11 =	vld [tilespmem:s2+$0x4E20]  }
0x273: {  	_ = 	snop  }
0x274: {  	_ =	swait.ge [sflag:s24], $0x4E20  }
0x275: {  	[sflag:s24] =	ssyncset.done $0x0  }
0x276: {  	s2 =	simm.s32 $0x0;
	[sflag:s24] =	ssyncadd.s32 $0xFFFFB1E0  }
0x277: {  	s0 =	simm.s32 $0x40;
	v10 =	vmax.f32 v10, v11;
	v11 =	vld [tilespmem:s2+$0x9C40]  }
.LBB2_36:
0x278: {  	p0 =	sne.s32 s0, $0x13840  }
.Ltmp17:
0x279: {  	_ = 	snop;
	(pc) =	sbr.rel @p0 .LBB2_36-.Ltmp17, $3  }
0x27a: {  	_ =	sdelay $0x1  }
0x27b: {  	s2 =	sshra.s32 s0, $0x2;
	s0 =	sadd.s32 $0x40, s0;
	v10 =	vmax.f32 v10, v11  }
0x27c: {  	v11 =	vld [tilespmem:s2+$0x9C40]  }
0x27d: {  	_ = 	snop  }
0x27e: {  	_ =	swait.ge [sflag:s25], $0x4E20  }
0x27f: {  	[sflag:s25] =	ssyncset.done $0x0  }
0x280: {  	s2 =	simm.s32 $0x0;
	[sflag:s25] =	ssyncadd.s32 $0xFFFFB1E0  }
0x281: {  	s0 =	simm.s32 $0x40;
	v10 =	vmax.f32 v10, v11;
	v11 =	vld [tilespmem:s2+$0xEA60]  }
.LBB2_38:
0x282: {  	p0 =	sne.s32 s0, $0x13840  }
.Ltmp18:
0x283: {  	_ = 	snop;
	(pc) =	sbr.rel @p0 .LBB2_38-.Ltmp18, $3  }
0x284: {  	_ =	sdelay $0x1  }
0x285: {  	s2 =	sshra.s32 s0, $0x2;
	s0 =	sadd.s32 $0x40, s0;
	v10 =	vmax.f32 v10, v11  }
0x286: {  	v11 =	vld [tilespmem:s2+$0xEA60]  }
0x287: {  	_ = 	snop  }
0x288: {  	_ =	swait.ge [sflag:s26], $0x4E20  }
0x289: {  	s0 =	simm.s32 $0x0;
	[sflag:s26] =	ssyncset.done $0x0  }
0x28a: {  	s2 =	sand.u32 $0x7FF0, s0;
	[sflag:s26] =	ssyncadd.s32 $0xFFFFB1E0  }
0x28b: {  	s0 =	simm.s32 $0x10;
	v10 =	vmax.f32 v10, v11;
	v11 =	vld [tilespmem:s2+$0x13880]  }
.LBB2_40:
0x28c: {  	p0 =	sne.s32 s0, $0x4E10  }
.Ltmp19:
0x28d: {  	_ = 	snop;
	(pc) =	sbr.rel @p0 .LBB2_40-.Ltmp19, $3  }
0x28e: {  	_ =	sdelay $0x1  }
0x28f: {  	s2 =	sand.u32 $0x7FF0, s0;
	s0 =	sadd.s32 $0x10, s0;
	v10 =	vmax.f32 v10, v11  }
0x290: {  	v11 =	vld [tilespmem:s2+$0x13880]  }
0x291: {  	v12 =	vld [tilespmem:$0x1D600];
	_ =	sdelay $0x4  }
0x292: {  	vm3 =	veq.f32 v12, $0.0e+00  }
0x293: {  	v12 =	vsel vm3, $0x3F800000, v12  }
0x294: {  	(erf) = vrcp.f32 v12;
	_ =	sdelay $0x4  }
0x295: {  	v10 =	vmax.f32 v10, v11  }
0x296: {  	v11 =	vperm.xlane v10, v0;
	_ =	sdelay $0x1  }
0x297: {  	v11 =	vmax.f32 v10, v11  }
0x298: {  	v12 =	vperm.xlane v11, v1;
	v10 =	vpop (erf)  }
0x299: {  	_ =	swait.ge [sflag:s29], $0x2710  }
0x29a: {  	v11 =	vmax.f32 v11, v12;
	[sflag:s29] =	ssyncset.done $0x0  }
0x29b: {  	s2 =	simm.s32 $0x0;
	v12 =	vperm.xlane v11, v2;
	[sflag:s29] =	ssyncadd.s32 $0xFFFFD8F0  }
0x29c: {  	v13 =	vld [tilespmem:s2+$0x0]  }
0x29d: {  	v11 =	vmax.f32 v11, v12  }
0x29e: {  	v12 =	vperm.xlane v11, v3  }
0x29f: {  	s0 =	simm.s32 $0x18700  }
0x2a0: {  	v11 =	vmax.f32 v11, v12;
	v12 =	vld [tilespmem:s0+$0x0]  }
0x2a1: {  	v11 =	vmul.f32 v10, v11;
	v13 =	vmul.f32 v13, v10;
	_ =	sdelay $0x1  }
0x2a2: {  	s8 =	simm.s32 $0x10;
	v13 =	vsub.f32 v13, v11  }
0x2a3: {  	v14 =	vld [tilespmem:s8+$0x0]  }
0x2a4: {  	s6 =	simm.s32 $0x20;
	v12 =	vmax.f32 v12, $1.000000010e-10;
	v13 =	vmul.f32 $1.442695020e+00, v13  }
0x2a5: {  	s9 =	simm.s32 $0x18710;
	(erf) = vrcp.f32 v12;
	v12 =	vld [tilespmem:s6+$0x0]  }
0x2a6: {  	(erf) = vpow2.f32 v13;
	v13 =	vld [tilespmem:s9+$0x0];
	_ =	sdelay $0x1  }
0x2a7: {  	v14 =	vmul.f32 v14, v10  }
0x2a8: {  	s10 =	simm.s32 $0x18720  }
0x2a9: {  	v15 =	vld [tilespmem:s10+$0x0];
	v14 =	vsub.f32 v14, v11  }
0x2aa: {  	v12 =	vmul.f32 v12, v10;
	v13 =	vmax.f32 v13, $1.000000010e-10  }
0x2ab: {  	s4 =	simm.s32 $0x30;
	v14 =	vmul.f32 $1.442695020e+00, v14  }
0x2ac: {  	v16 =	vld [tilespmem:s4+$0x0];
	v12 =	vsub.f32 v12, v11;
	(erf) = vrcp.f32 v13  }
0x2ad: {  	v13 =	vpop (erf);
	(erf) = vpow2.f32 v14  }
0x2ae: {  	v15 =	vmax.f32 v15, $1.000000010e-10;
	v17 =	vmul.f32 $1.442695020e+00, v12  }
0x2af: {  	v14 =	vpop (erf);
	(erf) = vrcp.f32 v15  }
0x2b0: {  	v18 =	vmul.f32 v14, v13;
	(erf) = vpow2.f32 v17  }
0x2b1: {  	s0 =	simm.s32 $0x18730;
	v16 =	vmul.f32 v16, v10  }
0x2b2: {  	s3 =	simm.s32 $0x40;
	s5 =	simm.s32 $0x40;
	v12 =	vimm.s32 $0x0;
	v15 =	vld [tilespmem:s0+$0x0];
	v13 =	vimm.f32 $-1.000000000e+00;
	v14 =	vsel vm3, v14, v18  }
.LBB2_42:
0x2b3: {  	p0 =	sne.s32 s3, $0x2700;
	v18 =	vor.u32 s2, v4;
	s2 =	smov.u32 s8;
	s8 =	smov.u32 s6  }
0x2b4: {  	v17 =	vld [tilespmem:s5+$0x0];
	vm4 =	vgt.f32 v14, v13;
	s6 =	smov.u32 s4;
	s4 =	smov.u32 s3;
	s3 =	sadd.s32 $0x10, s3  }
.Ltmp20:
0x2b5: {  	v16 =	vsub.f32 v16, v11;
	v19 =	vpop (erf);
	v13 =	vsel vm4, v14, v13;
	v12 =	vsel vm4, v18, v12;
	(pc) =	sbr.rel @p0 .LBB2_42-.Ltmp20, $4  }
0x2b6: {  	v14 =	vpop (erf)  }
0x2b7: {  	s0 =	sadd.s32 $0x10, s0;
	v18 =	vmul.f32 $1.442695020e+00, v16;
	v16 =	vmax.f32 v15, $1.000000010e-10;
	v19 =	vmul.f32 v14, v19  }
0x2b8: {  	v15 =	vld [tilespmem:s0+$0x0];
	(erf) = vrcp.f32 v16  }
0x2b9: {  	s5 =	sadd.s32 $0x10, s5;
	v16 =	vmul.f32 v17, v10;
	(erf) = vpow2.f32 v18;
	v14 =	vsel vm3, v14, v19  }
0x2ba: {  	_ = 	snop  }
0x2bb: {  	v16 =	vsub.f32 v16, v11;
	_ =	sdelay $0x1  }
0x2bc: {  	v16 =	vmul.f32 $1.442695020e+00, v16;
	v15 =	vmax.f32 v15, $1.000000010e-10  }
0x2bd: {  	(erf) = vrcp.f32 v15  }
0x2be: {  	(erf) = vpow2.f32 v16;
	_ =	sdelay $0x3  }
0x2bf: {  	v15 =	vpop (erf)  }
0x2c0: {  	v16 =	vpop (erf)  }
0x2c1: {  	v17 =	vpop (erf)  }
0x2c2: {  	v18 =	vpop (erf)  }
0x2c3: {  	s0 =	rddreg [dreg:$0x11];
	v19 =	vpop (erf)  }
0x2c4: {  	[tilespmem:s18], [sflag:$0x6] =	stream.linear.gather [hbm4b:s0+s1], $0x2710, $0x38;
	v20 =	vpop (erf);
	[tilespmem:$0x1D700] =	vst v63  }
0x2c5: {  	_ =	swait.ge [sflag:s30], $0x2710  }
0x2c6: {  	[sflag:s30] =	ssyncset.done $0x0  }
0x2c7: {  	s0 =	simm.s32 $0x2710;
	[sflag:s30] =	ssyncadd.s32 $0xFFFFD8F0  }
0x2c8: {  	v21 =	vld [tilespmem:s0+$0x0];
	_ =	sdelay $0x2  }
0x2c9: {  	s3 =	simm.s32 $0x1AE80  }
0x2ca: {  	v22 =	vld [tilespmem:s3+$0x0]  }
0x2cb: {  	v21 =	vmul.f32 v21, v10  }
0x2cc: {  	s3 =	simm.s32 $0x2720  }
0x2cd: {  	vm4 =	vgt.f32 v14, v13;
	v15 =	vmul.f32 v16, v15;
	v23 =	vld [tilespmem:s3+$0x0];
	v21 =	vsub.f32 v21, v11  }
0x2ce: {  	v13 =	vsel vm4, v14, v13  }
0x2cf: {  	s5 =	simm.s32 $0x2730;
	v14 =	vsel vm3, v16, v15;
	v22 =	vmax.f32 v22, $1.000000010e-10;
	v21 =	vmul.f32 $1.442695020e+00, v21  }
0x2d0: {  	s9 =	simm.s32 $0x1AE90;
	v15 =	vmul.f32 v18, v17;
	vm5 =	vgt.f32 v14, v13;
	v16 =	vld [tilespmem:s5+$0x0];
	(erf) = vrcp.f32 v22  }
0x2d1: {  	v13 =	vsel vm5, v14, v13;
	v17 =	vld [tilespmem:s9+$0x0];
	(erf) = vpow2.f32 v21  }
0x2d2: {  	v14 =	vsel vm3, v18, v15;
	v15 =	vor.u32 s2, v4;
	v18 =	vmul.f32 v23, v10  }
0x2d3: {  	s10 =	simm.s32 $0x1AEA0;
	v12 =	vsel vm4, v15, v12;
	v15 =	vor.u32 s8, v4;
	vm4 =	vgt.f32 v14, v13  }
0x2d4: {  	v12 =	vsel vm5, v15, v12;
	v13 =	vsel vm4, v14, v13;
	v15 =	vld [tilespmem:s10+$0x0];
	v14 =	vsub.f32 v18, v11  }
0x2d5: {  	v16 =	vmul.f32 v16, v10  }
0x2d6: {  	v17 =	vmax.f32 v17, $1.000000010e-10;
	v14 =	vmul.f32 $1.442695020e+00, v14  }
0x2d7: {  	s8 =	simm.s32 $0x2740;
	v16 =	vsub.f32 v16, v11;
	v18 =	vor.u32 s6, v4;
	(erf) = vrcp.f32 v17  }
0x2d8: {  	v19 =	vmul.f32 v20, v19;
	v12 =	vsel vm4, v18, v12;
	v18 =	vld [tilespmem:s8+$0x0];
	(erf) = vpow2.f32 v14  }
0x2d9: {  	v15 =	vmax.f32 v15, $1.000000010e-10;
	v63 =	vmul.f32 $1.442695020e+00, v16;
	v17 =	vpop (erf)  }
0x2da: {  	v19 =	vsel vm3, v20, v19;
	(erf) = vrcp.f32 v15;
	v14 =	vpop (erf)  }
0x2db: {  	vm4 =	vgt.f32 v19, v13;
	(erf) = vpow2.f32 v63;
	v17 =	vmul.f32 v14, v17  }
0x2dc: {  	v62 =	vor.u32 s4, v4;
	s2 =	simm.s32 $0x1AEB0;
	v13 =	vsel vm4, v19, v13  }
0x2dd: {  	s4 =	simm.s32 $0x2750;
	s6 =	simm.s32 $0x2750;
	v12 =	vsel vm4, v62, v12;
	v16 =	vmul.f32 v18, v10;
	v15 =	vld [tilespmem:s2+$0x0];
	v14 =	vsel vm3, v14, v17  }
.LBB2_44:
0x2de: {  	p0 =	sne.s32 s4, $0x4E10;
	v18 =	vor.u32 s0, v4;
	s0 =	smov.u32 s3;
	s3 =	smov.u32 s5  }
0x2df: {  	v17 =	vld [tilespmem:s6+$0x0];
	vm4 =	vgt.f32 v14, v13;
	s5 =	smov.u32 s8;
	s8 =	smov.u32 s4;
	s4 =	sadd.s32 $0x10, s4  }
.Ltmp21:
0x2e0: {  	v16 =	vsub.f32 v16, v11;
	v19 =	vpop (erf);
	v13 =	vsel vm4, v14, v13;
	v12 =	vsel vm4, v18, v12;
	(pc) =	sbr.rel @p0 .LBB2_44-.Ltmp21, $4  }
0x2e1: {  	v14 =	vpop (erf)  }
0x2e2: {  	s2 =	sadd.s32 $0x10, s2;
	v18 =	vmul.f32 $1.442695020e+00, v16;
	v16 =	vmax.f32 v15, $1.000000010e-10;
	v19 =	vmul.f32 v14, v19  }
0x2e3: {  	v15 =	vld [tilespmem:s2+$0x0];
	(erf) = vrcp.f32 v16  }
0x2e4: {  	s6 =	sadd.s32 $0x10, s6;
	v16 =	vmul.f32 v17, v10;
	(erf) = vpow2.f32 v18;
	v14 =	vsel vm3, v14, v19  }
0x2e5: {  	_ = 	snop  }
0x2e6: {  	v16 =	vsub.f32 v16, v11;
	_ =	sdelay $0x1  }
0x2e7: {  	v16 =	vmul.f32 $1.442695020e+00, v16;
	v15 =	vmax.f32 v15, $1.000000010e-10  }
0x2e8: {  	(erf) = vrcp.f32 v15  }
0x2e9: {  	(erf) = vpow2.f32 v16;
	_ =	sdelay $0x3  }
0x2ea: {  	v15 =	vpop (erf)  }
0x2eb: {  	v16 =	vpop (erf)  }
0x2ec: {  	s2 =	sld [smem:$0x7F1];
	v17 =	vpop (erf)  }
0x2ed: {  	v18 =	vpop (erf)  }
0x2ee: {  	v19 =	vpop (erf)  }
0x2ef: {  	[tilespmem:s19], [sflag:$0x7] =	stream.linear.gather [hbm4b:s2+s1], $0x2710, $0x38;
	v20 =	vpop (erf);
	[tilespmem:$0x1D700] =	vst v63  }
0x2f0: {  	_ =	swait.ge [sflag:s29], $0x2710  }
0x2f1: {  	[sflag:s29] =	ssyncset.done $0x0  }
0x2f2: {  	s2 =	simm.s32 $0x4E20;
	[sflag:s29] =	ssyncadd.s32 $0xFFFFD8F0  }
0x2f3: {  	v21 =	vld [tilespmem:s2+$0x0];
	_ =	sdelay $0x2  }
0x2f4: {  	s4 =	simm.s32 $0x18700  }
0x2f5: {  	v22 =	vld [tilespmem:s4+$0x0]  }
0x2f6: {  	v21 =	vmul.f32 v21, v10  }
0x2f7: {  	s4 =	simm.s32 $0x4E30  }
0x2f8: {  	vm4 =	vgt.f32 v14, v13;
	v15 =	vmul.f32 v16, v15;
	v23 =	vld [tilespmem:s4+$0x0];
	v21 =	vsub.f32 v21, v11  }
0x2f9: {  	v13 =	vsel vm4, v14, v13  }
0x2fa: {  	s6 =	simm.s32 $0x4E40;
	v14 =	vsel vm3, v16, v15;
	v22 =	vmax.f32 v22, $1.000000010e-10;
	v21 =	vmul.f32 $1.442695020e+00, v21  }
0x2fb: {  	s9 =	simm.s32 $0x18710;
	v15 =	vmul.f32 v18, v17;
	vm5 =	vgt.f32 v14, v13;
	v16 =	vld [tilespmem:s6+$0x0];
	(erf) = vrcp.f32 v22  }
0x2fc: {  	v13 =	vsel vm5, v14, v13;
	v17 =	vld [tilespmem:s9+$0x0];
	(erf) = vpow2.f32 v21  }
0x2fd: {  	v14 =	vsel vm3, v18, v15;
	v15 =	vor.u32 s0, v4;
	v18 =	vmul.f32 v23, v10  }
0x2fe: {  	s10 =	simm.s32 $0x18720;
	v12 =	vsel vm4, v15, v12;
	v15 =	vor.u32 s3, v4;
	vm4 =	vgt.f32 v14, v13  }
0x2ff: {  	v12 =	vsel vm5, v15, v12;
	v13 =	vsel vm4, v14, v13;
	v15 =	vld [tilespmem:s10+$0x0];
	v14 =	vsub.f32 v18, v11  }
0x300: {  	v16 =	vmul.f32 v16, v10  }
0x301: {  	v17 =	vmax.f32 v17, $1.000000010e-10;
	v14 =	vmul.f32 $1.442695020e+00, v14  }
0x302: {  	s9 =	simm.s32 $0x4E50;
	v16 =	vsub.f32 v16, v11;
	v18 =	vor.u32 s5, v4;
	(erf) = vrcp.f32 v17  }
0x303: {  	v19 =	vmul.f32 v20, v19;
	v12 =	vsel vm4, v18, v12;
	v18 =	vld [tilespmem:s9+$0x0];
	(erf) = vpow2.f32 v14  }
0x304: {  	v15 =	vmax.f32 v15, $1.000000010e-10;
	v63 =	vmul.f32 $1.442695020e+00, v16;
	v17 =	vpop (erf)  }
0x305: {  	v19 =	vsel vm3, v20, v19;
	(erf) = vrcp.f32 v15;
	v14 =	vpop (erf)  }
0x306: {  	vm4 =	vgt.f32 v19, v13;
	(erf) = vpow2.f32 v63;
	v17 =	vmul.f32 v14, v17  }
0x307: {  	v62 =	vor.u32 s8, v4;
	s0 =	simm.s32 $0x18730;
	v13 =	vsel vm4, v19, v13  }
0x308: {  	s3 =	simm.s32 $0x4E60;
	s5 =	simm.s32 $0x4E60;
	v12 =	vsel vm4, v62, v12;
	v16 =	vmul.f32 v18, v10;
	v15 =	vld [tilespmem:s0+$0x0];
	v14 =	vsel vm3, v14, v17  }
.LBB2_46:
0x309: {  	p0 =	sne.s32 s3, $0x7520;
	v18 =	vor.u32 s2, v4;
	s2 =	smov.u32 s4;
	s4 =	smov.u32 s6  }
0x30a: {  	v17 =	vld [tilespmem:s5+$0x0];
	vm4 =	vgt.f32 v14, v13;
	s6 =	smov.u32 s9;
	s9 =	smov.u32 s3;
	s3 =	sadd.s32 $0x10, s3  }
.Ltmp22:
0x30b: {  	v16 =	vsub.f32 v16, v11;
	v19 =	vpop (erf);
	v13 =	vsel vm4, v14, v13;
	v12 =	vsel vm4, v18, v12;
	(pc) =	sbr.rel @p0 .LBB2_46-.Ltmp22, $4  }
0x30c: {  	v14 =	vpop (erf)  }
0x30d: {  	s0 =	sadd.s32 $0x10, s0;
	v18 =	vmul.f32 $1.442695020e+00, v16;
	v16 =	vmax.f32 v15, $1.000000010e-10;
	v19 =	vmul.f32 v14, v19  }
0x30e: {  	v15 =	vld [tilespmem:s0+$0x0];
	(erf) = vrcp.f32 v16  }
0x30f: {  	s5 =	sadd.s32 $0x10, s5;
	v16 =	vmul.f32 v17, v10;
	(erf) = vpow2.f32 v18;
	v14 =	vsel vm3, v14, v19  }
0x310: {  	_ = 	snop  }
0x311: {  	v16 =	vsub.f32 v16, v11;
	_ =	sdelay $0x1  }
0x312: {  	v16 =	vmul.f32 $1.442695020e+00, v16;
	v15 =	vmax.f32 v15, $1.000000010e-10  }
0x313: {  	(erf) = vrcp.f32 v15  }
0x314: {  	(erf) = vpow2.f32 v16;
	_ =	sdelay $0x3  }
0x315: {  	v15 =	vpop (erf)  }
0x316: {  	v16 =	vpop (erf)  }
0x317: {  	v17 =	vpop (erf)  }
0x318: {  	v18 =	vpop (erf)  }
0x319: {  	s0 =	rddreg [dreg:$0x13];
	v19 =	vpop (erf)  }
0x31a: {  	[tilespmem:s18], [sflag:$0x6] =	stream.linear.gather [hbm4b:s0+s1], $0x2710, $0x38;
	v20 =	vpop (erf);
	[tilespmem:$0x1D700] =	vst v63  }
0x31b: {  	_ =	swait.ge [sflag:s30], $0x2710  }
0x31c: {  	[sflag:s30] =	ssyncset.done $0x0  }
0x31d: {  	s0 =	simm.s32 $0x7530;
	[sflag:s30] =	ssyncadd.s32 $0xFFFFD8F0  }
0x31e: {  	v21 =	vld [tilespmem:s0+$0x0];
	_ =	sdelay $0x2  }
0x31f: {  	s3 =	simm.s32 $0x1AE80  }
0x320: {  	v22 =	vld [tilespmem:s3+$0x0]  }
0x321: {  	v21 =	vmul.f32 v21, v10  }
0x322: {  	s3 =	simm.s32 $0x7540  }
0x323: {  	vm4 =	vgt.f32 v14, v13;
	v15 =	vmul.f32 v16, v15;
	v23 =	vld [tilespmem:s3+$0x0];
	v21 =	vsub.f32 v21, v11  }
0x324: {  	v13 =	vsel vm4, v14, v13  }
0x325: {  	s5 =	simm.s32 $0x7550;
	v14 =	vsel vm3, v16, v15;
	v22 =	vmax.f32 v22, $1.000000010e-10;
	v21 =	vmul.f32 $1.442695020e+00, v21  }
0x326: {  	s8 =	simm.s32 $0x1AE90;
	v15 =	vmul.f32 v18, v17;
	vm5 =	vgt.f32 v14, v13;
	v16 =	vld [tilespmem:s5+$0x0];
	(erf) = vrcp.f32 v22  }
0x327: {  	v13 =	vsel vm5, v14, v13;
	v17 =	vld [tilespmem:s8+$0x0];
	(erf) = vpow2.f32 v21  }
0x328: {  	v14 =	vsel vm3, v18, v15;
	v15 =	vor.u32 s2, v4;
	v18 =	vmul.f32 v23, v10  }
0x329: {  	s10 =	simm.s32 $0x1AEA0;
	v12 =	vsel vm4, v15, v12;
	v15 =	vor.u32 s4, v4;
	vm4 =	vgt.f32 v14, v13  }
0x32a: {  	v12 =	vsel vm5, v15, v12;
	v13 =	vsel vm4, v14, v13;
	v15 =	vld [tilespmem:s10+$0x0];
	v14 =	vsub.f32 v18, v11  }
0x32b: {  	v16 =	vmul.f32 v16, v10  }
0x32c: {  	v17 =	vmax.f32 v17, $1.000000010e-10;
	v14 =	vmul.f32 $1.442695020e+00, v14  }
0x32d: {  	s8 =	simm.s32 $0x7560;
	v16 =	vsub.f32 v16, v11;
	v18 =	vor.u32 s6, v4;
	(erf) = vrcp.f32 v17  }
0x32e: {  	v19 =	vmul.f32 v20, v19;
	v12 =	vsel vm4, v18, v12;
	v18 =	vld [tilespmem:s8+$0x0];
	(erf) = vpow2.f32 v14  }
0x32f: {  	v15 =	vmax.f32 v15, $1.000000010e-10;
	v63 =	vmul.f32 $1.442695020e+00, v16;
	v17 =	vpop (erf)  }
0x330: {  	v19 =	vsel vm3, v20, v19;
	(erf) = vrcp.f32 v15;
	v14 =	vpop (erf)  }
0x331: {  	vm4 =	vgt.f32 v19, v13;
	(erf) = vpow2.f32 v63;
	v17 =	vmul.f32 v14, v17  }
0x332: {  	v62 =	vor.u32 s9, v4;
	s2 =	simm.s32 $0x1AEB0;
	v13 =	vsel vm4, v19, v13  }
0x333: {  	s4 =	simm.s32 $0x7570;
	s6 =	simm.s32 $0x7570;
	v12 =	vsel vm4, v62, v12;
	v16 =	vmul.f32 v18, v10;
	v15 =	vld [tilespmem:s2+$0x0];
	v14 =	vsel vm3, v14, v17  }
.LBB2_48:
0x334: {  	p0 =	sne.s32 s4, $0x9C30;
	v18 =	vor.u32 s0, v4;
	s0 =	smov.u32 s3;
	s3 =	smov.u32 s5  }
0x335: {  	v17 =	vld [tilespmem:s6+$0x0];
	vm4 =	vgt.f32 v14, v13;
	s5 =	smov.u32 s8;
	s8 =	smov.u32 s4;
	s4 =	sadd.s32 $0x10, s4  }
.Ltmp23:
0x336: {  	v16 =	vsub.f32 v16, v11;
	v19 =	vpop (erf);
	v13 =	vsel vm4, v14, v13;
	v12 =	vsel vm4, v18, v12;
	(pc) =	sbr.rel @p0 .LBB2_48-.Ltmp23, $4  }
0x337: {  	v14 =	vpop (erf)  }
0x338: {  	s2 =	sadd.s32 $0x10, s2;
	v18 =	vmul.f32 $1.442695020e+00, v16;
	v16 =	vmax.f32 v15, $1.000000010e-10;
	v19 =	vmul.f32 v14, v19  }
0x339: {  	v15 =	vld [tilespmem:s2+$0x0];
	(erf) = vrcp.f32 v16  }
0x33a: {  	s6 =	sadd.s32 $0x10, s6;
	v16 =	vmul.f32 v17, v10;
	(erf) = vpow2.f32 v18;
	v14 =	vsel vm3, v14, v19  }
0x33b: {  	_ = 	snop  }
0x33c: {  	v16 =	vsub.f32 v16, v11;
	_ =	sdelay $0x1  }
0x33d: {  	v16 =	vmul.f32 $1.442695020e+00, v16;
	v15 =	vmax.f32 v15, $1.000000010e-10  }
0x33e: {  	(erf) = vrcp.f32 v15  }
0x33f: {  	(erf) = vpow2.f32 v16;
	_ =	sdelay $0x3  }
0x340: {  	v15 =	vpop (erf)  }
0x341: {  	v16 =	vpop (erf)  }
0x342: {  	s2 =	sld [smem:$0x7F2];
	v17 =	vpop (erf)  }
0x343: {  	v18 =	vpop (erf)  }
0x344: {  	v19 =	vpop (erf)  }
0x345: {  	[tilespmem:s19], [sflag:$0x7] =	stream.linear.gather [hbm4b:s2+s1], $0x2710, $0x38;
	v20 =	vpop (erf);
	[tilespmem:$0x1D700] =	vst v63  }
0x346: {  	_ =	swait.ge [sflag:s29], $0x2710  }
0x347: {  	[sflag:s29] =	ssyncset.done $0x0  }
0x348: {  	s2 =	simm.s32 $0x9C40;
	[sflag:s29] =	ssyncadd.s32 $0xFFFFD8F0  }
0x349: {  	v21 =	vld [tilespmem:s2+$0x0];
	_ =	sdelay $0x2  }
0x34a: {  	s4 =	simm.s32 $0x18700  }
0x34b: {  	v22 =	vld [tilespmem:s4+$0x0]  }
0x34c: {  	v21 =	vmul.f32 v21, v10  }
0x34d: {  	s4 =	simm.s32 $0x9C50  }
0x34e: {  	vm4 =	vgt.f32 v14, v13;
	v15 =	vmul.f32 v16, v15;
	v23 =	vld [tilespmem:s4+$0x0];
	v21 =	vsub.f32 v21, v11  }
0x34f: {  	v13 =	vsel vm4, v14, v13  }
0x350: {  	s6 =	simm.s32 $0x9C60;
	v14 =	vsel vm3, v16, v15;
	v22 =	vmax.f32 v22, $1.000000010e-10;
	v21 =	vmul.f32 $1.442695020e+00, v21  }
0x351: {  	s9 =	simm.s32 $0x18710;
	v15 =	vmul.f32 v18, v17;
	vm5 =	vgt.f32 v14, v13;
	v16 =	vld [tilespmem:s6+$0x0];
	(erf) = vrcp.f32 v22  }
0x352: {  	v13 =	vsel vm5, v14, v13;
	v17 =	vld [tilespmem:s9+$0x0];
	(erf) = vpow2.f32 v21  }
0x353: {  	v14 =	vsel vm3, v18, v15;
	v15 =	vor.u32 s0, v4;
	v18 =	vmul.f32 v23, v10  }
0x354: {  	s10 =	simm.s32 $0x18720;
	v12 =	vsel vm4, v15, v12;
	v15 =	vor.u32 s3, v4;
	vm4 =	vgt.f32 v14, v13  }
0x355: {  	v12 =	vsel vm5, v15, v12;
	v13 =	vsel vm4, v14, v13;
	v15 =	vld [tilespmem:s10+$0x0];
	v14 =	vsub.f32 v18, v11  }
0x356: {  	v16 =	vmul.f32 v16, v10  }
0x357: {  	v17 =	vmax.f32 v17, $1.000000010e-10;
	v14 =	vmul.f32 $1.442695020e+00, v14  }
0x358: {  	s3 =	simm.s32 $0x9C70;
	v16 =	vsub.f32 v16, v11;
	v18 =	vor.u32 s5, v4;
	(erf) = vrcp.f32 v17  }
0x359: {  	v19 =	vmul.f32 v20, v19;
	v12 =	vsel vm4, v18, v12;
	v18 =	vld [tilespmem:s3+$0x0];
	(erf) = vpow2.f32 v14  }
0x35a: {  	v15 =	vmax.f32 v15, $1.000000010e-10;
	v63 =	vmul.f32 $1.442695020e+00, v16;
	v17 =	vpop (erf)  }
0x35b: {  	v19 =	vsel vm3, v20, v19;
	(erf) = vrcp.f32 v15;
	v14 =	vpop (erf)  }
0x35c: {  	vm4 =	vgt.f32 v19, v13;
	(erf) = vpow2.f32 v63;
	v17 =	vmul.f32 v14, v17  }
0x35d: {  	v62 =	vor.u32 s8, v4;
	s0 =	simm.s32 $0x18730;
	v13 =	vsel vm4, v19, v13  }
0x35e: {  	s8 =	simm.s32 $0x9C80;
	s5 =	simm.s32 $0x9C80;
	v12 =	vsel vm4, v62, v12;
	v16 =	vmul.f32 v18, v10;
	v15 =	vld [tilespmem:s0+$0x0];
	v14 =	vsel vm3, v14, v17  }
.LBB2_50:
0x35f: {  	p0 =	sne.s32 s5, $0xC340;
	v18 =	vor.u32 s2, v4;
	s2 =	smov.u32 s4;
	s4 =	smov.u32 s6  }
0x360: {  	v17 =	vld [tilespmem:s8+$0x0];
	vm4 =	vgt.f32 v14, v13;
	s6 =	smov.u32 s3;
	s3 =	smov.u32 s5;
	s5 =	sadd.s32 $0x10, s5  }
.Ltmp24:
0x361: {  	v16 =	vsub.f32 v16, v11;
	v19 =	vpop (erf);
	v13 =	vsel vm4, v14, v13;
	v12 =	vsel vm4, v18, v12;
	(pc) =	sbr.rel @p0 .LBB2_50-.Ltmp24, $4  }
0x362: {  	v14 =	vpop (erf)  }
0x363: {  	s0 =	sadd.s32 $0x10, s0;
	v18 =	vmul.f32 $1.442695020e+00, v16;
	v16 =	vmax.f32 v15, $1.000000010e-10;
	v19 =	vmul.f32 v14, v19  }
0x364: {  	v15 =	vld [tilespmem:s0+$0x0];
	(erf) = vrcp.f32 v16  }
0x365: {  	s8 =	sadd.s32 $0x10, s8;
	v16 =	vmul.f32 v17, v10;
	(erf) = vpow2.f32 v18;
	v14 =	vsel vm3, v14, v19  }
0x366: {  	_ = 	snop  }
0x367: {  	v16 =	vsub.f32 v16, v11;
	_ =	sdelay $0x1  }
0x368: {  	v16 =	vmul.f32 $1.442695020e+00, v16;
	v15 =	vmax.f32 v15, $1.000000010e-10  }
0x369: {  	(erf) = vrcp.f32 v15  }
0x36a: {  	(erf) = vpow2.f32 v16;
	_ =	sdelay $0x3  }
0x36b: {  	v15 =	vpop (erf)  }
0x36c: {  	v16 =	vpop (erf)  }
0x36d: {  	v17 =	vpop (erf)  }
0x36e: {  	v18 =	vpop (erf)  }
0x36f: {  	s0 =	rddreg [dreg:$0x15];
	v19 =	vpop (erf)  }
0x370: {  	[tilespmem:s18], [sflag:$0x6] =	stream.linear.gather [hbm4b:s0+s1], $0x2710, $0x38;
	v20 =	vpop (erf);
	[tilespmem:$0x1D700] =	vst v63  }
0x371: {  	_ =	swait.ge [sflag:s30], $0x2710  }
0x372: {  	[sflag:s30] =	ssyncset.done $0x0  }
0x373: {  	s0 =	simm.s32 $0xC350;
	[sflag:s30] =	ssyncadd.s32 $0xFFFFD8F0  }
0x374: {  	v21 =	vld [tilespmem:s0+$0x0];
	_ =	sdelay $0x2  }
0x375: {  	s5 =	simm.s32 $0x1AE80  }
0x376: {  	v22 =	vld [tilespmem:s5+$0x0]  }
0x377: {  	v21 =	vmul.f32 v21, v10  }
0x378: {  	s5 =	simm.s32 $0xC360  }
0x379: {  	vm4 =	vgt.f32 v14, v13;
	v15 =	vmul.f32 v16, v15;
	v23 =	vld [tilespmem:s5+$0x0];
	v21 =	vsub.f32 v21, v11  }
0x37a: {  	v13 =	vsel vm4, v14, v13  }
0x37b: {  	s8 =	simm.s32 $0xC370;
	v14 =	vsel vm3, v16, v15;
	v22 =	vmax.f32 v22, $1.000000010e-10;
	v21 =	vmul.f32 $1.442695020e+00, v21  }
0x37c: {  	s9 =	simm.s32 $0x1AE90;
	v15 =	vmul.f32 v18, v17;
	vm5 =	vgt.f32 v14, v13;
	v16 =	vld [tilespmem:s8+$0x0];
	(erf) = vrcp.f32 v22  }
0x37d: {  	v13 =	vsel vm5, v14, v13;
	v17 =	vld [tilespmem:s9+$0x0];
	(erf) = vpow2.f32 v21  }
0x37e: {  	v14 =	vsel vm3, v18, v15;
	v15 =	vor.u32 s2, v4;
	v18 =	vmul.f32 v23, v10  }
0x37f: {  	s10 =	simm.s32 $0x1AEA0;
	v12 =	vsel vm4, v15, v12;
	v15 =	vor.u32 s4, v4;
	vm4 =	vgt.f32 v14, v13  }
0x380: {  	v12 =	vsel vm5, v15, v12;
	v13 =	vsel vm4, v14, v13;
	v15 =	vld [tilespmem:s10+$0x0];
	v14 =	vsub.f32 v18, v11  }
0x381: {  	v16 =	vmul.f32 v16, v10  }
0x382: {  	v17 =	vmax.f32 v17, $1.000000010e-10;
	v14 =	vmul.f32 $1.442695020e+00, v14  }
0x383: {  	s2 =	simm.s32 $0xC380;
	v16 =	vsub.f32 v16, v11;
	v18 =	vor.u32 s6, v4;
	(erf) = vrcp.f32 v17  }
0x384: {  	v19 =	vmul.f32 v20, v19;
	v12 =	vsel vm4, v18, v12;
	v18 =	vld [tilespmem:s2+$0x0];
	(erf) = vpow2.f32 v14  }
0x385: {  	v15 =	vmax.f32 v15, $1.000000010e-10;
	v63 =	vmul.f32 $1.442695020e+00, v16;
	v17 =	vpop (erf)  }
0x386: {  	v19 =	vsel vm3, v20, v19;
	(erf) = vrcp.f32 v15;
	v14 =	vpop (erf)  }
0x387: {  	vm4 =	vgt.f32 v19, v13;
	(erf) = vpow2.f32 v63;
	v17 =	vmul.f32 v14, v17  }
0x388: {  	v62 =	vor.u32 s3, v4;
	s3 =	simm.s32 $0x1AEB0;
	v13 =	vsel vm4, v19, v13  }
0x389: {  	s4 =	simm.s32 $0xC390;
	s6 =	simm.s32 $0xC390;
	v12 =	vsel vm4, v62, v12;
	v16 =	vmul.f32 v18, v10;
	v15 =	vld [tilespmem:s3+$0x0];
	v14 =	vsel vm3, v14, v17  }
.LBB2_52:
0x38a: {  	p0 =	sne.s32 s4, $0xEA50;
	v18 =	vor.u32 s0, v4;
	s0 =	smov.u32 s5;
	s5 =	smov.u32 s8  }
0x38b: {  	v17 =	vld [tilespmem:s6+$0x0];
	vm4 =	vgt.f32 v14, v13;
	s8 =	smov.u32 s2;
	s2 =	smov.u32 s4;
	s4 =	sadd.s32 $0x10, s4  }
.Ltmp25:
0x38c: {  	v16 =	vsub.f32 v16, v11;
	v19 =	vpop (erf);
	v13 =	vsel vm4, v14, v13;
	v12 =	vsel vm4, v18, v12;
	(pc) =	sbr.rel @p0 .LBB2_52-.Ltmp25, $4  }
0x38d: {  	v14 =	vpop (erf)  }
0x38e: {  	s3 =	sadd.s32 $0x10, s3;
	v18 =	vmul.f32 $1.442695020e+00, v16;
	v16 =	vmax.f32 v15, $1.000000010e-10;
	v19 =	vmul.f32 v14, v19  }
0x38f: {  	v15 =	vld [tilespmem:s3+$0x0];
	(erf) = vrcp.f32 v16  }
0x390: {  	s6 =	sadd.s32 $0x10, s6;
	v16 =	vmul.f32 v17, v10;
	(erf) = vpow2.f32 v18;
	v14 =	vsel vm3, v14, v19  }
0x391: {  	_ = 	snop  }
0x392: {  	v16 =	vsub.f32 v16, v11;
	_ =	sdelay $0x1  }
0x393: {  	v16 =	vmul.f32 $1.442695020e+00, v16;
	v15 =	vmax.f32 v15, $1.000000010e-10  }
0x394: {  	(erf) = vrcp.f32 v15  }
0x395: {  	(erf) = vpow2.f32 v16;
	_ =	sdelay $0x3  }
0x396: {  	v15 =	vpop (erf)  }
0x397: {  	v16 =	vpop (erf)  }
0x398: {  	s3 =	sld [smem:$0x7F3];
	v17 =	vpop (erf)  }
0x399: {  	v18 =	vpop (erf)  }
0x39a: {  	v19 =	vpop (erf)  }
0x39b: {  	[tilespmem:s19], [sflag:$0x7] =	stream.linear.gather [hbm4b:s3+s1], $0x2710, $0x38;
	v20 =	vpop (erf);
	[tilespmem:$0x1D700] =	vst v63  }
0x39c: {  	_ =	swait.ge [sflag:s29], $0x2710  }
0x39d: {  	[sflag:s29] =	ssyncset.done $0x0  }
0x39e: {  	s3 =	simm.s32 $0xEA60;
	[sflag:s29] =	ssyncadd.s32 $0xFFFFD8F0  }
0x39f: {  	v21 =	vld [tilespmem:s3+$0x0];
	_ =	sdelay $0x2  }
0x3a0: {  	s4 =	simm.s32 $0x18700  }
0x3a1: {  	v22 =	vld [tilespmem:s4+$0x0]  }
0x3a2: {  	v21 =	vmul.f32 v21, v10  }
0x3a3: {  	s4 =	simm.s32 $0xEA70  }
0x3a4: {  	vm4 =	vgt.f32 v14, v13;
	v15 =	vmul.f32 v16, v15;
	v23 =	vld [tilespmem:s4+$0x0];
	v21 =	vsub.f32 v21, v11  }
0x3a5: {  	v13 =	vsel vm4, v14, v13  }
0x3a6: {  	s6 =	simm.s32 $0xEA80;
	v14 =	vsel vm3, v16, v15;
	v22 =	vmax.f32 v22, $1.000000010e-10;
	v21 =	vmul.f32 $1.442695020e+00, v21  }
0x3a7: {  	s9 =	simm.s32 $0x18710;
	v15 =	vmul.f32 v18, v17;
	vm5 =	vgt.f32 v14, v13;
	v16 =	vld [tilespmem:s6+$0x0];
	(erf) = vrcp.f32 v22  }
0x3a8: {  	v13 =	vsel vm5, v14, v13;
	v17 =	vld [tilespmem:s9+$0x0];
	(erf) = vpow2.f32 v21  }
0x3a9: {  	v14 =	vsel vm3, v18, v15;
	v15 =	vor.u32 s0, v4;
	v18 =	vmul.f32 v23, v10  }
0x3aa: {  	s10 =	simm.s32 $0x18720;
	v12 =	vsel vm4, v15, v12;
	v15 =	vor.u32 s5, v4;
	vm4 =	vgt.f32 v14, v13  }
0x3ab: {  	v12 =	vsel vm5, v15, v12;
	v13 =	vsel vm4, v14, v13;
	v15 =	vld [tilespmem:s10+$0x0];
	v14 =	vsub.f32 v18, v11  }
0x3ac: {  	v16 =	vmul.f32 v16, v10  }
0x3ad: {  	v17 =	vmax.f32 v17, $1.000000010e-10;
	v14 =	vmul.f32 $1.442695020e+00, v14  }
0x3ae: {  	v16 =	vsub.f32 v16, v11;
	v18 =	vor.u32 s8, v4;
	s8 =	simm.s32 $0xEA90;
	(erf) = vrcp.f32 v17  }
0x3af: {  	v19 =	vmul.f32 v20, v19;
	v12 =	vsel vm4, v18, v12;
	v18 =	vld [tilespmem:s8+$0x0];
	(erf) = vpow2.f32 v14  }
0x3b0: {  	v15 =	vmax.f32 v15, $1.000000010e-10;
	v63 =	vmul.f32 $1.442695020e+00, v16;
	v17 =	vpop (erf)  }
0x3b1: {  	v19 =	vsel vm3, v20, v19;
	(erf) = vrcp.f32 v15;
	v14 =	vpop (erf)  }
0x3b2: {  	vm4 =	vgt.f32 v19, v13;
	(erf) = vpow2.f32 v63;
	v17 =	vmul.f32 v14, v17  }
0x3b3: {  	v62 =	vor.u32 s2, v4;
	s0 =	simm.s32 $0x18730;
	v13 =	vsel vm4, v19, v13  }
0x3b4: {  	s2 =	simm.s32 $0xEAA0;
	s5 =	simm.s32 $0xEAA0;
	v12 =	vsel vm4, v62, v12;
	v16 =	vmul.f32 v18, v10;
	v15 =	vld [tilespmem:s0+$0x0];
	v14 =	vsel vm3, v14, v17  }
.LBB2_54:
0x3b5: {  	p0 =	sne.s32 s2, $0x11160;
	v18 =	vor.u32 s3, v4;
	s3 =	smov.u32 s4;
	s4 =	smov.u32 s6  }
0x3b6: {  	v17 =	vld [tilespmem:s5+$0x0];
	vm4 =	vgt.f32 v14, v13;
	s6 =	smov.u32 s8;
	s8 =	smov.u32 s2;
	s2 =	sadd.s32 $0x10, s2  }
.Ltmp26:
0x3b7: {  	v16 =	vsub.f32 v16, v11;
	v19 =	vpop (erf);
	v13 =	vsel vm4, v14, v13;
	v12 =	vsel vm4, v18, v12;
	(pc) =	sbr.rel @p0 .LBB2_54-.Ltmp26, $4  }
0x3b8: {  	v14 =	vpop (erf)  }
0x3b9: {  	s0 =	sadd.s32 $0x10, s0;
	v18 =	vmul.f32 $1.442695020e+00, v16;
	v16 =	vmax.f32 v15, $1.000000010e-10;
	v19 =	vmul.f32 v14, v19  }
0x3ba: {  	v15 =	vld [tilespmem:s0+$0x0];
	(erf) = vrcp.f32 v16  }
0x3bb: {  	s5 =	sadd.s32 $0x10, s5;
	v16 =	vmul.f32 v17, v10;
	(erf) = vpow2.f32 v18;
	v14 =	vsel vm3, v14, v19  }
0x3bc: {  	_ = 	snop  }
0x3bd: {  	v16 =	vsub.f32 v16, v11;
	_ =	sdelay $0x1  }
0x3be: {  	v16 =	vmul.f32 $1.442695020e+00, v16;
	v15 =	vmax.f32 v15, $1.000000010e-10  }
0x3bf: {  	(erf) = vrcp.f32 v15  }
0x3c0: {  	(erf) = vpow2.f32 v16;
	_ =	sdelay $0x3  }
0x3c1: {  	v15 =	vpop (erf)  }
0x3c2: {  	v16 =	vpop (erf)  }
0x3c3: {  	v17 =	vpop (erf)  }
0x3c4: {  	v18 =	vpop (erf)  }
0x3c5: {  	s0 =	rddreg [dreg:$0x17];
	v19 =	vpop (erf)  }
0x3c6: {  	[tilespmem:s18], [sflag:$0x6] =	stream.linear.gather [hbm4b:s0+s1], $0x2710, $0x38;
	v20 =	vpop (erf);
	[tilespmem:$0x1D700] =	vst v63  }
0x3c7: {  	_ =	swait.ge [sflag:s30], $0x2710  }
0x3c8: {  	[sflag:s30] =	ssyncset.done $0x0  }
0x3c9: {  	s5 =	simm.s32 $0x11170;
	[sflag:s30] =	ssyncadd.s32 $0xFFFFD8F0  }
0x3ca: {  	v21 =	vld [tilespmem:s5+$0x0];
	_ =	sdelay $0x2  }
0x3cb: {  	s9 =	simm.s32 $0x1AE80  }
0x3cc: {  	v22 =	vld [tilespmem:s9+$0x0]  }
0x3cd: {  	v21 =	vmul.f32 v21, v10  }
0x3ce: {  	s0 =	simm.s32 $0x11180  }
0x3cf: {  	vm4 =	vgt.f32 v14, v13;
	v15 =	vmul.f32 v16, v15;
	v23 =	vld [tilespmem:s0+$0x0];
	v21 =	vsub.f32 v21, v11  }
0x3d0: {  	v13 =	vsel vm4, v14, v13  }
0x3d1: {  	s2 =	simm.s32 $0x11190;
	v14 =	vsel vm3, v16, v15;
	v22 =	vmax.f32 v22, $1.000000010e-10;
	v21 =	vmul.f32 $1.442695020e+00, v21  }
0x3d2: {  	v15 =	vmul.f32 v18, v17;
	vm5 =	vgt.f32 v14, v13;
	s9 =	simm.s32 $0x1AE90;
	v16 =	vld [tilespmem:s2+$0x0];
	(erf) = vrcp.f32 v22  }
0x3d3: {  	v13 =	vsel vm5, v14, v13;
	v17 =	vld [tilespmem:s9+$0x0];
	(erf) = vpow2.f32 v21  }
0x3d4: {  	v14 =	vsel vm3, v18, v15;
	v15 =	vor.u32 s3, v4;
	v18 =	vmul.f32 v23, v10  }
0x3d5: {  	s10 =	simm.s32 $0x1AEA0;
	v12 =	vsel vm4, v15, v12;
	v15 =	vor.u32 s4, v4;
	vm4 =	vgt.f32 v14, v13  }
0x3d6: {  	v12 =	vsel vm5, v15, v12;
	v13 =	vsel vm4, v14, v13;
	v15 =	vld [tilespmem:s10+$0x0];
	v14 =	vsub.f32 v18, v11  }
0x3d7: {  	v16 =	vmul.f32 v16, v10  }
0x3d8: {  	v17 =	vmax.f32 v17, $1.000000010e-10;
	v14 =	vmul.f32 $1.442695020e+00, v14  }
0x3d9: {  	s3 =	simm.s32 $0x111A0;
	v18 =	vor.u32 s6, v4;
	v16 =	vsub.f32 v16, v11;
	(erf) = vrcp.f32 v17  }
0x3da: {  	v19 =	vmul.f32 v20, v19;
	v12 =	vsel vm4, v18, v12;
	v18 =	vld [tilespmem:s3+$0x0];
	(erf) = vpow2.f32 v14  }
0x3db: {  	v15 =	vmax.f32 v15, $1.000000010e-10;
	v63 =	vmul.f32 $1.442695020e+00, v16;
	v17 =	vpop (erf)  }
0x3dc: {  	v19 =	vsel vm3, v20, v19;
	(erf) = vrcp.f32 v15;
	v14 =	vpop (erf)  }
0x3dd: {  	vm4 =	vgt.f32 v19, v13;
	(erf) = vpow2.f32 v63;
	v17 =	vmul.f32 v14, v17  }
0x3de: {  	v62 =	vor.u32 s8, v4;
	s4 =	simm.s32 $0x1AEB0;
	v13 =	vsel vm4, v19, v13  }
0x3df: {  	s8 =	simm.s32 $0x111B0;
	s6 =	simm.s32 $0x111B0;
	v12 =	vsel vm4, v62, v12;
	v16 =	vmul.f32 v18, v10;
	v15 =	vld [tilespmem:s4+$0x0];
	v14 =	vsel vm3, v14, v17  }
.LBB2_56:
0x3e0: {  	p0 =	sne.s32 s6, $0x13870;
	v18 =	vor.u32 s5, v4;
	s5 =	smov.u32 s0;
	s0 =	smov.u32 s2  }
0x3e1: {  	v17 =	vld [tilespmem:s8+$0x0];
	vm4 =	vgt.f32 v14, v13;
	s2 =	smov.u32 s3;
	s3 =	smov.u32 s6;
	s6 =	sadd.s32 $0x10, s6  }
.Ltmp27:
0x3e2: {  	v16 =	vsub.f32 v16, v11;
	v19 =	vpop (erf);
	v13 =	vsel vm4, v14, v13;
	v12 =	vsel vm4, v18, v12;
	(pc) =	sbr.rel @p0 .LBB2_56-.Ltmp27, $4  }
0x3e3: {  	v14 =	vpop (erf)  }
0x3e4: {  	s4 =	sadd.s32 $0x10, s4;
	v18 =	vmul.f32 $1.442695020e+00, v16;
	v16 =	vmax.f32 v15, $1.000000010e-10;
	v19 =	vmul.f32 v14, v19  }
0x3e5: {  	v15 =	vld [tilespmem:s4+$0x0];
	(erf) = vrcp.f32 v16  }
0x3e6: {  	s8 =	sadd.s32 $0x10, s8;
	v16 =	vmul.f32 v17, v10;
	(erf) = vpow2.f32 v18;
	v14 =	vsel vm3, v14, v19  }
0x3e7: {  	_ = 	snop  }
0x3e8: {  	v16 =	vsub.f32 v16, v11;
	_ =	sdelay $0x1  }
0x3e9: {  	v16 =	vmul.f32 $1.442695020e+00, v16;
	v15 =	vmax.f32 v15, $1.000000010e-10  }
0x3ea: {  	(erf) = vrcp.f32 v15  }
0x3eb: {  	(erf) = vpow2.f32 v16;
	_ =	sdelay $0x3  }
0x3ec: {  	v15 =	vpop (erf)  }
0x3ed: {  	v16 =	vpop (erf)  }
0x3ee: {  	s6 =	sld [smem:$0x7F4];
	v17 =	vpop (erf)  }
0x3ef: {  	v18 =	vpop (erf)  }
0x3f0: {  	s4 =	simm.s32 $0x0;
	v19 =	vpop (erf)  }
0x3f1: {  	[tilespmem:s19], [sflag:$0x7] =	stream.linear.gather [hbm4b:s6+s4], $0x2710, $0x38;
	v20 =	vpop (erf);
	[tilespmem:$0x1D700] =	vst v63  }
0x3f2: {  	s6 =	simm.s32 $0x13880;
	_ =	swait.ge [sflag:s29], $0x2710  }
0x3f3: {  	s4 =	sand.u32 $0x70, s4;
	s8 =	sand.u32 $0x17F80, s6;
	[sflag:s29] =	ssyncset.done $0x0  }
0x3f4: {  	s4 =	sor.u32 s4, s8;
	[sflag:s29] =	ssyncadd.s32 $0xFFFFD8F0  }
0x3f5: {  	v21 =	vld [tilespmem:s4+$0x0];
	_ =	sdelay $0x1  }
0x3f6: {  	s9 =	simm.s32 $0x18700  }
0x3f7: {  	s10 =	simm.s32 $0x10;
	s8 =	simm.s32 $0x13890;
	v22 =	vld [tilespmem:s9+$0x0]  }
0x3f8: {  	s9 =	sand.u32 $0x17F80, s8;
	s4 =	sand.u32 $0x70, s10  }
0x3f9: {  	vm4 =	vgt.f32 v14, v13;
	v15 =	vmul.f32 v16, v15;
	s4 =	sor.u32 s4, s9;
	v21 =	vmul.f32 v21, v10  }
0x3fa: {  	v13 =	vsel vm4, v14, v13;
	v14 =	vld [tilespmem:s4+$0x0]  }
0x3fb: {  	v15 =	vsel vm3, v16, v15;
	v21 =	vsub.f32 v21, v11  }
0x3fc: {  	v16 =	vor.u32 s5, v4;
	v17 =	vmul.f32 v18, v17;
	v22 =	vmax.f32 v22, $1.000000010e-10  }
0x3fd: {  	vm5 =	vgt.f32 v15, v13;
	(erf) = vrcp.f32 v22;
	v21 =	vmul.f32 $1.442695020e+00, v21  }
0x3fe: {  	s5 =	simm.s32 $0x138A0;
	v12 =	vsel vm4, v16, v12;
	v13 =	vsel vm5, v15, v13;
	s9 =	simm.s32 $0x18710;
	s4 =	simm.s32 $0x20  }
0x3ff: {  	v15 =	vsel vm3, v18, v17;
	s10 =	sand.u32 $0x17F80, s5;
	s4 =	sand.u32 $0x70, s4;
	v22 =	vld [tilespmem:s9+$0x0];
	v14 =	vmul.f32 v14, v10;
	(erf) = vpow2.f32 v21  }
0x400: {  	v17 =	vor.u32 s2, v4;
	vm4 =	vgt.f32 v15, v13;
	v16 =	vmul.f32 v20, v19;
	s10 =	sor.u32 s4, s10  }
0x401: {  	v13 =	vsel vm4, v15, v13;
	v23 =	vld [tilespmem:s10+$0x0];
	v18 =	vsub.f32 v14, v11;
	v21 =	vor.u32 s0, v4  }
0x402: {  	v15 =	vsel vm3, v20, v16;
	v14 =	vor.u32 s8, v4;
	v12 =	vsel vm5, v21, v12  }
0x403: {  	v18 =	vmul.f32 $1.442695020e+00, v18;
	v12 =	vsel vm4, v17, v12;
	vm4 =	vgt.f32 v15, v13  }
0x404: {  	s4 =	simm.s32 $0x30;
	s8 =	simm.s32 $0x138B0;
	v16 =	vsel vm4, v15, v13;
	v15 =	vor.u32 s6, v4;
	s6 =	simm.s32 $0x18720;
	v13 =	vmax.f32 v22, $1.000000010e-10  }
0x405: {  	s9 =	sand.u32 $0x17F80, s8;
	s0 =	sand.u32 $0x70, s4;
	v20 =	vld [tilespmem:s6+$0x0];
	(erf) = vrcp.f32 v13  }
0x406: {  	s10 =	sor.u32 s0, s9;
	v17 =	vor.u32 s3, v4;
	v22 =	vmul.f32 v23, v10;
	v19 =	vpop (erf);
	(erf) = vpow2.f32 v18  }
0x407: {  	v21 =	vld [tilespmem:s10+$0x0];
	v17 =	vsel vm4, v17, v12  }
0x408: {  	s2 =	simm.s32 $0x18730;
	s0 =	simm.s32 $0x40;
	v12 =	vor.u32 s5, v4;
	v13 =	vor.u32 s8, v4;
	v22 =	vsub.f32 v22, v11;
	v18 =	vpop (erf)  }
.LBB2_58:
0x409: {  	s3 =	sadd.s32 $0x13880, s0  }
0x40a: {  	p0 =	sne.s32 s0, $0x2700;
	v22 =	vmul.f32 $1.442695020e+00, v22;
	v23 =	vmax.f32 v20, $1.000000010e-10;
	v19 =	vmul.f32 v18, v19;
	v24 =	vmovc v13;
	s4 =	smov.u32 s0;
	s0 =	sadd.s32 $0x10, s0  }
.Ltmp28:
0x40b: {  	s5 =	sand.u32 $0x17F80, s3;
	s4 =	sand.u32 $0x70, s4;
	v13 =	vor.u32 s3, v4;
	v20 =	vld [tilespmem:s2+$0x0];
	(erf) = vrcp.f32 v23;
	(pc) =	sbr.rel @p0 .LBB2_58-.Ltmp28, $4  }
0x40c: {  	s3 =	sor.u32 s4, s5;
	v23 =	vmul.f32 v21, v10;
	(erf) = vpow2.f32 v22;
	v18 =	vsel vm3, v18, v19  }
0x40d: {  	v21 =	vld [tilespmem:s3+$0x0];
	vm4 =	vgt.f32 v18, v16  }
0x40e: {  	v22 =	vsub.f32 v23, v11;
	v19 =	vpop (erf);
	v16 =	vsel vm4, v18, v16;
	v17 =	vsel vm4, v15, v17  }
0x40f: {  	s2 =	sadd.s32 $0x10, s2;
	v15 =	vmov v14;
	v14 =	vmov v12;
	v12 =	vmov v24;
	v18 =	vpop (erf)  }
0x410: {  	_ = 	snop  }
0x411: {  	v23 =	vld [tilespmem:s2+$0x0]  }
0x412: {  	v21 =	vmul.f32 v21, v10;
	_ =	sdelay $0x1  }
0x413: {  	v22 =	vmul.f32 $1.442695020e+00, v22;
	v20 =	vmax.f32 v20, $1.000000010e-10;
	v21 =	vsub.f32 v21, v11  }
0x414: {  	(erf) = vrcp.f32 v20  }
0x415: {  	(erf) = vpow2.f32 v22;
	v53 =	vmax.f32 v23, $1.000000010e-10;
	v52 =	vmul.f32 $1.442695020e+00, v21  }
0x416: {  	(erf) = vrcp.f32 v53  }
0x417: {  	(erf) = vpow2.f32 v52;
	_ =	sdelay $0x3  }
0x418: {  	v54 =	vpop (erf)  }
0x419: {  	v55 =	vpop (erf)  }
0x41a: {  	v56 =	vpop (erf)  }
0x41b: {  	v57 =	vpop (erf)  }
0x41c: {  	v24 =	vpop (erf)  }
0x41d: {  	v25 =	vpop (erf)  }
0x41e: {  	_ =	swait.ge [sflag:s30], $0x2710  }
0x41f: {  	[sflag:s30] =	ssyncset.done $0x0  }
0x420: {  	s0 =	simm.s32 $0x15F90;
	[sflag:s30] =	ssyncadd.s32 $0xFFFFD8F0  }
0x421: {  	v26 =	vld [tilespmem:s0+$0x0];
	_ =	sdelay $0x2  }
0x422: {  	s9 =	simm.s32 $0x1AE80  }
0x423: {  	v27 =	vld [tilespmem:s9+$0x0]  }
0x424: {  	v26 =	vmul.f32 v26, v10  }
0x425: {  	s2 =	simm.s32 $0x15FA0;
	v19 =	vmul.f32 v18, v19  }
0x426: {  	v28 =	vld [tilespmem:s2+$0x0];
	v26 =	vsub.f32 v26, v11  }
0x427: {  	v18 =	vsel vm3, v18, v19  }
0x428: {  	s3 =	simm.s32 $0x15FB0;
	v19 =	vmul.f32 v55, v54;
	v27 =	vmax.f32 v27, $1.000000010e-10;
	v26 =	vmul.f32 $1.442695020e+00, v26  }
0x429: {  	s4 =	simm.s32 $0x1AE90;
	vm4 =	vgt.f32 v18, v16;
	v58 =	vld [tilespmem:s3+$0x0];
	(erf) = vrcp.f32 v27  }
0x42a: {  	v16 =	vsel vm4, v18, v16;
	v18 =	vsel vm3, v55, v19;
	v19 =	vld [tilespmem:s4+$0x0];
	(erf) = vpow2.f32 v26  }
0x42b: {  	vm5 =	vgt.f32 v18, v16;
	v59 =	vmul.f32 v57, v56;
	v60 =	vmul.f32 v28, v10  }
0x42c: {  	s10 =	simm.s32 $0x1AEA0;
	v15 =	vsel vm4, v15, v17;
	v16 =	vsel vm5, v18, v16  }
0x42d: {  	v14 =	vsel vm5, v14, v15;
	v15 =	vsel vm3, v57, v59;
	v18 =	vld [tilespmem:s10+$0x0];
	v17 =	vsub.f32 v60, v11  }
0x42e: {  	vm4 =	vgt.f32 v15, v16;
	v20 =	vmul.f32 v58, v10  }
0x42f: {  	v15 =	vsel vm4, v15, v16;
	v16 =	vmul.f32 $1.442695020e+00, v17;
	v17 =	vmax.f32 v19, $1.000000010e-10  }
0x430: {  	s4 =	simm.s32 $0x15FC0;
	(erf) = vrcp.f32 v17;
	v17 =	vsub.f32 v20, v11  }
0x431: {  	v61 =	vmul.f32 v25, v24;
	v19 =	vld [tilespmem:s4+$0x0];
	(erf) = vpow2.f32 v16  }
0x432: {  	v16 =	vmax.f32 v18, $1.000000010e-10;
	v17 =	vmul.f32 $1.442695020e+00, v17;
	v62 =	vpop (erf)  }
0x433: {  	v12 =	vsel vm4, v12, v14;
	v21 =	vsel vm3, v25, v61;
	(erf) = vrcp.f32 v16;
	v63 =	vpop (erf)  }
0x434: {  	vm4 =	vgt.f32 v21, v15;
	(erf) = vpow2.f32 v17;
	v18 =	vmul.f32 v63, v62  }
0x435: {  	s5 =	simm.s32 $0x1AEB0;
	v14 =	vsel vm4, v21, v15  }
0x436: {  	s6 =	simm.s32 $0x15FD0;
	s8 =	simm.s32 $0x15FD0;
	v12 =	vsel vm4, v13, v12;
	v13 =	vld [tilespmem:s5+$0x0];
	v16 =	vmul.f32 v19, v10;
	v15 =	vsel vm3, v63, v18  }
.LBB2_60:
0x437: {  	p0 =	sne.s32 s6, $0x18690;
	v18 =	vor.u32 s0, v4;
	s0 =	smov.u32 s2;
	s2 =	smov.u32 s3  }
0x438: {  	v17 =	vld [tilespmem:s8+$0x0];
	vm4 =	vgt.f32 v15, v14;
	s3 =	smov.u32 s4;
	s4 =	smov.u32 s6;
	s6 =	sadd.s32 $0x10, s6  }
.Ltmp29:
0x439: {  	v16 =	vsub.f32 v16, v11;
	v19 =	vpop (erf);
	v14 =	vsel vm4, v15, v14;
	v12 =	vsel vm4, v18, v12;
	(pc) =	sbr.rel @p0 .LBB2_60-.Ltmp29, $4  }
0x43a: {  	v15 =	vpop (erf)  }
0x43b: {  	s5 =	sadd.s32 $0x10, s5;
	v18 =	vmul.f32 $1.442695020e+00, v16;
	v16 =	vmax.f32 v13, $1.000000010e-10;
	v19 =	vmul.f32 v15, v19  }
0x43c: {  	v13 =	vld [tilespmem:s5+$0x0];
	(erf) = vrcp.f32 v16  }
0x43d: {  	s8 =	sadd.s32 $0x10, s8;
	v16 =	vmul.f32 v17, v10;
	(erf) = vpow2.f32 v18;
	v15 =	vsel vm3, v15, v19  }
0x43e: {  	_ = 	snop  }
0x43f: {  	v10 =	vsub.f32 v16, v11;
	_ =	sdelay $0x1  }
0x440: {  	v10 =	vmul.f32 $1.442695020e+00, v10;
	v11 =	vmax.f32 v13, $1.000000010e-10  }
0x441: {  	(erf) = vrcp.f32 v11  }
0x442: {  	(erf) = vpow2.f32 v10;
	_ =	sdelay $0x3  }
0x443: {  	v10 =	vpop (erf)  }
0x444: {  	v11 =	vpop (erf)  }
0x445: {  	v10 =	vmul.f32 v11, v10;
	v13 =	vpop (erf)  }
0x446: {  	vm4 =	vgt.f32 v15, v14;
	v63 =	vpop (erf)  }
0x447: {  	v14 =	vsel vm4, v15, v14;
	v10 =	vsel vm3, v11, v10;
	v11 =	vmul.f32 v63, v13;
	v13 =	vpop (erf)  }
0x448: {  	vm5 =	vgt.f32 v10, v14;
	v15 =	vpop (erf)  }
0x449: {  	v10 =	vsel vm5, v10, v14;
	v11 =	vsel vm3, v63, v11;
	v13 =	vmul.f32 v15, v13  }
0x44a: {  	vm6 =	vgt.f32 v11, v10  }
0x44b: {  	v10 =	vsel vm6, v11, v10;
	v11 =	vsel vm3, v15, v13  }
0x44c: {  	vm3 =	vgt.f32 v11, v10  }
0x44d: {  	v10 =	vsel vm3, v11, v10  }
0x44e: {  	v11 =	vperm.xlane v10, v0;
	_ =	sdelay $0x1  }
0x44f: {  	v11 =	vmax.f32 v10, v11  }
0x450: {  	v13 =	vperm.xlane v11, v6;
	_ =	sdelay $0x1  }
0x451: {  	s5 =	simm.s32 $0x0;
	s6 =	rddreg [dreg:$0x18];
	v11 =	vmax.f32 v11, v13  }
0x452: {  	[tilespmem:s5], [sflag:$0x1] =	stream.linear.gather [hbm4b:s6+s5], $0x4E20, $0x38;
	v13 =	vperm.xlane v11, v7;
	[tilespmem:$0x1D700] =	vst v63  }
0x453: {  	s10 =	rddreg [dreg:$0x19];
	v14 =	vor.u32 s0, v4  }
0x454: {  	[tilespmem:s13], [sflag:$0x2] =	stream.linear.gather [hbm4b:s10+s5], $0x4E20, $0x38;
	v12 =	vsel vm4, v14, v12;
	v11 =	vmax.f32 v11, v13;
	v13 =	vor.u32 s2, v4;
	[tilespmem:$0x1D700] =	vst v63  }
0x455: {  	v14 =	vperm.xlane v11, v5;
	v12 =	vsel vm5, v13, v12;
	v13 =	vor.u32 s3, v4;
	s3 =	rddreg [dreg:$0x1b]  }
0x456: {  	[tilespmem:s14], [sflag:$0x3] =	stream.linear.gather [hbm4b:s3+s5], $0x4E20, $0x38;
	[tilespmem:$0x1D700] =	vst v63  }
0x457: {  	v12 =	vsel vm6, v13, v12;
	v13 =	vor.u32 s4, v4;
	s4 =	rddreg [dreg:$0x1d];
	v11 =	vmax.f32 v11, v14  }
0x458: {  	v12 =	vsel vm3, v13, v12;
	vm3 =	veq.f32 v10, v11;
	[tilespmem:s15], [sflag:$0x4] =	stream.linear.gather [hbm4b:s4+s5], $0x4E20, $0x38;
	[tilespmem:$0x1D700] =	vst v63  }
0x459: {  	s6 =	rddreg [dreg:$0x1f];
	v10 =	vnsel vm3, $0x7FFFFFFF, v12  }
0x45a: {  	v10 =	vsub.s32 $0x0, v10;
	[tilespmem:s16], [sflag:$0x5] =	stream.linear.gather [hbm4b:s6+s5], $0x4E20, $0x38;
	[tilespmem:$0x1D700] =	vst v63  }
0x45b: {  	s8 =	sld [smem:$0x7F5];
	v11 =	vperm.xlane v10, v0  }
0x45c: {  	[tilespmem:s18], [sflag:$0x6] =	stream.linear.gather [hbm4b:s28+s5], $0x2710, $0x38;
	[tilespmem:$0x1D700] =	vst v63  }
0x45d: {  	vm3 =	vgt.s32 v10, v11  }
0x45e: {  	v10 =	vsel vm3, v10, v11;
	[tilespmem:s19], [sflag:$0x7] =	stream.linear.gather [hbm4b:s8+s5], $0x2710, $0x38;
	[tilespmem:$0x1D700] =	vst v63  }
0x45f: {  	s9 =	rddreg [dreg:$0xe];
	v11 =	vperm.xlane v10, v6  }
0x460: {  	[tilespmem:s20], [sflag:$0x8] =	stream.linear.gather [hbm4b:s9+s5], $0x10, $0x38;
	[tilespmem:$0x1D700] =	vst v63  }
0x461: {  	vm3 =	vgt.s32 v10, v11;
	_ =	swait.ge [sflag:s21], $0x10  }
0x462: {  	v10 =	vsel vm3, v10, v11;
	[sflag:s21] =	ssyncset.done $0x0  }
0x463: {  	v11 =	vperm.xlane v10, v7;
	[sflag:s21] =	ssyncadd.s32 $0xFFFFFFF0  }
0x464: {  	_ =	swait.ge [sflag:s22], $0x4E20  }
0x465: {  	vm3 =	vgt.s32 v10, v11;
	[sflag:s22] =	ssyncset.done $0x0  }
0x466: {  	s10 =	simm.s32 $0x0;
	v10 =	vsel vm3, v10, v11;
	[sflag:s22] =	ssyncadd.s32 $0xFFFFB1E0  }
0x467: {  	s0 =	simm.s32 $0x40;
	v12 =	vimm.f32 $-Inf;
	v11 =	vperm.xlane v10, v5;
	v13 =	vld [tilespmem:s10+$0x0]  }
.LBB2_62:
0x468: {  	p0 =	sne.s32 s0, $0x13840  }
.Ltmp30:
0x469: {  	_ = 	snop;
	(pc) =	sbr.rel @p0 .LBB2_62-.Ltmp30, $3  }
0x46a: {  	_ =	sdelay $0x1  }
0x46b: {  	s2 =	sshra.s32 s0, $0x2;
	s0 =	sadd.s32 $0x40, s0;
	v12 =	vmax.f32 v12, v13  }
0x46c: {  	v13 =	vld [tilespmem:s2+$0x0]  }
0x46d: {  	_ = 	snop  }
0x46e: {  	_ =	swait.ge [sflag:s23], $0x4E20  }
0x46f: {  	[sflag:s23] =	ssyncset.done $0x0  }
0x470: {  	s2 =	simm.s32 $0x0;
	[sflag:s23] =	ssyncadd.s32 $0xFFFFB1E0  }
0x471: {  	s0 =	simm.s32 $0x40;
	v12 =	vmax.f32 v12, v13;
	v13 =	vld [tilespmem:s2+$0x4E20]  }
.LBB2_64:
0x472: {  	p0 =	sne.s32 s0, $0x13840  }
.Ltmp31:
0x473: {  	_ = 	snop;
	(pc) =	sbr.rel @p0 .LBB2_64-.Ltmp31, $3  }
0x474: {  	_ =	sdelay $0x1  }
0x475: {  	s2 =	sshra.s32 s0, $0x2;
	s0 =	sadd.s32 $0x40, s0;
	v12 =	vmax.f32 v12, v13  }
0x476: {  	v13 =	vld [tilespmem:s2+$0x4E20]  }
0x477: {  	_ = 	snop  }
0x478: {  	_ =	swait.ge [sflag:s24], $0x4E20  }
0x479: {  	[sflag:s24] =	ssyncset.done $0x0  }
0x47a: {  	s2 =	simm.s32 $0x0;
	[sflag:s24] =	ssyncadd.s32 $0xFFFFB1E0  }
0x47b: {  	s0 =	simm.s32 $0x40;
	v12 =	vmax.f32 v12, v13;
	v13 =	vld [tilespmem:s2+$0x9C40]  }
.LBB2_66:
0x47c: {  	p0 =	sne.s32 s0, $0x13840  }
.Ltmp32:
0x47d: {  	_ = 	snop;
	(pc) =	sbr.rel @p0 .LBB2_66-.Ltmp32, $3  }
0x47e: {  	_ =	sdelay $0x1  }
0x47f: {  	s2 =	sshra.s32 s0, $0x2;
	s0 =	sadd.s32 $0x40, s0;
	v12 =	vmax.f32 v12, v13  }
0x480: {  	v13 =	vld [tilespmem:s2+$0x9C40]  }
0x481: {  	_ = 	snop  }
0x482: {  	_ =	swait.ge [sflag:s25], $0x4E20  }
0x483: {  	[sflag:s25] =	ssyncset.done $0x0  }
0x484: {  	s2 =	simm.s32 $0x0;
	[sflag:s25] =	ssyncadd.s32 $0xFFFFB1E0  }
0x485: {  	s0 =	simm.s32 $0x40;
	v12 =	vmax.f32 v12, v13;
	v13 =	vld [tilespmem:s2+$0xEA60]  }
.LBB2_68:
0x486: {  	p0 =	sne.s32 s0, $0x13840  }
.Ltmp33:
0x487: {  	_ = 	snop;
	(pc) =	sbr.rel @p0 .LBB2_68-.Ltmp33, $3  }
0x488: {  	_ =	sdelay $0x1  }
0x489: {  	s2 =	sshra.s32 s0, $0x2;
	s0 =	sadd.s32 $0x40, s0;
	v12 =	vmax.f32 v12, v13  }
0x48a: {  	v13 =	vld [tilespmem:s2+$0xEA60]  }
0x48b: {  	_ = 	snop  }
0x48c: {  	_ =	swait.ge [sflag:s26], $0x4E20  }
0x48d: {  	s0 =	simm.s32 $0x0;
	[sflag:s26] =	ssyncset.done $0x0  }
0x48e: {  	s2 =	sand.u32 $0x7FF0, s0;
	[sflag:s26] =	ssyncadd.s32 $0xFFFFB1E0  }
0x48f: {  	s0 =	simm.s32 $0x10;
	v12 =	vmax.f32 v12, v13;
	v13 =	vld [tilespmem:s2+$0x13880]  }
.LBB2_70:
0x490: {  	p0 =	sne.s32 s0, $0x4E10  }
.Ltmp34:
0x491: {  	_ = 	snop;
	(pc) =	sbr.rel @p0 .LBB2_70-.Ltmp34, $3  }
0x492: {  	_ =	sdelay $0x1  }
0x493: {  	s2 =	sand.u32 $0x7FF0, s0;
	s0 =	sadd.s32 $0x10, s0;
	v12 =	vmax.f32 v12, v13  }
0x494: {  	v13 =	vld [tilespmem:s2+$0x13880]  }
0x495: {  	v14 =	vld [tilespmem:$0x1D600];
	_ =	sdelay $0x4  }
0x496: {  	vm3 =	veq.f32 v14, $0.0e+00  }
0x497: {  	v14 =	vsel vm3, $0x3F800000, v14  }
0x498: {  	(erf) = vrcp.f32 v14;
	_ =	sdelay $0x4  }
0x499: {  	v12 =	vmax.f32 v12, v13  }
0x49a: {  	v13 =	vperm.xlane v12, v0;
	_ =	sdelay $0x1  }
0x49b: {  	v13 =	vmax.f32 v12, v13  }
0x49c: {  	v14 =	vperm.xlane v13, v1;
	v12 =	vpop (erf)  }
0x49d: {  	_ =	swait.ge [sflag:s29], $0x2710  }
0x49e: {  	v13 =	vmax.f32 v13, v14;
	[sflag:s29] =	ssyncset.done $0x0  }
0x49f: {  	s2 =	simm.s32 $0x0;
	v14 =	vperm.xlane v13, v2;
	[sflag:s29] =	ssyncadd.s32 $0xFFFFD8F0  }
0x4a0: {  	v15 =	vld [tilespmem:s2+$0x0]  }
0x4a1: {  	v13 =	vmax.f32 v13, v14  }
0x4a2: {  	v14 =	vperm.xlane v13, v3  }
0x4a3: {  	s0 =	simm.s32 $0x18700  }
0x4a4: {  	v13 =	vmax.f32 v13, v14;
	v14 =	vld [tilespmem:s0+$0x0]  }
0x4a5: {  	v13 =	vmul.f32 v12, v13;
	v15 =	vmul.f32 v15, v12;
	_ =	sdelay $0x1  }
0x4a6: {  	s8 =	simm.s32 $0x10;
	v15 =	vsub.f32 v15, v13  }
0x4a7: {  	v16 =	vld [tilespmem:s8+$0x0]  }
0x4a8: {  	s6 =	simm.s32 $0x20;
	v14 =	vmax.f32 v14, $1.000000010e-10;
	v15 =	vmul.f32 $1.442695020e+00, v15  }
0x4a9: {  	s9 =	simm.s32 $0x18710;
	(erf) = vrcp.f32 v14;
	v14 =	vld [tilespmem:s6+$0x0]  }
0x4aa: {  	(erf) = vpow2.f32 v15;
	v15 =	vld [tilespmem:s9+$0x0];
	_ =	sdelay $0x1  }
0x4ab: {  	v16 =	vmul.f32 v16, v12  }
0x4ac: {  	s10 =	simm.s32 $0x18720  }
0x4ad: {  	v17 =	vld [tilespmem:s10+$0x0];
	v16 =	vsub.f32 v16, v13  }
0x4ae: {  	v14 =	vmul.f32 v14, v12;
	v15 =	vmax.f32 v15, $1.000000010e-10  }
0x4af: {  	s4 =	simm.s32 $0x30;
	v16 =	vmul.f32 $1.442695020e+00, v16  }
0x4b0: {  	v18 =	vld [tilespmem:s4+$0x0];
	v14 =	vsub.f32 v14, v13;
	(erf) = vrcp.f32 v15  }
0x4b1: {  	v15 =	vpop (erf);
	(erf) = vpow2.f32 v16  }
0x4b2: {  	v17 =	vmax.f32 v17, $1.000000010e-10;
	v19 =	vmul.f32 $1.442695020e+00, v14  }
0x4b3: {  	v16 =	vpop (erf);
	(erf) = vrcp.f32 v17  }
0x4b4: {  	v20 =	vmul.f32 v16, v15;
	(erf) = vpow2.f32 v19  }
0x4b5: {  	s0 =	simm.s32 $0x18730;
	v18 =	vmul.f32 v18, v12  }
0x4b6: {  	s3 =	simm.s32 $0x40;
	s5 =	simm.s32 $0x40;
	v14 =	vimm.s32 $0x0;
	v17 =	vld [tilespmem:s0+$0x0];
	v15 =	vimm.f32 $-1.000000000e+00;
	v16 =	vsel vm3, v16, v20  }
.LBB2_72:
0x4b7: {  	p0 =	sne.s32 s3, $0x2700;
	v20 =	vor.u32 s2, v4;
	s2 =	smov.u32 s8;
	s8 =	smov.u32 s6  }
0x4b8: {  	v19 =	vld [tilespmem:s5+$0x0];
	vm4 =	vgt.f32 v16, v15;
	s6 =	smov.u32 s4;
	s4 =	smov.u32 s3;
	s3 =	sadd.s32 $0x10, s3  }
.Ltmp35:
0x4b9: {  	v18 =	vsub.f32 v18, v13;
	v21 =	vpop (erf);
	v15 =	vsel vm4, v16, v15;
	v14 =	vsel vm4, v20, v14;
	(pc) =	sbr.rel @p0 .LBB2_72-.Ltmp35, $4  }
0x4ba: {  	v16 =	vpop (erf)  }
0x4bb: {  	s0 =	sadd.s32 $0x10, s0;
	v20 =	vmul.f32 $1.442695020e+00, v18;
	v18 =	vmax.f32 v17, $1.000000010e-10;
	v21 =	vmul.f32 v16, v21  }
0x4bc: {  	v17 =	vld [tilespmem:s0+$0x0];
	(erf) = vrcp.f32 v18  }
0x4bd: {  	s5 =	sadd.s32 $0x10, s5;
	v18 =	vmul.f32 v19, v12;
	(erf) = vpow2.f32 v20;
	v16 =	vsel vm3, v16, v21  }
0x4be: {  	_ = 	snop  }
0x4bf: {  	v18 =	vsub.f32 v18, v13;
	_ =	sdelay $0x1  }
0x4c0: {  	v18 =	vmul.f32 $1.442695020e+00, v18;
	v17 =	vmax.f32 v17, $1.000000010e-10  }
0x4c1: {  	(erf) = vrcp.f32 v17  }
0x4c2: {  	(erf) = vpow2.f32 v18;
	_ =	sdelay $0x3  }
0x4c3: {  	v17 =	vpop (erf)  }
0x4c4: {  	v18 =	vpop (erf)  }
0x4c5: {  	v19 =	vpop (erf)  }
0x4c6: {  	v20 =	vpop (erf)  }
0x4c7: {  	s0 =	rddreg [dreg:$0x1a];
	v21 =	vpop (erf)  }
0x4c8: {  	[tilespmem:s18], [sflag:$0x6] =	stream.linear.gather [hbm4b:s0+s1], $0x2710, $0x38;
	v22 =	vpop (erf);
	[tilespmem:$0x1D700] =	vst v63  }
0x4c9: {  	_ =	swait.ge [sflag:s30], $0x2710  }
0x4ca: {  	[sflag:s30] =	ssyncset.done $0x0  }
0x4cb: {  	s0 =	simm.s32 $0x2710;
	[sflag:s30] =	ssyncadd.s32 $0xFFFFD8F0  }
0x4cc: {  	v23 =	vld [tilespmem:s0+$0x0];
	_ =	sdelay $0x2  }
0x4cd: {  	s3 =	simm.s32 $0x1AE80  }
0x4ce: {  	v24 =	vld [tilespmem:s3+$0x0]  }
0x4cf: {  	v23 =	vmul.f32 v23, v12  }
0x4d0: {  	s3 =	simm.s32 $0x2720  }
0x4d1: {  	vm4 =	vgt.f32 v16, v15;
	v17 =	vmul.f32 v18, v17;
	v25 =	vld [tilespmem:s3+$0x0];
	v23 =	vsub.f32 v23, v13  }
0x4d2: {  	v15 =	vsel vm4, v16, v15  }
0x4d3: {  	s5 =	simm.s32 $0x2730;
	v16 =	vsel vm3, v18, v17;
	v24 =	vmax.f32 v24, $1.000000010e-10;
	v23 =	vmul.f32 $1.442695020e+00, v23  }
0x4d4: {  	s9 =	simm.s32 $0x1AE90;
	v17 =	vmul.f32 v20, v19;
	vm5 =	vgt.f32 v16, v15;
	v18 =	vld [tilespmem:s5+$0x0];
	(erf) = vrcp.f32 v24  }
0x4d5: {  	v15 =	vsel vm5, v16, v15;
	v19 =	vld [tilespmem:s9+$0x0];
	(erf) = vpow2.f32 v23  }
0x4d6: {  	v16 =	vsel vm3, v20, v17;
	v17 =	vor.u32 s2, v4;
	v20 =	vmul.f32 v25, v12  }
0x4d7: {  	s10 =	simm.s32 $0x1AEA0;
	v14 =	vsel vm4, v17, v14;
	v17 =	vor.u32 s8, v4;
	vm4 =	vgt.f32 v16, v15  }
0x4d8: {  	v14 =	vsel vm5, v17, v14;
	v15 =	vsel vm4, v16, v15;
	v17 =	vld [tilespmem:s10+$0x0];
	v16 =	vsub.f32 v20, v13  }
0x4d9: {  	v18 =	vmul.f32 v18, v12  }
0x4da: {  	v19 =	vmax.f32 v19, $1.000000010e-10;
	v16 =	vmul.f32 $1.442695020e+00, v16  }
0x4db: {  	s8 =	simm.s32 $0x2740;
	v18 =	vsub.f32 v18, v13;
	v20 =	vor.u32 s6, v4;
	(erf) = vrcp.f32 v19  }
0x4dc: {  	v21 =	vmul.f32 v22, v21;
	v14 =	vsel vm4, v20, v14;
	v20 =	vld [tilespmem:s8+$0x0];
	(erf) = vpow2.f32 v16  }
0x4dd: {  	v17 =	vmax.f32 v17, $1.000000010e-10;
	v63 =	vmul.f32 $1.442695020e+00, v18;
	v19 =	vpop (erf)  }
0x4de: {  	v21 =	vsel vm3, v22, v21;
	(erf) = vrcp.f32 v17;
	v16 =	vpop (erf)  }
0x4df: {  	vm4 =	vgt.f32 v21, v15;
	(erf) = vpow2.f32 v63;
	v19 =	vmul.f32 v16, v19  }
0x4e0: {  	v62 =	vor.u32 s4, v4;
	s2 =	simm.s32 $0x1AEB0;
	v15 =	vsel vm4, v21, v15  }
0x4e1: {  	s4 =	simm.s32 $0x2750;
	s6 =	simm.s32 $0x2750;
	v14 =	vsel vm4, v62, v14;
	v18 =	vmul.f32 v20, v12;
	v17 =	vld [tilespmem:s2+$0x0];
	v16 =	vsel vm3, v16, v19  }
.LBB2_74:
0x4e2: {  	p0 =	sne.s32 s4, $0x4E10;
	v20 =	vor.u32 s0, v4;
	s0 =	smov.u32 s3;
	s3 =	smov.u32 s5  }
0x4e3: {  	v19 =	vld [tilespmem:s6+$0x0];
	vm4 =	vgt.f32 v16, v15;
	s5 =	smov.u32 s8;
	s8 =	smov.u32 s4;
	s4 =	sadd.s32 $0x10, s4  }
.Ltmp36:
0x4e4: {  	v18 =	vsub.f32 v18, v13;
	v21 =	vpop (erf);
	v15 =	vsel vm4, v16, v15;
	v14 =	vsel vm4, v20, v14;
	(pc) =	sbr.rel @p0 .LBB2_74-.Ltmp36, $4  }
0x4e5: {  	v16 =	vpop (erf)  }
0x4e6: {  	s2 =	sadd.s32 $0x10, s2;
	v20 =	vmul.f32 $1.442695020e+00, v18;
	v18 =	vmax.f32 v17, $1.000000010e-10;
	v21 =	vmul.f32 v16, v21  }
0x4e7: {  	v17 =	vld [tilespmem:s2+$0x0];
	(erf) = vrcp.f32 v18  }
0x4e8: {  	s6 =	sadd.s32 $0x10, s6;
	v18 =	vmul.f32 v19, v12;
	(erf) = vpow2.f32 v20;
	v16 =	vsel vm3, v16, v21  }
0x4e9: {  	_ = 	snop  }
0x4ea: {  	v18 =	vsub.f32 v18, v13;
	_ =	sdelay $0x1  }
0x4eb: {  	v18 =	vmul.f32 $1.442695020e+00, v18;
	v17 =	vmax.f32 v17, $1.000000010e-10  }
0x4ec: {  	(erf) = vrcp.f32 v17  }
0x4ed: {  	(erf) = vpow2.f32 v18;
	_ =	sdelay $0x3  }
0x4ee: {  	v17 =	vpop (erf)  }
0x4ef: {  	v18 =	vpop (erf)  }
0x4f0: {  	s2 =	sld [smem:$0x7F6];
	v19 =	vpop (erf)  }
0x4f1: {  	v20 =	vpop (erf)  }
0x4f2: {  	v21 =	vpop (erf)  }
0x4f3: {  	[tilespmem:s19], [sflag:$0x7] =	stream.linear.gather [hbm4b:s2+s1], $0x2710, $0x38;
	v22 =	vpop (erf);
	[tilespmem:$0x1D700] =	vst v63  }
0x4f4: {  	_ =	swait.ge [sflag:s29], $0x2710  }
0x4f5: {  	[sflag:s29] =	ssyncset.done $0x0  }
0x4f6: {  	s2 =	simm.s32 $0x4E20;
	[sflag:s29] =	ssyncadd.s32 $0xFFFFD8F0  }
0x4f7: {  	v23 =	vld [tilespmem:s2+$0x0];
	_ =	sdelay $0x2  }
0x4f8: {  	s4 =	simm.s32 $0x18700  }
0x4f9: {  	v24 =	vld [tilespmem:s4+$0x0]  }
0x4fa: {  	v23 =	vmul.f32 v23, v12  }
0x4fb: {  	s4 =	simm.s32 $0x4E30  }
0x4fc: {  	vm4 =	vgt.f32 v16, v15;
	v17 =	vmul.f32 v18, v17;
	v25 =	vld [tilespmem:s4+$0x0];
	v23 =	vsub.f32 v23, v13  }
0x4fd: {  	v15 =	vsel vm4, v16, v15  }
0x4fe: {  	s6 =	simm.s32 $0x4E40;
	v16 =	vsel vm3, v18, v17;
	v24 =	vmax.f32 v24, $1.000000010e-10;
	v23 =	vmul.f32 $1.442695020e+00, v23  }
0x4ff: {  	s9 =	simm.s32 $0x18710;
	v17 =	vmul.f32 v20, v19;
	vm5 =	vgt.f32 v16, v15;
	v18 =	vld [tilespmem:s6+$0x0];
	(erf) = vrcp.f32 v24  }
0x500: {  	v15 =	vsel vm5, v16, v15;
	v19 =	vld [tilespmem:s9+$0x0];
	(erf) = vpow2.f32 v23  }
0x501: {  	v16 =	vsel vm3, v20, v17;
	v17 =	vor.u32 s0, v4;
	v20 =	vmul.f32 v25, v12  }
0x502: {  	s10 =	simm.s32 $0x18720;
	v14 =	vsel vm4, v17, v14;
	v17 =	vor.u32 s3, v4;
	vm4 =	vgt.f32 v16, v15  }
0x503: {  	v14 =	vsel vm5, v17, v14;
	v15 =	vsel vm4, v16, v15;
	v17 =	vld [tilespmem:s10+$0x0];
	v16 =	vsub.f32 v20, v13  }
0x504: {  	v18 =	vmul.f32 v18, v12  }
0x505: {  	v19 =	vmax.f32 v19, $1.000000010e-10;
	v16 =	vmul.f32 $1.442695020e+00, v16  }
0x506: {  	s9 =	simm.s32 $0x4E50;
	v18 =	vsub.f32 v18, v13;
	v20 =	vor.u32 s5, v4;
	(erf) = vrcp.f32 v19  }
0x507: {  	v21 =	vmul.f32 v22, v21;
	v14 =	vsel vm4, v20, v14;
	v20 =	vld [tilespmem:s9+$0x0];
	(erf) = vpow2.f32 v16  }
0x508: {  	v17 =	vmax.f32 v17, $1.000000010e-10;
	v63 =	vmul.f32 $1.442695020e+00, v18;
	v19 =	vpop (erf)  }
0x509: {  	v21 =	vsel vm3, v22, v21;
	(erf) = vrcp.f32 v17;
	v16 =	vpop (erf)  }
0x50a: {  	vm4 =	vgt.f32 v21, v15;
	(erf) = vpow2.f32 v63;
	v19 =	vmul.f32 v16, v19  }
0x50b: {  	v62 =	vor.u32 s8, v4;
	s0 =	simm.s32 $0x18730;
	v15 =	vsel vm4, v21, v15  }
0x50c: {  	s3 =	simm.s32 $0x4E60;
	s5 =	simm.s32 $0x4E60;
	v14 =	vsel vm4, v62, v14;
	v18 =	vmul.f32 v20, v12;
	v17 =	vld [tilespmem:s0+$0x0];
	v16 =	vsel vm3, v16, v19  }
.LBB2_76:
0x50d: {  	p0 =	sne.s32 s3, $0x7520;
	v20 =	vor.u32 s2, v4;
	s2 =	smov.u32 s4;
	s4 =	smov.u32 s6  }
0x50e: {  	v19 =	vld [tilespmem:s5+$0x0];
	vm4 =	vgt.f32 v16, v15;
	s6 =	smov.u32 s9;
	s9 =	smov.u32 s3;
	s3 =	sadd.s32 $0x10, s3  }
.Ltmp37:
0x50f: {  	v18 =	vsub.f32 v18, v13;
	v21 =	vpop (erf);
	v15 =	vsel vm4, v16, v15;
	v14 =	vsel vm4, v20, v14;
	(pc) =	sbr.rel @p0 .LBB2_76-.Ltmp37, $4  }
0x510: {  	v16 =	vpop (erf)  }
0x511: {  	s0 =	sadd.s32 $0x10, s0;
	v20 =	vmul.f32 $1.442695020e+00, v18;
	v18 =	vmax.f32 v17, $1.000000010e-10;
	v21 =	vmul.f32 v16, v21  }
0x512: {  	v17 =	vld [tilespmem:s0+$0x0];
	(erf) = vrcp.f32 v18  }
0x513: {  	s5 =	sadd.s32 $0x10, s5;
	v18 =	vmul.f32 v19, v12;
	(erf) = vpow2.f32 v20;
	v16 =	vsel vm3, v16, v21  }
0x514: {  	_ = 	snop  }
0x515: {  	v18 =	vsub.f32 v18, v13;
	_ =	sdelay $0x1  }
0x516: {  	v18 =	vmul.f32 $1.442695020e+00, v18;
	v17 =	vmax.f32 v17, $1.000000010e-10  }
0x517: {  	(erf) = vrcp.f32 v17  }
0x518: {  	(erf) = vpow2.f32 v18;
	_ =	sdelay $0x3  }
0x519: {  	v17 =	vpop (erf)  }
0x51a: {  	v18 =	vpop (erf)  }
0x51b: {  	v19 =	vpop (erf)  }
0x51c: {  	v20 =	vpop (erf)  }
0x51d: {  	s0 =	rddreg [dreg:$0x1c];
	v21 =	vpop (erf)  }
0x51e: {  	[tilespmem:s18], [sflag:$0x6] =	stream.linear.gather [hbm4b:s0+s1], $0x2710, $0x38;
	v22 =	vpop (erf);
	[tilespmem:$0x1D700] =	vst v63  }
0x51f: {  	_ =	swait.ge [sflag:s30], $0x2710  }
0x520: {  	[sflag:s30] =	ssyncset.done $0x0  }
0x521: {  	s0 =	simm.s32 $0x7530;
	[sflag:s30] =	ssyncadd.s32 $0xFFFFD8F0  }
0x522: {  	v23 =	vld [tilespmem:s0+$0x0];
	_ =	sdelay $0x2  }
0x523: {  	s3 =	simm.s32 $0x1AE80  }
0x524: {  	v24 =	vld [tilespmem:s3+$0x0]  }
0x525: {  	v23 =	vmul.f32 v23, v12  }
0x526: {  	s3 =	simm.s32 $0x7540  }
0x527: {  	vm4 =	vgt.f32 v16, v15;
	v17 =	vmul.f32 v18, v17;
	v25 =	vld [tilespmem:s3+$0x0];
	v23 =	vsub.f32 v23, v13  }
0x528: {  	v15 =	vsel vm4, v16, v15  }
0x529: {  	s5 =	simm.s32 $0x7550;
	v16 =	vsel vm3, v18, v17;
	v24 =	vmax.f32 v24, $1.000000010e-10;
	v23 =	vmul.f32 $1.442695020e+00, v23  }
0x52a: {  	s8 =	simm.s32 $0x1AE90;
	v17 =	vmul.f32 v20, v19;
	vm5 =	vgt.f32 v16, v15;
	v18 =	vld [tilespmem:s5+$0x0];
	(erf) = vrcp.f32 v24  }
0x52b: {  	v15 =	vsel vm5, v16, v15;
	v19 =	vld [tilespmem:s8+$0x0];
	(erf) = vpow2.f32 v23  }
0x52c: {  	v16 =	vsel vm3, v20, v17;
	v17 =	vor.u32 s2, v4;
	v20 =	vmul.f32 v25, v12  }
0x52d: {  	s10 =	simm.s32 $0x1AEA0;
	v14 =	vsel vm4, v17, v14;
	v17 =	vor.u32 s4, v4;
	vm4 =	vgt.f32 v16, v15  }
0x52e: {  	v14 =	vsel vm5, v17, v14;
	v15 =	vsel vm4, v16, v15;
	v17 =	vld [tilespmem:s10+$0x0];
	v16 =	vsub.f32 v20, v13  }
0x52f: {  	v18 =	vmul.f32 v18, v12  }
0x530: {  	v19 =	vmax.f32 v19, $1.000000010e-10;
	v16 =	vmul.f32 $1.442695020e+00, v16  }
0x531: {  	s8 =	simm.s32 $0x7560;
	v18 =	vsub.f32 v18, v13;
	v20 =	vor.u32 s6, v4;
	(erf) = vrcp.f32 v19  }
0x532: {  	v21 =	vmul.f32 v22, v21;
	v14 =	vsel vm4, v20, v14;
	v20 =	vld [tilespmem:s8+$0x0];
	(erf) = vpow2.f32 v16  }
0x533: {  	v17 =	vmax.f32 v17, $1.000000010e-10;
	v63 =	vmul.f32 $1.442695020e+00, v18;
	v19 =	vpop (erf)  }
0x534: {  	v21 =	vsel vm3, v22, v21;
	(erf) = vrcp.f32 v17;
	v16 =	vpop (erf)  }
0x535: {  	vm4 =	vgt.f32 v21, v15;
	(erf) = vpow2.f32 v63;
	v19 =	vmul.f32 v16, v19  }
0x536: {  	v62 =	vor.u32 s9, v4;
	s2 =	simm.s32 $0x1AEB0;
	v15 =	vsel vm4, v21, v15  }
0x537: {  	s4 =	simm.s32 $0x7570;
	s6 =	simm.s32 $0x7570;
	v14 =	vsel vm4, v62, v14;
	v18 =	vmul.f32 v20, v12;
	v17 =	vld [tilespmem:s2+$0x0];
	v16 =	vsel vm3, v16, v19  }
.LBB2_78:
0x538: {  	p0 =	sne.s32 s4, $0x9C30;
	v20 =	vor.u32 s0, v4;
	s0 =	smov.u32 s3;
	s3 =	smov.u32 s5  }
0x539: {  	v19 =	vld [tilespmem:s6+$0x0];
	vm4 =	vgt.f32 v16, v15;
	s5 =	smov.u32 s8;
	s8 =	smov.u32 s4;
	s4 =	sadd.s32 $0x10, s4  }
.Ltmp38:
0x53a: {  	v18 =	vsub.f32 v18, v13;
	v21 =	vpop (erf);
	v15 =	vsel vm4, v16, v15;
	v14 =	vsel vm4, v20, v14;
	(pc) =	sbr.rel @p0 .LBB2_78-.Ltmp38, $4  }
0x53b: {  	v16 =	vpop (erf)  }
0x53c: {  	s2 =	sadd.s32 $0x10, s2;
	v20 =	vmul.f32 $1.442695020e+00, v18;
	v18 =	vmax.f32 v17, $1.000000010e-10;
	v21 =	vmul.f32 v16, v21  }
0x53d: {  	v17 =	vld [tilespmem:s2+$0x0];
	(erf) = vrcp.f32 v18  }
0x53e: {  	s6 =	sadd.s32 $0x10, s6;
	v18 =	vmul.f32 v19, v12;
	(erf) = vpow2.f32 v20;
	v16 =	vsel vm3, v16, v21  }
0x53f: {  	_ = 	snop  }
0x540: {  	v18 =	vsub.f32 v18, v13;
	_ =	sdelay $0x1  }
0x541: {  	v18 =	vmul.f32 $1.442695020e+00, v18;
	v17 =	vmax.f32 v17, $1.000000010e-10  }
0x542: {  	(erf) = vrcp.f32 v17  }
0x543: {  	(erf) = vpow2.f32 v18;
	_ =	sdelay $0x3  }
0x544: {  	v17 =	vpop (erf)  }
0x545: {  	v18 =	vpop (erf)  }
0x546: {  	s2 =	sld [smem:$0x7F7];
	v19 =	vpop (erf)  }
0x547: {  	v20 =	vpop (erf)  }
0x548: {  	v21 =	vpop (erf)  }
0x549: {  	[tilespmem:s19], [sflag:$0x7] =	stream.linear.gather [hbm4b:s2+s1], $0x2710, $0x38;
	v22 =	vpop (erf);
	[tilespmem:$0x1D700] =	vst v63  }
0x54a: {  	_ =	swait.ge [sflag:s29], $0x2710  }
0x54b: {  	[sflag:s29] =	ssyncset.done $0x0  }
0x54c: {  	s2 =	simm.s32 $0x9C40;
	[sflag:s29] =	ssyncadd.s32 $0xFFFFD8F0  }
0x54d: {  	v23 =	vld [tilespmem:s2+$0x0];
	_ =	sdelay $0x2  }
0x54e: {  	s4 =	simm.s32 $0x18700  }
0x54f: {  	v24 =	vld [tilespmem:s4+$0x0]  }
0x550: {  	v23 =	vmul.f32 v23, v12  }
0x551: {  	s4 =	simm.s32 $0x9C50  }
0x552: {  	vm4 =	vgt.f32 v16, v15;
	v17 =	vmul.f32 v18, v17;
	v25 =	vld [tilespmem:s4+$0x0];
	v23 =	vsub.f32 v23, v13  }
0x553: {  	v15 =	vsel vm4, v16, v15  }
0x554: {  	s6 =	simm.s32 $0x9C60;
	v16 =	vsel vm3, v18, v17;
	v24 =	vmax.f32 v24, $1.000000010e-10;
	v23 =	vmul.f32 $1.442695020e+00, v23  }
0x555: {  	s9 =	simm.s32 $0x18710;
	v17 =	vmul.f32 v20, v19;
	vm5 =	vgt.f32 v16, v15;
	v18 =	vld [tilespmem:s6+$0x0];
	(erf) = vrcp.f32 v24  }
0x556: {  	v15 =	vsel vm5, v16, v15;
	v19 =	vld [tilespmem:s9+$0x0];
	(erf) = vpow2.f32 v23  }
0x557: {  	v16 =	vsel vm3, v20, v17;
	v17 =	vor.u32 s0, v4;
	v20 =	vmul.f32 v25, v12  }
0x558: {  	s10 =	simm.s32 $0x18720;
	v14 =	vsel vm4, v17, v14;
	v17 =	vor.u32 s3, v4;
	vm4 =	vgt.f32 v16, v15  }
0x559: {  	v14 =	vsel vm5, v17, v14;
	v15 =	vsel vm4, v16, v15;
	v17 =	vld [tilespmem:s10+$0x0];
	v16 =	vsub.f32 v20, v13  }
0x55a: {  	v18 =	vmul.f32 v18, v12  }
0x55b: {  	v19 =	vmax.f32 v19, $1.000000010e-10;
	v16 =	vmul.f32 $1.442695020e+00, v16  }
0x55c: {  	s3 =	simm.s32 $0x9C70;
	v18 =	vsub.f32 v18, v13;
	v20 =	vor.u32 s5, v4;
	(erf) = vrcp.f32 v19  }
0x55d: {  	v21 =	vmul.f32 v22, v21;
	v14 =	vsel vm4, v20, v14;
	v20 =	vld [tilespmem:s3+$0x0];
	(erf) = vpow2.f32 v16  }
0x55e: {  	v17 =	vmax.f32 v17, $1.000000010e-10;
	v63 =	vmul.f32 $1.442695020e+00, v18;
	v19 =	vpop (erf)  }
0x55f: {  	v21 =	vsel vm3, v22, v21;
	(erf) = vrcp.f32 v17;
	v16 =	vpop (erf)  }
0x560: {  	vm4 =	vgt.f32 v21, v15;
	(erf) = vpow2.f32 v63;
	v19 =	vmul.f32 v16, v19  }
0x561: {  	v62 =	vor.u32 s8, v4;
	s0 =	simm.s32 $0x18730;
	v15 =	vsel vm4, v21, v15  }
0x562: {  	s8 =	simm.s32 $0x9C80;
	s5 =	simm.s32 $0x9C80;
	v14 =	vsel vm4, v62, v14;
	v18 =	vmul.f32 v20, v12;
	v17 =	vld [tilespmem:s0+$0x0];
	v16 =	vsel vm3, v16, v19  }
.LBB2_80:
0x563: {  	p0 =	sne.s32 s5, $0xC340;
	v20 =	vor.u32 s2, v4;
	s2 =	smov.u32 s4;
	s4 =	smov.u32 s6  }
0x564: {  	v19 =	vld [tilespmem:s8+$0x0];
	vm4 =	vgt.f32 v16, v15;
	s6 =	smov.u32 s3;
	s3 =	smov.u32 s5;
	s5 =	sadd.s32 $0x10, s5  }
.Ltmp39:
0x565: {  	v18 =	vsub.f32 v18, v13;
	v21 =	vpop (erf);
	v15 =	vsel vm4, v16, v15;
	v14 =	vsel vm4, v20, v14;
	(pc) =	sbr.rel @p0 .LBB2_80-.Ltmp39, $4  }
0x566: {  	v16 =	vpop (erf)  }
0x567: {  	s0 =	sadd.s32 $0x10, s0;
	v20 =	vmul.f32 $1.442695020e+00, v18;
	v18 =	vmax.f32 v17, $1.000000010e-10;
	v21 =	vmul.f32 v16, v21  }
0x568: {  	v17 =	vld [tilespmem:s0+$0x0];
	(erf) = vrcp.f32 v18  }
0x569: {  	s8 =	sadd.s32 $0x10, s8;
	v18 =	vmul.f32 v19, v12;
	(erf) = vpow2.f32 v20;
	v16 =	vsel vm3, v16, v21  }
0x56a: {  	_ = 	snop  }
0x56b: {  	v18 =	vsub.f32 v18, v13;
	_ =	sdelay $0x1  }
0x56c: {  	v18 =	vmul.f32 $1.442695020e+00, v18;
	v17 =	vmax.f32 v17, $1.000000010e-10  }
0x56d: {  	(erf) = vrcp.f32 v17  }
0x56e: {  	(erf) = vpow2.f32 v18;
	_ =	sdelay $0x3  }
0x56f: {  	v17 =	vpop (erf)  }
0x570: {  	v18 =	vpop (erf)  }
0x571: {  	v19 =	vpop (erf)  }
0x572: {  	v20 =	vpop (erf)  }
0x573: {  	s0 =	rddreg [dreg:$0x1e];
	v21 =	vpop (erf)  }
0x574: {  	[tilespmem:s18], [sflag:$0x6] =	stream.linear.gather [hbm4b:s0+s1], $0x2710, $0x38;
	v22 =	vpop (erf);
	[tilespmem:$0x1D700] =	vst v63  }
0x575: {  	_ =	swait.ge [sflag:s30], $0x2710  }
0x576: {  	[sflag:s30] =	ssyncset.done $0x0  }
0x577: {  	s0 =	simm.s32 $0xC350;
	[sflag:s30] =	ssyncadd.s32 $0xFFFFD8F0  }
0x578: {  	v23 =	vld [tilespmem:s0+$0x0];
	_ =	sdelay $0x2  }
0x579: {  	s5 =	simm.s32 $0x1AE80  }
0x57a: {  	v24 =	vld [tilespmem:s5+$0x0]  }
0x57b: {  	v23 =	vmul.f32 v23, v12  }
0x57c: {  	s5 =	simm.s32 $0xC360  }
0x57d: {  	vm4 =	vgt.f32 v16, v15;
	v17 =	vmul.f32 v18, v17;
	v25 =	vld [tilespmem:s5+$0x0];
	v23 =	vsub.f32 v23, v13  }
0x57e: {  	v15 =	vsel vm4, v16, v15  }
0x57f: {  	s8 =	simm.s32 $0xC370;
	v16 =	vsel vm3, v18, v17;
	v24 =	vmax.f32 v24, $1.000000010e-10;
	v23 =	vmul.f32 $1.442695020e+00, v23  }
0x580: {  	s9 =	simm.s32 $0x1AE90;
	v17 =	vmul.f32 v20, v19;
	vm5 =	vgt.f32 v16, v15;
	v18 =	vld [tilespmem:s8+$0x0];
	(erf) = vrcp.f32 v24  }
0x581: {  	v15 =	vsel vm5, v16, v15;
	v19 =	vld [tilespmem:s9+$0x0];
	(erf) = vpow2.f32 v23  }
0x582: {  	v16 =	vsel vm3, v20, v17;
	v17 =	vor.u32 s2, v4;
	v20 =	vmul.f32 v25, v12  }
0x583: {  	s10 =	simm.s32 $0x1AEA0;
	v14 =	vsel vm4, v17, v14;
	v17 =	vor.u32 s4, v4;
	vm4 =	vgt.f32 v16, v15  }
0x584: {  	v14 =	vsel vm5, v17, v14;
	v15 =	vsel vm4, v16, v15;
	v17 =	vld [tilespmem:s10+$0x0];
	v16 =	vsub.f32 v20, v13  }
0x585: {  	v18 =	vmul.f32 v18, v12  }
0x586: {  	v19 =	vmax.f32 v19, $1.000000010e-10;
	v16 =	vmul.f32 $1.442695020e+00, v16  }
0x587: {  	s2 =	simm.s32 $0xC380;
	v18 =	vsub.f32 v18, v13;
	v20 =	vor.u32 s6, v4;
	(erf) = vrcp.f32 v19  }
0x588: {  	v21 =	vmul.f32 v22, v21;
	v14 =	vsel vm4, v20, v14;
	v20 =	vld [tilespmem:s2+$0x0];
	(erf) = vpow2.f32 v16  }
0x589: {  	v17 =	vmax.f32 v17, $1.000000010e-10;
	v63 =	vmul.f32 $1.442695020e+00, v18;
	v19 =	vpop (erf)  }
0x58a: {  	v21 =	vsel vm3, v22, v21;
	(erf) = vrcp.f32 v17;
	v16 =	vpop (erf)  }
0x58b: {  	vm4 =	vgt.f32 v21, v15;
	(erf) = vpow2.f32 v63;
	v19 =	vmul.f32 v16, v19  }
0x58c: {  	v62 =	vor.u32 s3, v4;
	s3 =	simm.s32 $0x1AEB0;
	v15 =	vsel vm4, v21, v15  }
0x58d: {  	s4 =	simm.s32 $0xC390;
	s6 =	simm.s32 $0xC390;
	v14 =	vsel vm4, v62, v14;
	v18 =	vmul.f32 v20, v12;
	v17 =	vld [tilespmem:s3+$0x0];
	v16 =	vsel vm3, v16, v19  }
.LBB2_82:
0x58e: {  	p0 =	sne.s32 s4, $0xEA50;
	v20 =	vor.u32 s0, v4;
	s0 =	smov.u32 s5;
	s5 =	smov.u32 s8  }
0x58f: {  	v19 =	vld [tilespmem:s6+$0x0];
	vm4 =	vgt.f32 v16, v15;
	s8 =	smov.u32 s2;
	s2 =	smov.u32 s4;
	s4 =	sadd.s32 $0x10, s4  }
.Ltmp40:
0x590: {  	v18 =	vsub.f32 v18, v13;
	v21 =	vpop (erf);
	v15 =	vsel vm4, v16, v15;
	v14 =	vsel vm4, v20, v14;
	(pc) =	sbr.rel @p0 .LBB2_82-.Ltmp40, $4  }
0x591: {  	v16 =	vpop (erf)  }
0x592: {  	s3 =	sadd.s32 $0x10, s3;
	v20 =	vmul.f32 $1.442695020e+00, v18;
	v18 =	vmax.f32 v17, $1.000000010e-10;
	v21 =	vmul.f32 v16, v21  }
0x593: {  	v17 =	vld [tilespmem:s3+$0x0];
	(erf) = vrcp.f32 v18  }
0x594: {  	s6 =	sadd.s32 $0x10, s6;
	v18 =	vmul.f32 v19, v12;
	(erf) = vpow2.f32 v20;
	v16 =	vsel vm3, v16, v21  }
0x595: {  	_ = 	snop  }
0x596: {  	v18 =	vsub.f32 v18, v13;
	_ =	sdelay $0x1  }
0x597: {  	v18 =	vmul.f32 $1.442695020e+00, v18;
	v17 =	vmax.f32 v17, $1.000000010e-10  }
0x598: {  	(erf) = vrcp.f32 v17  }
0x599: {  	(erf) = vpow2.f32 v18;
	_ =	sdelay $0x3  }
0x59a: {  	v17 =	vpop (erf)  }
0x59b: {  	v18 =	vpop (erf)  }
0x59c: {  	s3 =	sld [smem:$0x7F8];
	v19 =	vpop (erf)  }
0x59d: {  	v20 =	vpop (erf)  }
0x59e: {  	v21 =	vpop (erf)  }
0x59f: {  	[tilespmem:s19], [sflag:$0x7] =	stream.linear.gather [hbm4b:s3+s1], $0x2710, $0x38;
	v22 =	vpop (erf);
	[tilespmem:$0x1D700] =	vst v63  }
0x5a0: {  	_ =	swait.ge [sflag:s29], $0x2710  }
0x5a1: {  	[sflag:s29] =	ssyncset.done $0x0  }
0x5a2: {  	s3 =	simm.s32 $0xEA60;
	[sflag:s29] =	ssyncadd.s32 $0xFFFFD8F0  }
0x5a3: {  	v23 =	vld [tilespmem:s3+$0x0];
	_ =	sdelay $0x2  }
0x5a4: {  	s4 =	simm.s32 $0x18700  }
0x5a5: {  	v24 =	vld [tilespmem:s4+$0x0]  }
0x5a6: {  	v23 =	vmul.f32 v23, v12  }
0x5a7: {  	s4 =	simm.s32 $0xEA70  }
0x5a8: {  	vm4 =	vgt.f32 v16, v15;
	v17 =	vmul.f32 v18, v17;
	v25 =	vld [tilespmem:s4+$0x0];
	v23 =	vsub.f32 v23, v13  }
0x5a9: {  	v15 =	vsel vm4, v16, v15  }
0x5aa: {  	s6 =	simm.s32 $0xEA80;
	v16 =	vsel vm3, v18, v17;
	v24 =	vmax.f32 v24, $1.000000010e-10;
	v23 =	vmul.f32 $1.442695020e+00, v23  }
0x5ab: {  	s9 =	simm.s32 $0x18710;
	v17 =	vmul.f32 v20, v19;
	vm5 =	vgt.f32 v16, v15;
	v18 =	vld [tilespmem:s6+$0x0];
	(erf) = vrcp.f32 v24  }
0x5ac: {  	v15 =	vsel vm5, v16, v15;
	v19 =	vld [tilespmem:s9+$0x0];
	(erf) = vpow2.f32 v23  }
0x5ad: {  	v16 =	vsel vm3, v20, v17;
	v17 =	vor.u32 s0, v4;
	v20 =	vmul.f32 v25, v12  }
0x5ae: {  	s10 =	simm.s32 $0x18720;
	v14 =	vsel vm4, v17, v14;
	v17 =	vor.u32 s5, v4;
	vm4 =	vgt.f32 v16, v15  }
0x5af: {  	v14 =	vsel vm5, v17, v14;
	v15 =	vsel vm4, v16, v15;
	v17 =	vld [tilespmem:s10+$0x0];
	v16 =	vsub.f32 v20, v13  }
0x5b0: {  	v18 =	vmul.f32 v18, v12  }
0x5b1: {  	v19 =	vmax.f32 v19, $1.000000010e-10;
	v16 =	vmul.f32 $1.442695020e+00, v16  }
0x5b2: {  	v18 =	vsub.f32 v18, v13;
	v20 =	vor.u32 s8, v4;
	s8 =	simm.s32 $0xEA90;
	(erf) = vrcp.f32 v19  }
0x5b3: {  	v21 =	vmul.f32 v22, v21;
	v14 =	vsel vm4, v20, v14;
	v20 =	vld [tilespmem:s8+$0x0];
	(erf) = vpow2.f32 v16  }
0x5b4: {  	v17 =	vmax.f32 v17, $1.000000010e-10;
	v63 =	vmul.f32 $1.442695020e+00, v18;
	v19 =	vpop (erf)  }
0x5b5: {  	v21 =	vsel vm3, v22, v21;
	(erf) = vrcp.f32 v17;
	v16 =	vpop (erf)  }
0x5b6: {  	vm4 =	vgt.f32 v21, v15;
	(erf) = vpow2.f32 v63;
	v19 =	vmul.f32 v16, v19  }
0x5b7: {  	v62 =	vor.u32 s2, v4;
	s0 =	simm.s32 $0x18730;
	v15 =	vsel vm4, v21, v15  }
0x5b8: {  	s2 =	simm.s32 $0xEAA0;
	s5 =	simm.s32 $0xEAA0;
	v14 =	vsel vm4, v62, v14;
	v18 =	vmul.f32 v20, v12;
	v17 =	vld [tilespmem:s0+$0x0];
	v16 =	vsel vm3, v16, v19  }
.LBB2_84:
0x5b9: {  	p0 =	sne.s32 s2, $0x11160;
	v20 =	vor.u32 s3, v4;
	s3 =	smov.u32 s4;
	s4 =	smov.u32 s6  }
0x5ba: {  	v19 =	vld [tilespmem:s5+$0x0];
	vm4 =	vgt.f32 v16, v15;
	s6 =	smov.u32 s8;
	s8 =	smov.u32 s2;
	s2 =	sadd.s32 $0x10, s2  }
.Ltmp41:
0x5bb: {  	v18 =	vsub.f32 v18, v13;
	v21 =	vpop (erf);
	v15 =	vsel vm4, v16, v15;
	v14 =	vsel vm4, v20, v14;
	(pc) =	sbr.rel @p0 .LBB2_84-.Ltmp41, $4  }
0x5bc: {  	v16 =	vpop (erf)  }
0x5bd: {  	s0 =	sadd.s32 $0x10, s0;
	v20 =	vmul.f32 $1.442695020e+00, v18;
	v18 =	vmax.f32 v17, $1.000000010e-10;
	v21 =	vmul.f32 v16, v21  }
0x5be: {  	v17 =	vld [tilespmem:s0+$0x0];
	(erf) = vrcp.f32 v18  }
0x5bf: {  	s5 =	sadd.s32 $0x10, s5;
	v18 =	vmul.f32 v19, v12;
	(erf) = vpow2.f32 v20;
	v16 =	vsel vm3, v16, v21  }
0x5c0: {  	_ = 	snop  }
0x5c1: {  	v18 =	vsub.f32 v18, v13;
	_ =	sdelay $0x1  }
0x5c2: {  	v18 =	vmul.f32 $1.442695020e+00, v18;
	v17 =	vmax.f32 v17, $1.000000010e-10  }
0x5c3: {  	(erf) = vrcp.f32 v17  }
0x5c4: {  	(erf) = vpow2.f32 v18;
	_ =	sdelay $0x3  }
0x5c5: {  	v17 =	vpop (erf)  }
0x5c6: {  	v18 =	vpop (erf)  }
0x5c7: {  	s0 =	sld [smem:$0x7DF];
	v19 =	vpop (erf)  }
0x5c8: {  	v20 =	vpop (erf)  }
0x5c9: {  	v21 =	vpop (erf)  }
0x5ca: {  	[tilespmem:s18], [sflag:$0x6] =	stream.linear.gather [hbm4b:s0+s1], $0x2710, $0x38;
	v22 =	vpop (erf);
	[tilespmem:$0x1D700] =	vst v63  }
0x5cb: {  	_ =	swait.ge [sflag:s30], $0x2710  }
0x5cc: {  	[sflag:s30] =	ssyncset.done $0x0  }
0x5cd: {  	s5 =	simm.s32 $0x11170;
	[sflag:s30] =	ssyncadd.s32 $0xFFFFD8F0  }
0x5ce: {  	v23 =	vld [tilespmem:s5+$0x0];
	_ =	sdelay $0x2  }
0x5cf: {  	s9 =	simm.s32 $0x1AE80  }
0x5d0: {  	v24 =	vld [tilespmem:s9+$0x0]  }
0x5d1: {  	v23 =	vmul.f32 v23, v12  }
0x5d2: {  	s0 =	simm.s32 $0x11180  }
0x5d3: {  	vm4 =	vgt.f32 v16, v15;
	v17 =	vmul.f32 v18, v17;
	v25 =	vld [tilespmem:s0+$0x0];
	v23 =	vsub.f32 v23, v13  }
0x5d4: {  	v15 =	vsel vm4, v16, v15  }
0x5d5: {  	s2 =	simm.s32 $0x11190;
	v16 =	vsel vm3, v18, v17;
	v24 =	vmax.f32 v24, $1.000000010e-10;
	v23 =	vmul.f32 $1.442695020e+00, v23  }
0x5d6: {  	v17 =	vmul.f32 v20, v19;
	vm5 =	vgt.f32 v16, v15;
	s9 =	simm.s32 $0x1AE90;
	v18 =	vld [tilespmem:s2+$0x0];
	(erf) = vrcp.f32 v24  }
0x5d7: {  	v15 =	vsel vm5, v16, v15;
	v19 =	vld [tilespmem:s9+$0x0];
	(erf) = vpow2.f32 v23  }
0x5d8: {  	v16 =	vsel vm3, v20, v17;
	v17 =	vor.u32 s3, v4;
	v20 =	vmul.f32 v25, v12  }
0x5d9: {  	s10 =	simm.s32 $0x1AEA0;
	v14 =	vsel vm4, v17, v14;
	v17 =	vor.u32 s4, v4;
	vm4 =	vgt.f32 v16, v15  }
0x5da: {  	v14 =	vsel vm5, v17, v14;
	v15 =	vsel vm4, v16, v15;
	v17 =	vld [tilespmem:s10+$0x0];
	v16 =	vsub.f32 v20, v13  }
0x5db: {  	v18 =	vmul.f32 v18, v12  }
0x5dc: {  	v19 =	vmax.f32 v19, $1.000000010e-10;
	v16 =	vmul.f32 $1.442695020e+00, v16  }
0x5dd: {  	s3 =	simm.s32 $0x111A0;
	v20 =	vor.u32 s6, v4;
	v18 =	vsub.f32 v18, v13;
	(erf) = vrcp.f32 v19  }
0x5de: {  	v21 =	vmul.f32 v22, v21;
	v14 =	vsel vm4, v20, v14;
	v20 =	vld [tilespmem:s3+$0x0];
	(erf) = vpow2.f32 v16  }
0x5df: {  	v17 =	vmax.f32 v17, $1.000000010e-10;
	v63 =	vmul.f32 $1.442695020e+00, v18;
	v19 =	vpop (erf)  }
0x5e0: {  	v21 =	vsel vm3, v22, v21;
	(erf) = vrcp.f32 v17;
	v16 =	vpop (erf)  }
0x5e1: {  	vm4 =	vgt.f32 v21, v15;
	(erf) = vpow2.f32 v63;
	v19 =	vmul.f32 v16, v19  }
0x5e2: {  	v62 =	vor.u32 s8, v4;
	s4 =	simm.s32 $0x1AEB0;
	v15 =	vsel vm4, v21, v15  }
0x5e3: {  	s8 =	simm.s32 $0x111B0;
	s6 =	simm.s32 $0x111B0;
	v14 =	vsel vm4, v62, v14;
	v18 =	vmul.f32 v20, v12;
	v17 =	vld [tilespmem:s4+$0x0];
	v16 =	vsel vm3, v16, v19  }
.LBB2_86:
0x5e4: {  	p0 =	sne.s32 s6, $0x13870;
	v20 =	vor.u32 s5, v4;
	s5 =	smov.u32 s0;
	s0 =	smov.u32 s2  }
0x5e5: {  	v19 =	vld [tilespmem:s8+$0x0];
	vm4 =	vgt.f32 v16, v15;
	s2 =	smov.u32 s3;
	s3 =	smov.u32 s6;
	s6 =	sadd.s32 $0x10, s6  }
.Ltmp42:
0x5e6: {  	v18 =	vsub.f32 v18, v13;
	v21 =	vpop (erf);
	v15 =	vsel vm4, v16, v15;
	v14 =	vsel vm4, v20, v14;
	(pc) =	sbr.rel @p0 .LBB2_86-.Ltmp42, $4  }
0x5e7: {  	v16 =	vpop (erf)  }
0x5e8: {  	s4 =	sadd.s32 $0x10, s4;
	v20 =	vmul.f32 $1.442695020e+00, v18;
	v18 =	vmax.f32 v17, $1.000000010e-10;
	v21 =	vmul.f32 v16, v21  }
0x5e9: {  	v17 =	vld [tilespmem:s4+$0x0];
	(erf) = vrcp.f32 v18  }
0x5ea: {  	s8 =	sadd.s32 $0x10, s8;
	v18 =	vmul.f32 v19, v12;
	(erf) = vpow2.f32 v20;
	v16 =	vsel vm3, v16, v21  }
0x5eb: {  	_ = 	snop  }
0x5ec: {  	v18 =	vsub.f32 v18, v13;
	_ =	sdelay $0x1  }
0x5ed: {  	v18 =	vmul.f32 $1.442695020e+00, v18;
	v17 =	vmax.f32 v17, $1.000000010e-10  }
0x5ee: {  	(erf) = vrcp.f32 v17  }
0x5ef: {  	(erf) = vpow2.f32 v18;
	_ =	sdelay $0x3  }
0x5f0: {  	v17 =	vpop (erf)  }
0x5f1: {  	v18 =	vpop (erf)  }
0x5f2: {  	s6 =	sld [smem:$0x7F9];
	v19 =	vpop (erf)  }
0x5f3: {  	v20 =	vpop (erf)  }
0x5f4: {  	s4 =	simm.s32 $0x0;
	v21 =	vpop (erf)  }
0x5f5: {  	[tilespmem:s19], [sflag:$0x7] =	stream.linear.gather [hbm4b:s6+s4], $0x2710, $0x38;
	v22 =	vpop (erf);
	[tilespmem:$0x1D700] =	vst v63  }
0x5f6: {  	s6 =	simm.s32 $0x13880;
	_ =	swait.ge [sflag:s29], $0x2710  }
0x5f7: {  	s4 =	sand.u32 $0x70, s4;
	s8 =	sand.u32 $0x17F80, s6;
	[sflag:s29] =	ssyncset.done $0x0  }
0x5f8: {  	s4 =	sor.u32 s4, s8;
	[sflag:s29] =	ssyncadd.s32 $0xFFFFD8F0  }
0x5f9: {  	v23 =	vld [tilespmem:s4+$0x0];
	_ =	sdelay $0x1  }
0x5fa: {  	s9 =	simm.s32 $0x18700  }
0x5fb: {  	s10 =	simm.s32 $0x10;
	s8 =	simm.s32 $0x13890;
	v24 =	vld [tilespmem:s9+$0x0]  }
0x5fc: {  	s9 =	sand.u32 $0x17F80, s8;
	s4 =	sand.u32 $0x70, s10  }
0x5fd: {  	vm4 =	vgt.f32 v16, v15;
	v17 =	vmul.f32 v18, v17;
	s4 =	sor.u32 s4, s9;
	v23 =	vmul.f32 v23, v12  }
0x5fe: {  	v15 =	vsel vm4, v16, v15;
	v16 =	vld [tilespmem:s4+$0x0]  }
0x5ff: {  	v17 =	vsel vm3, v18, v17;
	v23 =	vsub.f32 v23, v13  }
0x600: {  	v18 =	vor.u32 s5, v4;
	v19 =	vmul.f32 v20, v19;
	v24 =	vmax.f32 v24, $1.000000010e-10  }
0x601: {  	vm5 =	vgt.f32 v17, v15;
	(erf) = vrcp.f32 v24;
	v23 =	vmul.f32 $1.442695020e+00, v23  }
0x602: {  	s5 =	simm.s32 $0x138A0;
	v14 =	vsel vm4, v18, v14;
	v15 =	vsel vm5, v17, v15;
	s9 =	simm.s32 $0x18710;
	s4 =	simm.s32 $0x20  }
0x603: {  	v17 =	vsel vm3, v20, v19;
	s10 =	sand.u32 $0x17F80, s5;
	s4 =	sand.u32 $0x70, s4;
	v24 =	vld [tilespmem:s9+$0x0];
	v16 =	vmul.f32 v16, v12;
	(erf) = vpow2.f32 v23  }
0x604: {  	v19 =	vor.u32 s2, v4;
	vm4 =	vgt.f32 v17, v15;
	v18 =	vmul.f32 v22, v21;
	s10 =	sor.u32 s4, s10  }
0x605: {  	v15 =	vsel vm4, v17, v15;
	v25 =	vld [tilespmem:s10+$0x0];
	v20 =	vsub.f32 v16, v13;
	v23 =	vor.u32 s0, v4  }
0x606: {  	v17 =	vsel vm3, v22, v18;
	v16 =	vor.u32 s8, v4;
	v14 =	vsel vm5, v23, v14  }
0x607: {  	v20 =	vmul.f32 $1.442695020e+00, v20;
	v14 =	vsel vm4, v19, v14;
	vm4 =	vgt.f32 v17, v15  }
0x608: {  	s4 =	simm.s32 $0x30;
	s8 =	simm.s32 $0x138B0;
	v18 =	vsel vm4, v17, v15;
	v17 =	vor.u32 s6, v4;
	s6 =	simm.s32 $0x18720;
	v15 =	vmax.f32 v24, $1.000000010e-10  }
0x609: {  	s9 =	sand.u32 $0x17F80, s8;
	s0 =	sand.u32 $0x70, s4;
	v22 =	vld [tilespmem:s6+$0x0];
	(erf) = vrcp.f32 v15  }
0x60a: {  	s10 =	sor.u32 s0, s9;
	v19 =	vor.u32 s3, v4;
	v24 =	vmul.f32 v25, v12;
	v21 =	vpop (erf);
	(erf) = vpow2.f32 v20  }
0x60b: {  	v23 =	vld [tilespmem:s10+$0x0];
	v19 =	vsel vm4, v19, v14  }
0x60c: {  	s2 =	simm.s32 $0x18730;
	s0 =	simm.s32 $0x40;
	v14 =	vor.u32 s5, v4;
	v15 =	vor.u32 s8, v4;
	v24 =	vsub.f32 v24, v13;
	v20 =	vpop (erf)  }
.LBB2_88:
0x60d: {  	s3 =	sadd.s32 $0x13880, s0  }
0x60e: {  	p0 =	sne.s32 s0, $0x2700;
	v24 =	vmul.f32 $1.442695020e+00, v24;
	v25 =	vmax.f32 v22, $1.000000010e-10;
	v21 =	vmul.f32 v20, v21;
	v26 =	vmovc v15;
	s4 =	smov.u32 s0;
	s0 =	sadd.s32 $0x10, s0  }
.Ltmp43:
0x60f: {  	s5 =	sand.u32 $0x17F80, s3;
	s4 =	sand.u32 $0x70, s4;
	v15 =	vor.u32 s3, v4;
	v22 =	vld [tilespmem:s2+$0x0];
	(erf) = vrcp.f32 v25;
	(pc) =	sbr.rel @p0 .LBB2_88-.Ltmp43, $4  }
0x610: {  	s3 =	sor.u32 s4, s5;
	v25 =	vmul.f32 v23, v12;
	(erf) = vpow2.f32 v24;
	v20 =	vsel vm3, v20, v21  }
0x611: {  	v23 =	vld [tilespmem:s3+$0x0];
	vm4 =	vgt.f32 v20, v18  }
0x612: {  	v24 =	vsub.f32 v25, v13;
	v21 =	vpop (erf);
	v18 =	vsel vm4, v20, v18;
	v19 =	vsel vm4, v17, v19  }
0x613: {  	s2 =	sadd.s32 $0x10, s2;
	v17 =	vmov v16;
	v16 =	vmov v14;
	v14 =	vmov v26;
	v20 =	vpop (erf)  }
0x614: {  	_ = 	snop  }
0x615: {  	v25 =	vld [tilespmem:s2+$0x0]  }
0x616: {  	v23 =	vmul.f32 v23, v12;
	_ =	sdelay $0x1  }
0x617: {  	v24 =	vmul.f32 $1.442695020e+00, v24;
	v22 =	vmax.f32 v22, $1.000000010e-10;
	v23 =	vsub.f32 v23, v13  }
0x618: {  	(erf) = vrcp.f32 v22  }
0x619: {  	(erf) = vpow2.f32 v24;
	v50 =	vmax.f32 v25, $1.000000010e-10;
	v49 =	vmul.f32 $1.442695020e+00, v23  }
0x61a: {  	(erf) = vrcp.f32 v50  }
0x61b: {  	(erf) = vpow2.f32 v49;
	_ =	sdelay $0x3  }
0x61c: {  	v51 =	vpop (erf)  }
0x61d: {  	v52 =	vpop (erf)  }
0x61e: {  	v53 =	vpop (erf)  }
0x61f: {  	v54 =	vpop (erf)  }
0x620: {  	v26 =	vpop (erf)  }
0x621: {  	v27 =	vpop (erf)  }
0x622: {  	_ =	swait.ge [sflag:s30], $0x2710  }
0x623: {  	[sflag:s30] =	ssyncset.done $0x0  }
0x624: {  	s0 =	simm.s32 $0x15F90;
	[sflag:s30] =	ssyncadd.s32 $0xFFFFD8F0  }
0x625: {  	v28 =	vld [tilespmem:s0+$0x0];
	_ =	sdelay $0x2  }
0x626: {  	s9 =	simm.s32 $0x1AE80  }
0x627: {  	v29 =	vld [tilespmem:s9+$0x0]  }
0x628: {  	v28 =	vmul.f32 v28, v12  }
0x629: {  	s2 =	simm.s32 $0x15FA0;
	v21 =	vmul.f32 v20, v21  }
0x62a: {  	v30 =	vld [tilespmem:s2+$0x0];
	v28 =	vsub.f32 v28, v13  }
0x62b: {  	v20 =	vsel vm3, v20, v21  }
0x62c: {  	s3 =	simm.s32 $0x15FB0;
	v55 =	vmul.f32 v52, v51;
	v29 =	vmax.f32 v29, $1.000000010e-10;
	v28 =	vmul.f32 $1.442695020e+00, v28  }
0x62d: {  	s4 =	simm.s32 $0x1AE90;
	vm4 =	vgt.f32 v20, v18;
	v56 =	vld [tilespmem:s3+$0x0];
	(erf) = vrcp.f32 v29  }
0x62e: {  	v18 =	vsel vm4, v20, v18;
	v20 =	vsel vm3, v52, v55;
	v57 =	vld [tilespmem:s4+$0x0];
	(erf) = vpow2.f32 v28  }
0x62f: {  	vm5 =	vgt.f32 v20, v18;
	v58 =	vmul.f32 v54, v53;
	v59 =	vmul.f32 v30, v12  }
0x630: {  	s10 =	simm.s32 $0x1AEA0;
	v17 =	vsel vm4, v17, v19;
	v18 =	vsel vm5, v20, v18  }
0x631: {  	v16 =	vsel vm5, v16, v17;
	v17 =	vsel vm3, v54, v58;
	v20 =	vld [tilespmem:s10+$0x0];
	v19 =	vsub.f32 v59, v13  }
0x632: {  	vm4 =	vgt.f32 v17, v18;
	v22 =	vmul.f32 v56, v12  }
0x633: {  	v17 =	vsel vm4, v17, v18;
	v18 =	vmul.f32 $1.442695020e+00, v19;
	v19 =	vmax.f32 v57, $1.000000010e-10  }
0x634: {  	s4 =	simm.s32 $0x15FC0;
	(erf) = vrcp.f32 v19;
	v19 =	vsub.f32 v22, v13  }
0x635: {  	v60 =	vmul.f32 v27, v26;
	v61 =	vld [tilespmem:s4+$0x0];
	(erf) = vpow2.f32 v18  }
0x636: {  	v18 =	vmax.f32 v20, $1.000000010e-10;
	v19 =	vmul.f32 $1.442695020e+00, v19;
	v62 =	vpop (erf)  }
0x637: {  	v14 =	vsel vm4, v14, v16;
	v23 =	vsel vm3, v27, v60;
	(erf) = vrcp.f32 v18;
	v63 =	vpop (erf)  }
0x638: {  	vm4 =	vgt.f32 v23, v17;
	(erf) = vpow2.f32 v19;
	v20 =	vmul.f32 v63, v62  }
0x639: {  	s5 =	simm.s32 $0x1AEB0;
	v16 =	vsel vm4, v23, v17  }
0x63a: {  	s6 =	simm.s32 $0x15FD0;
	s8 =	simm.s32 $0x15FD0;
	v14 =	vsel vm4, v15, v14;
	v15 =	vld [tilespmem:s5+$0x0];
	v18 =	vmul.f32 v61, v12;
	v17 =	vsel vm3, v63, v20  }
.LBB2_90:
0x63b: {  	p0 =	sne.s32 s6, $0x18690;
	v20 =	vor.u32 s0, v4;
	s0 =	smov.u32 s2;
	s2 =	smov.u32 s3  }
0x63c: {  	v19 =	vld [tilespmem:s8+$0x0];
	vm4 =	vgt.f32 v17, v16;
	s3 =	smov.u32 s4;
	s4 =	smov.u32 s6;
	s6 =	sadd.s32 $0x10, s6  }
.Ltmp44:
0x63d: {  	v18 =	vsub.f32 v18, v13;
	v21 =	vpop (erf);
	v16 =	vsel vm4, v17, v16;
	v14 =	vsel vm4, v20, v14;
	(pc) =	sbr.rel @p0 .LBB2_90-.Ltmp44, $4  }
0x63e: {  	v17 =	vpop (erf)  }
0x63f: {  	s5 =	sadd.s32 $0x10, s5;
	v20 =	vmul.f32 $1.442695020e+00, v18;
	v18 =	vmax.f32 v15, $1.000000010e-10;
	v21 =	vmul.f32 v17, v21  }
0x640: {  	v15 =	vld [tilespmem:s5+$0x0];
	(erf) = vrcp.f32 v18  }
0x641: {  	s8 =	sadd.s32 $0x10, s8;
	v18 =	vmul.f32 v19, v12;
	(erf) = vpow2.f32 v20;
	v17 =	vsel vm3, v17, v21  }
0x642: {  	_ = 	snop  }
0x643: {  	v12 =	vsub.f32 v18, v13;
	_ =	sdelay $0x1  }
0x644: {  	v12 =	vmul.f32 $1.442695020e+00, v12;
	v13 =	vmax.f32 v15, $1.000000010e-10  }
0x645: {  	(erf) = vrcp.f32 v13  }
0x646: {  	(erf) = vpow2.f32 v12;
	_ =	sdelay $0x3  }
0x647: {  	v12 =	vpop (erf)  }
0x648: {  	v13 =	vpop (erf)  }
0x649: {  	v12 =	vmul.f32 v13, v12;
	v15 =	vpop (erf)  }
0x64a: {  	vm4 =	vgt.f32 v17, v16;
	v63 =	vpop (erf)  }
0x64b: {  	v16 =	vsel vm4, v17, v16;
	v12 =	vsel vm3, v13, v12;
	v13 =	vmul.f32 v63, v15;
	v15 =	vpop (erf)  }
0x64c: {  	vm5 =	vgt.f32 v12, v16;
	v17 =	vpop (erf)  }
0x64d: {  	v12 =	vsel vm5, v12, v16;
	v13 =	vsel vm3, v63, v13;
	v15 =	vmul.f32 v17, v15  }
0x64e: {  	vm6 =	vgt.f32 v13, v12  }
0x64f: {  	v12 =	vsel vm6, v13, v12;
	v13 =	vsel vm3, v17, v15  }
0x650: {  	vm3 =	vgt.f32 v13, v12  }
0x651: {  	v12 =	vsel vm3, v13, v12  }
0x652: {  	v13 =	vperm.xlane v12, v0;
	_ =	sdelay $0x1  }
0x653: {  	v13 =	vmax.f32 v12, v13  }
0x654: {  	v15 =	vperm.xlane v13, v6;
	_ =	sdelay $0x1  }
0x655: {  	s6 =	sld [smem:$0x7E0];
	v13 =	vmax.f32 v13, v15  }
0x656: {  	v15 =	vperm.xlane v13, v7  }
0x657: {  	s5 =	simm.s32 $0x0;
	s10 =	sld [smem:$0x7E1];
	v16 =	vor.u32 s0, v4  }
0x658: {  	[tilespmem:s5], [sflag:$0x1] =	stream.linear.gather [hbm4b:s6+s5], $0x4E20, $0x38;
	v14 =	vsel vm4, v16, v14;
	v13 =	vmax.f32 v13, v15;
	v15 =	vor.u32 s2, v4;
	[tilespmem:$0x1D700] =	vst v63  }
0x659: {  	v14 =	vsel vm5, v15, v14;
	v15 =	vor.u32 s3, v4;
	s3 =	sld [smem:$0x7E2]  }
0x65a: {  	[tilespmem:s13], [sflag:$0x2] =	stream.linear.gather [hbm4b:s10+s5], $0x4E20, $0x38;
	[tilespmem:$0x1D700] =	vst v63  }
0x65b: {  	v16 =	vperm.xlane v13, v5;
	v14 =	vsel vm6, v15, v14;
	v15 =	vor.u32 s4, v4;
	s4 =	sld [smem:$0x7E3]  }
0x65c: {  	[tilespmem:s14], [sflag:$0x3] =	stream.linear.gather [hbm4b:s3+s5], $0x4E20, $0x38;
	[tilespmem:$0x1D700] =	vst v63  }
0x65d: {  	s6 =	sld [smem:$0x7E4];
	v13 =	vmax.f32 v13, v16  }
0x65e: {  	v14 =	vsel vm3, v15, v14;
	vm3 =	veq.f32 v12, v13;
	[tilespmem:s15], [sflag:$0x4] =	stream.linear.gather [hbm4b:s4+s5], $0x4E20, $0x38;
	[tilespmem:$0x1D700] =	vst v63  }
0x65f: {  	v12 =	vnsel vm3, $0x7FFFFFFF, v14  }
0x660: {  	v12 =	vsub.s32 $0x0, v12;
	[tilespmem:s16], [sflag:$0x5] =	stream.linear.gather [hbm4b:s6+s5], $0x4E20, $0x38;
	[tilespmem:$0x1D700] =	vst v63  }
0x661: {  	s8 =	sld [smem:$0x7FA];
	v13 =	vperm.xlane v12, v0  }
0x662: {  	[tilespmem:s18], [sflag:$0x6] =	stream.linear.gather [hbm4b:s12+s5], $0x2710, $0x38;
	[tilespmem:$0x1D700] =	vst v63  }
0x663: {  	vm3 =	vgt.s32 v12, v13  }
0x664: {  	v12 =	vsel vm3, v12, v13;
	[tilespmem:s19], [sflag:$0x7] =	stream.linear.gather [hbm4b:s8+s5], $0x2710, $0x38;
	[tilespmem:$0x1D700] =	vst v63  }
0x665: {  	s9 =	rddreg [dreg:$0xf];
	v13 =	vperm.xlane v12, v6  }
0x666: {  	[tilespmem:s20], [sflag:$0x8] =	stream.linear.gather [hbm4b:s9+s5], $0x10, $0x38;
	[tilespmem:$0x1D700] =	vst v63  }
0x667: {  	vm3 =	vgt.s32 v12, v13;
	_ =	swait.ge [sflag:s21], $0x10  }
0x668: {  	v12 =	vsel vm3, v12, v13;
	[sflag:s21] =	ssyncset.done $0x0  }
0x669: {  	v13 =	vperm.xlane v12, v7;
	[sflag:s21] =	ssyncadd.s32 $0xFFFFFFF0  }
0x66a: {  	_ =	swait.ge [sflag:s22], $0x4E20  }
0x66b: {  	vm3 =	vgt.s32 v12, v13;
	[sflag:s22] =	ssyncset.done $0x0  }
0x66c: {  	s10 =	simm.s32 $0x0;
	v12 =	vsel vm3, v12, v13;
	[sflag:s22] =	ssyncadd.s32 $0xFFFFB1E0  }
0x66d: {  	s0 =	simm.s32 $0x40;
	v14 =	vimm.f32 $-Inf;
	v13 =	vperm.xlane v12, v5;
	v15 =	vld [tilespmem:s10+$0x0]  }
.LBB2_92:
0x66e: {  	p0 =	sne.s32 s0, $0x13840  }
.Ltmp45:
0x66f: {  	_ = 	snop;
	(pc) =	sbr.rel @p0 .LBB2_92-.Ltmp45, $3  }
0x670: {  	_ =	sdelay $0x1  }
0x671: {  	s2 =	sshra.s32 s0, $0x2;
	s0 =	sadd.s32 $0x40, s0;
	v14 =	vmax.f32 v14, v15  }
0x672: {  	v15 =	vld [tilespmem:s2+$0x0]  }
0x673: {  	_ = 	snop  }
0x674: {  	_ =	swait.ge [sflag:s23], $0x4E20  }
0x675: {  	[sflag:s23] =	ssyncset.done $0x0  }
0x676: {  	s2 =	simm.s32 $0x0;
	[sflag:s23] =	ssyncadd.s32 $0xFFFFB1E0  }
0x677: {  	s0 =	simm.s32 $0x40;
	v14 =	vmax.f32 v14, v15;
	v15 =	vld [tilespmem:s2+$0x4E20]  }
.LBB2_94:
0x678: {  	p0 =	sne.s32 s0, $0x13840  }
.Ltmp46:
0x679: {  	_ = 	snop;
	(pc) =	sbr.rel @p0 .LBB2_94-.Ltmp46, $3  }
0x67a: {  	_ =	sdelay $0x1  }
0x67b: {  	s2 =	sshra.s32 s0, $0x2;
	s0 =	sadd.s32 $0x40, s0;
	v14 =	vmax.f32 v14, v15  }
0x67c: {  	v15 =	vld [tilespmem:s2+$0x4E20]  }
0x67d: {  	_ = 	snop  }
0x67e: {  	_ =	swait.ge [sflag:s24], $0x4E20  }
0x67f: {  	[sflag:s24] =	ssyncset.done $0x0  }
0x680: {  	s2 =	simm.s32 $0x0;
	[sflag:s24] =	ssyncadd.s32 $0xFFFFB1E0  }
0x681: {  	s0 =	simm.s32 $0x40;
	v14 =	vmax.f32 v14, v15;
	v15 =	vld [tilespmem:s2+$0x9C40]  }
.LBB2_96:
0x682: {  	p0 =	sne.s32 s0, $0x13840  }
.Ltmp47:
0x683: {  	_ = 	snop;
	(pc) =	sbr.rel @p0 .LBB2_96-.Ltmp47, $3  }
0x684: {  	_ =	sdelay $0x1  }
0x685: {  	s2 =	sshra.s32 s0, $0x2;
	s0 =	sadd.s32 $0x40, s0;
	v14 =	vmax.f32 v14, v15  }
0x686: {  	v15 =	vld [tilespmem:s2+$0x9C40]  }
0x687: {  	_ = 	snop  }
0x688: {  	_ =	swait.ge [sflag:s25], $0x4E20  }
0x689: {  	[sflag:s25] =	ssyncset.done $0x0  }
0x68a: {  	s2 =	simm.s32 $0x0;
	[sflag:s25] =	ssyncadd.s32 $0xFFFFB1E0  }
0x68b: {  	s0 =	simm.s32 $0x40;
	v14 =	vmax.f32 v14, v15;
	v15 =	vld [tilespmem:s2+$0xEA60]  }
.LBB2_98:
0x68c: {  	p0 =	sne.s32 s0, $0x13840  }
.Ltmp48:
0x68d: {  	_ = 	snop;
	(pc) =	sbr.rel @p0 .LBB2_98-.Ltmp48, $3  }
0x68e: {  	_ =	sdelay $0x1  }
0x68f: {  	s2 =	sshra.s32 s0, $0x2;
	s0 =	sadd.s32 $0x40, s0;
	v14 =	vmax.f32 v14, v15  }
0x690: {  	v15 =	vld [tilespmem:s2+$0xEA60]  }
0x691: {  	_ = 	snop  }
0x692: {  	_ =	swait.ge [sflag:s26], $0x4E20  }
0x693: {  	s0 =	simm.s32 $0x0;
	[sflag:s26] =	ssyncset.done $0x0  }
0x694: {  	s2 =	sand.u32 $0x7FF0, s0;
	[sflag:s26] =	ssyncadd.s32 $0xFFFFB1E0  }
0x695: {  	s0 =	simm.s32 $0x10;
	v14 =	vmax.f32 v14, v15;
	v15 =	vld [tilespmem:s2+$0x13880]  }
.LBB2_100:
0x696: {  	p0 =	sne.s32 s0, $0x4E10  }
.Ltmp49:
0x697: {  	_ = 	snop;
	(pc) =	sbr.rel @p0 .LBB2_100-.Ltmp49, $3  }
0x698: {  	_ =	sdelay $0x1  }
0x699: {  	s2 =	sand.u32 $0x7FF0, s0;
	s0 =	sadd.s32 $0x10, s0;
	v14 =	vmax.f32 v14, v15  }
0x69a: {  	v15 =	vld [tilespmem:s2+$0x13880]  }
0x69b: {  	v16 =	vld [tilespmem:$0x1D600];
	_ =	sdelay $0x4  }
0x69c: {  	vm3 =	veq.f32 v16, $0.0e+00  }
0x69d: {  	v16 =	vsel vm3, $0x3F800000, v16  }
0x69e: {  	(erf) = vrcp.f32 v16;
	_ =	sdelay $0x4  }
0x69f: {  	v14 =	vmax.f32 v14, v15  }
0x6a0: {  	v15 =	vperm.xlane v14, v0;
	_ =	sdelay $0x1  }
0x6a1: {  	v15 =	vmax.f32 v14, v15  }
0x6a2: {  	v16 =	vperm.xlane v15, v1;
	v14 =	vpop (erf)  }
0x6a3: {  	_ =	swait.ge [sflag:s29], $0x2710  }
0x6a4: {  	v15 =	vmax.f32 v15, v16;
	[sflag:s29] =	ssyncset.done $0x0  }
0x6a5: {  	s2 =	simm.s32 $0x0;
	v16 =	vperm.xlane v15, v2;
	[sflag:s29] =	ssyncadd.s32 $0xFFFFD8F0  }
0x6a6: {  	v17 =	vld [tilespmem:s2+$0x0]  }
0x6a7: {  	v15 =	vmax.f32 v15, v16  }
0x6a8: {  	v16 =	vperm.xlane v15, v3  }
0x6a9: {  	s0 =	simm.s32 $0x18700  }
0x6aa: {  	v15 =	vmax.f32 v15, v16;
	v16 =	vld [tilespmem:s0+$0x0]  }
0x6ab: {  	v15 =	vmul.f32 v14, v15;
	v17 =	vmul.f32 v17, v14;
	_ =	sdelay $0x1  }
0x6ac: {  	s8 =	simm.s32 $0x10;
	v17 =	vsub.f32 v17, v15  }
0x6ad: {  	v18 =	vld [tilespmem:s8+$0x0]  }
0x6ae: {  	s6 =	simm.s32 $0x20;
	v16 =	vmax.f32 v16, $1.000000010e-10;
	v17 =	vmul.f32 $1.442695020e+00, v17  }
0x6af: {  	s9 =	simm.s32 $0x18710;
	(erf) = vrcp.f32 v16;
	v16 =	vld [tilespmem:s6+$0x0]  }
0x6b0: {  	(erf) = vpow2.f32 v17;
	v17 =	vld [tilespmem:s9+$0x0];
	_ =	sdelay $0x1  }
0x6b1: {  	v18 =	vmul.f32 v18, v14  }
0x6b2: {  	s10 =	simm.s32 $0x18720  }
0x6b3: {  	v19 =	vld [tilespmem:s10+$0x0];
	v18 =	vsub.f32 v18, v15  }
0x6b4: {  	v16 =	vmul.f32 v16, v14;
	v17 =	vmax.f32 v17, $1.000000010e-10  }
0x6b5: {  	s4 =	simm.s32 $0x30;
	v18 =	vmul.f32 $1.442695020e+00, v18  }
0x6b6: {  	v20 =	vld [tilespmem:s4+$0x0];
	v16 =	vsub.f32 v16, v15;
	(erf) = vrcp.f32 v17  }
0x6b7: {  	v17 =	vpop (erf);
	(erf) = vpow2.f32 v18  }
0x6b8: {  	v19 =	vmax.f32 v19, $1.000000010e-10;
	v21 =	vmul.f32 $1.442695020e+00, v16  }
0x6b9: {  	v18 =	vpop (erf);
	(erf) = vrcp.f32 v19  }
0x6ba: {  	v22 =	vmul.f32 v18, v17;
	(erf) = vpow2.f32 v21  }
0x6bb: {  	s0 =	simm.s32 $0x18730;
	v20 =	vmul.f32 v20, v14  }
0x6bc: {  	s3 =	simm.s32 $0x40;
	s5 =	simm.s32 $0x40;
	v16 =	vimm.s32 $0x0;
	v19 =	vld [tilespmem:s0+$0x0];
	v17 =	vimm.f32 $-1.000000000e+00;
	v18 =	vsel vm3, v18, v22  }
.LBB2_102:
0x6bd: {  	p0 =	sne.s32 s3, $0x2700;
	v22 =	vor.u32 s2, v4;
	s2 =	smov.u32 s8;
	s8 =	smov.u32 s6  }
0x6be: {  	v21 =	vld [tilespmem:s5+$0x0];
	vm4 =	vgt.f32 v18, v17;
	s6 =	smov.u32 s4;
	s4 =	smov.u32 s3;
	s3 =	sadd.s32 $0x10, s3  }
.Ltmp50:
0x6bf: {  	v20 =	vsub.f32 v20, v15;
	v23 =	vpop (erf);
	v17 =	vsel vm4, v18, v17;
	v16 =	vsel vm4, v22, v16;
	(pc) =	sbr.rel @p0 .LBB2_102-.Ltmp50, $4  }
0x6c0: {  	v18 =	vpop (erf)  }
0x6c1: {  	s0 =	sadd.s32 $0x10, s0;
	v22 =	vmul.f32 $1.442695020e+00, v20;
	v20 =	vmax.f32 v19, $1.000000010e-10;
	v23 =	vmul.f32 v18, v23  }
0x6c2: {  	v19 =	vld [tilespmem:s0+$0x0];
	(erf) = vrcp.f32 v20  }
0x6c3: {  	s5 =	sadd.s32 $0x10, s5;
	v20 =	vmul.f32 v21, v14;
	(erf) = vpow2.f32 v22;
	v18 =	vsel vm3, v18, v23  }
0x6c4: {  	_ = 	snop  }
0x6c5: {  	v20 =	vsub.f32 v20, v15;
	_ =	sdelay $0x1  }
0x6c6: {  	v20 =	vmul.f32 $1.442695020e+00, v20;
	v19 =	vmax.f32 v19, $1.000000010e-10  }
0x6c7: {  	(erf) = vrcp.f32 v19  }
0x6c8: {  	(erf) = vpow2.f32 v20;
	_ =	sdelay $0x3  }
0x6c9: {  	v19 =	vpop (erf)  }
0x6ca: {  	v20 =	vpop (erf)  }
0x6cb: {  	s0 =	sld [smem:$0x7E5];
	v21 =	vpop (erf)  }
0x6cc: {  	v22 =	vpop (erf)  }
0x6cd: {  	v23 =	vpop (erf)  }
0x6ce: {  	[tilespmem:s18], [sflag:$0x6] =	stream.linear.gather [hbm4b:s0+s1], $0x2710, $0x38;
	v24 =	vpop (erf);
	[tilespmem:$0x1D700] =	vst v63  }
0x6cf: {  	_ =	swait.ge [sflag:s30], $0x2710  }
0x6d0: {  	[sflag:s30] =	ssyncset.done $0x0  }
0x6d1: {  	s0 =	simm.s32 $0x2710;
	[sflag:s30] =	ssyncadd.s32 $0xFFFFD8F0  }
0x6d2: {  	v25 =	vld [tilespmem:s0+$0x0];
	_ =	sdelay $0x2  }
0x6d3: {  	s3 =	simm.s32 $0x1AE80  }
0x6d4: {  	v26 =	vld [tilespmem:s3+$0x0]  }
0x6d5: {  	v25 =	vmul.f32 v25, v14  }
0x6d6: {  	s3 =	simm.s32 $0x2720  }
0x6d7: {  	vm4 =	vgt.f32 v18, v17;
	v19 =	vmul.f32 v20, v19;
	v27 =	vld [tilespmem:s3+$0x0];
	v25 =	vsub.f32 v25, v15  }
0x6d8: {  	v17 =	vsel vm4, v18, v17  }
0x6d9: {  	s5 =	simm.s32 $0x2730;
	v18 =	vsel vm3, v20, v19;
	v26 =	vmax.f32 v26, $1.000000010e-10;
	v25 =	vmul.f32 $1.442695020e+00, v25  }
0x6da: {  	s9 =	simm.s32 $0x1AE90;
	v19 =	vmul.f32 v22, v21;
	vm5 =	vgt.f32 v18, v17;
	v20 =	vld [tilespmem:s5+$0x0];
	(erf) = vrcp.f32 v26  }
0x6db: {  	v17 =	vsel vm5, v18, v17;
	v21 =	vld [tilespmem:s9+$0x0];
	(erf) = vpow2.f32 v25  }
0x6dc: {  	v18 =	vsel vm3, v22, v19;
	v19 =	vor.u32 s2, v4;
	v22 =	vmul.f32 v27, v14  }
0x6dd: {  	s10 =	simm.s32 $0x1AEA0;
	v16 =	vsel vm4, v19, v16;
	v19 =	vor.u32 s8, v4;
	vm4 =	vgt.f32 v18, v17  }
0x6de: {  	v16 =	vsel vm5, v19, v16;
	v17 =	vsel vm4, v18, v17;
	v19 =	vld [tilespmem:s10+$0x0];
	v18 =	vsub.f32 v22, v15  }
0x6df: {  	v20 =	vmul.f32 v20, v14  }
0x6e0: {  	v21 =	vmax.f32 v21, $1.000000010e-10;
	v18 =	vmul.f32 $1.442695020e+00, v18  }
0x6e1: {  	s8 =	simm.s32 $0x2740;
	v20 =	vsub.f32 v20, v15;
	v22 =	vor.u32 s6, v4;
	(erf) = vrcp.f32 v21  }
0x6e2: {  	v23 =	vmul.f32 v24, v23;
	v16 =	vsel vm4, v22, v16;
	v22 =	vld [tilespmem:s8+$0x0];
	(erf) = vpow2.f32 v18  }
0x6e3: {  	v19 =	vmax.f32 v19, $1.000000010e-10;
	v63 =	vmul.f32 $1.442695020e+00, v20;
	v21 =	vpop (erf)  }
0x6e4: {  	v23 =	vsel vm3, v24, v23;
	(erf) = vrcp.f32 v19;
	v18 =	vpop (erf)  }
0x6e5: {  	vm4 =	vgt.f32 v23, v17;
	(erf) = vpow2.f32 v63;
	v21 =	vmul.f32 v18, v21  }
0x6e6: {  	v62 =	vor.u32 s4, v4;
	s2 =	simm.s32 $0x1AEB0;
	v17 =	vsel vm4, v23, v17  }
0x6e7: {  	s4 =	simm.s32 $0x2750;
	s6 =	simm.s32 $0x2750;
	v16 =	vsel vm4, v62, v16;
	v20 =	vmul.f32 v22, v14;
	v19 =	vld [tilespmem:s2+$0x0];
	v18 =	vsel vm3, v18, v21  }
.LBB2_104:
0x6e8: {  	p0 =	sne.s32 s4, $0x4E10;
	v22 =	vor.u32 s0, v4;
	s0 =	smov.u32 s3;
	s3 =	smov.u32 s5  }
0x6e9: {  	v21 =	vld [tilespmem:s6+$0x0];
	vm4 =	vgt.f32 v18, v17;
	s5 =	smov.u32 s8;
	s8 =	smov.u32 s4;
	s4 =	sadd.s32 $0x10, s4  }
.Ltmp51:
0x6ea: {  	v20 =	vsub.f32 v20, v15;
	v23 =	vpop (erf);
	v17 =	vsel vm4, v18, v17;
	v16 =	vsel vm4, v22, v16;
	(pc) =	sbr.rel @p0 .LBB2_104-.Ltmp51, $4  }
0x6eb: {  	v18 =	vpop (erf)  }
0x6ec: {  	s2 =	sadd.s32 $0x10, s2;
	v22 =	vmul.f32 $1.442695020e+00, v20;
	v20 =	vmax.f32 v19, $1.000000010e-10;
	v23 =	vmul.f32 v18, v23  }
0x6ed: {  	v19 =	vld [tilespmem:s2+$0x0];
	(erf) = vrcp.f32 v20  }
0x6ee: {  	s6 =	sadd.s32 $0x10, s6;
	v20 =	vmul.f32 v21, v14;
	(erf) = vpow2.f32 v22;
	v18 =	vsel vm3, v18, v23  }
0x6ef: {  	_ = 	snop  }
0x6f0: {  	v20 =	vsub.f32 v20, v15;
	_ =	sdelay $0x1  }
0x6f1: {  	v20 =	vmul.f32 $1.442695020e+00, v20;
	v19 =	vmax.f32 v19, $1.000000010e-10  }
0x6f2: {  	(erf) = vrcp.f32 v19  }
0x6f3: {  	(erf) = vpow2.f32 v20;
	_ =	sdelay $0x3  }
0x6f4: {  	v19 =	vpop (erf)  }
0x6f5: {  	v20 =	vpop (erf)  }
0x6f6: {  	s2 =	sld [smem:$0x7FB];
	v21 =	vpop (erf)  }
0x6f7: {  	v22 =	vpop (erf)  }
0x6f8: {  	v23 =	vpop (erf)  }
0x6f9: {  	[tilespmem:s19], [sflag:$0x7] =	stream.linear.gather [hbm4b:s2+s1], $0x2710, $0x38;
	v24 =	vpop (erf);
	[tilespmem:$0x1D700] =	vst v63  }
0x6fa: {  	_ =	swait.ge [sflag:s29], $0x2710  }
0x6fb: {  	[sflag:s29] =	ssyncset.done $0x0  }
0x6fc: {  	s2 =	simm.s32 $0x4E20;
	[sflag:s29] =	ssyncadd.s32 $0xFFFFD8F0  }
0x6fd: {  	v25 =	vld [tilespmem:s2+$0x0];
	_ =	sdelay $0x2  }
0x6fe: {  	s4 =	simm.s32 $0x18700  }
0x6ff: {  	v26 =	vld [tilespmem:s4+$0x0]  }
0x700: {  	v25 =	vmul.f32 v25, v14  }
0x701: {  	s4 =	simm.s32 $0x4E30  }
0x702: {  	vm4 =	vgt.f32 v18, v17;
	v19 =	vmul.f32 v20, v19;
	v27 =	vld [tilespmem:s4+$0x0];
	v25 =	vsub.f32 v25, v15  }
0x703: {  	v17 =	vsel vm4, v18, v17  }
0x704: {  	s6 =	simm.s32 $0x4E40;
	v18 =	vsel vm3, v20, v19;
	v26 =	vmax.f32 v26, $1.000000010e-10;
	v25 =	vmul.f32 $1.442695020e+00, v25  }
0x705: {  	s9 =	simm.s32 $0x18710;
	v19 =	vmul.f32 v22, v21;
	vm5 =	vgt.f32 v18, v17;
	v20 =	vld [tilespmem:s6+$0x0];
	(erf) = vrcp.f32 v26  }
0x706: {  	v17 =	vsel vm5, v18, v17;
	v21 =	vld [tilespmem:s9+$0x0];
	(erf) = vpow2.f32 v25  }
0x707: {  	v18 =	vsel vm3, v22, v19;
	v19 =	vor.u32 s0, v4;
	v22 =	vmul.f32 v27, v14  }
0x708: {  	s10 =	simm.s32 $0x18720;
	v16 =	vsel vm4, v19, v16;
	v19 =	vor.u32 s3, v4;
	vm4 =	vgt.f32 v18, v17  }
0x709: {  	v16 =	vsel vm5, v19, v16;
	v17 =	vsel vm4, v18, v17;
	v19 =	vld [tilespmem:s10+$0x0];
	v18 =	vsub.f32 v22, v15  }
0x70a: {  	v20 =	vmul.f32 v20, v14  }
0x70b: {  	v21 =	vmax.f32 v21, $1.000000010e-10;
	v18 =	vmul.f32 $1.442695020e+00, v18  }
0x70c: {  	s9 =	simm.s32 $0x4E50;
	v20 =	vsub.f32 v20, v15;
	v22 =	vor.u32 s5, v4;
	(erf) = vrcp.f32 v21  }
0x70d: {  	v23 =	vmul.f32 v24, v23;
	v16 =	vsel vm4, v22, v16;
	v22 =	vld [tilespmem:s9+$0x0];
	(erf) = vpow2.f32 v18  }
0x70e: {  	v19 =	vmax.f32 v19, $1.000000010e-10;
	v63 =	vmul.f32 $1.442695020e+00, v20;
	v21 =	vpop (erf)  }
0x70f: {  	v23 =	vsel vm3, v24, v23;
	(erf) = vrcp.f32 v19;
	v18 =	vpop (erf)  }
0x710: {  	vm4 =	vgt.f32 v23, v17;
	(erf) = vpow2.f32 v63;
	v21 =	vmul.f32 v18, v21  }
0x711: {  	v62 =	vor.u32 s8, v4;
	s0 =	simm.s32 $0x18730;
	v17 =	vsel vm4, v23, v17  }
0x712: {  	s3 =	simm.s32 $0x4E60;
	s5 =	simm.s32 $0x4E60;
	v16 =	vsel vm4, v62, v16;
	v20 =	vmul.f32 v22, v14;
	v19 =	vld [tilespmem:s0+$0x0];
	v18 =	vsel vm3, v18, v21  }
.LBB2_106:
0x713: {  	p0 =	sne.s32 s3, $0x7520;
	v22 =	vor.u32 s2, v4;
	s2 =	smov.u32 s4;
	s4 =	smov.u32 s6  }
0x714: {  	v21 =	vld [tilespmem:s5+$0x0];
	vm4 =	vgt.f32 v18, v17;
	s6 =	smov.u32 s9;
	s9 =	smov.u32 s3;
	s3 =	sadd.s32 $0x10, s3  }
.Ltmp52:
0x715: {  	v20 =	vsub.f32 v20, v15;
	v23 =	vpop (erf);
	v17 =	vsel vm4, v18, v17;
	v16 =	vsel vm4, v22, v16;
	(pc) =	sbr.rel @p0 .LBB2_106-.Ltmp52, $4  }
0x716: {  	v18 =	vpop (erf)  }
0x717: {  	s0 =	sadd.s32 $0x10, s0;
	v22 =	vmul.f32 $1.442695020e+00, v20;
	v20 =	vmax.f32 v19, $1.000000010e-10;
	v23 =	vmul.f32 v18, v23  }
0x718: {  	v19 =	vld [tilespmem:s0+$0x0];
	(erf) = vrcp.f32 v20  }
0x719: {  	s5 =	sadd.s32 $0x10, s5;
	v20 =	vmul.f32 v21, v14;
	(erf) = vpow2.f32 v22;
	v18 =	vsel vm3, v18, v23  }
0x71a: {  	_ = 	snop  }
0x71b: {  	v20 =	vsub.f32 v20, v15;
	_ =	sdelay $0x1  }
0x71c: {  	v20 =	vmul.f32 $1.442695020e+00, v20;
	v19 =	vmax.f32 v19, $1.000000010e-10  }
0x71d: {  	(erf) = vrcp.f32 v19  }
0x71e: {  	(erf) = vpow2.f32 v20;
	_ =	sdelay $0x3  }
0x71f: {  	v19 =	vpop (erf)  }
0x720: {  	v20 =	vpop (erf)  }
0x721: {  	s0 =	sld [smem:$0x7E6];
	v21 =	vpop (erf)  }
0x722: {  	v22 =	vpop (erf)  }
0x723: {  	v23 =	vpop (erf)  }
0x724: {  	[tilespmem:s18], [sflag:$0x6] =	stream.linear.gather [hbm4b:s0+s1], $0x2710, $0x38;
	v24 =	vpop (erf);
	[tilespmem:$0x1D700] =	vst v63  }
0x725: {  	_ =	swait.ge [sflag:s30], $0x2710  }
0x726: {  	[sflag:s30] =	ssyncset.done $0x0  }
0x727: {  	s0 =	simm.s32 $0x7530;
	[sflag:s30] =	ssyncadd.s32 $0xFFFFD8F0  }
0x728: {  	v25 =	vld [tilespmem:s0+$0x0];
	_ =	sdelay $0x2  }
0x729: {  	s3 =	simm.s32 $0x1AE80  }
0x72a: {  	v26 =	vld [tilespmem:s3+$0x0]  }
0x72b: {  	v25 =	vmul.f32 v25, v14  }
0x72c: {  	s3 =	simm.s32 $0x7540  }
0x72d: {  	vm4 =	vgt.f32 v18, v17;
	v19 =	vmul.f32 v20, v19;
	v27 =	vld [tilespmem:s3+$0x0];
	v25 =	vsub.f32 v25, v15  }
0x72e: {  	v17 =	vsel vm4, v18, v17  }
0x72f: {  	s5 =	simm.s32 $0x7550;
	v18 =	vsel vm3, v20, v19;
	v26 =	vmax.f32 v26, $1.000000010e-10;
	v25 =	vmul.f32 $1.442695020e+00, v25  }
0x730: {  	s8 =	simm.s32 $0x1AE90;
	v19 =	vmul.f32 v22, v21;
	vm5 =	vgt.f32 v18, v17;
	v20 =	vld [tilespmem:s5+$0x0];
	(erf) = vrcp.f32 v26  }
0x731: {  	v17 =	vsel vm5, v18, v17;
	v21 =	vld [tilespmem:s8+$0x0];
	(erf) = vpow2.f32 v25  }
0x732: {  	v18 =	vsel vm3, v22, v19;
	v19 =	vor.u32 s2, v4;
	v22 =	vmul.f32 v27, v14  }
0x733: {  	s10 =	simm.s32 $0x1AEA0;
	v16 =	vsel vm4, v19, v16;
	v19 =	vor.u32 s4, v4;
	vm4 =	vgt.f32 v18, v17  }
0x734: {  	v16 =	vsel vm5, v19, v16;
	v17 =	vsel vm4, v18, v17;
	v19 =	vld [tilespmem:s10+$0x0];
	v18 =	vsub.f32 v22, v15  }
0x735: {  	v20 =	vmul.f32 v20, v14  }
0x736: {  	v21 =	vmax.f32 v21, $1.000000010e-10;
	v18 =	vmul.f32 $1.442695020e+00, v18  }
0x737: {  	s8 =	simm.s32 $0x7560;
	v20 =	vsub.f32 v20, v15;
	v22 =	vor.u32 s6, v4;
	(erf) = vrcp.f32 v21  }
0x738: {  	v23 =	vmul.f32 v24, v23;
	v16 =	vsel vm4, v22, v16;
	v22 =	vld [tilespmem:s8+$0x0];
	(erf) = vpow2.f32 v18  }
0x739: {  	v19 =	vmax.f32 v19, $1.000000010e-10;
	v63 =	vmul.f32 $1.442695020e+00, v20;
	v21 =	vpop (erf)  }
0x73a: {  	v23 =	vsel vm3, v24, v23;
	(erf) = vrcp.f32 v19;
	v18 =	vpop (erf)  }
0x73b: {  	vm4 =	vgt.f32 v23, v17;
	(erf) = vpow2.f32 v63;
	v21 =	vmul.f32 v18, v21  }
0x73c: {  	v62 =	vor.u32 s9, v4;
	s2 =	simm.s32 $0x1AEB0;
	v17 =	vsel vm4, v23, v17  }
0x73d: {  	s4 =	simm.s32 $0x7570;
	s6 =	simm.s32 $0x7570;
	v16 =	vsel vm4, v62, v16;
	v20 =	vmul.f32 v22, v14;
	v19 =	vld [tilespmem:s2+$0x0];
	v18 =	vsel vm3, v18, v21  }
.LBB2_108:
0x73e: {  	p0 =	sne.s32 s4, $0x9C30;
	v22 =	vor.u32 s0, v4;
	s0 =	smov.u32 s3;
	s3 =	smov.u32 s5  }
0x73f: {  	v21 =	vld [tilespmem:s6+$0x0];
	vm4 =	vgt.f32 v18, v17;
	s5 =	smov.u32 s8;
	s8 =	smov.u32 s4;
	s4 =	sadd.s32 $0x10, s4  }
.Ltmp53:
0x740: {  	v20 =	vsub.f32 v20, v15;
	v23 =	vpop (erf);
	v17 =	vsel vm4, v18, v17;
	v16 =	vsel vm4, v22, v16;
	(pc) =	sbr.rel @p0 .LBB2_108-.Ltmp53, $4  }
0x741: {  	v18 =	vpop (erf)  }
0x742: {  	s2 =	sadd.s32 $0x10, s2;
	v22 =	vmul.f32 $1.442695020e+00, v20;
	v20 =	vmax.f32 v19, $1.000000010e-10;
	v23 =	vmul.f32 v18, v23  }
0x743: {  	v19 =	vld [tilespmem:s2+$0x0];
	(erf) = vrcp.f32 v20  }
0x744: {  	s6 =	sadd.s32 $0x10, s6;
	v20 =	vmul.f32 v21, v14;
	(erf) = vpow2.f32 v22;
	v18 =	vsel vm3, v18, v23  }
0x745: {  	_ = 	snop  }
0x746: {  	v20 =	vsub.f32 v20, v15;
	_ =	sdelay $0x1  }
0x747: {  	v20 =	vmul.f32 $1.442695020e+00, v20;
	v19 =	vmax.f32 v19, $1.000000010e-10  }
0x748: {  	(erf) = vrcp.f32 v19  }
0x749: {  	(erf) = vpow2.f32 v20;
	_ =	sdelay $0x3  }
0x74a: {  	v19 =	vpop (erf)  }
0x74b: {  	v20 =	vpop (erf)  }
0x74c: {  	s2 =	sld [smem:$0x7FC];
	v21 =	vpop (erf)  }
0x74d: {  	v22 =	vpop (erf)  }
0x74e: {  	v23 =	vpop (erf)  }
0x74f: {  	[tilespmem:s19], [sflag:$0x7] =	stream.linear.gather [hbm4b:s2+s1], $0x2710, $0x38;
	v24 =	vpop (erf);
	[tilespmem:$0x1D700] =	vst v63  }
0x750: {  	_ =	swait.ge [sflag:s29], $0x2710  }
0x751: {  	[sflag:s29] =	ssyncset.done $0x0  }
0x752: {  	s2 =	simm.s32 $0x9C40;
	[sflag:s29] =	ssyncadd.s32 $0xFFFFD8F0  }
0x753: {  	v25 =	vld [tilespmem:s2+$0x0];
	_ =	sdelay $0x2  }
0x754: {  	s4 =	simm.s32 $0x18700  }
0x755: {  	v26 =	vld [tilespmem:s4+$0x0]  }
0x756: {  	v25 =	vmul.f32 v25, v14  }
0x757: {  	s4 =	simm.s32 $0x9C50  }
0x758: {  	vm4 =	vgt.f32 v18, v17;
	v19 =	vmul.f32 v20, v19;
	v27 =	vld [tilespmem:s4+$0x0];
	v25 =	vsub.f32 v25, v15  }
0x759: {  	v17 =	vsel vm4, v18, v17  }
0x75a: {  	s6 =	simm.s32 $0x9C60;
	v18 =	vsel vm3, v20, v19;
	v26 =	vmax.f32 v26, $1.000000010e-10;
	v25 =	vmul.f32 $1.442695020e+00, v25  }
0x75b: {  	s9 =	simm.s32 $0x18710;
	v19 =	vmul.f32 v22, v21;
	vm5 =	vgt.f32 v18, v17;
	v20 =	vld [tilespmem:s6+$0x0];
	(erf) = vrcp.f32 v26  }
0x75c: {  	v17 =	vsel vm5, v18, v17;
	v21 =	vld [tilespmem:s9+$0x0];
	(erf) = vpow2.f32 v25  }
0x75d: {  	v18 =	vsel vm3, v22, v19;
	v19 =	vor.u32 s0, v4;
	v22 =	vmul.f32 v27, v14  }
0x75e: {  	s10 =	simm.s32 $0x18720;
	v16 =	vsel vm4, v19, v16;
	v19 =	vor.u32 s3, v4;
	vm4 =	vgt.f32 v18, v17  }
0x75f: {  	v16 =	vsel vm5, v19, v16;
	v17 =	vsel vm4, v18, v17;
	v19 =	vld [tilespmem:s10+$0x0];
	v18 =	vsub.f32 v22, v15  }
0x760: {  	v20 =	vmul.f32 v20, v14  }
0x761: {  	v21 =	vmax.f32 v21, $1.000000010e-10;
	v18 =	vmul.f32 $1.442695020e+00, v18  }
0x762: {  	s3 =	simm.s32 $0x9C70;
	v20 =	vsub.f32 v20, v15;
	v22 =	vor.u32 s5, v4;
	(erf) = vrcp.f32 v21  }
0x763: {  	v23 =	vmul.f32 v24, v23;
	v16 =	vsel vm4, v22, v16;
	v22 =	vld [tilespmem:s3+$0x0];
	(erf) = vpow2.f32 v18  }
0x764: {  	v19 =	vmax.f32 v19, $1.000000010e-10;
	v63 =	vmul.f32 $1.442695020e+00, v20;
	v21 =	vpop (erf)  }
0x765: {  	v23 =	vsel vm3, v24, v23;
	(erf) = vrcp.f32 v19;
	v18 =	vpop (erf)  }
0x766: {  	vm4 =	vgt.f32 v23, v17;
	(erf) = vpow2.f32 v63;
	v21 =	vmul.f32 v18, v21  }
0x767: {  	v62 =	vor.u32 s8, v4;
	s0 =	simm.s32 $0x18730;
	v17 =	vsel vm4, v23, v17  }
0x768: {  	s8 =	simm.s32 $0x9C80;
	s5 =	simm.s32 $0x9C80;
	v16 =	vsel vm4, v62, v16;
	v20 =	vmul.f32 v22, v14;
	v19 =	vld [tilespmem:s0+$0x0];
	v18 =	vsel vm3, v18, v21  }
.LBB2_110:
0x769: {  	p0 =	sne.s32 s5, $0xC340;
	v22 =	vor.u32 s2, v4;
	s2 =	smov.u32 s4;
	s4 =	smov.u32 s6  }
0x76a: {  	v21 =	vld [tilespmem:s8+$0x0];
	vm4 =	vgt.f32 v18, v17;
	s6 =	smov.u32 s3;
	s3 =	smov.u32 s5;
	s5 =	sadd.s32 $0x10, s5  }
.Ltmp54:
0x76b: {  	v20 =	vsub.f32 v20, v15;
	v23 =	vpop (erf);
	v17 =	vsel vm4, v18, v17;
	v16 =	vsel vm4, v22, v16;
	(pc) =	sbr.rel @p0 .LBB2_110-.Ltmp54, $4  }
0x76c: {  	v18 =	vpop (erf)  }
0x76d: {  	s0 =	sadd.s32 $0x10, s0;
	v22 =	vmul.f32 $1.442695020e+00, v20;
	v20 =	vmax.f32 v19, $1.000000010e-10;
	v23 =	vmul.f32 v18, v23  }
0x76e: {  	v19 =	vld [tilespmem:s0+$0x0];
	(erf) = vrcp.f32 v20  }
0x76f: {  	s8 =	sadd.s32 $0x10, s8;
	v20 =	vmul.f32 v21, v14;
	(erf) = vpow2.f32 v22;
	v18 =	vsel vm3, v18, v23  }
0x770: {  	_ = 	snop  }
0x771: {  	v20 =	vsub.f32 v20, v15;
	_ =	sdelay $0x1  }
0x772: {  	v20 =	vmul.f32 $1.442695020e+00, v20;
	v19 =	vmax.f32 v19, $1.000000010e-10  }
0x773: {  	(erf) = vrcp.f32 v19  }
0x774: {  	(erf) = vpow2.f32 v20;
	_ =	sdelay $0x3  }
0x775: {  	v19 =	vpop (erf)  }
0x776: {  	v20 =	vpop (erf)  }
0x777: {  	s0 =	sld [smem:$0x7E7];
	v21 =	vpop (erf)  }
0x778: {  	v22 =	vpop (erf)  }
0x779: {  	v23 =	vpop (erf)  }
0x77a: {  	[tilespmem:s18], [sflag:$0x6] =	stream.linear.gather [hbm4b:s0+s1], $0x2710, $0x38;
	v24 =	vpop (erf);
	[tilespmem:$0x1D700] =	vst v63  }
0x77b: {  	_ =	swait.ge [sflag:s30], $0x2710  }
0x77c: {  	[sflag:s30] =	ssyncset.done $0x0  }
0x77d: {  	s0 =	simm.s32 $0xC350;
	[sflag:s30] =	ssyncadd.s32 $0xFFFFD8F0  }
0x77e: {  	v25 =	vld [tilespmem:s0+$0x0];
	_ =	sdelay $0x2  }
0x77f: {  	s5 =	simm.s32 $0x1AE80  }
0x780: {  	v26 =	vld [tilespmem:s5+$0x0]  }
0x781: {  	v25 =	vmul.f32 v25, v14  }
0x782: {  	s5 =	simm.s32 $0xC360  }
0x783: {  	vm4 =	vgt.f32 v18, v17;
	v19 =	vmul.f32 v20, v19;
	v27 =	vld [tilespmem:s5+$0x0];
	v25 =	vsub.f32 v25, v15  }
0x784: {  	v17 =	vsel vm4, v18, v17  }
0x785: {  	s8 =	simm.s32 $0xC370;
	v18 =	vsel vm3, v20, v19;
	v26 =	vmax.f32 v26, $1.000000010e-10;
	v25 =	vmul.f32 $1.442695020e+00, v25  }
0x786: {  	s9 =	simm.s32 $0x1AE90;
	v19 =	vmul.f32 v22, v21;
	vm5 =	vgt.f32 v18, v17;
	v20 =	vld [tilespmem:s8+$0x0];
	(erf) = vrcp.f32 v26  }
0x787: {  	v17 =	vsel vm5, v18, v17;
	v21 =	vld [tilespmem:s9+$0x0];
	(erf) = vpow2.f32 v25  }
0x788: {  	v18 =	vsel vm3, v22, v19;
	v19 =	vor.u32 s2, v4;
	v22 =	vmul.f32 v27, v14  }
0x789: {  	s10 =	simm.s32 $0x1AEA0;
	v16 =	vsel vm4, v19, v16;
	v19 =	vor.u32 s4, v4;
	vm4 =	vgt.f32 v18, v17  }
0x78a: {  	v16 =	vsel vm5, v19, v16;
	v17 =	vsel vm4, v18, v17;
	v19 =	vld [tilespmem:s10+$0x0];
	v18 =	vsub.f32 v22, v15  }
0x78b: {  	v20 =	vmul.f32 v20, v14  }
0x78c: {  	v21 =	vmax.f32 v21, $1.000000010e-10;
	v18 =	vmul.f32 $1.442695020e+00, v18  }
0x78d: {  	s2 =	simm.s32 $0xC380;
	v20 =	vsub.f32 v20, v15;
	v22 =	vor.u32 s6, v4;
	(erf) = vrcp.f32 v21  }
0x78e: {  	v23 =	vmul.f32 v24, v23;
	v16 =	vsel vm4, v22, v16;
	v22 =	vld [tilespmem:s2+$0x0];
	(erf) = vpow2.f32 v18  }
0x78f: {  	v19 =	vmax.f32 v19, $1.000000010e-10;
	v63 =	vmul.f32 $1.442695020e+00, v20;
	v21 =	vpop (erf)  }
0x790: {  	v23 =	vsel vm3, v24, v23;
	(erf) = vrcp.f32 v19;
	v18 =	vpop (erf)  }
0x791: {  	vm4 =	vgt.f32 v23, v17;
	(erf) = vpow2.f32 v63;
	v21 =	vmul.f32 v18, v21  }
0x792: {  	v62 =	vor.u32 s3, v4;
	s3 =	simm.s32 $0x1AEB0;
	v17 =	vsel vm4, v23, v17  }
0x793: {  	s4 =	simm.s32 $0xC390;
	s6 =	simm.s32 $0xC390;
	v16 =	vsel vm4, v62, v16;
	v20 =	vmul.f32 v22, v14;
	v19 =	vld [tilespmem:s3+$0x0];
	v18 =	vsel vm3, v18, v21  }
.LBB2_112:
0x794: {  	p0 =	sne.s32 s4, $0xEA50;
	v22 =	vor.u32 s0, v4;
	s0 =	smov.u32 s5;
	s5 =	smov.u32 s8  }
0x795: {  	v21 =	vld [tilespmem:s6+$0x0];
	vm4 =	vgt.f32 v18, v17;
	s8 =	smov.u32 s2;
	s2 =	smov.u32 s4;
	s4 =	sadd.s32 $0x10, s4  }
.Ltmp55:
0x796: {  	v20 =	vsub.f32 v20, v15;
	v23 =	vpop (erf);
	v17 =	vsel vm4, v18, v17;
	v16 =	vsel vm4, v22, v16;
	(pc) =	sbr.rel @p0 .LBB2_112-.Ltmp55, $4  }
0x797: {  	v18 =	vpop (erf)  }
0x798: {  	s3 =	sadd.s32 $0x10, s3;
	v22 =	vmul.f32 $1.442695020e+00, v20;
	v20 =	vmax.f32 v19, $1.000000010e-10;
	v23 =	vmul.f32 v18, v23  }
0x799: {  	v19 =	vld [tilespmem:s3+$0x0];
	(erf) = vrcp.f32 v20  }
0x79a: {  	s6 =	sadd.s32 $0x10, s6;
	v20 =	vmul.f32 v21, v14;
	(erf) = vpow2.f32 v22;
	v18 =	vsel vm3, v18, v23  }
0x79b: {  	_ = 	snop  }
0x79c: {  	v20 =	vsub.f32 v20, v15;
	_ =	sdelay $0x1  }
0x79d: {  	v20 =	vmul.f32 $1.442695020e+00, v20;
	v19 =	vmax.f32 v19, $1.000000010e-10  }
0x79e: {  	(erf) = vrcp.f32 v19  }
0x79f: {  	(erf) = vpow2.f32 v20;
	_ =	sdelay $0x3  }
0x7a0: {  	v19 =	vpop (erf)  }
0x7a1: {  	v20 =	vpop (erf)  }
0x7a2: {  	s3 =	sld [smem:$0x7FD];
	v21 =	vpop (erf)  }
0x7a3: {  	v22 =	vpop (erf)  }
0x7a4: {  	v23 =	vpop (erf)  }
0x7a5: {  	[tilespmem:s19], [sflag:$0x7] =	stream.linear.gather [hbm4b:s3+s1], $0x2710, $0x38;
	v24 =	vpop (erf);
	[tilespmem:$0x1D700] =	vst v63  }
0x7a6: {  	_ =	swait.ge [sflag:s29], $0x2710  }
0x7a7: {  	[sflag:s29] =	ssyncset.done $0x0  }
0x7a8: {  	s3 =	simm.s32 $0xEA60;
	[sflag:s29] =	ssyncadd.s32 $0xFFFFD8F0  }
0x7a9: {  	v25 =	vld [tilespmem:s3+$0x0];
	_ =	sdelay $0x2  }
0x7aa: {  	s4 =	simm.s32 $0x18700  }
0x7ab: {  	v26 =	vld [tilespmem:s4+$0x0]  }
0x7ac: {  	v25 =	vmul.f32 v25, v14  }
0x7ad: {  	s4 =	simm.s32 $0xEA70  }
0x7ae: {  	vm4 =	vgt.f32 v18, v17;
	v19 =	vmul.f32 v20, v19;
	v27 =	vld [tilespmem:s4+$0x0];
	v25 =	vsub.f32 v25, v15  }
0x7af: {  	v17 =	vsel vm4, v18, v17  }
0x7b0: {  	s6 =	simm.s32 $0xEA80;
	v18 =	vsel vm3, v20, v19;
	v26 =	vmax.f32 v26, $1.000000010e-10;
	v25 =	vmul.f32 $1.442695020e+00, v25  }
0x7b1: {  	s9 =	simm.s32 $0x18710;
	v19 =	vmul.f32 v22, v21;
	vm5 =	vgt.f32 v18, v17;
	v20 =	vld [tilespmem:s6+$0x0];
	(erf) = vrcp.f32 v26  }
0x7b2: {  	v17 =	vsel vm5, v18, v17;
	v21 =	vld [tilespmem:s9+$0x0];
	(erf) = vpow2.f32 v25  }
0x7b3: {  	v18 =	vsel vm3, v22, v19;
	v19 =	vor.u32 s0, v4;
	v22 =	vmul.f32 v27, v14  }
0x7b4: {  	s10 =	simm.s32 $0x18720;
	v16 =	vsel vm4, v19, v16;
	v19 =	vor.u32 s5, v4;
	vm4 =	vgt.f32 v18, v17  }
0x7b5: {  	v16 =	vsel vm5, v19, v16;
	v17 =	vsel vm4, v18, v17;
	v19 =	vld [tilespmem:s10+$0x0];
	v18 =	vsub.f32 v22, v15  }
0x7b6: {  	v20 =	vmul.f32 v20, v14  }
0x7b7: {  	v21 =	vmax.f32 v21, $1.000000010e-10;
	v18 =	vmul.f32 $1.442695020e+00, v18  }
0x7b8: {  	v20 =	vsub.f32 v20, v15;
	v22 =	vor.u32 s8, v4;
	s8 =	simm.s32 $0xEA90;
	(erf) = vrcp.f32 v21  }
0x7b9: {  	v23 =	vmul.f32 v24, v23;
	v16 =	vsel vm4, v22, v16;
	v22 =	vld [tilespmem:s8+$0x0];
	(erf) = vpow2.f32 v18  }
0x7ba: {  	v19 =	vmax.f32 v19, $1.000000010e-10;
	v63 =	vmul.f32 $1.442695020e+00, v20;
	v21 =	vpop (erf)  }
0x7bb: {  	v23 =	vsel vm3, v24, v23;
	(erf) = vrcp.f32 v19;
	v18 =	vpop (erf)  }
0x7bc: {  	vm4 =	vgt.f32 v23, v17;
	(erf) = vpow2.f32 v63;
	v21 =	vmul.f32 v18, v21  }
0x7bd: {  	v62 =	vor.u32 s2, v4;
	s0 =	simm.s32 $0x18730;
	v17 =	vsel vm4, v23, v17  }
0x7be: {  	s2 =	simm.s32 $0xEAA0;
	s5 =	simm.s32 $0xEAA0;
	v16 =	vsel vm4, v62, v16;
	v20 =	vmul.f32 v22, v14;
	v19 =	vld [tilespmem:s0+$0x0];
	v18 =	vsel vm3, v18, v21  }
.LBB2_114:
0x7bf: {  	p0 =	sne.s32 s2, $0x11160;
	v22 =	vor.u32 s3, v4;
	s3 =	smov.u32 s4;
	s4 =	smov.u32 s6  }
0x7c0: {  	v21 =	vld [tilespmem:s5+$0x0];
	vm4 =	vgt.f32 v18, v17;
	s6 =	smov.u32 s8;
	s8 =	smov.u32 s2;
	s2 =	sadd.s32 $0x10, s2  }
.Ltmp56:
0x7c1: {  	v20 =	vsub.f32 v20, v15;
	v23 =	vpop (erf);
	v17 =	vsel vm4, v18, v17;
	v16 =	vsel vm4, v22, v16;
	(pc) =	sbr.rel @p0 .LBB2_114-.Ltmp56, $4  }
0x7c2: {  	v18 =	vpop (erf)  }
0x7c3: {  	s0 =	sadd.s32 $0x10, s0;
	v22 =	vmul.f32 $1.442695020e+00, v20;
	v20 =	vmax.f32 v19, $1.000000010e-10;
	v23 =	vmul.f32 v18, v23  }
0x7c4: {  	v19 =	vld [tilespmem:s0+$0x0];
	(erf) = vrcp.f32 v20  }
0x7c5: {  	s5 =	sadd.s32 $0x10, s5;
	v20 =	vmul.f32 v21, v14;
	(erf) = vpow2.f32 v22;
	v18 =	vsel vm3, v18, v23  }
0x7c6: {  	_ = 	snop  }
0x7c7: {  	v20 =	vsub.f32 v20, v15;
	_ =	sdelay $0x1  }
0x7c8: {  	v20 =	vmul.f32 $1.442695020e+00, v20;
	v19 =	vmax.f32 v19, $1.000000010e-10  }
0x7c9: {  	(erf) = vrcp.f32 v19  }
0x7ca: {  	(erf) = vpow2.f32 v20;
	_ =	sdelay $0x3  }
0x7cb: {  	v19 =	vpop (erf)  }
0x7cc: {  	v20 =	vpop (erf)  }
0x7cd: {  	s0 =	sld [smem:$0x7E8];
	v21 =	vpop (erf)  }
0x7ce: {  	v22 =	vpop (erf)  }
0x7cf: {  	v23 =	vpop (erf)  }
0x7d0: {  	[tilespmem:s18], [sflag:$0x6] =	stream.linear.gather [hbm4b:s0+s1], $0x2710, $0x38;
	v24 =	vpop (erf);
	[tilespmem:$0x1D700] =	vst v63  }
0x7d1: {  	_ =	swait.ge [sflag:s30], $0x2710  }
0x7d2: {  	[sflag:s30] =	ssyncset.done $0x0  }
0x7d3: {  	s5 =	simm.s32 $0x11170;
	[sflag:s30] =	ssyncadd.s32 $0xFFFFD8F0  }
0x7d4: {  	v25 =	vld [tilespmem:s5+$0x0];
	_ =	sdelay $0x2  }
0x7d5: {  	s9 =	simm.s32 $0x1AE80  }
0x7d6: {  	v26 =	vld [tilespmem:s9+$0x0]  }
0x7d7: {  	v25 =	vmul.f32 v25, v14  }
0x7d8: {  	s0 =	simm.s32 $0x11180  }
0x7d9: {  	vm4 =	vgt.f32 v18, v17;
	v19 =	vmul.f32 v20, v19;
	v27 =	vld [tilespmem:s0+$0x0];
	v25 =	vsub.f32 v25, v15  }
0x7da: {  	v17 =	vsel vm4, v18, v17  }
0x7db: {  	s2 =	simm.s32 $0x11190;
	v18 =	vsel vm3, v20, v19;
	v26 =	vmax.f32 v26, $1.000000010e-10;
	v25 =	vmul.f32 $1.442695020e+00, v25  }
0x7dc: {  	v19 =	vmul.f32 v22, v21;
	vm5 =	vgt.f32 v18, v17;
	s9 =	simm.s32 $0x1AE90;
	v20 =	vld [tilespmem:s2+$0x0];
	(erf) = vrcp.f32 v26  }
0x7dd: {  	v17 =	vsel vm5, v18, v17;
	v21 =	vld [tilespmem:s9+$0x0];
	(erf) = vpow2.f32 v25  }
0x7de: {  	v18 =	vsel vm3, v22, v19;
	v19 =	vor.u32 s3, v4;
	v22 =	vmul.f32 v27, v14  }
0x7df: {  	s10 =	simm.s32 $0x1AEA0;
	v16 =	vsel vm4, v19, v16;
	v19 =	vor.u32 s4, v4;
	vm4 =	vgt.f32 v18, v17  }
0x7e0: {  	v16 =	vsel vm5, v19, v16;
	v17 =	vsel vm4, v18, v17;
	v19 =	vld [tilespmem:s10+$0x0];
	v18 =	vsub.f32 v22, v15  }
0x7e1: {  	v20 =	vmul.f32 v20, v14  }
0x7e2: {  	v21 =	vmax.f32 v21, $1.000000010e-10;
	v18 =	vmul.f32 $1.442695020e+00, v18  }
0x7e3: {  	s3 =	simm.s32 $0x111A0;
	v22 =	vor.u32 s6, v4;
	v20 =	vsub.f32 v20, v15;
	(erf) = vrcp.f32 v21  }
0x7e4: {  	v23 =	vmul.f32 v24, v23;
	v16 =	vsel vm4, v22, v16;
	v22 =	vld [tilespmem:s3+$0x0];
	(erf) = vpow2.f32 v18  }
0x7e5: {  	v19 =	vmax.f32 v19, $1.000000010e-10;
	v63 =	vmul.f32 $1.442695020e+00, v20;
	v21 =	vpop (erf)  }
0x7e6: {  	v23 =	vsel vm3, v24, v23;
	(erf) = vrcp.f32 v19;
	v18 =	vpop (erf)  }
0x7e7: {  	vm4 =	vgt.f32 v23, v17;
	(erf) = vpow2.f32 v63;
	v21 =	vmul.f32 v18, v21  }
0x7e8: {  	v62 =	vor.u32 s8, v4;
	s4 =	simm.s32 $0x1AEB0;
	v17 =	vsel vm4, v23, v17  }
0x7e9: {  	s8 =	simm.s32 $0x111B0;
	s6 =	simm.s32 $0x111B0;
	v16 =	vsel vm4, v62, v16;
	v20 =	vmul.f32 v22, v14;
	v19 =	vld [tilespmem:s4+$0x0];
	v18 =	vsel vm3, v18, v21  }
.LBB2_116:
0x7ea: {  	p0 =	sne.s32 s6, $0x13870;
	v22 =	vor.u32 s5, v4;
	s5 =	smov.u32 s0;
	s0 =	smov.u32 s2  }
0x7eb: {  	v21 =	vld [tilespmem:s8+$0x0];
	vm4 =	vgt.f32 v18, v17;
	s2 =	smov.u32 s3;
	s3 =	smov.u32 s6;
	s6 =	sadd.s32 $0x10, s6  }
.Ltmp57:
0x7ec: {  	v20 =	vsub.f32 v20, v15;
	v23 =	vpop (erf);
	v17 =	vsel vm4, v18, v17;
	v16 =	vsel vm4, v22, v16;
	(pc) =	sbr.rel @p0 .LBB2_116-.Ltmp57, $4  }
0x7ed: {  	v18 =	vpop (erf)  }
0x7ee: {  	s4 =	sadd.s32 $0x10, s4;
	v22 =	vmul.f32 $1.442695020e+00, v20;
	v20 =	vmax.f32 v19, $1.000000010e-10;
	v23 =	vmul.f32 v18, v23  }
0x7ef: {  	v19 =	vld [tilespmem:s4+$0x0];
	(erf) = vrcp.f32 v20  }
0x7f0: {  	s8 =	sadd.s32 $0x10, s8;
	v20 =	vmul.f32 v21, v14;
	(erf) = vpow2.f32 v22;
	v18 =	vsel vm3, v18, v23  }
0x7f1: {  	_ = 	snop  }
0x7f2: {  	v20 =	vsub.f32 v20, v15;
	_ =	sdelay $0x1  }
0x7f3: {  	v20 =	vmul.f32 $1.442695020e+00, v20;
	v19 =	vmax.f32 v19, $1.000000010e-10  }
0x7f4: {  	(erf) = vrcp.f32 v19  }
0x7f5: {  	(erf) = vpow2.f32 v20;
	_ =	sdelay $0x3  }
0x7f6: {  	v19 =	vpop (erf)  }
0x7f7: {  	v20 =	vpop (erf)  }
0x7f8: {  	v21 =	vpop (erf)  }
0x7f9: {  	v22 =	vpop (erf)  }
0x7fa: {  	s4 =	simm.s32 $0x0;
	v23 =	vpop (erf)  }
0x7fb: {  	[tilespmem:s19], [sflag:$0x7] =	stream.linear.gather [hbm4b:s11+s4], $0x2710, $0x38;
	v24 =	vpop (erf);
	[tilespmem:$0x1D700] =	vst v63  }
0x7fc: {  	s6 =	simm.s32 $0x13880;
	_ =	swait.ge [sflag:s29], $0x2710  }
0x7fd: {  	s8 =	sand.u32 $0x17F80, s6;
	s4 =	sand.u32 $0x70, s4;
	[sflag:s29] =	ssyncset.done $0x0  }
0x7fe: {  	s4 =	sor.u32 s4, s8;
	[sflag:s29] =	ssyncadd.s32 $0xFFFFD8F0  }
0x7ff: {  	v25 =	vld [tilespmem:s4+$0x0];
	_ =	sdelay $0x1  }
0x800: {  	s9 =	simm.s32 $0x18700  }
0x801: {  	s10 =	simm.s32 $0x10;
	s8 =	simm.s32 $0x13890;
	v26 =	vld [tilespmem:s9+$0x0]  }
0x802: {  	s9 =	sand.u32 $0x17F80, s8;
	s4 =	sand.u32 $0x70, s10  }
0x803: {  	vm4 =	vgt.f32 v18, v17;
	v19 =	vmul.f32 v20, v19;
	s4 =	sor.u32 s4, s9;
	v25 =	vmul.f32 v25, v14  }
0x804: {  	v17 =	vsel vm4, v18, v17;
	v18 =	vld [tilespmem:s4+$0x0]  }
0x805: {  	v19 =	vsel vm3, v20, v19;
	v25 =	vsub.f32 v25, v15  }
0x806: {  	v20 =	vor.u32 s5, v4;
	v21 =	vmul.f32 v22, v21;
	v26 =	vmax.f32 v26, $1.000000010e-10  }
0x807: {  	vm5 =	vgt.f32 v19, v17;
	(erf) = vrcp.f32 v26;
	v25 =	vmul.f32 $1.442695020e+00, v25  }
0x808: {  	s5 =	simm.s32 $0x138A0;
	v16 =	vsel vm4, v20, v16;
	v17 =	vsel vm5, v19, v17;
	s9 =	simm.s32 $0x18710;
	s4 =	simm.s32 $0x20  }
0x809: {  	v19 =	vsel vm3, v22, v21;
	s10 =	sand.u32 $0x17F80, s5;
	s4 =	sand.u32 $0x70, s4;
	v26 =	vld [tilespmem:s9+$0x0];
	v18 =	vmul.f32 v18, v14;
	(erf) = vpow2.f32 v25  }
0x80a: {  	v21 =	vor.u32 s2, v4;
	vm4 =	vgt.f32 v19, v17;
	v20 =	vmul.f32 v24, v23;
	s10 =	sor.u32 s4, s10  }
0x80b: {  	v17 =	vsel vm4, v19, v17;
	v27 =	vld [tilespmem:s10+$0x0];
	v22 =	vsub.f32 v18, v15;
	v25 =	vor.u32 s0, v4  }
0x80c: {  	v19 =	vsel vm3, v24, v20;
	v18 =	vor.u32 s8, v4;
	v16 =	vsel vm5, v25, v16  }
0x80d: {  	v22 =	vmul.f32 $1.442695020e+00, v22;
	v16 =	vsel vm4, v21, v16;
	vm4 =	vgt.f32 v19, v17  }
0x80e: {  	s4 =	simm.s32 $0x30;
	s8 =	simm.s32 $0x138B0;
	v20 =	vsel vm4, v19, v17;
	v19 =	vor.u32 s6, v4;
	s6 =	simm.s32 $0x18720;
	v17 =	vmax.f32 v26, $1.000000010e-10  }
0x80f: {  	s9 =	sand.u32 $0x17F80, s8;
	s0 =	sand.u32 $0x70, s4;
	v24 =	vld [tilespmem:s6+$0x0];
	(erf) = vrcp.f32 v17  }
0x810: {  	s10 =	sor.u32 s0, s9;
	v21 =	vor.u32 s3, v4;
	v26 =	vmul.f32 v27, v14;
	v23 =	vpop (erf);
	(erf) = vpow2.f32 v22  }
0x811: {  	v25 =	vld [tilespmem:s10+$0x0];
	v21 =	vsel vm4, v21, v16  }
0x812: {  	s2 =	simm.s32 $0x18730;
	s0 =	simm.s32 $0x40;
	v16 =	vor.u32 s5, v4;
	v17 =	vor.u32 s8, v4;
	v26 =	vsub.f32 v26, v15;
	v22 =	vpop (erf)  }
.LBB2_118:
0x813: {  	s3 =	sadd.s32 $0x13880, s0  }
0x814: {  	p0 =	sne.s32 s0, $0x2700;
	v26 =	vmul.f32 $1.442695020e+00, v26;
	v27 =	vmax.f32 v24, $1.000000010e-10;
	v23 =	vmul.f32 v22, v23;
	v28 =	vmovc v17;
	s4 =	smov.u32 s0;
	s0 =	sadd.s32 $0x10, s0  }
.Ltmp58:
0x815: {  	s5 =	sand.u32 $0x17F80, s3;
	s4 =	sand.u32 $0x70, s4;
	v17 =	vor.u32 s3, v4;
	v24 =	vld [tilespmem:s2+$0x0];
	(erf) = vrcp.f32 v27;
	(pc) =	sbr.rel @p0 .LBB2_118-.Ltmp58, $4  }
0x816: {  	s3 =	sor.u32 s4, s5;
	v27 =	vmul.f32 v25, v14;
	(erf) = vpow2.f32 v26;
	v22 =	vsel vm3, v22, v23  }
0x817: {  	v25 =	vld [tilespmem:s3+$0x0];
	vm4 =	vgt.f32 v22, v20  }
0x818: {  	v26 =	vsub.f32 v27, v15;
	v23 =	vpop (erf);
	v20 =	vsel vm4, v22, v20;
	v21 =	vsel vm4, v19, v21  }
0x819: {  	s2 =	sadd.s32 $0x10, s2;
	v19 =	vmov v18;
	v18 =	vmov v16;
	v16 =	vmov v28;
	v22 =	vpop (erf)  }
0x81a: {  	_ = 	snop  }
0x81b: {  	v27 =	vld [tilespmem:s2+$0x0]  }
0x81c: {  	v25 =	vmul.f32 v25, v14;
	_ =	sdelay $0x1  }
0x81d: {  	v26 =	vmul.f32 $1.442695020e+00, v26;
	v24 =	vmax.f32 v24, $1.000000010e-10;
	v25 =	vsub.f32 v25, v15  }
0x81e: {  	(erf) = vrcp.f32 v24  }
0x81f: {  	(erf) = vpow2.f32 v26;
	v53 =	vmax.f32 v27, $1.000000010e-10;
	v52 =	vmul.f32 $1.442695020e+00, v25  }
0x820: {  	(erf) = vrcp.f32 v53  }
0x821: {  	(erf) = vpow2.f32 v52;
	_ =	sdelay $0x3  }
0x822: {  	v54 =	vpop (erf)  }
0x823: {  	v55 =	vpop (erf)  }
0x824: {  	v56 =	vpop (erf)  }
0x825: {  	v57 =	vpop (erf)  }
0x826: {  	v28 =	vpop (erf)  }
0x827: {  	v29 =	vpop (erf)  }
0x828: {  	_ =	swait.ge [sflag:s30], $0x2710  }
0x829: {  	[sflag:s30] =	ssyncset.done $0x0  }
0x82a: {  	s0 =	simm.s32 $0x15F90;
	[sflag:s30] =	ssyncadd.s32 $0xFFFFD8F0  }
0x82b: {  	v30 =	vld [tilespmem:s0+$0x0];
	_ =	sdelay $0x2  }
0x82c: {  	s9 =	simm.s32 $0x1AE80  }
0x82d: {  	v31 =	vld [tilespmem:s9+$0x0]  }
0x82e: {  	v30 =	vmul.f32 v30, v14  }
0x82f: {  	s2 =	simm.s32 $0x15FA0;
	v23 =	vmul.f32 v22, v23  }
0x830: {  	v32 =	vld [tilespmem:s2+$0x0];
	v30 =	vsub.f32 v30, v15  }
0x831: {  	v22 =	vsel vm3, v22, v23  }
0x832: {  	s3 =	simm.s32 $0x15FB0;
	v23 =	vmul.f32 v55, v54;
	v31 =	vmax.f32 v31, $1.000000010e-10;
	v30 =	vmul.f32 $1.442695020e+00, v30  }
0x833: {  	s4 =	simm.s32 $0x1AE90;
	vm4 =	vgt.f32 v22, v20;
	v58 =	vld [tilespmem:s3+$0x0];
	(erf) = vrcp.f32 v31  }
0x834: {  	v20 =	vsel vm4, v22, v20;
	v22 =	vsel vm3, v55, v23;
	v23 =	vld [tilespmem:s4+$0x0];
	(erf) = vpow2.f32 v30  }
0x835: {  	vm5 =	vgt.f32 v22, v20;
	v59 =	vmul.f32 v57, v56;
	v60 =	vmul.f32 v32, v14  }
0x836: {  	s10 =	simm.s32 $0x1AEA0;
	v19 =	vsel vm4, v19, v21;
	v20 =	vsel vm5, v22, v20  }
0x837: {  	v18 =	vsel vm5, v18, v19;
	v19 =	vsel vm3, v57, v59;
	v22 =	vld [tilespmem:s10+$0x0];
	v21 =	vsub.f32 v60, v15  }
0x838: {  	vm4 =	vgt.f32 v19, v20;
	v24 =	vmul.f32 v58, v14  }
0x839: {  	v19 =	vsel vm4, v19, v20;
	v20 =	vmul.f32 $1.442695020e+00, v21;
	v21 =	vmax.f32 v23, $1.000000010e-10  }
0x83a: {  	s4 =	simm.s32 $0x15FC0;
	(erf) = vrcp.f32 v21;
	v21 =	vsub.f32 v24, v15  }
0x83b: {  	v61 =	vmul.f32 v29, v28;
	v23 =	vld [tilespmem:s4+$0x0];
	(erf) = vpow2.f32 v20  }
0x83c: {  	v20 =	vmax.f32 v22, $1.000000010e-10;
	v21 =	vmul.f32 $1.442695020e+00, v21;
	v62 =	vpop (erf)  }
0x83d: {  	v16 =	vsel vm4, v16, v18;
	v25 =	vsel vm3, v29, v61;
	(erf) = vrcp.f32 v20;
	v63 =	vpop (erf)  }
0x83e: {  	vm4 =	vgt.f32 v25, v19;
	(erf) = vpow2.f32 v21;
	v22 =	vmul.f32 v63, v62  }
0x83f: {  	s5 =	simm.s32 $0x1AEB0;
	v18 =	vsel vm4, v25, v19  }
0x840: {  	s6 =	simm.s32 $0x15FD0;
	s8 =	simm.s32 $0x15FD0;
	v16 =	vsel vm4, v17, v16;
	v17 =	vld [tilespmem:s5+$0x0];
	v20 =	vmul.f32 v23, v14;
	v19 =	vsel vm3, v63, v22  }
.LBB2_120:
0x841: {  	p0 =	sne.s32 s6, $0x18690;
	v22 =	vor.u32 s0, v4;
	s0 =	smov.u32 s2;
	s2 =	smov.u32 s3  }
0x842: {  	v21 =	vld [tilespmem:s8+$0x0];
	vm4 =	vgt.f32 v19, v18;
	s3 =	smov.u32 s4;
	s4 =	smov.u32 s6;
	s6 =	sadd.s32 $0x10, s6  }
.Ltmp59:
0x843: {  	v20 =	vsub.f32 v20, v15;
	v23 =	vpop (erf);
	v18 =	vsel vm4, v19, v18;
	v16 =	vsel vm4, v22, v16;
	(pc) =	sbr.rel @p0 .LBB2_120-.Ltmp59, $4  }
0x844: {  	v19 =	vpop (erf)  }
0x845: {  	s5 =	sadd.s32 $0x10, s5;
	v22 =	vmul.f32 $1.442695020e+00, v20;
	v20 =	vmax.f32 v17, $1.000000010e-10;
	v23 =	vmul.f32 v19, v23  }
0x846: {  	v17 =	vld [tilespmem:s5+$0x0];
	(erf) = vrcp.f32 v20  }
0x847: {  	s8 =	sadd.s32 $0x10, s8;
	v20 =	vmul.f32 v21, v14;
	(erf) = vpow2.f32 v22;
	v19 =	vsel vm3, v19, v23  }
0x848: {  	_ = 	snop  }
0x849: {  	v14 =	vsub.f32 v20, v15;
	_ =	sdelay $0x1  }
0x84a: {  	v14 =	vmul.f32 $1.442695020e+00, v14;
	v45 =	vmax.f32 v17, $1.000000010e-10  }
0x84b: {  	(erf) = vrcp.f32 v45  }
0x84c: {  	(erf) = vpow2.f32 v14;
	_ =	sdelay $0x3  }
0x84d: {  	v46 =	vpop (erf)  }
0x84e: {  	v47 =	vpop (erf)  }
0x84f: {  	v14 =	vmul.f32 v47, v46;
	v48 =	vpop (erf)  }
0x850: {  	vm4 =	vgt.f32 v19, v18;
	v49 =	vpop (erf)  }
0x851: {  	v18 =	vsel vm4, v19, v18;
	v14 =	vsel vm3, v47, v14;
	v50 =	vmul.f32 v49, v48;
	v51 =	vpop (erf)  }
0x852: {  	vm5 =	vgt.f32 v14, v18;
	v52 =	vpop (erf)  }
0x853: {  	v14 =	vsel vm5, v14, v18;
	v15 =	vsel vm3, v49, v50;
	v17 =	vmul.f32 v52, v51  }
0x854: {  	vm6 =	vgt.f32 v15, v14  }
0x855: {  	v14 =	vsel vm6, v15, v14;
	v53 =	vsel vm3, v52, v17  }
0x856: {  	vm3 =	vgt.f32 v53, v14  }
0x857: {  	v14 =	vsel vm3, v53, v14  }
0x858: {  	v15 =	vperm.xlane v14, v0;
	_ =	sdelay $0x1  }
0x859: {  	v15 =	vmax.f32 v14, v15  }
0x85a: {  	v54 =	vperm.xlane v15, v6;
	_ =	sdelay $0x1  }
0x85b: {  	v15 =	vmax.f32 v15, v54  }
0x85c: {  	v17 =	vperm.xlane v15, v7;
	_ =	sdelay $0x1  }
0x85d: {  	v55 =	vor.u32 s0, v4;
	v15 =	vmax.f32 v15, v17  }
0x85e: {  	v56 =	vor.u32 s2, v4;
	v16 =	vsel vm4, v55, v16;
	v57 =	vperm.xlane v15, v5  }
0x85f: {  	v58 =	vor.u32 s3, v4;
	v16 =	vsel vm5, v56, v16  }
0x860: {  	v59 =	vor.u32 s4, v4;
	v16 =	vsel vm6, v58, v16;
	v15 =	vmax.f32 v15, v57  }
0x861: {  	v16 =	vsel vm3, v59, v16;
	vm3 =	veq.f32 v14, v15  }
0x862: {  	v14 =	vnsel vm3, $0x7FFFFFFF, v16  }
0x863: {  	v14 =	vsub.s32 $0x0, v14  }
0x864: {  	v60 =	vperm.xlane v14, v0;
	_ =	sdelay $0x1  }
0x865: {  	vm3 =	vgt.s32 v14, v60  }
0x866: {  	v14 =	vsel vm3, v14, v60  }
0x867: {  	v6 =	vperm.xlane v14, v6;
	_ =	sdelay $0x1  }
0x868: {  	vm3 =	vgt.s32 v14, v6  }
0x869: {  	v6 =	vsel vm3, v14, v6  }
0x86a: {  	v7 =	vperm.xlane v6, v7  }
0x86b: {  	vm3 =	vgt.s32 v8, v9  }
0x86c: {  	v8 =	vsel vm3, v8, v9;
	vm3 =	vgt.s32 v6, v7  }
0x86d: {  	vm15 =	vgt.s32 v10, v11;
	v6 =	vsel vm3, v6, v7  }
0x86e: {  	v8 =	vsub.s32 $0x0, v8;
	vm3 =	vmmov $0x1;
	v5 =	vperm.xlane v6, v5  }
0x86f: {  	v61 =	vsel vm15, v10, v11;
	v7 =	vnsel vm3, $0x0, v8;
	vm3 =	vgt.s32 v12, v13  }
0x870: {  	v8 =	vsub.s32 $0x0, v61;
	v62 =	vsel vm3, v12, v13;
	vm3 =	vgt.s32 v6, v5  }
0x871: {  	v7 =	vsel vm0, v7, v8;
	v63 =	vsub.s32 $0x0, v62;
	v5 =	vsel vm3, v6, v5  }
0x872: {  	s8 =	sld [smem:$0x7E9];
	v6 =	vsel vm1, v7, v63;
	v5 =	vsub.s32 $0x0, v5  }
0x873: {  	v5 =	vsel vm2, v6, v5  }
0x874: {  	s9 =	simm.s32 $0x1D680;
	[tilespmem:$0x1D680] =	vst v5  }
0x875: {  	[hbm4b:s8+s1] =	stream.linear.scatter [tilespmem:s9], [sflag:$0x8], $0x10, $0x38;
	[tilespmem:$0x1D700] =	vst v63  }
0x876: {  	_ =	swait.ge [sflag:s21], $0x10  }
0x877: {  	s10 =	sld [smem:$0x7EA];
	_ =	sdelay $0x1  }
0x878: {  	s31 =	sadd.s32 $0x1, s31  }
0x879: {  	p0 =	sne.s32 s31, s10  }
.Ltmp60:
0x87a: {  	_ = 	snop;
	(pc) =	sbr.rel @p0 .LBB2_1-.Ltmp60, $3  }
0x87b: {  	_ =	sdelay $0x1  }
0x87c: {  	[sflag:s21] =	ssyncset.done $0x0  }
0x87d: {  	[sflag:s21] =	ssyncadd.s32 $0xFFFFFFF0  }
0x87e: {  	_ =	sfence.sel $0x180000  }
0x87f: {  	[bflag:$0x0] =	sbarrier.arrive $0xFFFF  }
0x880: {  	_ =	strace $0x90000047  }
0x881: {  	s0 =	stileid.u32;
	[bflag:$0x2] =	sbarrier.arrive $0xFFFF  }
0x882: {  	p0 =	sne.s32 s0, $0x0;
	s0 =	rddreg [dreg:$0x1]  }
0x883: {  	s0 =	sadd.s32 @!p0 $0x100000, s0  }
0x884: {  	[sflag:s0] =	ssyncadd.tile.s32 @!p0 $0x1;
	_ =	shalt  }
.Lfunc_end2:
_tile_overlayer_lowered:
.L_overlay_start_2:
0x885: {  	(tag) =	ssettag $0x2  }
0x886: {  	s0 =	rddreg [dreg:$0x0];
	s2 =	stileid.u32  }
0x887: {  	s1 =	rddreg [dreg:$0x1];
	p0 =	sne.s32 s2, $0x0  }
0x888: {  	s3 =	rddreg [dreg:$0x2];
	[bflag:$0x3] =	sbarrier.arrive $0xFFFF;
	s2 =	simm.s32 @!p0 $0x1C08  }
0x889: {  	[timem:s3], [sflag:s2] =	dma.local @!p0 [hbm:s0], s1  }
0x88a: {  	s0 =	simm.s32 @!p0 $0x8  }
0x88b: {  	_ =	swait.ge @!p0 [sflag:s0], s1  }
0x88c: {  	s1 =	ssub.s32 @!p0 $0x0, s1;
	[sflag:s0] =	ssyncset.done @!p0 $0x0  }
0x88d: {  	[sflag:s0] =	ssyncadd.s32 @!p0 s1  }
0x88e: {  	[bflag:$0x3] =	sbarrier.arrive $0xFFFF  }
0x88f: {  	_ =	shalt  }

</sc_bundles>
